<compile_context>
chip_gen: v7x
topology: tpu7x:2x2x1
jax: 0.10.2.dev20260603
libtpu: 0.0.44.dev20260713+nightly
codegen_flags: <defaults>
</compile_context>

<pallas_src>
import functools

import jax
import jax.numpy as jnp
from jax import lax
from jax.experimental import pallas as pl
from jax.experimental.pallas import tpu as pltpu
from jax.experimental.pallas import tpu_sc as plsc

F32 = jnp.float32
BF16 = jnp.bfloat16
EPS = 1e-5

N = 10000
M = 12
DN = 41
D = 64
D2 = 128
R = N * M
NCRY, NA = 200, 50

_NW = 32
_CHUNK = 256
_CPW = 16
_NCHUNK = _NW * _CPW
_RPAD = _NCHUNK * _CHUNK

NBLK = 1000
NGRID = N // NBLK
BC = 10
NGRID_DEC = NCRY // BC


def _sc_gather(table, idx_flat):
    mesh = plsc.VectorSubcoreMesh(core_axis_name="c", subcore_axis_name="s")

    @functools.partial(
        pl.kernel,
        mesh=mesh,
        out_type=jax.ShapeDtypeStruct((_NCHUNK, _CHUNK, D2), F32),
        scratch_types=[
            pltpu.VMEM((_CHUNK,), jnp.int32),
            pltpu.VMEM((_CHUNK, D2), F32),
            pltpu.VMEM_SHARED((N, D2), F32),
            pltpu.SemaphoreType.DMA,
        ],
    )
    def k(table_hbm, idx_hbm, out_hbm, idx_v, rows_v, tab_s, sem):
        sid = lax.axis_index("s")
        wid = sid * 2 + lax.axis_index("c")
        base = wid * _CPW

        @pl.when(sid == 0)
        def _():
            pltpu.sync_copy(table_hbm, tab_s)

        plsc.subcore_barrier()

        def body(j, _):
            c = base + j
            pltpu.sync_copy(idx_hbm.at[pl.ds(c * _CHUNK, _CHUNK)], idx_v)
            pltpu.async_copy(tab_s.at[idx_v], rows_v, sem).wait()
            pltpu.sync_copy(rows_v, out_hbm.at[c])
            return _

        lax.fori_loop(0, _CPW, body, None)

    return k(table, idx_flat)


def _embed(atom_fea, w_embT, wn_fc, nbr_fea):

    def body(a_ref, w_ref, wn_ref, nf_ref, o_ref, b_ref, nft_ref):
        xv = jnp.dot(a_ref[...], w_ref[...], preferred_element_type=F32)
        o_ref[...] = xv
        b_ref[...] = jnp.dot(xv, wn_ref[...], preferred_element_type=F32)
        nft_ref[...] = jnp.transpose(nf_ref[...], (1, 0, 2)).astype(BF16)

    return pl.pallas_call(
        body,
        grid=(NGRID,),
        in_specs=[
            pl.BlockSpec((NBLK, 92), lambda j: (j, 0)),
            pl.BlockSpec((92, D), lambda j: (0, 0)),
            pl.BlockSpec((D, D2), lambda j: (0, 0)),
            pl.BlockSpec((NBLK, M, DN), lambda j: (j, 0, 0)),
        ],
        out_specs=[
            pl.BlockSpec((NBLK, D), lambda j: (j, 0)),
            pl.BlockSpec((NBLK, D2), lambda j: (j, 0)),
            pl.BlockSpec((M, NBLK, DN), lambda j: (0, j, 0)),
        ],
        out_shape=[
            jax.ShapeDtypeStruct((N, D), F32),
            jax.ShapeDtypeStruct((N, D2), F32),
            jax.ShapeDtypeStruct((M, N, DN), BF16),
        ],
    )(atom_fea, w_embT, wn_fc, nbr_fea)


def _nb_specs():
    return [
        pl.BlockSpec((NBLK, D2),
                     functools.partial(lambda j, m: (m * NGRID + j, 0), m=m))
        for m in range(M)
    ]


def _nf_specs():
    return [
        pl.BlockSpec((NBLK, DN),
                     functools.partial(lambda j, m: (m * NGRID + j, 0), m=m))
        for m in range(M)
    ]


def _w_specs():
    return [
        pl.BlockSpec((D, D2), lambda j: (0, 0)),
        pl.BlockSpec((DN, D2), lambda j: (0, 0)),
        pl.BlockSpec((1, D2), lambda j: (0, 0)),
    ]


def _conv_stats(x, nb_flat, nf_flat, ws_fc, we_fc, b_fc):

    def body(x_ref, *refs):
        nb = refs[:M]
        nf = refs[M:2 * M]
        wsr, wer, br = refs[2 * M:2 * M + 3]
        s_ref, q_ref = refs[2 * M + 3:]
        base = jnp.dot(x_ref[...], wsr[...], preferred_element_type=F32) \
            + br[...]
        acc_s = jnp.zeros((1, D2), F32)
        acc_q = jnp.zeros((1, D2), F32)
        for m in range(M):
            g = base + nb[m][...] \
                + jnp.dot(nf[m][...], wer[...], preferred_element_type=F32)
            acc_s += jnp.sum(g, axis=0, keepdims=True)
            acc_q += jnp.sum(g * g, axis=0, keepdims=True)

        @pl.when(pl.program_id(0) == 0)
        def _():
            s_ref[...] = jnp.zeros_like(s_ref)
            q_ref[...] = jnp.zeros_like(q_ref)

        s_ref[...] += acc_s
        q_ref[...] += acc_q

    stat = jax.ShapeDtypeStruct((1, D2), F32)
    return pl.pallas_call(
        body,
        grid=(NGRID,),
        in_specs=[pl.BlockSpec((NBLK, D), lambda j: (j, 0))]
        + _nb_specs() + _nf_specs() + _w_specs(),
        out_specs=[pl.BlockSpec((1, D2), lambda j: (0, 0))] * 2,
        out_shape=[stat] * 2,
    )(x, *([nb_flat] * M), *([nf_flat] * M), ws_fc, we_fc, b_fc)


def _conv_apply(x, nb_flat, nf_flat, ws_fc, we_fc, b_fc, s1, q1, g1, b1):

    def body(x_ref, *refs):
        nb = refs[:M]
        nf = refs[M:2 * M]
        wsr, wer, br, s1r, q1r, g1r, b1r = refs[2 * M:2 * M + 7]
        ns_ref, s2_ref, q2_ref = refs[2 * M + 7:]
        cnt = F32(R)
        mu = s1r[...] / cnt
        var = q1r[...] / cnt - mu * mu
        scale = g1r[...] * lax.rsqrt(var + EPS)
        shift = b1r[...] - mu * scale
        base = (jnp.dot(x_ref[...], wsr[...], preferred_element_type=F32)
                + br[...]) * scale + shift
        wes = (wer[...].astype(F32) * scale).astype(BF16)
        acc = jnp.zeros((NBLK, D), F32)
        for m in range(M):
            g = base + nb[m][...] * scale \
                + jnp.dot(nf[m][...], wes, preferred_element_type=F32)
            filt = jax.nn.sigmoid(g[:, :D])
            core = jax.nn.softplus(g[:, D:])
            acc += filt * core
        ns_ref[...] = acc

        @pl.when(pl.program_id(0) == 0)
        def _():
            s2_ref[...] = jnp.zeros_like(s2_ref)
            q2_ref[...] = jnp.zeros_like(q2_ref)

        s2_ref[...] += jnp.sum(acc, axis=0, keepdims=True)
        q2_ref[...] += jnp.sum(acc * acc, axis=0, keepdims=True)

    stat = jax.ShapeDtypeStruct((1, D), F32)
    return pl.pallas_call(
        body,
        grid=(NGRID,),
        in_specs=[pl.BlockSpec((NBLK, D), lambda j: (j, 0))]
        + _nb_specs() + _nf_specs() + _w_specs()
        + [pl.BlockSpec((1, D2), lambda j: (0, 0))] * 4,
        out_specs=[
            pl.BlockSpec((NBLK, D), lambda j: (j, 0)),
            pl.BlockSpec((1, D), lambda j: (0, 0)),
            pl.BlockSpec((1, D), lambda j: (0, 0)),
        ],
        out_shape=[
            jax.ShapeDtypeStruct((N, D), F32),
            stat,
            stat,
        ],
    )(x, *([nb_flat] * M), *([nf_flat] * M), ws_fc, we_fc, b_fc,
      s1, q1, g1, b1)


def _conv_finish(x, ns, s2, q2, g2, b2, wn_fc):

    def body(x_ref, ns_ref, s2r, q2r, g2r, b2r, wn_ref, o_ref, bt_ref):
        cnt = F32(N)
        mu = s2r[...] / cnt
        v = q2r[...] / cnt - mu * mu
        scale = g2r[...] * lax.rsqrt(v + EPS)
        shift = b2r[...] - mu * scale
        val = jax.nn.softplus(x_ref[...] + ns_ref[...] * scale + shift)
        o_ref[...] = val
        bt_ref[...] = jnp.dot(val, wn_ref[...], preferred_element_type=F32)

    return pl.pallas_call(
        body,
        grid=(5,),
        in_specs=[
            pl.BlockSpec((2000, D), lambda j: (j, 0)),
            pl.BlockSpec((2000, D), lambda j: (j, 0)),
        ] + [pl.BlockSpec((1, D), lambda j: (0, 0))] * 4
        + [pl.BlockSpec((D, D2), lambda j: (0, 0))],
        out_specs=[
            pl.BlockSpec((2000, D), lambda j: (j, 0)),
            pl.BlockSpec((2000, D2), lambda j: (j, 0)),
        ],
        out_shape=[
            jax.ShapeDtypeStruct((N, D), F32),
            jax.ShapeDtypeStruct((N, D2), F32),
        ],
    )(x, ns, s2, q2, g2, b2, wn_fc)


def _decoder(bt, adjW, fc1W, bp_comb, edgW, fc2W, bf_comb, w_atomT, b_atom):

    def body(bt_ref, adj_ref, fc1_ref, bp_ref, edg_ref, fc2_ref, bfc_ref,
             wa_ref, ba_ref, *out):
        p_out = out[:6]
        f_out = out[6:11]
        ao_ref = out[11]
        wp = []
        for k in range(6):
            acc = fc1_ref[k, 0] * adj_ref[0]
            for l in range(1, 6):
                acc += fc1_ref[k, l] * adj_ref[l]
            wp.append(acc)
        wf = []
        for k in range(5):
            acc = fc2_ref[k, 0] * edg_ref[0]
            for l in range(1, 5):
                acc += fc2_ref[k, l] * edg_ref[l]
            wf.append(acc)
        for c in range(BC):
            b2 = bt_ref[c]
            ps = []
            for k in range(6):
                t = jnp.dot(b2, wp[k], preferred_element_type=F32)
                p = lax.dot_general(t, b2, (((1,), (1,)), ((), ())),
                                    preferred_element_type=F32) + bp_ref[0, k]
                ps.append(p)
            mx = ps[0]
            for k in range(1, 6):
                mx = jnp.maximum(mx, ps[k])
            se = jnp.exp(ps[0] - mx)
            for k in range(1, 6):
                se += jnp.exp(ps[k] - mx)
            ls = jnp.log(se)
            for k in range(6):
                p_out[k][c] = ps[k] - mx - ls
            for k in range(5):
                t = jnp.dot(b2, wf[k], preferred_element_type=F32)
                f = lax.dot_general(t, b2, (((1,), (1,)), ((), ())),
                                    preferred_element_type=F32) + bfc_ref[0, k]
                f_out[k][c] = f
            ao_ref[c] = jnp.dot(b2, wa_ref[...], preferred_element_type=F32) \
                + ba_ref[...]

    plane = jax.ShapeDtypeStruct((NCRY, NA, NA), F32)
    return pl.pallas_call(
        body,
        grid=(NGRID_DEC,),
        in_specs=[
            pl.BlockSpec((BC, NA, D), lambda j: (j, 0, 0)),
            pl.BlockSpec((6, D, D), lambda j: (0, 0, 0)),
            pl.BlockSpec(memory_space=pltpu.SMEM),
            pl.BlockSpec(memory_space=pltpu.SMEM),
            pl.BlockSpec((5, D, D), lambda j: (0, 0, 0)),
            pl.BlockSpec(memory_space=pltpu.SMEM),
            pl.BlockSpec(memory_space=pltpu.SMEM),
            pl.BlockSpec((D, 92), lambda j: (0, 0)),
            pl.BlockSpec((1, 92), lambda j: (0, 0)),
        ],
        out_specs=[pl.BlockSpec((BC, NA, NA), lambda j: (j, 0, 0))] * 11
        + [pl.BlockSpec((BC, NA, 92), lambda j: (j, 0, 0))],
        out_shape=[plane] * 11 + [jax.ShapeDtypeStruct((NCRY, NA, 92), F32)],
    )(bt, adjW, fc1W, bp_comb, edgW, fc2W, bf_comb, w_atomT, b_atom)


def kernel(atom_fea, nbr_fea, nbr_fea_idx, crystal_atom_idx, W_emb,
           fc_full_W, fc_full_b, bn1_g, bn1_b, bn2_g, bn2_b,
           fc_adj_W, fc_adj_b, fc1_W, fc1_b, fc_edge_W, fc_edge_b,
           fc2_W, fc2_b, fc_atom_W, fc_atom_b):
    ws_l, wn_l, we_l, b_l = [], [], [], []
    for i in range(3):
        Wi = fc_full_W[i]
        ws_l.append(Wi[:, :D].T)
        wn_l.append(Wi[:, D:2 * D].T)
        we_l.append(Wi[:, 2 * D:].T)
        b_l.append(fc_full_b[i].reshape(1, D2))

    x, bproj, nfT = _embed(atom_fea, W_emb.T, wn_l[0], nbr_fea)
    nf_flat = nfT.reshape(R, DN)
    idx_flat = nbr_fea_idx.T.astype(jnp.int32).reshape(-1)
    idx_pad = jnp.concatenate([idx_flat, jnp.zeros((_RPAD - R,), jnp.int32)])
    for i in range(3):
        nb_flat = _sc_gather(bproj, idx_pad).reshape(_RPAD, D2)
        s1, q1 = _conv_stats(x, nb_flat, nf_flat, ws_l[i], we_l[i], b_l[i])
        ns, s2, q2 = _conv_apply(x, nb_flat, nf_flat, ws_l[i], we_l[i],
                                 b_l[i], s1, q1,
                                 bn1_g[i].reshape(1, D2),
                                 bn1_b[i].reshape(1, D2))
        wn_next = wn_l[i + 1] if i < 2 else jnp.zeros((D, D2), F32)
        x, bproj = _conv_finish(x, ns, s2, q2,
                                bn2_g[i].reshape(1, D), bn2_b[i].reshape(1, D),
                                wn_next)

    bt = x.reshape(NCRY, NA, D)
    outs = _decoder(
        bt, fc_adj_W, fc1_W,
        (fc1_W @ fc_adj_b + fc1_b).reshape(1, 6),
        fc_edge_W, fc2_W,
        (fc2_W @ fc_edge_b + fc2_b).reshape(1, 5),
        fc_atom_W.T, fc_atom_b.reshape(1, 92),
    )
    edge_p = jnp.stack(outs[:6], axis=-1).reshape(NCRY, NA * NA, 6)
    edge_f = jnp.stack(outs[6:11], axis=-1)
    atom_out = outs[11]
    return edge_p, atom_out, edge_f

# --- scband reference (transcript-rebuilt; emitter-appended) ---
"""Pipeline reference for scband-crystal-ae-13116830122572 (READ-ONLY COPY).

The authoritative reference and input builder live on the scoring server;
editing this copy changes nothing except your own understanding.
"""

import jax, jax.numpy as jnp
import numpy as np


def _bn(x, g, b, eps=1e-5):
    m = jnp.mean(x, axis=0)
    v = jnp.var(x, axis=0)
    return g * (x - m) / jnp.sqrt(v + eps) + b


def setup_inputs(seed: int = 0) -> dict:
    key = jax.random.key(seed)
    ks = jax.random.split(key, 16)
    N, M, Dorig, Dnbr, D = 10000, 12, 92, 41, 64
    s = 0.05
    inp = {}
    inp["atom_fea"] = jax.random.normal(ks[0], (N, Dorig), dtype=jnp.float32)
    inp["nbr_fea"] = jax.random.normal(ks[1], (N, M, Dnbr), dtype=jnp.float32)
    inp["nbr_fea_idx"] = jax.random.randint(ks[2], (N, M), 0, N)
    inp["crystal_atom_idx"] = jnp.arange(N).reshape(200, 50)
    inp["W_emb"] = jax.random.normal(ks[3], (D, Dorig), dtype=jnp.float32) * s
    inp["fc_full_W"] = jax.random.normal(ks[4], (3, 2 * D, 2 * D + Dnbr), dtype=jnp.float32) * s
    inp["fc_full_b"] = jnp.zeros((3, 2 * D), dtype=jnp.float32)
    inp["bn1_g"] = jnp.ones((3, 2 * D), dtype=jnp.float32)
    inp["bn1_b"] = jnp.zeros((3, 2 * D), dtype=jnp.float32)
    inp["bn2_g"] = jnp.ones((3, D), dtype=jnp.float32)
    inp["bn2_b"] = jnp.zeros((3, D), dtype=jnp.float32)
    inp["fc_adj_W"] = jax.random.normal(ks[5], (6, D, D), dtype=jnp.float32) * s
    inp["fc_adj_b"] = jnp.zeros((6,), dtype=jnp.float32)
    inp["fc1_W"] = jax.random.normal(ks[6], (6, 6), dtype=jnp.float32) * s
    inp["fc1_b"] = jnp.zeros((6,), dtype=jnp.float32)
    inp["fc_edge_W"] = jax.random.normal(ks[7], (5, D, D), dtype=jnp.float32) * s
    inp["fc_edge_b"] = jnp.zeros((5,), dtype=jnp.float32)
    inp["fc2_W"] = jax.random.normal(ks[8], (5, 5), dtype=jnp.float32) * s
    inp["fc2_b"] = jnp.zeros((5,), dtype=jnp.float32)
    inp["fc_atom_W"] = jax.random.normal(ks[9], (Dorig, D), dtype=jnp.float32) * s
    inp["fc_atom_b"] = jnp.zeros((Dorig,), dtype=jnp.float32)
    return inp


def reference(atom_fea, nbr_fea, nbr_fea_idx, crystal_atom_idx, W_emb,
              fc_full_W, fc_full_b, bn1_g, bn1_b, bn2_g, bn2_b,
              fc_adj_W, fc_adj_b, fc1_W, fc1_b, fc_edge_W, fc_edge_b,
              fc2_W, fc2_b, fc_atom_W, fc_atom_b):
    x = atom_fea @ W_emb.T
    N, M = nbr_fea_idx.shape
    D = x.shape[1]
    for i in range(3):
        nb = x[nbr_fea_idx]  # gather [N, M, D]
        expd = jnp.broadcast_to(x[:, None, :], (N, M, D))
        tot = jnp.concatenate([expd, nb, nbr_fea], axis=2)
        g = tot @ fc_full_W[i].T + fc_full_b[i]
        g = _bn(g.reshape(-1, 2 * D), bn1_g[i], bn1_b[i]).reshape(N, M, 2 * D)
        nbr_filter = jax.nn.sigmoid(g[..., :D])
        nbr_core = jax.nn.softplus(g[..., D:])
        nbr_sumed = jnp.sum(nbr_filter * nbr_core, axis=1)
        nbr_sumed = _bn(nbr_sumed, bn2_g[i], bn2_b[i])
        x = jax.nn.softplus(x + nbr_sumed)
    bt = x[crystal_atom_idx]  # [B, n, D]
    B, n, _ = bt.shape
    # Bilinear fc_adj: pair (i, j) -> x1=atom[i], x2=atom[j]
    t = jnp.einsum('bid,kde->bike', bt, fc_adj_W)
    edge_p = jnp.einsum('bike,bje->bijk', t, bt) + fc_adj_b
    edge_p = edge_p.reshape(B, n * n, 6) @ fc1_W.T + fc1_b
    edge_p = jax.nn.log_softmax(edge_p, axis=-1)
    t2 = jnp.einsum('bid,kde->bike', bt, fc_edge_W)
    edge_f = jnp.einsum('bike,bje->bijk', t2, bt) + fc_edge_b
    edge_f = edge_f.reshape(B, n * n, 5) @ fc2_W.T + fc2_b
    edge_f = edge_f.reshape(B, n, n, 5)
    atom_out = bt @ fc_atom_W.T + fc_atom_b
    return edge_p, atom_out, edge_f

if __name__ == "__main__":
    import jax
    _d = setup_inputs()
    print(jax.jit(kernel)(*tuple(_d.values())))

</pallas_src>

<mosaic_0001>
#map = affine_map<(d0, d1) -> (0, 0)>
#map1 = affine_map<(d0, d1) -> (0)>
#map2 = affine_map<(d0, d1) -> (0, 0, 0)>
module attributes {stable_mosaic.version = 14 : i64} {
  func.func @k(%arg0: i32, %arg1: i32, %arg2: memref<10000x128xf32, #tpu.memory_space<hbm>>, %arg3: memref<131072xi32, #tpu.memory_space<hbm>>, %arg4: memref<512x256x128xf32, #tpu.memory_space<hbm>>, %arg5: memref<256xi32, #tpu.memory_space<vmem>>, %arg6: memref<256x128xf32, #tpu.memory_space<vmem>>, %arg7: memref<10000x128xf32, #tpu.memory_space<vmem_shared>>, %arg8: memref<!tpu.dma_semaphore, #tpu.memory_space<semaphore_mem>>) attributes {dimension_semantics = [#tpu.dimension_semantics<core_parallel>, #tpu.dimension_semantics<subcore_parallel>], iteration_bounds = array<i64: 2, 16>, scalar_prefetch = 0 : i64, scratch_operands = 4 : i64, tpu.core_type = #tpu.core_type<sc_vector_subcore>, window_params = [{transform_indices = #map}, {transform_indices = #map1}, {transform_indices = #map2}]} {
    %mul3A = arith.constant 2 : i32
    %mul3A_0 = arith.muli %arg1, %mul3A : i32
    %add3A = arith.addi %mul3A_0, %arg0 : i32
    %mul3A_1 = arith.constant 16 : i32
    %mul3A_2 = arith.muli %add3A, %mul3A_1 : i32
    %eq3A = arith.constant 0 : i32
    %eq3A_3 = arith.cmpi eq, %arg1, %eq3A : i32
    %convert_element_type3A = arith.extui %eq3A_3 : i1 to i32
    %cond3A = arith.constant 0 : i32
    %cond3A_4 = arith.cmpi ne, %convert_element_type3A, %cond3A : i32
    scf.if %cond3A_4 {
      "tpu.region"() ({
        %run_scoped3A = tpu.sem_alloc : memref<!tpu.dma_semaphore, #tpu.memory_space<semaphore_mem>>
        tpu.enqueue_dma source(%arg2 : memref<10000x128xf32, #tpu.memory_space<hbm>>) target(%arg7 : memref<10000x128xf32, #tpu.memory_space<vmem_shared>>) target_semaphore(%run_scoped3A : memref<!tpu.dma_semaphore, #tpu.memory_space<semaphore_mem>>)
        tpu.wait_dma2 semaphore(%run_scoped3A : memref<!tpu.dma_semaphore, #tpu.memory_space<semaphore_mem>>) src(%arg2 : memref<10000x128xf32, #tpu.memory_space<hbm>>) dst(%arg7 : memref<10000x128xf32, #tpu.memory_space<vmem_shared>>)
        tpu.yield
      }) : () -> ()
    } else {
    }
    %barrier3A = arith.constant 0 : index
    tpu.barrier barrier_id(%barrier3A)
    %scan3A = arith.constant 0 : i32
    %scan3A_5 = arith.constant 16 : i32
    %scan3A_6 = arith.addi %scan3A, %scan3A_5 : i32
    %scan3A_7 = arith.constant 1 : i32
    scf.for %scan3A_9 = %scan3A to %scan3A_6 step %scan3A_7  : i32 {
      %add3A_10 = arith.addi %mul3A_2, %scan3A_9 : i32
      %mul3A_11 = arith.constant 256 : i32
      %mul3A_12 = arith.muli %add3A_10, %mul3A_11 : i32
      "tpu.region"() ({
        %run_scoped3A = tpu.sem_alloc : memref<!tpu.dma_semaphore, #tpu.memory_space<semaphore_mem>>
        %dma_start3A_17 = tpu.memref_slice %arg3[%mul3A_12] : memref<131072xi32, #tpu.memory_space<hbm>> -> memref<256xi32, #tpu.memory_space<hbm>>
        %dma_start3A_18 = tpu.memref_slice %arg3[%mul3A_12] : memref<131072xi32, #tpu.memory_space<hbm>> -> memref<256xi32, #tpu.memory_space<hbm>>
        tpu.enqueue_dma source(%dma_start3A_18 : memref<256xi32, #tpu.memory_space<hbm>>) target(%arg5 : memref<256xi32, #tpu.memory_space<vmem>>) target_semaphore(%run_scoped3A : memref<!tpu.dma_semaphore, #tpu.memory_space<semaphore_mem>>)
        %dma_wait3A_19 = tpu.memref_slice %arg3[%mul3A_12] : memref<131072xi32, #tpu.memory_space<hbm>> -> memref<256xi32, #tpu.memory_space<hbm>>
        %dma_wait3A_20 = tpu.memref_slice %arg3[%mul3A_12] : memref<131072xi32, #tpu.memory_space<hbm>> -> memref<256xi32, #tpu.memory_space<hbm>>
        tpu.wait_dma2 semaphore(%run_scoped3A : memref<!tpu.dma_semaphore, #tpu.memory_space<semaphore_mem>>) src(%dma_wait3A_20 : memref<256xi32, #tpu.memory_space<hbm>>) dst(%arg5 : memref<256xi32, #tpu.memory_space<vmem>>)
        tpu.yield
      }) : () -> ()
      %dma_start3A = arith.constant 0 : i32
      %dma_start3A_13 = arith.constant 0 : i32
      %dma_start3A_14 = tpu.memref_slice %arg7[%dma_start3A, %dma_start3A_13] : memref<10000x128xf32, #tpu.memory_space<vmem_shared>> -> memref<10000x128xf32, #tpu.memory_space<vmem_shared>>
      tpu.enqueue_indirect_dma source(%dma_start3A_14 : memref<10000x128xf32, #tpu.memory_space<vmem_shared>>) target(%arg6 : memref<256x128xf32, #tpu.memory_space<vmem>>) offsets(%arg5 : memref<256xi32, #tpu.memory_space<vmem>>) semaphore(%arg8 : memref<!tpu.dma_semaphore, #tpu.memory_space<semaphore_mem>>)
      %dma_wait3A = arith.constant 0 : i32
      %dma_wait3A_15 = arith.constant 0 : i32
      %dma_wait3A_16 = tpu.memref_slice %arg7[%dma_wait3A, %dma_wait3A_15] : memref<10000x128xf32, #tpu.memory_space<vmem_shared>> -> memref<10000x128xf32, #tpu.memory_space<vmem_shared>>
      tpu.wait_indirect_dma semaphore(%arg8 : memref<!tpu.dma_semaphore, #tpu.memory_space<semaphore_mem>>) src(%dma_wait3A_16 : memref<10000x128xf32, #tpu.memory_space<vmem_shared>>) dst(%arg6 : memref<256x128xf32, #tpu.memory_space<vmem>>)
      "tpu.region"() ({
        %run_scoped3A = tpu.sem_alloc : memref<!tpu.dma_semaphore, #tpu.memory_space<semaphore_mem>>
        %dma_start3A_17 = arith.constant 0 : i32
        %dma_start3A_18 = arith.constant 0 : i32
        %dma_start3A_19 = tpu.memref_slice %arg4[%add3A_10, %dma_start3A_17, %dma_start3A_18] : memref<512x256x128xf32, #tpu.memory_space<hbm>> -> memref<1x256x128xf32, #tpu.memory_space<hbm>>
        %dma_start3A_20 = tpu.memref_squeeze %dma_start3A_19 : memref<1x256x128xf32, #tpu.memory_space<hbm>> -> memref<256x128xf32, #tpu.memory_space<hbm>>
        %dma_start3A_21 = arith.constant 0 : i32
        %dma_start3A_22 = arith.constant 0 : i32
        %dma_start3A_23 = tpu.memref_slice %arg4[%add3A_10, %dma_start3A_21, %dma_start3A_22] : memref<512x256x128xf32, #tpu.memory_space<hbm>> -> memref<1x256x128xf32, #tpu.memory_space<hbm>>
        %dma_start3A_24 = tpu.memref_squeeze %dma_start3A_23 : memref<1x256x128xf32, #tpu.memory_space<hbm>> -> memref<256x128xf32, #tpu.memory_space<hbm>>
        tpu.enqueue_dma source(%arg6 : memref<256x128xf32, #tpu.memory_space<vmem>>) target(%dma_start3A_24 : memref<256x128xf32, #tpu.memory_space<hbm>>) target_semaphore(%run_scoped3A : memref<!tpu.dma_semaphore, #tpu.memory_space<semaphore_mem>>)
        %dma_wait3A_25 = arith.constant 0 : i32
        %dma_wait3A_26 = arith.constant 0 : i32
        %dma_wait3A_27 = tpu.memref_slice %arg4[%add3A_10, %dma_wait3A_25, %dma_wait3A_26] : memref<512x256x128xf32, #tpu.memory_space<hbm>> -> memref<1x256x128xf32, #tpu.memory_space<hbm>>
        %dma_wait3A_28 = tpu.memref_squeeze %dma_wait3A_27 : memref<1x256x128xf32, #tpu.memory_space<hbm>> -> memref<256x128xf32, #tpu.memory_space<hbm>>
        %dma_wait3A_29 = arith.constant 0 : i32
        %dma_wait3A_30 = arith.constant 0 : i32
        %dma_wait3A_31 = tpu.memref_slice %arg4[%add3A_10, %dma_wait3A_29, %dma_wait3A_30] : memref<512x256x128xf32, #tpu.memory_space<hbm>> -> memref<1x256x128xf32, #tpu.memory_space<hbm>>
        %dma_wait3A_32 = tpu.memref_squeeze %dma_wait3A_31 : memref<1x256x128xf32, #tpu.memory_space<hbm>> -> memref<256x128xf32, #tpu.memory_space<hbm>>
        tpu.wait_dma2 semaphore(%run_scoped3A : memref<!tpu.dma_semaphore, #tpu.memory_space<semaphore_mem>>) src(%arg6 : memref<256x128xf32, #tpu.memory_space<vmem>>) dst(%dma_wait3A_32 : memref<256x128xf32, #tpu.memory_space<hbm>>)
        tpu.yield
      }) : () -> ()
    }
    %scan3A_8 = arith.constant 16 : i32
    return
  }
}

#map = affine_map<(d0, d1) -> (0, 0)>
#map1 = affine_map<(d0, d1) -> (0)>
#map2 = affine_map<(d0, d1) -> (0, 0, 0)>
module attributes {stable_mosaic.version = 14 : i64} {
  func.func @k(%arg0: i32, %arg1: i32, %arg2: memref<10000x128xf32, #tpu.memory_space<hbm>>, %arg3: memref<131072xi32, #tpu.memory_space<hbm>>, %arg4: memref<512x256x128xf32, #tpu.memory_space<hbm>>, %arg5: memref<256xi32, #tpu.memory_space<vmem>>, %arg6: memref<256x128xf32, #tpu.memory_space<vmem>>, %arg7: memref<10000x128xf32, #tpu.memory_space<vmem_shared>>, %arg8: memref<!tpu.dma_semaphore, #tpu.memory_space<semaphore_mem>>) attributes {dimension_semantics = [#tpu.dimension_semantics<core_parallel>, #tpu.dimension_semantics<subcore_parallel>], iteration_bounds = array<i64: 2, 16>, scalar_prefetch = 0 : i64, scratch_operands = 4 : i64, tpu.core_type = #tpu.core_type<sc_vector_subcore>, window_params = [{transform_indices = #map}, {transform_indices = #map1}, {transform_indices = #map2}]} {
    %mul3A = arith.constant 2 : i32
    %mul3A_0 = arith.muli %arg1, %mul3A : i32
    %add3A = arith.addi %mul3A_0, %arg0 : i32
    %mul3A_1 = arith.constant 16 : i32
    %mul3A_2 = arith.muli %add3A, %mul3A_1 : i32
    %eq3A = arith.constant 0 : i32
    %eq3A_3 = arith.cmpi eq, %arg1, %eq3A : i32
    %convert_element_type3A = arith.extui %eq3A_3 : i1 to i32
    %cond3A = arith.constant 0 : i32
    %cond3A_4 = arith.cmpi ne, %convert_element_type3A, %cond3A : i32
    scf.if %cond3A_4 {
      "tpu.region"() ({
        %run_scoped3A = tpu.sem_alloc : memref<!tpu.dma_semaphore, #tpu.memory_space<semaphore_mem>>
        tpu.enqueue_dma source(%arg2 : memref<10000x128xf32, #tpu.memory_space<hbm>>) target(%arg7 : memref<10000x128xf32, #tpu.memory_space<vmem_shared>>) target_semaphore(%run_scoped3A : memref<!tpu.dma_semaphore, #tpu.memory_space<semaphore_mem>>)
        tpu.wait_dma2 semaphore(%run_scoped3A : memref<!tpu.dma_semaphore, #tpu.memory_space<semaphore_mem>>) src(%arg2 : memref<10000x128xf32, #tpu.memory_space<hbm>>) dst(%arg7 : memref<10000x128xf32, #tpu.memory_space<vmem_shared>>)
        tpu.yield
      }) : () -> ()
    } else {
    }
    %barrier3A = arith.constant 0 : index
    tpu.barrier barrier_id(%barrier3A)
    %scan3A = arith.constant 0 : i32
    %scan3A_5 = arith.constant 16 : i32
    %scan3A_6 = arith.addi %scan3A, %scan3A_5 : i32
    %scan3A_7 = arith.constant 1 : i32
    scf.for %scan3A_9 = %scan3A to %scan3A_6 step %scan3A_7  : i32 {
      %add3A_10 = arith.addi %mul3A_2, %scan3A_9 : i32
      %mul3A_11 = arith.constant 256 : i32
      %mul3A_12 = arith.muli %add3A_10, %mul3A_11 : i32
      "tpu.region"() ({
        %run_scoped3A = tpu.sem_alloc : memref<!tpu.dma_semaphore, #tpu.memory_space<semaphore_mem>>
        %dma_start3A_17 = tpu.memref_slice %arg3[%mul3A_12] : memref<131072xi32, #tpu.memory_space<hbm>> -> memref<256xi32, #tpu.memory_space<hbm>>
        %dma_start3A_18 = tpu.memref_slice %arg3[%mul3A_12] : memref<131072xi32, #tpu.memory_space<hbm>> -> memref<256xi32, #tpu.memory_space<hbm>>
        tpu.enqueue_dma source(%dma_start3A_18 : memref<256xi32, #tpu.memory_space<hbm>>) target(%arg5 : memref<256xi32, #tpu.memory_space<vmem>>) target_semaphore(%run_scoped3A : memref<!tpu.dma_semaphore, #tpu.memory_space<semaphore_mem>>)
        %dma_wait3A_19 = tpu.memref_slice %arg3[%mul3A_12] : memref<131072xi32, #tpu.memory_space<hbm>> -> memref<256xi32, #tpu.memory_space<hbm>>
        %dma_wait3A_20 = tpu.memref_slice %arg3[%mul3A_12] : memref<131072xi32, #tpu.memory_space<hbm>> -> memref<256xi32, #tpu.memory_space<hbm>>
        tpu.wait_dma2 semaphore(%run_scoped3A : memref<!tpu.dma_semaphore, #tpu.memory_space<semaphore_mem>>) src(%dma_wait3A_20 : memref<256xi32, #tpu.memory_space<hbm>>) dst(%arg5 : memref<256xi32, #tpu.memory_space<vmem>>)
        tpu.yield
      }) : () -> ()
      %dma_start3A = arith.constant 0 : i32
      %dma_start3A_13 = arith.constant 0 : i32
      %dma_start3A_14 = tpu.memref_slice %arg7[%dma_start3A, %dma_start3A_13] : memref<10000x128xf32, #tpu.memory_space<vmem_shared>> -> memref<10000x128xf32, #tpu.memory_space<vmem_shared>>
      tpu.enqueue_indirect_dma source(%dma_start3A_14 : memref<10000x128xf32, #tpu.memory_space<vmem_shared>>) target(%arg6 : memref<256x128xf32, #tpu.memory_space<vmem>>) offsets(%arg5 : memref<256xi32, #tpu.memory_space<vmem>>) semaphore(%arg8 : memref<!tpu.dma_semaphore, #tpu.memory_space<semaphore_mem>>)
      %dma_wait3A = arith.constant 0 : i32
      %dma_wait3A_15 = arith.constant 0 : i32
      %dma_wait3A_16 = tpu.memref_slice %arg7[%dma_wait3A, %dma_wait3A_15] : memref<10000x128xf32, #tpu.memory_space<vmem_shared>> -> memref<10000x128xf32, #tpu.memory_space<vmem_shared>>
      tpu.wait_indirect_dma semaphore(%arg8 : memref<!tpu.dma_semaphore, #tpu.memory_space<semaphore_mem>>) src(%dma_wait3A_16 : memref<10000x128xf32, #tpu.memory_space<vmem_shared>>) dst(%arg6 : memref<256x128xf32, #tpu.memory_space<vmem>>)
      "tpu.region"() ({
        %run_scoped3A = tpu.sem_alloc : memref<!tpu.dma_semaphore, #tpu.memory_space<semaphore_mem>>
        %dma_start3A_17 = arith.constant 0 : i32
        %dma_start3A_18 = arith.constant 0 : i32
        %dma_start3A_19 = tpu.memref_slice %arg4[%add3A_10, %dma_start3A_17, %dma_start3A_18] : memref<512x256x128xf32, #tpu.memory_space<hbm>> -> memref<1x256x128xf32, #tpu.memory_space<hbm>>
        %dma_start3A_20 = tpu.memref_squeeze %dma_start3A_19 : memref<1x256x128xf32, #tpu.memory_space<hbm>> -> memref<256x128xf32, #tpu.memory_space<hbm>>
        %dma_start3A_21 = arith.constant 0 : i32
        %dma_start3A_22 = arith.constant 0 : i32
        %dma_start3A_23 = tpu.memref_slice %arg4[%add3A_10, %dma_start3A_21, %dma_start3A_22] : memref<512x256x128xf32, #tpu.memory_space<hbm>> -> memref<1x256x128xf32, #tpu.memory_space<hbm>>
        %dma_start3A_24 = tpu.memref_squeeze %dma_start3A_23 : memref<1x256x128xf32, #tpu.memory_space<hbm>> -> memref<256x128xf32, #tpu.memory_space<hbm>>
        tpu.enqueue_dma source(%arg6 : memref<256x128xf32, #tpu.memory_space<vmem>>) target(%dma_start3A_24 : memref<256x128xf32, #tpu.memory_space<hbm>>) target_semaphore(%run_scoped3A : memref<!tpu.dma_semaphore, #tpu.memory_space<semaphore_mem>>)
        %dma_wait3A_25 = arith.constant 0 : i32
        %dma_wait3A_26 = arith.constant 0 : i32
        %dma_wait3A_27 = tpu.memref_slice %arg4[%add3A_10, %dma_wait3A_25, %dma_wait3A_26] : memref<512x256x128xf32, #tpu.memory_space<hbm>> -> memref<1x256x128xf32, #tpu.memory_space<hbm>>
        %dma_wait3A_28 = tpu.memref_squeeze %dma_wait3A_27 : memref<1x256x128xf32, #tpu.memory_space<hbm>> -> memref<256x128xf32, #tpu.memory_space<hbm>>
        %dma_wait3A_29 = arith.constant 0 : i32
        %dma_wait3A_30 = arith.constant 0 : i32
        %dma_wait3A_31 = tpu.memref_slice %arg4[%add3A_10, %dma_wait3A_29, %dma_wait3A_30] : memref<512x256x128xf32, #tpu.memory_space<hbm>> -> memref<1x256x128xf32, #tpu.memory_space<hbm>>
        %dma_wait3A_32 = tpu.memref_squeeze %dma_wait3A_31 : memref<1x256x128xf32, #tpu.memory_space<hbm>> -> memref<256x128xf32, #tpu.memory_space<hbm>>
        tpu.wait_dma2 semaphore(%run_scoped3A : memref<!tpu.dma_semaphore, #tpu.memory_space<semaphore_mem>>) src(%arg6 : memref<256x128xf32, #tpu.memory_space<vmem>>) dst(%dma_wait3A_32 : memref<256x128xf32, #tpu.memory_space<hbm>>)
        tpu.yield
      }) : () -> ()
    }
    %scan3A_8 = arith.constant 16 : i32
    return
  }
}

#map = affine_map<(d0, d1) -> (0, 0)>
#map1 = affine_map<(d0, d1) -> (0)>
#map2 = affine_map<(d0, d1) -> (0, 0, 0)>
module attributes {stable_mosaic.version = 14 : i64} {
  func.func @k(%arg0: i32, %arg1: i32, %arg2: memref<10000x128xf32, #tpu.memory_space<hbm>>, %arg3: memref<131072xi32, #tpu.memory_space<hbm>>, %arg4: memref<512x256x128xf32, #tpu.memory_space<hbm>>, %arg5: memref<256xi32, #tpu.memory_space<vmem>>, %arg6: memref<256x128xf32, #tpu.memory_space<vmem>>, %arg7: memref<10000x128xf32, #tpu.memory_space<vmem_shared>>, %arg8: memref<!tpu.dma_semaphore, #tpu.memory_space<semaphore_mem>>) attributes {dimension_semantics = [#tpu.dimension_semantics<core_parallel>, #tpu.dimension_semantics<subcore_parallel>], iteration_bounds = array<i64: 2, 16>, scalar_prefetch = 0 : i64, scratch_operands = 4 : i64, tpu.core_type = #tpu.core_type<sc_vector_subcore>, window_params = [{transform_indices = #map}, {transform_indices = #map1}, {transform_indices = #map2}]} {
    %mul3A = arith.constant 2 : i32
    %mul3A_0 = arith.muli %arg1, %mul3A : i32
    %add3A = arith.addi %mul3A_0, %arg0 : i32
    %mul3A_1 = arith.constant 16 : i32
    %mul3A_2 = arith.muli %add3A, %mul3A_1 : i32
    %eq3A = arith.constant 0 : i32
    %eq3A_3 = arith.cmpi eq, %arg1, %eq3A : i32
    %convert_element_type3A = arith.extui %eq3A_3 : i1 to i32
    %cond3A = arith.constant 0 : i32
    %cond3A_4 = arith.cmpi ne, %convert_element_type3A, %cond3A : i32
    scf.if %cond3A_4 {
      "tpu.region"() ({
        %run_scoped3A = tpu.sem_alloc : memref<!tpu.dma_semaphore, #tpu.memory_space<semaphore_mem>>
        tpu.enqueue_dma source(%arg2 : memref<10000x128xf32, #tpu.memory_space<hbm>>) target(%arg7 : memref<10000x128xf32, #tpu.memory_space<vmem_shared>>) target_semaphore(%run_scoped3A : memref<!tpu.dma_semaphore, #tpu.memory_space<semaphore_mem>>)
        tpu.wait_dma2 semaphore(%run_scoped3A : memref<!tpu.dma_semaphore, #tpu.memory_space<semaphore_mem>>) src(%arg2 : memref<10000x128xf32, #tpu.memory_space<hbm>>) dst(%arg7 : memref<10000x128xf32, #tpu.memory_space<vmem_shared>>)
        tpu.yield
      }) : () -> ()
    } else {
    }
    %barrier3A = arith.constant 0 : index
    tpu.barrier barrier_id(%barrier3A)
    %scan3A = arith.constant 0 : i32
    %scan3A_5 = arith.constant 16 : i32
    %scan3A_6 = arith.addi %scan3A, %scan3A_5 : i32
    %scan3A_7 = arith.constant 1 : i32
    scf.for %scan3A_9 = %scan3A to %scan3A_6 step %scan3A_7  : i32 {
      %add3A_10 = arith.addi %mul3A_2, %scan3A_9 : i32
      %mul3A_11 = arith.constant 256 : i32
      %mul3A_12 = arith.muli %add3A_10, %mul3A_11 : i32
      "tpu.region"() ({
        %run_scoped3A = tpu.sem_alloc : memref<!tpu.dma_semaphore, #tpu.memory_space<semaphore_mem>>
        %dma_start3A_17 = tpu.memref_slice %arg3[%mul3A_12] : memref<131072xi32, #tpu.memory_space<hbm>> -> memref<256xi32, #tpu.memory_space<hbm>>
        %dma_start3A_18 = tpu.memref_slice %arg3[%mul3A_12] : memref<131072xi32, #tpu.memory_space<hbm>> -> memref<256xi32, #tpu.memory_space<hbm>>
        tpu.enqueue_dma source(%dma_start3A_18 : memref<256xi32, #tpu.memory_space<hbm>>) target(%arg5 : memref<256xi32, #tpu.memory_space<vmem>>) target_semaphore(%run_scoped3A : memref<!tpu.dma_semaphore, #tpu.memory_space<semaphore_mem>>)
        %dma_wait3A_19 = tpu.memref_slice %arg3[%mul3A_12] : memref<131072xi32, #tpu.memory_space<hbm>> -> memref<256xi32, #tpu.memory_space<hbm>>
        %dma_wait3A_20 = tpu.memref_slice %arg3[%mul3A_12] : memref<131072xi32, #tpu.memory_space<hbm>> -> memref<256xi32, #tpu.memory_space<hbm>>
        tpu.wait_dma2 semaphore(%run_scoped3A : memref<!tpu.dma_semaphore, #tpu.memory_space<semaphore_mem>>) src(%dma_wait3A_20 : memref<256xi32, #tpu.memory_space<hbm>>) dst(%arg5 : memref<256xi32, #tpu.memory_space<vmem>>)
        tpu.yield
      }) : () -> ()
      %dma_start3A = arith.constant 0 : i32
      %dma_start3A_13 = arith.constant 0 : i32
      %dma_start3A_14 = tpu.memref_slice %arg7[%dma_start3A, %dma_start3A_13] : memref<10000x128xf32, #tpu.memory_space<vmem_shared>> -> memref<10000x128xf32, #tpu.memory_space<vmem_shared>>
      tpu.enqueue_indirect_dma source(%dma_start3A_14 : memref<10000x128xf32, #tpu.memory_space<vmem_shared>>) target(%arg6 : memref<256x128xf32, #tpu.memory_space<vmem>>) offsets(%arg5 : memref<256xi32, #tpu.memory_space<vmem>>) semaphore(%arg8 : memref<!tpu.dma_semaphore, #tpu.memory_space<semaphore_mem>>)
      %dma_wait3A = arith.constant 0 : i32
      %dma_wait3A_15 = arith.constant 0 : i32
      %dma_wait3A_16 = tpu.memref_slice %arg7[%dma_wait3A, %dma_wait3A_15] : memref<10000x128xf32, #tpu.memory_space<vmem_shared>> -> memref<10000x128xf32, #tpu.memory_space<vmem_shared>>
      tpu.wait_indirect_dma semaphore(%arg8 : memref<!tpu.dma_semaphore, #tpu.memory_space<semaphore_mem>>) src(%dma_wait3A_16 : memref<10000x128xf32, #tpu.memory_space<vmem_shared>>) dst(%arg6 : memref<256x128xf32, #tpu.memory_space<vmem>>)
      "tpu.region"() ({
        %run_scoped3A = tpu.sem_alloc : memref<!tpu.dma_semaphore, #tpu.memory_space<semaphore_mem>>
        %dma_start3A_17 = arith.constant 0 : i32
        %dma_start3A_18 = arith.constant 0 : i32
        %dma_start3A_19 = tpu.memref_slice %arg4[%add3A_10, %dma_start3A_17, %dma_start3A_18] : memref<512x256x128xf32, #tpu.memory_space<hbm>> -> memref<1x256x128xf32, #tpu.memory_space<hbm>>
        %dma_start3A_20 = tpu.memref_squeeze %dma_start3A_19 : memref<1x256x128xf32, #tpu.memory_space<hbm>> -> memref<256x128xf32, #tpu.memory_space<hbm>>
        %dma_start3A_21 = arith.constant 0 : i32
        %dma_start3A_22 = arith.constant 0 : i32
        %dma_start3A_23 = tpu.memref_slice %arg4[%add3A_10, %dma_start3A_21, %dma_start3A_22] : memref<512x256x128xf32, #tpu.memory_space<hbm>> -> memref<1x256x128xf32, #tpu.memory_space<hbm>>
        %dma_start3A_24 = tpu.memref_squeeze %dma_start3A_23 : memref<1x256x128xf32, #tpu.memory_space<hbm>> -> memref<256x128xf32, #tpu.memory_space<hbm>>
        tpu.enqueue_dma source(%arg6 : memref<256x128xf32, #tpu.memory_space<vmem>>) target(%dma_start3A_24 : memref<256x128xf32, #tpu.memory_space<hbm>>) target_semaphore(%run_scoped3A : memref<!tpu.dma_semaphore, #tpu.memory_space<semaphore_mem>>)
        %dma_wait3A_25 = arith.constant 0 : i32
        %dma_wait3A_26 = arith.constant 0 : i32
        %dma_wait3A_27 = tpu.memref_slice %arg4[%add3A_10, %dma_wait3A_25, %dma_wait3A_26] : memref<512x256x128xf32, #tpu.memory_space<hbm>> -> memref<1x256x128xf32, #tpu.memory_space<hbm>>
        %dma_wait3A_28 = tpu.memref_squeeze %dma_wait3A_27 : memref<1x256x128xf32, #tpu.memory_space<hbm>> -> memref<256x128xf32, #tpu.memory_space<hbm>>
        %dma_wait3A_29 = arith.constant 0 : i32
        %dma_wait3A_30 = arith.constant 0 : i32
        %dma_wait3A_31 = tpu.memref_slice %arg4[%add3A_10, %dma_wait3A_29, %dma_wait3A_30] : memref<512x256x128xf32, #tpu.memory_space<hbm>> -> memref<1x256x128xf32, #tpu.memory_space<hbm>>
        %dma_wait3A_32 = tpu.memref_squeeze %dma_wait3A_31 : memref<1x256x128xf32, #tpu.memory_space<hbm>> -> memref<256x128xf32, #tpu.memory_space<hbm>>
        tpu.wait_dma2 semaphore(%run_scoped3A : memref<!tpu.dma_semaphore, #tpu.memory_space<semaphore_mem>>) src(%arg6 : memref<256x128xf32, #tpu.memory_space<vmem>>) dst(%dma_wait3A_32 : memref<256x128xf32, #tpu.memory_space<hbm>>)
        tpu.yield
      }) : () -> ()
    }
    %scan3A_8 = arith.constant 16 : i32
    return
  }
}

module attributes {stable_mosaic.version = 14 : i64} {
  func.func @body(%arg0: i32, %arg1: memref<1000x92xf32, #tpu.memory_space<vmem>>, %arg2: memref<92x64xf32, #tpu.memory_space<vmem>>, %arg3: memref<64x128xf32, #tpu.memory_space<vmem>>, %arg4: memref<1000x12x41xf32, #tpu.memory_space<vmem>>, %arg5: memref<1000x64xf32, #tpu.memory_space<vmem>>, %arg6: memref<1000x128xf32, #tpu.memory_space<vmem>>, %arg7: memref<12x1000x41xbf16, #tpu.memory_space<vmem>>) attributes {dimension_semantics = [#tpu.dimension_semantics<arbitrary>], iteration_bounds = array<i64: 10>, scalar_prefetch = 0 : i64, scratch_operands = 0 : i64, tpu.core_type = #tpu.core_type<tc>, window_params = [{transform_indices = @transform_0, window_bounds = array<i64: 1000, 92>}, {pipeline_mode = #tpu.pipeline_mode<synchronous>, transform_indices = @transform_1, window_bounds = array<i64: 92, 64>}, {pipeline_mode = #tpu.pipeline_mode<synchronous>, transform_indices = @transform_2, window_bounds = array<i64: 64, 128>}, {transform_indices = @transform_3, window_bounds = array<i64: 1000, 12, 41>}, {transform_indices = @transform_4, window_bounds = array<i64: 1000, 64>}, {transform_indices = @transform_5, window_bounds = array<i64: 1000, 128>}, {transform_indices = @transform_6, window_bounds = array<i64: 12, 1000, 41>}]} {
    %get3A = arith.constant 0 : index
    %get3A_0 = arith.constant 0 : index
    %get3A_1 = vector.load %arg1[%get3A, %get3A_0] : memref<1000x92xf32, #tpu.memory_space<vmem>>, vector<1000x92xf32>
    %get3A_2 = arith.constant 0 : index
    %get3A_3 = arith.constant 0 : index
    %get3A_4 = vector.load %arg2[%get3A_2, %get3A_3] : memref<92x64xf32, #tpu.memory_space<vmem>>, vector<92x64xf32>
    %dot_general3A = arith.constant dense<0.000000e+00> : vector<1000x64xf32>
    %dot_general3A_5 = tpu.matmul %get3A_1, %get3A_4, %dot_general3A {dimension_numbers = #tpu.dot_dimension_numbers<[1], [0], [0], [1], [0, 0, 1, 1], [], []>, transpose_lhs_hint = false} : vector<1000x92xf32>, vector<92x64xf32>, vector<1000x64xf32> -> vector<1000x64xf32>
    %swap3A = arith.constant 0 : index
    %swap3A_6 = arith.constant 0 : index
    %swap3A_7 = vector.load %arg5[%swap3A, %swap3A_6] : memref<1000x64xf32, #tpu.memory_space<vmem>>, vector<1000x64xf32>
    tpu.vector_store %arg5[%swap3A, %swap3A_6], %dot_general3A_5 {strides = array<i32>} : memref<1000x64xf32, #tpu.memory_space<vmem>>, vector<1000x64xf32>,
    %get3A_8 = arith.constant 0 : index
    %get3A_9 = arith.constant 0 : index
    %get3A_10 = vector.load %arg3[%get3A_8, %get3A_9] : memref<64x128xf32, #tpu.memory_space<vmem>>, vector<64x128xf32>
    %dot_general3A_11 = arith.constant dense<0.000000e+00> : vector<1000x128xf32>
    %dot_general3A_12 = tpu.matmul %dot_general3A_5, %get3A_10, %dot_general3A_11 {dimension_numbers = #tpu.dot_dimension_numbers<[1], [0], [0], [1], [0, 0, 1, 1], [], []>, transpose_lhs_hint = false} : vector<1000x64xf32>, vector<64x128xf32>, vector<1000x128xf32> -> vector<1000x128xf32>
    %swap3A_13 = arith.constant 0 : index
    %swap3A_14 = arith.constant 0 : index
    %swap3A_15 = vector.load %arg6[%swap3A_13, %swap3A_14] : memref<1000x128xf32, #tpu.memory_space<vmem>>, vector<1000x128xf32>
    tpu.vector_store %arg6[%swap3A_13, %swap3A_14], %dot_general3A_12 {strides = array<i32>} : memref<1000x128xf32, #tpu.memory_space<vmem>>, vector<1000x128xf32>,
    %get3A_16 = arith.constant 0 : index
    %get3A_17 = arith.constant 0 : index
    %get3A_18 = arith.constant 0 : index
    %get3A_19 = vector.load %arg4[%get3A_16, %get3A_17, %get3A_18] : memref<1000x12x41xf32, #tpu.memory_space<vmem>>, vector<1000x12x41xf32>
    %transpose3A = tpu.transpose %get3A_19, [1, 0, 2] : vector<1000x12x41xf32> -> vector<12x1000x41xf32>
    %convert_element_type3A = arith.truncf %transpose3A : vector<12x1000x41xf32> to vector<12x1000x41xbf16>
    %swap3A_20 = arith.constant 0 : index
    %swap3A_21 = arith.constant 0 : index
    %swap3A_22 = arith.constant 0 : index
    %swap3A_23 = vector.load %arg7[%swap3A_20, %swap3A_21, %swap3A_22] : memref<12x1000x41xbf16, #tpu.memory_space<vmem>>, vector<12x1000x41xbf16>
    tpu.vector_store %arg7[%swap3A_20, %swap3A_21, %swap3A_22], %convert_element_type3A {strides = array<i32>} : memref<12x1000x41xbf16, #tpu.memory_space<vmem>>, vector<12x1000x41xbf16>,
    return
  }
  func.func @transform_0(%arg0: i32) -> (i32, i32) {
    %c0_i32 = arith.constant 0 : i32
    %c0_i32_0 = arith.constant 0 : i32
    return %arg0, %c0_i32 : i32, i32
  }
  func.func @transform_1(%arg0: i32) -> (i32, i32) {
    %c0_i32 = arith.constant 0 : i32
    %c0_i32_0 = arith.constant 0 : i32
    %c0_i32_1 = arith.constant 0 : i32
    return %c0_i32, %c0_i32_0 : i32, i32
  }
  func.func @transform_2(%arg0: i32) -> (i32, i32) {
    %c0_i32 = arith.constant 0 : i32
    %c0_i32_0 = arith.constant 0 : i32
    %c0_i32_1 = arith.constant 0 : i32
    return %c0_i32, %c0_i32_0 : i32, i32
  }
  func.func @transform_3(%arg0: i32) -> (i32, i32, i32) {
    %c0_i32 = arith.constant 0 : i32
    %c0_i32_0 = arith.constant 0 : i32
    %c0_i32_1 = arith.constant 0 : i32
    return %arg0, %c0_i32, %c0_i32_0 : i32, i32, i32
  }
  func.func @transform_4(%arg0: i32) -> (i32, i32) {
    %c0_i32 = arith.constant 0 : i32
    %c0_i32_0 = arith.constant 0 : i32
    return %arg0, %c0_i32 : i32, i32
  }
  func.func @transform_5(%arg0: i32) -> (i32, i32) {
    %c0_i32 = arith.constant 0 : i32
    %c0_i32_0 = arith.constant 0 : i32
    return %arg0, %c0_i32 : i32, i32
  }
  func.func @transform_6(%arg0: i32) -> (i32, i32, i32) {
    %c0_i32 = arith.constant 0 : i32
    %c0_i32_0 = arith.constant 0 : i32
    %c0_i32_1 = arith.constant 0 : i32
    return %c0_i32, %arg0, %c0_i32_0 : i32, i32, i32
  }
}

module attributes {stable_mosaic.version = 14 : i64} {
  func.func @body(%arg0: i32, %arg1: memref<1000x64xf32, #tpu.memory_space<vmem>>, %arg2: memref<1000x128xf32, #tpu.memory_space<vmem>>, %arg3: memref<1000x128xf32, #tpu.memory_space<vmem>>, %arg4: memref<1000x128xf32, #tpu.memory_space<vmem>>, %arg5: memref<1000x128xf32, #tpu.memory_space<vmem>>, %arg6: memref<1000x128xf32, #tpu.memory_space<vmem>>, %arg7: memref<1000x128xf32, #tpu.memory_space<vmem>>, %arg8: memref<1000x128xf32, #tpu.memory_space<vmem>>, %arg9: memref<1000x128xf32, #tpu.memory_space<vmem>>, %arg10: memref<1000x128xf32, #tpu.memory_space<vmem>>, %arg11: memref<1000x128xf32, #tpu.memory_space<vmem>>, %arg12: memref<1000x128xf32, #tpu.memory_space<vmem>>, %arg13: memref<1000x128xf32, #tpu.memory_space<vmem>>, %arg14: memref<1000x41xbf16, #tpu.memory_space<vmem>>, %arg15: memref<1000x41xbf16, #tpu.memory_space<vmem>>, %arg16: memref<1000x41xbf16, #tpu.memory_space<vmem>>, %arg17: memref<1000x41xbf16, #tpu.memory_space<vmem>>, %arg18: memref<1000x41xbf16, #tpu.memory_space<vmem>>, %arg19: memref<1000x41xbf16, #tpu.memory_space<vmem>>, %arg20: memref<1000x41xbf16, #tpu.memory_space<vmem>>, %arg21: memref<1000x41xbf16, #tpu.memory_space<vmem>>, %arg22: memref<1000x41xbf16, #tpu.memory_space<vmem>>, %arg23: memref<1000x41xbf16, #tpu.memory_space<vmem>>, %arg24: memref<1000x41xbf16, #tpu.memory_space<vmem>>, %arg25: memref<1000x41xbf16, #tpu.memory_space<vmem>>, %arg26: memref<64x128xf32, #tpu.memory_space<vmem>>, %arg27: memref<41x128xf32, #tpu.memory_space<vmem>>, %arg28: memref<1x128xf32, #tpu.memory_space<vmem>>, %arg29: memref<1x128xf32, #tpu.memory_space<vmem>>, %arg30: memref<1x128xf32, #tpu.memory_space<vmem>>) attributes {dimension_semantics = [#tpu.dimension_semantics<arbitrary>], iteration_bounds = array<i64: 10>, scalar_prefetch = 0 : i64, scratch_operands = 0 : i64, tpu.core_type = #tpu.core_type<tc>, window_params = [{transform_indices = @transform_0, window_bounds = array<i64: 1000, 64>}, {transform_indices = @transform_1, window_bounds = array<i64: 1000, 128>}, {transform_indices = @transform_2, window_bounds = array<i64: 1000, 128>}, {transform_indices = @transform_3, window_bounds = array<i64: 1000, 128>}, {transform_indices = @transform_4, window_bounds = array<i64: 1000, 128>}, {transform_indices = @transform_5, window_bounds = array<i64: 1000, 128>}, {transform_indices = @transform_6, window_bounds = array<i64: 1000, 128>}, {transform_indices = @transform_7, window_bounds = array<i64: 1000, 128>}, {transform_indices = @transform_8, window_bounds = array<i64: 1000, 128>}, {transform_indices = @transform_9, window_bounds = array<i64: 1000, 128>}, {transform_indices = @transform_10, window_bounds = array<i64: 1000, 128>}, {transform_indices = @transform_11, window_bounds = array<i64: 1000, 128>}, {transform_indices = @transform_12, window_bounds = array<i64: 1000, 128>}, {transform_indices = @transform_13, window_bounds = array<i64: 1000, 41>}, {transform_indices = @transform_14, window_bounds = array<i64: 1000, 41>}, {transform_indices = @transform_15, window_bounds = array<i64: 1000, 41>}, {transform_indices = @transform_16, window_bounds = array<i64: 1000, 41>}, {transform_indices = @transform_17, window_bounds = array<i64: 1000, 41>}, {transform_indices = @transform_18, window_bounds = array<i64: 1000, 41>}, {transform_indices = @transform_19, window_bounds = array<i64: 1000, 41>}, {transform_indices = @transform_20, window_bounds = array<i64: 1000, 41>}, {transform_indices = @transform_21, window_bounds = array<i64: 1000, 41>}, {transform_indices = @transform_22, window_bounds = array<i64: 1000, 41>}, {transform_indices = @transform_23, window_bounds = array<i64: 1000, 41>}, {transform_indices = @transform_24, window_bounds = array<i64: 1000, 41>}, {pipeline_mode = #tpu.pipeline_mode<synchronous>, transform_indices = @transform_25, window_bounds = array<i64: 64, 128>}, {pipeline_mode = #tpu.pipeline_mode<synchronous>, transform_indices = @transform_26, window_bounds = array<i64: 41, 128>}, {pipeline_mode = #tpu.pipeline_mode<synchronous>, transform_indices = @transform_27, window_bounds = array<i64: 1, 128>}, {pipeline_mode = #tpu.pipeline_mode<synchronous>, transform_indices = @transform_28, window_bounds = array<i64: 1, 128>}, {pipeline_mode = #tpu.pipeline_mode<synchronous>, transform_indices = @transform_29, window_bounds = array<i64: 1, 128>}]} {
    %get3A = arith.constant 0 : index
    %get3A_0 = arith.constant 0 : index
    %get3A_1 = vector.load %arg1[%get3A, %get3A_0] : memref<1000x64xf32, #tpu.memory_space<vmem>>, vector<1000x64xf32>
    %get3A_2 = arith.constant 0 : index
    %get3A_3 = arith.constant 0 : index
    %get3A_4 = vector.load %arg26[%get3A_2, %get3A_3] : memref<64x128xf32, #tpu.memory_space<vmem>>, vector<64x128xf32>
    %dot_general3A = arith.constant dense<0.000000e+00> : vector<1000x128xf32>
    %dot_general3A_5 = tpu.matmul %get3A_1, %get3A_4, %dot_general3A {dimension_numbers = #tpu.dot_dimension_numbers<[1], [0], [0], [1], [0, 0, 1, 1], [], []>, transpose_lhs_hint = false} : vector<1000x64xf32>, vector<64x128xf32>, vector<1000x128xf32> -> vector<1000x128xf32>
    %get3A_6 = arith.constant 0 : index
    %get3A_7 = arith.constant 0 : index
    %get3A_8 = vector.load %arg28[%get3A_6, %get3A_7] : memref<1x128xf32, #tpu.memory_space<vmem>>, vector<1x128xf32>
    %add3A = vector.broadcast %get3A_8 : vector<1x128xf32> to vector<1000x128xf32>
    %add3A_9 = arith.addf %dot_general3A_5, %add3A : vector<1000x128xf32>
    %broadcast_in_dim3A = arith.constant 0.000000e+00 : f32
    %broadcast_in_dim3A_10 = vector.broadcast %broadcast_in_dim3A : f32 to vector<1x128xf32>
    %broadcast_in_dim3A_11 = arith.constant 0.000000e+00 : f32
    %broadcast_in_dim3A_12 = vector.broadcast %broadcast_in_dim3A_11 : f32 to vector<1x128xf32>
    %get3A_13 = arith.constant 0 : index
    %get3A_14 = arith.constant 0 : index
    %get3A_15 = vector.load %arg2[%get3A_13, %get3A_14] : memref<1000x128xf32, #tpu.memory_space<vmem>>, vector<1000x128xf32>
    %add3A_16 = arith.addf %add3A_9, %get3A_15 : vector<1000x128xf32>
    %get3A_17 = arith.constant 0 : index
    %get3A_18 = arith.constant 0 : index
    %get3A_19 = vector.load %arg14[%get3A_17, %get3A_18] : memref<1000x41xbf16, #tpu.memory_space<vmem>>, vector<1000x41xbf16>
    %get3A_20 = arith.constant 0 : index
    %get3A_21 = arith.constant 0 : index
    %get3A_22 = vector.load %arg27[%get3A_20, %get3A_21] : memref<41x128xf32, #tpu.memory_space<vmem>>, vector<41x128xf32>
    %dot_general3A_23 = arith.constant dense<0.000000e+00> : vector<1000x128xf32>
    %dot_general3A_24 = tpu.matmul %get3A_19, %get3A_22, %dot_general3A_23 {dimension_numbers = #tpu.dot_dimension_numbers<[1], [0], [0], [1], [0, 0, 1, 1], [], []>, transpose_lhs_hint = false} : vector<1000x41xbf16>, vector<41x128xf32>, vector<1000x128xf32> -> vector<1000x128xf32>
    %add3A_25 = arith.addf %add3A_16, %dot_general3A_24 : vector<1000x128xf32>
    %reduce_sum3A = arith.constant dense<0.000000e+00> : vector<128xf32>
    %reduce_sum3A_26 = vector.multi_reduction <add>, %add3A_25, %reduce_sum3A [0] : vector<1000x128xf32> to vector<128xf32>
    %broadcast_in_dim3A_27 = vector.shape_cast %reduce_sum3A_26 : vector<128xf32> to vector<1x128xf32>
    %add3A_28 = arith.addf %broadcast_in_dim3A_10, %broadcast_in_dim3A_27 : vector<1x128xf32>
    %mul3A = arith.mulf %add3A_25, %add3A_25 : vector<1000x128xf32>
    %reduce_sum3A_29 = arith.constant dense<0.000000e+00> : vector<128xf32>
    %reduce_sum3A_30 = vector.multi_reduction <add>, %mul3A, %reduce_sum3A_29 [0] : vector<1000x128xf32> to vector<128xf32>
    %broadcast_in_dim3A_31 = vector.shape_cast %reduce_sum3A_30 : vector<128xf32> to vector<1x128xf32>
    %add3A_32 = arith.addf %broadcast_in_dim3A_12, %broadcast_in_dim3A_31 : vector<1x128xf32>
    %get3A_33 = arith.constant 0 : index
    %get3A_34 = arith.constant 0 : index
    %get3A_35 = vector.load %arg3[%get3A_33, %get3A_34] : memref<1000x128xf32, #tpu.memory_space<vmem>>, vector<1000x128xf32>
    %add3A_36 = arith.addf %add3A_9, %get3A_35 : vector<1000x128xf32>
    %get3A_37 = arith.constant 0 : index
    %get3A_38 = arith.constant 0 : index
    %get3A_39 = vector.load %arg15[%get3A_37, %get3A_38] : memref<1000x41xbf16, #tpu.memory_space<vmem>>, vector<1000x41xbf16>
    %get3A_40 = arith.constant 0 : index
    %get3A_41 = arith.constant 0 : index
    %get3A_42 = vector.load %arg27[%get3A_40, %get3A_41] : memref<41x128xf32, #tpu.memory_space<vmem>>, vector<41x128xf32>
    %dot_general3A_43 = arith.constant dense<0.000000e+00> : vector<1000x128xf32>
    %dot_general3A_44 = tpu.matmul %get3A_39, %get3A_42, %dot_general3A_43 {dimension_numbers = #tpu.dot_dimension_numbers<[1], [0], [0], [1], [0, 0, 1, 1], [], []>, transpose_lhs_hint = false} : vector<1000x41xbf16>, vector<41x128xf32>, vector<1000x128xf32> -> vector<1000x128xf32>
    %add3A_45 = arith.addf %add3A_36, %dot_general3A_44 : vector<1000x128xf32>
    %reduce_sum3A_46 = arith.constant dense<0.000000e+00> : vector<128xf32>
    %reduce_sum3A_47 = vector.multi_reduction <add>, %add3A_45, %reduce_sum3A_46 [0] : vector<1000x128xf32> to vector<128xf32>
    %broadcast_in_dim3A_48 = vector.shape_cast %reduce_sum3A_47 : vector<128xf32> to vector<1x128xf32>
    %add3A_49 = arith.addf %add3A_28, %broadcast_in_dim3A_48 : vector<1x128xf32>
    %mul3A_50 = arith.mulf %add3A_45, %add3A_45 : vector<1000x128xf32>
    %reduce_sum3A_51 = arith.constant dense<0.000000e+00> : vector<128xf32>
    %reduce_sum3A_52 = vector.multi_reduction <add>, %mul3A_50, %reduce_sum3A_51 [0] : vector<1000x128xf32> to vector<128xf32>
    %broadcast_in_dim3A_53 = vector.shape_cast %reduce_sum3A_52 : vector<128xf32> to vector<1x128xf32>
    %add3A_54 = arith.addf %add3A_32, %broadcast_in_dim3A_53 : vector<1x128xf32>
    %get3A_55 = arith.constant 0 : index
    %get3A_56 = arith.constant 0 : index
    %get3A_57 = vector.load %arg4[%get3A_55, %get3A_56] : memref<1000x128xf32, #tpu.memory_space<vmem>>, vector<1000x128xf32>
    %add3A_58 = arith.addf %add3A_9, %get3A_57 : vector<1000x128xf32>
    %get3A_59 = arith.constant 0 : index
    %get3A_60 = arith.constant 0 : index
    %get3A_61 = vector.load %arg16[%get3A_59, %get3A_60] : memref<1000x41xbf16, #tpu.memory_space<vmem>>, vector<1000x41xbf16>
    %get3A_62 = arith.constant 0 : index
    %get3A_63 = arith.constant 0 : index
    %get3A_64 = vector.load %arg27[%get3A_62, %get3A_63] : memref<41x128xf32, #tpu.memory_space<vmem>>, vector<41x128xf32>
    %dot_general3A_65 = arith.constant dense<0.000000e+00> : vector<1000x128xf32>
    %dot_general3A_66 = tpu.matmul %get3A_61, %get3A_64, %dot_general3A_65 {dimension_numbers = #tpu.dot_dimension_numbers<[1], [0], [0], [1], [0, 0, 1, 1], [], []>, transpose_lhs_hint = false} : vector<1000x41xbf16>, vector<41x128xf32>, vector<1000x128xf32> -> vector<1000x128xf32>
    %add3A_67 = arith.addf %add3A_58, %dot_general3A_66 : vector<1000x128xf32>
    %reduce_sum3A_68 = arith.constant dense<0.000000e+00> : vector<128xf32>
    %reduce_sum3A_69 = vector.multi_reduction <add>, %add3A_67, %reduce_sum3A_68 [0] : vector<1000x128xf32> to vector<128xf32>
    %broadcast_in_dim3A_70 = vector.shape_cast %reduce_sum3A_69 : vector<128xf32> to vector<1x128xf32>
    %add3A_71 = arith.addf %add3A_49, %broadcast_in_dim3A_70 : vector<1x128xf32>
    %mul3A_72 = arith.mulf %add3A_67, %add3A_67 : vector<1000x128xf32>
    %reduce_sum3A_73 = arith.constant dense<0.000000e+00> : vector<128xf32>
    %reduce_sum3A_74 = vector.multi_reduction <add>, %mul3A_72, %reduce_sum3A_73 [0] : vector<1000x128xf32> to vector<128xf32>
    %broadcast_in_dim3A_75 = vector.shape_cast %reduce_sum3A_74 : vector<128xf32> to vector<1x128xf32>
    %add3A_76 = arith.addf %add3A_54, %broadcast_in_dim3A_75 : vector<1x128xf32>
    %get3A_77 = arith.constant 0 : index
    %get3A_78 = arith.constant 0 : index
    %get3A_79 = vector.load %arg5[%get3A_77, %get3A_78] : memref<1000x128xf32, #tpu.memory_space<vmem>>, vector<1000x128xf32>
    %add3A_80 = arith.addf %add3A_9, %get3A_79 : vector<1000x128xf32>
    %get3A_81 = arith.constant 0 : index
    %get3A_82 = arith.constant 0 : index
    %get3A_83 = vector.load %arg17[%get3A_81, %get3A_82] : memref<1000x41xbf16, #tpu.memory_space<vmem>>, vector<1000x41xbf16>
    %get3A_84 = arith.constant 0 : index
    %get3A_85 = arith.constant 0 : index
    %get3A_86 = vector.load %arg27[%get3A_84, %get3A_85] : memref<41x128xf32, #tpu.memory_space<vmem>>, vector<41x128xf32>
    %dot_general3A_87 = arith.constant dense<0.000000e+00> : vector<1000x128xf32>
    %dot_general3A_88 = tpu.matmul %get3A_83, %get3A_86, %dot_general3A_87 {dimension_numbers = #tpu.dot_dimension_numbers<[1], [0], [0], [1], [0, 0, 1, 1], [], []>, transpose_lhs_hint = false} : vector<1000x41xbf16>, vector<41x128xf32>, vector<1000x128xf32> -> vector<1000x128xf32>
    %add3A_89 = arith.addf %add3A_80, %dot_general3A_88 : vector<1000x128xf32>
    %reduce_sum3A_90 = arith.constant dense<0.000000e+00> : vector<128xf32>
    %reduce_sum3A_91 = vector.multi_reduction <add>, %add3A_89, %reduce_sum3A_90 [0] : vector<1000x128xf32> to vector<128xf32>
    %broadcast_in_dim3A_92 = vector.shape_cast %reduce_sum3A_91 : vector<128xf32> to vector<1x128xf32>
    %add3A_93 = arith.addf %add3A_71, %broadcast_in_dim3A_92 : vector<1x128xf32>
    %mul3A_94 = arith.mulf %add3A_89, %add3A_89 : vector<1000x128xf32>
    %reduce_sum3A_95 = arith.constant dense<0.000000e+00> : vector<128xf32>
    %reduce_sum3A_96 = vector.multi_reduction <add>, %mul3A_94, %reduce_sum3A_95 [0] : vector<1000x128xf32> to vector<128xf32>
    %broadcast_in_dim3A_97 = vector.shape_cast %reduce_sum3A_96 : vector<128xf32> to vector<1x128xf32>
    %add3A_98 = arith.addf %add3A_76, %broadcast_in_dim3A_97 : vector<1x128xf32>
    %get3A_99 = arith.constant 0 : index
    %get3A_100 = arith.constant 0 : index
    %get3A_101 = vector.load %arg6[%get3A_99, %get3A_100] : memref<1000x128xf32, #tpu.memory_space<vmem>>, vector<1000x128xf32>
    %add3A_102 = arith.addf %add3A_9, %get3A_101 : vector<1000x128xf32>
    %get3A_103 = arith.constant 0 : index
    %get3A_104 = arith.constant 0 : index
    %get3A_105 = vector.load %arg18[%get3A_103, %get3A_104] : memref<1000x41xbf16, #tpu.memory_space<vmem>>, vector<1000x41xbf16>
    %get3A_106 = arith.constant 0 : index
    %get3A_107 = arith.constant 0 : index
    %get3A_108 = vector.load %arg27[%get3A_106, %get3A_107] : memref<41x128xf32, #tpu.memory_space<vmem>>, vector<41x128xf32>
    %dot_general3A_109 = arith.constant dense<0.000000e+00> : vector<1000x128xf32>
    %dot_general3A_110 = tpu.matmul %get3A_105, %get3A_108, %dot_general3A_109 {dimension_numbers = #tpu.dot_dimension_numbers<[1], [0], [0], [1], [0, 0, 1, 1], [], []>, transpose_lhs_hint = false} : vector<1000x41xbf16>, vector<41x128xf32>, vector<1000x128xf32> -> vector<1000x128xf32>
    %add3A_111 = arith.addf %add3A_102, %dot_general3A_110 : vector<1000x128xf32>
    %reduce_sum3A_112 = arith.constant dense<0.000000e+00> : vector<128xf32>
    %reduce_sum3A_113 = vector.multi_reduction <add>, %add3A_111, %reduce_sum3A_112 [0] : vector<1000x128xf32> to vector<128xf32>
    %broadcast_in_dim3A_114 = vector.shape_cast %reduce_sum3A_113 : vector<128xf32> to vector<1x128xf32>
    %add3A_115 = arith.addf %add3A_93, %broadcast_in_dim3A_114 : vector<1x128xf32>
    %mul3A_116 = arith.mulf %add3A_111, %add3A_111 : vector<1000x128xf32>
    %reduce_sum3A_117 = arith.constant dense<0.000000e+00> : vector<128xf32>
    %reduce_sum3A_118 = vector.multi_reduction <add>, %mul3A_116, %reduce_sum3A_117 [0] : vector<1000x128xf32> to vector<128xf32>
    %broadcast_in_dim3A_119 = vector.shape_cast %reduce_sum3A_118 : vector<128xf32> to vector<1x128xf32>
    %add3A_120 = arith.addf %add3A_98, %broadcast_in_dim3A_119 : vector<1x128xf32>
    %get3A_121 = arith.constant 0 : index
    %get3A_122 = arith.constant 0 : index
    %get3A_123 = vector.load %arg7[%get3A_121, %get3A_122] : memref<1000x128xf32, #tpu.memory_space<vmem>>, vector<1000x128xf32>
    %add3A_124 = arith.addf %add3A_9, %get3A_123 : vector<1000x128xf32>
    %get3A_125 = arith.constant 0 : index
    %get3A_126 = arith.constant 0 : index
    %get3A_127 = vector.load %arg19[%get3A_125, %get3A_126] : memref<1000x41xbf16, #tpu.memory_space<vmem>>, vector<1000x41xbf16>
    %get3A_128 = arith.constant 0 : index
    %get3A_129 = arith.constant 0 : index
    %get3A_130 = vector.load %arg27[%get3A_128, %get3A_129] : memref<41x128xf32, #tpu.memory_space<vmem>>, vector<41x128xf32>
    %dot_general3A_131 = arith.constant dense<0.000000e+00> : vector<1000x128xf32>
    %dot_general3A_132 = tpu.matmul %get3A_127, %get3A_130, %dot_general3A_131 {dimension_numbers = #tpu.dot_dimension_numbers<[1], [0], [0], [1], [0, 0, 1, 1], [], []>, transpose_lhs_hint = false} : vector<1000x41xbf16>, vector<41x128xf32>, vector<1000x128xf32> -> vector<1000x128xf32>
    %add3A_133 = arith.addf %add3A_124, %dot_general3A_132 : vector<1000x128xf32>
    %reduce_sum3A_134 = arith.constant dense<0.000000e+00> : vector<128xf32>
    %reduce_sum3A_135 = vector.multi_reduction <add>, %add3A_133, %reduce_sum3A_134 [0] : vector<1000x128xf32> to vector<128xf32>
    %broadcast_in_dim3A_136 = vector.shape_cast %reduce_sum3A_135 : vector<128xf32> to vector<1x128xf32>
    %add3A_137 = arith.addf %add3A_115, %broadcast_in_dim3A_136 : vector<1x128xf32>
    %mul3A_138 = arith.mulf %add3A_133, %add3A_133 : vector<1000x128xf32>
    %reduce_sum3A_139 = arith.constant dense<0.000000e+00> : vector<128xf32>
    %reduce_sum3A_140 = vector.multi_reduction <add>, %mul3A_138, %reduce_sum3A_139 [0] : vector<1000x128xf32> to vector<128xf32>
    %broadcast_in_dim3A_141 = vector.shape_cast %reduce_sum3A_140 : vector<128xf32> to vector<1x128xf32>
    %add3A_142 = arith.addf %add3A_120, %broadcast_in_dim3A_141 : vector<1x128xf32>
    %get3A_143 = arith.constant 0 : index
    %get3A_144 = arith.constant 0 : index
    %get3A_145 = vector.load %arg8[%get3A_143, %get3A_144] : memref<1000x128xf32, #tpu.memory_space<vmem>>, vector<1000x128xf32>
    %add3A_146 = arith.addf %add3A_9, %get3A_145 : vector<1000x128xf32>
    %get3A_147 = arith.constant 0 : index
    %get3A_148 = arith.constant 0 : index
    %get3A_149 = vector.load %arg20[%get3A_147, %get3A_148] : memref<1000x41xbf16, #tpu.memory_space<vmem>>, vector<1000x41xbf16>
    %get3A_150 = arith.constant 0 : index
    %get3A_151 = arith.constant 0 : index
    %get3A_152 = vector.load %arg27[%get3A_150, %get3A_151] : memref<41x128xf32, #tpu.memory_space<vmem>>, vector<41x128xf32>
    %dot_general3A_153 = arith.constant dense<0.000000e+00> : vector<1000x128xf32>
    %dot_general3A_154 = tpu.matmul %get3A_149, %get3A_152, %dot_general3A_153 {dimension_numbers = #tpu.dot_dimension_numbers<[1], [0], [0], [1], [0, 0, 1, 1], [], []>, transpose_lhs_hint = false} : vector<1000x41xbf16>, vector<41x128xf32>, vector<1000x128xf32> -> vector<1000x128xf32>
    %add3A_155 = arith.addf %add3A_146, %dot_general3A_154 : vector<1000x128xf32>
    %reduce_sum3A_156 = arith.constant dense<0.000000e+00> : vector<128xf32>
    %reduce_sum3A_157 = vector.multi_reduction <add>, %add3A_155, %reduce_sum3A_156 [0] : vector<1000x128xf32> to vector<128xf32>
    %broadcast_in_dim3A_158 = vector.shape_cast %reduce_sum3A_157 : vector<128xf32> to vector<1x128xf32>
    %add3A_159 = arith.addf %add3A_137, %broadcast_in_dim3A_158 : vector<1x128xf32>
    %mul3A_160 = arith.mulf %add3A_155, %add3A_155 : vector<1000x128xf32>
    %reduce_sum3A_161 = arith.constant dense<0.000000e+00> : vector<128xf32>
    %reduce_sum3A_162 = vector.multi_reduction <add>, %mul3A_160, %reduce_sum3A_161 [0] : vector<1000x128xf32> to vector<128xf32>
    %broadcast_in_dim3A_163 = vector.shape_cast %reduce_sum3A_162 : vector<128xf32> to vector<1x128xf32>
    %add3A_164 = arith.addf %add3A_142, %broadcast_in_dim3A_163 : vector<1x128xf32>
    %get3A_165 = arith.constant 0 : index
    %get3A_166 = arith.constant 0 : index
    %get3A_167 = vector.load %arg9[%get3A_165, %get3A_166] : memref<1000x128xf32, #tpu.memory_space<vmem>>, vector<1000x128xf32>
    %add3A_168 = arith.addf %add3A_9, %get3A_167 : vector<1000x128xf32>
    %get3A_169 = arith.constant 0 : index
    %get3A_170 = arith.constant 0 : index
    %get3A_171 = vector.load %arg21[%get3A_169, %get3A_170] : memref<1000x41xbf16, #tpu.memory_space<vmem>>, vector<1000x41xbf16>
    %get3A_172 = arith.constant 0 : index
    %get3A_173 = arith.constant 0 : index
    %get3A_174 = vector.load %arg27[%get3A_172, %get3A_173] : memref<41x128xf32, #tpu.memory_space<vmem>>, vector<41x128xf32>
    %dot_general3A_175 = arith.constant dense<0.000000e+00> : vector<1000x128xf32>
    %dot_general3A_176 = tpu.matmul %get3A_171, %get3A_174, %dot_general3A_175 {dimension_numbers = #tpu.dot_dimension_numbers<[1], [0], [0], [1], [0, 0, 1, 1], [], []>, transpose_lhs_hint = false} : vector<1000x41xbf16>, vector<41x128xf32>, vector<1000x128xf32> -> vector<1000x128xf32>
    %add3A_177 = arith.addf %add3A_168, %dot_general3A_176 : vector<1000x128xf32>
    %reduce_sum3A_178 = arith.constant dense<0.000000e+00> : vector<128xf32>
    %reduce_sum3A_179 = vector.multi_reduction <add>, %add3A_177, %reduce_sum3A_178 [0] : vector<1000x128xf32> to vector<128xf32>
    %broadcast_in_dim3A_180 = vector.shape_cast %reduce_sum3A_179 : vector<128xf32> to vector<1x128xf32>
    %add3A_181 = arith.addf %add3A_159, %broadcast_in_dim3A_180 : vector<1x128xf32>
    %mul3A_182 = arith.mulf %add3A_177, %add3A_177 : vector<1000x128xf32>
    %reduce_sum3A_183 = arith.constant dense<0.000000e+00> : vector<128xf32>
    %reduce_sum3A_184 = vector.multi_reduction <add>, %mul3A_182, %reduce_sum3A_183 [0] : vector<1000x128xf32> to vector<128xf32>
    %broadcast_in_dim3A_185 = vector.shape_cast %reduce_sum3A_184 : vector<128xf32> to vector<1x128xf32>
    %add3A_186 = arith.addf %add3A_164, %broadcast_in_dim3A_185 : vector<1x128xf32>
    %get3A_187 = arith.constant 0 : index
    %get3A_188 = arith.constant 0 : index
    %get3A_189 = vector.load %arg10[%get3A_187, %get3A_188] : memref<1000x128xf32, #tpu.memory_space<vmem>>, vector<1000x128xf32>
    %add3A_190 = arith.addf %add3A_9, %get3A_189 : vector<1000x128xf32>
    %get3A_191 = arith.constant 0 : index
    %get3A_192 = arith.constant 0 : index
    %get3A_193 = vector.load %arg22[%get3A_191, %get3A_192] : memref<1000x41xbf16, #tpu.memory_space<vmem>>, vector<1000x41xbf16>
    %get3A_194 = arith.constant 0 : index
    %get3A_195 = arith.constant 0 : index
    %get3A_196 = vector.load %arg27[%get3A_194, %get3A_195] : memref<41x128xf32, #tpu.memory_space<vmem>>, vector<41x128xf32>
    %dot_general3A_197 = arith.constant dense<0.000000e+00> : vector<1000x128xf32>
    %dot_general3A_198 = tpu.matmul %get3A_193, %get3A_196, %dot_general3A_197 {dimension_numbers = #tpu.dot_dimension_numbers<[1], [0], [0], [1], [0, 0, 1, 1], [], []>, transpose_lhs_hint = false} : vector<1000x41xbf16>, vector<41x128xf32>, vector<1000x128xf32> -> vector<1000x128xf32>
    %add3A_199 = arith.addf %add3A_190, %dot_general3A_198 : vector<1000x128xf32>
    %reduce_sum3A_200 = arith.constant dense<0.000000e+00> : vector<128xf32>
    %reduce_sum3A_201 = vector.multi_reduction <add>, %add3A_199, %reduce_sum3A_200 [0] : vector<1000x128xf32> to vector<128xf32>
    %broadcast_in_dim3A_202 = vector.shape_cast %reduce_sum3A_201 : vector<128xf32> to vector<1x128xf32>
    %add3A_203 = arith.addf %add3A_181, %broadcast_in_dim3A_202 : vector<1x128xf32>
    %mul3A_204 = arith.mulf %add3A_199, %add3A_199 : vector<1000x128xf32>
    %reduce_sum3A_205 = arith.constant dense<0.000000e+00> : vector<128xf32>
    %reduce_sum3A_206 = vector.multi_reduction <add>, %mul3A_204, %reduce_sum3A_205 [0] : vector<1000x128xf32> to vector<128xf32>
    %broadcast_in_dim3A_207 = vector.shape_cast %reduce_sum3A_206 : vector<128xf32> to vector<1x128xf32>
    %add3A_208 = arith.addf %add3A_186, %broadcast_in_dim3A_207 : vector<1x128xf32>
    %get3A_209 = arith.constant 0 : index
    %get3A_210 = arith.constant 0 : index
    %get3A_211 = vector.load %arg11[%get3A_209, %get3A_210] : memref<1000x128xf32, #tpu.memory_space<vmem>>, vector<1000x128xf32>
    %add3A_212 = arith.addf %add3A_9, %get3A_211 : vector<1000x128xf32>
    %get3A_213 = arith.constant 0 : index
    %get3A_214 = arith.constant 0 : index
    %get3A_215 = vector.load %arg23[%get3A_213, %get3A_214] : memref<1000x41xbf16, #tpu.memory_space<vmem>>, vector<1000x41xbf16>
    %get3A_216 = arith.constant 0 : index
    %get3A_217 = arith.constant 0 : index
    %get3A_218 = vector.load %arg27[%get3A_216, %get3A_217] : memref<41x128xf32, #tpu.memory_space<vmem>>, vector<41x128xf32>
    %dot_general3A_219 = arith.constant dense<0.000000e+00> : vector<1000x128xf32>
    %dot_general3A_220 = tpu.matmul %get3A_215, %get3A_218, %dot_general3A_219 {dimension_numbers = #tpu.dot_dimension_numbers<[1], [0], [0], [1], [0, 0, 1, 1], [], []>, transpose_lhs_hint = false} : vector<1000x41xbf16>, vector<41x128xf32>, vector<1000x128xf32> -> vector<1000x128xf32>
    %add3A_221 = arith.addf %add3A_212, %dot_general3A_220 : vector<1000x128xf32>
    %reduce_sum3A_222 = arith.constant dense<0.000000e+00> : vector<128xf32>
    %reduce_sum3A_223 = vector.multi_reduction <add>, %add3A_221, %reduce_sum3A_222 [0] : vector<1000x128xf32> to vector<128xf32>
    %broadcast_in_dim3A_224 = vector.shape_cast %reduce_sum3A_223 : vector<128xf32> to vector<1x128xf32>
    %add3A_225 = arith.addf %add3A_203, %broadcast_in_dim3A_224 : vector<1x128xf32>
    %mul3A_226 = arith.mulf %add3A_221, %add3A_221 : vector<1000x128xf32>
    %reduce_sum3A_227 = arith.constant dense<0.000000e+00> : vector<128xf32>
    %reduce_sum3A_228 = vector.multi_reduction <add>, %mul3A_226, %reduce_sum3A_227 [0] : vector<1000x128xf32> to vector<128xf32>
    %broadcast_in_dim3A_229 = vector.shape_cast %reduce_sum3A_228 : vector<128xf32> to vector<1x128xf32>
    %add3A_230 = arith.addf %add3A_208, %broadcast_in_dim3A_229 : vector<1x128xf32>
    %get3A_231 = arith.constant 0 : index
    %get3A_232 = arith.constant 0 : index
    %get3A_233 = vector.load %arg12[%get3A_231, %get3A_232] : memref<1000x128xf32, #tpu.memory_space<vmem>>, vector<1000x128xf32>
    %add3A_234 = arith.addf %add3A_9, %get3A_233 : vector<1000x128xf32>
    %get3A_235 = arith.constant 0 : index
    %get3A_236 = arith.constant 0 : index
    %get3A_237 = vector.load %arg24[%get3A_235, %get3A_236] : memref<1000x41xbf16, #tpu.memory_space<vmem>>, vector<1000x41xbf16>
    %get3A_238 = arith.constant 0 : index
    %get3A_239 = arith.constant 0 : index
    %get3A_240 = vector.load %arg27[%get3A_238, %get3A_239] : memref<41x128xf32, #tpu.memory_space<vmem>>, vector<41x128xf32>
    %dot_general3A_241 = arith.constant dense<0.000000e+00> : vector<1000x128xf32>
    %dot_general3A_242 = tpu.matmul %get3A_237, %get3A_240, %dot_general3A_241 {dimension_numbers = #tpu.dot_dimension_numbers<[1], [0], [0], [1], [0, 0, 1, 1], [], []>, transpose_lhs_hint = false} : vector<1000x41xbf16>, vector<41x128xf32>, vector<1000x128xf32> -> vector<1000x128xf32>
    %add3A_243 = arith.addf %add3A_234, %dot_general3A_242 : vector<1000x128xf32>
    %reduce_sum3A_244 = arith.constant dense<0.000000e+00> : vector<128xf32>
    %reduce_sum3A_245 = vector.multi_reduction <add>, %add3A_243, %reduce_sum3A_244 [0] : vector<1000x128xf32> to vector<128xf32>
    %broadcast_in_dim3A_246 = vector.shape_cast %reduce_sum3A_245 : vector<128xf32> to vector<1x128xf32>
    %add3A_247 = arith.addf %add3A_225, %broadcast_in_dim3A_246 : vector<1x128xf32>
    %mul3A_248 = arith.mulf %add3A_243, %add3A_243 : vector<1000x128xf32>
    %reduce_sum3A_249 = arith.constant dense<0.000000e+00> : vector<128xf32>
    %reduce_sum3A_250 = vector.multi_reduction <add>, %mul3A_248, %reduce_sum3A_249 [0] : vector<1000x128xf32> to vector<128xf32>
    %broadcast_in_dim3A_251 = vector.shape_cast %reduce_sum3A_250 : vector<128xf32> to vector<1x128xf32>
    %add3A_252 = arith.addf %add3A_230, %broadcast_in_dim3A_251 : vector<1x128xf32>
    %get3A_253 = arith.constant 0 : index
    %get3A_254 = arith.constant 0 : index
    %get3A_255 = vector.load %arg13[%get3A_253, %get3A_254] : memref<1000x128xf32, #tpu.memory_space<vmem>>, vector<1000x128xf32>
    %add3A_256 = arith.addf %add3A_9, %get3A_255 : vector<1000x128xf32>
    %get3A_257 = arith.constant 0 : index
    %get3A_258 = arith.constant 0 : index
    %get3A_259 = vector.load %arg25[%get3A_257, %get3A_258] : memref<1000x41xbf16, #tpu.memory_space<vmem>>, vector<1000x41xbf16>
    %get3A_260 = arith.constant 0 : index
    %get3A_261 = arith.constant 0 : index
    %get3A_262 = vector.load %arg27[%get3A_260, %get3A_261] : memref<41x128xf32, #tpu.memory_space<vmem>>, vector<41x128xf32>
    %dot_general3A_263 = arith.constant dense<0.000000e+00> : vector<1000x128xf32>
    %dot_general3A_264 = tpu.matmul %get3A_259, %get3A_262, %dot_general3A_263 {dimension_numbers = #tpu.dot_dimension_numbers<[1], [0], [0], [1], [0, 0, 1, 1], [], []>, transpose_lhs_hint = false} : vector<1000x41xbf16>, vector<41x128xf32>, vector<1000x128xf32> -> vector<1000x128xf32>
    %add3A_265 = arith.addf %add3A_256, %dot_general3A_264 : vector<1000x128xf32>
    %reduce_sum3A_266 = arith.constant dense<0.000000e+00> : vector<128xf32>
    %reduce_sum3A_267 = vector.multi_reduction <add>, %add3A_265, %reduce_sum3A_266 [0] : vector<1000x128xf32> to vector<128xf32>
    %broadcast_in_dim3A_268 = vector.shape_cast %reduce_sum3A_267 : vector<128xf32> to vector<1x128xf32>
    %add3A_269 = arith.addf %add3A_247, %broadcast_in_dim3A_268 : vector<1x128xf32>
    %mul3A_270 = arith.mulf %add3A_265, %add3A_265 : vector<1000x128xf32>
    %reduce_sum3A_271 = arith.constant dense<0.000000e+00> : vector<128xf32>
    %reduce_sum3A_272 = vector.multi_reduction <add>, %mul3A_270, %reduce_sum3A_271 [0] : vector<1000x128xf32> to vector<128xf32>
    %broadcast_in_dim3A_273 = vector.shape_cast %reduce_sum3A_272 : vector<128xf32> to vector<1x128xf32>
    %add3A_274 = arith.addf %add3A_252, %broadcast_in_dim3A_273 : vector<1x128xf32>
    %eq3A = arith.constant 0 : i32
    %eq3A_275 = arith.cmpi eq, %arg0, %eq3A : i32
    %convert_element_type3A = arith.extui %eq3A_275 : i1 to i32
    %cond3A = arith.constant 0 : i32
    %cond3A_276 = arith.cmpi ne, %convert_element_type3A, %cond3A : i32
    scf.if %cond3A_276 {
      %broadcast_in_dim3A_290 = arith.constant 0.000000e+00 : f32
      %broadcast_in_dim3A_291 = vector.broadcast %broadcast_in_dim3A_290 : f32 to vector<1x128xf32>
      %swap3A_292 = arith.constant 0 : index
      %swap3A_293 = arith.constant 0 : index
      %swap3A_294 = vector.load %arg29[%swap3A_292, %swap3A_293] : memref<1x128xf32, #tpu.memory_space<vmem>>, vector<1x128xf32>
      tpu.vector_store %arg29[%swap3A_292, %swap3A_293], %broadcast_in_dim3A_291 {strides = array<i32>} : memref<1x128xf32, #tpu.memory_space<vmem>>, vector<1x128xf32>,
      %broadcast_in_dim3A_295 = arith.constant 0.000000e+00 : f32
      %broadcast_in_dim3A_296 = vector.broadcast %broadcast_in_dim3A_295 : f32 to vector<1x128xf32>
      %swap3A_297 = arith.constant 0 : index
      %swap3A_298 = arith.constant 0 : index
      %swap3A_299 = vector.load %arg30[%swap3A_297, %swap3A_298] : memref<1x128xf32, #tpu.memory_space<vmem>>, vector<1x128xf32>
      tpu.vector_store %arg30[%swap3A_297, %swap3A_298], %broadcast_in_dim3A_296 {strides = array<i32>} : memref<1x128xf32, #tpu.memory_space<vmem>>, vector<1x128xf32>,
    } else {
    }
    %get3A_277 = arith.constant 0 : index
    %get3A_278 = arith.constant 0 : index
    %get3A_279 = vector.load %arg29[%get3A_277, %get3A_278] : memref<1x128xf32, #tpu.memory_space<vmem>>, vector<1x128xf32>
    %add3A_280 = arith.addf %get3A_279, %add3A_269 : vector<1x128xf32>
    %swap3A = arith.constant 0 : index
    %swap3A_281 = arith.constant 0 : index
    %swap3A_282 = vector.load %arg29[%swap3A, %swap3A_281] : memref<1x128xf32, #tpu.memory_space<vmem>>, vector<1x128xf32>
    tpu.vector_store %arg29[%swap3A, %swap3A_281], %add3A_280 {strides = array<i32>} : memref<1x128xf32, #tpu.memory_space<vmem>>, vector<1x128xf32>,
    %get3A_283 = arith.constant 0 : index
    %get3A_284 = arith.constant 0 : index
    %get3A_285 = vector.load %arg30[%get3A_283, %get3A_284] : memref<1x128xf32, #tpu.memory_space<vmem>>, vector<1x128xf32>
    %add3A_286 = arith.addf %get3A_285, %add3A_274 : vector<1x128xf32>
    %swap3A_287 = arith.constant 0 : index
    %swap3A_288 = arith.constant 0 : index
    %swap3A_289 = vector.load %arg30[%swap3A_287, %swap3A_288] : memref<1x128xf32, #tpu.memory_space<vmem>>, vector<1x128xf32>
    tpu.vector_store %arg30[%swap3A_287, %swap3A_288], %add3A_286 {strides = array<i32>} : memref<1x128xf32, #tpu.memory_space<vmem>>, vector<1x128xf32>,
    return
  }
  func.func @transform_0(%arg0: i32) -> (i32, i32) {
    %c0_i32 = arith.constant 0 : i32
    %c0_i32_0 = arith.constant 0 : i32
    return %arg0, %c0_i32 : i32, i32
  }
  func.func @transform_1(%arg0: i32) -> (i32, i32) {
    %add3A = arith.constant 0 : i32
    %add3A_0 = arith.addi %add3A, %arg0 : i32
    %c0_i32 = arith.constant 0 : i32
    %c0_i32_1 = arith.constant 0 : i32
    return %add3A_0, %c0_i32 : i32, i32
  }
  func.func @transform_2(%arg0: i32) -> (i32, i32) {
    %add3A = arith.constant 10 : i32
    %add3A_0 = arith.addi %add3A, %arg0 : i32
    %c0_i32 = arith.constant 0 : i32
    %c0_i32_1 = arith.constant 0 : i32
    return %add3A_0, %c0_i32 : i32, i32
  }
  func.func @transform_3(%arg0: i32) -> (i32, i32) {
    %add3A = arith.constant 20 : i32
    %add3A_0 = arith.addi %add3A, %arg0 : i32
    %c0_i32 = arith.constant 0 : i32
    %c0_i32_1 = arith.constant 0 : i32
    return %add3A_0, %c0_i32 : i32, i32
  }
  func.func @transform_4(%arg0: i32) -> (i32, i32) {
    %add3A = arith.constant 30 : i32
    %add3A_0 = arith.addi %add3A, %arg0 : i32
    %c0_i32 = arith.constant 0 : i32
    %c0_i32_1 = arith.constant 0 : i32
    return %add3A_0, %c0_i32 : i32, i32
  }
  func.func @transform_5(%arg0: i32) -> (i32, i32) {
    %add3A = arith.constant 40 : i32
    %add3A_0 = arith.addi %add3A, %arg0 : i32
    %c0_i32 = arith.constant 0 : i32
    %c0_i32_1 = arith.constant 0 : i32
    return %add3A_0, %c0_i32 : i32, i32
  }
  func.func @transform_6(%arg0: i32) -> (i32, i32) {
    %add3A = arith.constant 50 : i32
    %add3A_0 = arith.addi %add3A, %arg0 : i32
    %c0_i32 = arith.constant 0 : i32
    %c0_i32_1 = arith.constant 0 : i32
    return %add3A_0, %c0_i32 : i32, i32
  }
  func.func @transform_7(%arg0: i32) -> (i32, i32) {
    %add3A = arith.constant 60 : i32
    %add3A_0 = arith.addi %add3A, %arg0 : i32
    %c0_i32 = arith.constant 0 : i32
    %c0_i32_1 = arith.constant 0 : i32
    return %add3A_0, %c0_i32 : i32, i32
  }
  func.func @transform_8(%arg0: i32) -> (i32, i32) {
    %add3A = arith.constant 70 : i32
    %add3A_0 = arith.addi %add3A, %arg0 : i32
    %c0_i32 = arith.constant 0 : i32
    %c0_i32_1 = arith.constant 0 : i32
    return %add3A_0, %c0_i32 : i32, i32
  }
  func.func @transform_9(%arg0: i32) -> (i32, i32) {
    %add3A = arith.constant 80 : i32
    %add3A_0 = arith.addi %add3A, %arg0 : i32
    %c0_i32 = arith.constant 0 : i32
    %c0_i32_1 = arith.constant 0 : i32
    return %add3A_0, %c0_i32 : i32, i32
  }
  func.func @transform_10(%arg0: i32) -> (i32, i32) {
    %add3A = arith.constant 90 : i32
    %add3A_0 = arith.addi %add3A, %arg0 : i32
    %c0_i32 = arith.constant 0 : i32
    %c0_i32_1 = arith.constant 0 : i32
    return %add3A_0, %c0_i32 : i32, i32
  }
  func.func @transform_11(%arg0: i32) -> (i32, i32) {
    %add3A = arith.constant 100 : i32
    %add3A_0 = arith.addi %add3A, %arg0 : i32
    %c0_i32 = arith.constant 0 : i32
    %c0_i32_1 = arith.constant 0 : i32
    return %add3A_0, %c0_i32 : i32, i32
  }
  func.func @transform_12(%arg0: i32) -> (i32, i32) {
    %add3A = arith.constant 110 : i32
    %add3A_0 = arith.addi %add3A, %arg0 : i32
    %c0_i32 = arith.constant 0 : i32
    %c0_i32_1 = arith.constant 0 : i32
    return %add3A_0, %c0_i32 : i32, i32
  }
  func.func @transform_13(%arg0: i32) -> (i32, i32) {
    %add3A = arith.constant 0 : i32
    %add3A_0 = arith.addi %add3A, %arg0 : i32
    %c0_i32 = arith.constant 0 : i32
    %c0_i32_1 = arith.constant 0 : i32
    return %add3A_0, %c0_i32 : i32, i32
  }
  func.func @transform_14(%arg0: i32) -> (i32, i32) {
    %add3A = arith.constant 10 : i32
    %add3A_0 = arith.addi %add3A, %arg0 : i32
    %c0_i32 = arith.constant 0 : i32
    %c0_i32_1 = arith.constant 0 : i32
    return %add3A_0, %c0_i32 : i32, i32
  }
  func.func @transform_15(%arg0: i32) -> (i32, i32) {
    %add3A = arith.constant 20 : i32
    %add3A_0 = arith.addi %add3A, %arg0 : i32
    %c0_i32 = arith.constant 0 : i32
    %c0_i32_1 = arith.constant 0 : i32
    return %add3A_0, %c0_i32 : i32, i32
  }
  func.func @transform_16(%arg0: i32) -> (i32, i32) {
    %add3A = arith.constant 30 : i32
    %add3A_0 = arith.addi %add3A, %arg0 : i32
    %c0_i32 = arith.constant 0 : i32
    %c0_i32_1 = arith.constant 0 : i32
    return %add3A_0, %c0_i32 : i32, i32
  }
  func.func @transform_17(%arg0: i32) -> (i32, i32) {
    %add3A = arith.constant 40 : i32
    %add3A_0 = arith.addi %add3A, %arg0 : i32
    %c0_i32 = arith.constant 0 : i32
    %c0_i32_1 = arith.constant 0 : i32
    return %add3A_0, %c0_i32 : i32, i32
  }
  func.func @transform_18(%arg0: i32) -> (i32, i32) {
    %add3A = arith.constant 50 : i32
    %add3A_0 = arith.addi %add3A, %arg0 : i32
    %c0_i32 = arith.constant 0 : i32
    %c0_i32_1 = arith.constant 0 : i32
    return %add3A_0, %c0_i32 : i32, i32
  }
  func.func @transform_19(%arg0: i32) -> (i32, i32) {
    %add3A = arith.constant 60 : i32
    %add3A_0 = arith.addi %add3A, %arg0 : i32
    %c0_i32 = arith.constant 0 : i32
    %c0_i32_1 = arith.constant 0 : i32
    return %add3A_0, %c0_i32 : i32, i32
  }
  func.func @transform_20(%arg0: i32) -> (i32, i32) {
    %add3A = arith.constant 70 : i32
    %add3A_0 = arith.addi %add3A, %arg0 : i32
    %c0_i32 = arith.constant 0 : i32
    %c0_i32_1 = arith.constant 0 : i32
    return %add3A_0, %c0_i32 : i32, i32
  }
  func.func @transform_21(%arg0: i32) -> (i32, i32) {
    %add3A = arith.constant 80 : i32
    %add3A_0 = arith.addi %add3A, %arg0 : i32
    %c0_i32 = arith.constant 0 : i32
    %c0_i32_1 = arith.constant 0 : i32
    return %add3A_0, %c0_i32 : i32, i32
  }
  func.func @transform_22(%arg0: i32) -> (i32, i32) {
    %add3A = arith.constant 90 : i32
    %add3A_0 = arith.addi %add3A, %arg0 : i32
    %c0_i32 = arith.constant 0 : i32
    %c0_i32_1 = arith.constant 0 : i32
    return %add3A_0, %c0_i32 : i32, i32
  }
  func.func @transform_23(%arg0: i32) -> (i32, i32) {
    %add3A = arith.constant 100 : i32
    %add3A_0 = arith.addi %add3A, %arg0 : i32
    %c0_i32 = arith.constant 0 : i32
    %c0_i32_1 = arith.constant 0 : i32
    return %add3A_0, %c0_i32 : i32, i32
  }
  func.func @transform_24(%arg0: i32) -> (i32, i32) {
    %add3A = arith.constant 110 : i32
    %add3A_0 = arith.addi %add3A, %arg0 : i32
    %c0_i32 = arith.constant 0 : i32
    %c0_i32_1 = arith.constant 0 : i32
    return %add3A_0, %c0_i32 : i32, i32
  }
  func.func @transform_25(%arg0: i32) -> (i32, i32) {
    %c0_i32 = arith.constant 0 : i32
    %c0_i32_0 = arith.constant 0 : i32
    %c0_i32_1 = arith.constant 0 : i32
    return %c0_i32, %c0_i32_0 : i32, i32
  }
  func.func @transform_26(%arg0: i32) -> (i32, i32) {
    %c0_i32 = arith.constant 0 : i32
    %c0_i32_0 = arith.constant 0 : i32
    %c0_i32_1 = arith.constant 0 : i32
    return %c0_i32, %c0_i32_0 : i32, i32
  }
  func.func @transform_27(%arg0: i32) -> (i32, i32) {
    %c0_i32 = arith.constant 0 : i32
    %c0_i32_0 = arith.constant 0 : i32
    %c0_i32_1 = arith.constant 0 : i32
    return %c0_i32, %c0_i32_0 : i32, i32
  }
  func.func @transform_28(%arg0: i32) -> (i32, i32) {
    %c0_i32 = arith.constant 0 : i32
    %c0_i32_0 = arith.constant 0 : i32
    %c0_i32_1 = arith.constant 0 : i32
    return %c0_i32, %c0_i32_0 : i32, i32
  }
  func.func @transform_29(%arg0: i32) -> (i32, i32) {
    %c0_i32 = arith.constant 0 : i32
    %c0_i32_0 = arith.constant 0 : i32
    %c0_i32_1 = arith.constant 0 : i32
    return %c0_i32, %c0_i32_0 : i32, i32
  }
}

module attributes {stable_mosaic.version = 14 : i64} {
  func.func @body(%arg0: i32, %arg1: memref<2000x64xf32, #tpu.memory_space<vmem>>, %arg2: memref<2000x64xf32, #tpu.memory_space<vmem>>, %arg3: memref<1x64xf32, #tpu.memory_space<vmem>>, %arg4: memref<1x64xf32, #tpu.memory_space<vmem>>, %arg5: memref<1x64xf32, #tpu.memory_space<vmem>>, %arg6: memref<1x64xf32, #tpu.memory_space<vmem>>, %arg7: memref<64x128xf32, #tpu.memory_space<vmem>>, %arg8: memref<2000x64xf32, #tpu.memory_space<vmem>>, %arg9: memref<2000x128xf32, #tpu.memory_space<vmem>>) attributes {dimension_semantics = [#tpu.dimension_semantics<arbitrary>], iteration_bounds = array<i64: 5>, scalar_prefetch = 0 : i64, scratch_operands = 0 : i64, tpu.core_type = #tpu.core_type<tc>, window_params = [{transform_indices = @transform_0, window_bounds = array<i64: 2000, 64>}, {transform_indices = @transform_1, window_bounds = array<i64: 2000, 64>}, {pipeline_mode = #tpu.pipeline_mode<synchronous>, transform_indices = @transform_2, window_bounds = array<i64: 1, 64>}, {pipeline_mode = #tpu.pipeline_mode<synchronous>, transform_indices = @transform_3, window_bounds = array<i64: 1, 64>}, {pipeline_mode = #tpu.pipeline_mode<synchronous>, transform_indices = @transform_4, window_bounds = array<i64: 1, 64>}, {pipeline_mode = #tpu.pipeline_mode<synchronous>, transform_indices = @transform_5, window_bounds = array<i64: 1, 64>}, {pipeline_mode = #tpu.pipeline_mode<synchronous>, transform_indices = @transform_6, window_bounds = array<i64: 64, 128>}, {transform_indices = @transform_7, window_bounds = array<i64: 2000, 64>}, {transform_indices = @transform_8, window_bounds = array<i64: 2000, 128>}]} {
    %get3A = arith.constant 0 : index
    %get3A_0 = arith.constant 0 : index
    %get3A_1 = vector.load %arg3[%get3A, %get3A_0] : memref<1x64xf32, #tpu.memory_space<vmem>>, vector<1x64xf32>
    %div3A = arith.constant 1.000000e+04 : f32
    %div3A_2 = vector.broadcast %div3A : f32 to vector<1x64xf32>
    %div3A_3 = arith.divf %get3A_1, %div3A_2 : vector<1x64xf32>
    %get3A_4 = arith.constant 0 : index
    %get3A_5 = arith.constant 0 : index
    %get3A_6 = vector.load %arg4[%get3A_4, %get3A_5] : memref<1x64xf32, #tpu.memory_space<vmem>>, vector<1x64xf32>
    %div3A_7 = arith.constant 1.000000e+04 : f32
    %div3A_8 = vector.broadcast %div3A_7 : f32 to vector<1x64xf32>
    %div3A_9 = arith.divf %get3A_6, %div3A_8 : vector<1x64xf32>
    %mul3A = arith.mulf %div3A_3, %div3A_3 : vector<1x64xf32>
    %sub3A = arith.subf %div3A_9, %mul3A : vector<1x64xf32>
    %get3A_10 = arith.constant 0 : index
    %get3A_11 = arith.constant 0 : index
    %get3A_12 = vector.load %arg5[%get3A_10, %get3A_11] : memref<1x64xf32, #tpu.memory_space<vmem>>, vector<1x64xf32>
    %add3A = arith.constant 9.99999974E-6 : f32
    %add3A_13 = vector.broadcast %add3A : f32 to vector<1x64xf32>
    %add3A_14 = arith.addf %sub3A, %add3A_13 : vector<1x64xf32>
    %rsqrt3A = math.rsqrt %add3A_14 : vector<1x64xf32>
    %mul3A_15 = arith.mulf %get3A_12, %rsqrt3A : vector<1x64xf32>
    %get3A_16 = arith.constant 0 : index
    %get3A_17 = arith.constant 0 : index
    %get3A_18 = vector.load %arg6[%get3A_16, %get3A_17] : memref<1x64xf32, #tpu.memory_space<vmem>>, vector<1x64xf32>
    %mul3A_19 = arith.mulf %div3A_3, %mul3A_15 : vector<1x64xf32>
    %sub3A_20 = arith.subf %get3A_18, %mul3A_19 : vector<1x64xf32>
    %get3A_21 = arith.constant 0 : index
    %get3A_22 = arith.constant 0 : index
    %get3A_23 = vector.load %arg1[%get3A_21, %get3A_22] : memref<2000x64xf32, #tpu.memory_space<vmem>>, vector<2000x64xf32>
    %get3A_24 = arith.constant 0 : index
    %get3A_25 = arith.constant 0 : index
    %get3A_26 = vector.load %arg2[%get3A_24, %get3A_25] : memref<2000x64xf32, #tpu.memory_space<vmem>>, vector<2000x64xf32>
    %mul3A_27 = vector.broadcast %mul3A_15 : vector<1x64xf32> to vector<2000x64xf32>
    %mul3A_28 = arith.mulf %get3A_26, %mul3A_27 : vector<2000x64xf32>
    %add3A_29 = arith.addf %get3A_23, %mul3A_28 : vector<2000x64xf32>
    %add3A_30 = vector.broadcast %sub3A_20 : vector<1x64xf32> to vector<2000x64xf32>
    %add3A_31 = arith.addf %add3A_29, %add3A_30 : vector<2000x64xf32>
    %custom_jvp_call3A = arith.constant 0.000000e+00 : f32
    %max3A = vector.broadcast %custom_jvp_call3A : f32 to vector<2000x64xf32>
    %max3A_32 = arith.maximumf %add3A_31, %max3A : vector<2000x64xf32>
    %sub3A_33 = vector.broadcast %custom_jvp_call3A : f32 to vector<2000x64xf32>
    %sub3A_34 = arith.subf %add3A_31, %sub3A_33 : vector<2000x64xf32>
    %ne3A = arith.cmpf one, %sub3A_34, %sub3A_34 : vector<2000x64xf32>
    %add3A_35 = vector.broadcast %custom_jvp_call3A : f32 to vector<2000x64xf32>
    %add3A_36 = arith.addf %add3A_31, %add3A_35 : vector<2000x64xf32>
    %abs3A = math.absf %sub3A_34 : vector<2000x64xf32>
    %neg3A = arith.constant 0.000000e+00 : f32
    %neg3A_37 = vector.broadcast %neg3A : f32 to vector<2000x64xf32>
    %neg3A_38 = arith.subf %neg3A_37, %abs3A : vector<2000x64xf32>
    %exp3A = math.exp %neg3A_38 : vector<2000x64xf32>
    %log1p3A = math.log1p %exp3A : vector<2000x64xf32>
    %add3A_39 = arith.addf %max3A_32, %log1p3A : vector<2000x64xf32>
    %select_n3A = arith.select %ne3A, %add3A_36, %add3A_39 : vector<2000x64xi1>, vector<2000x64xf32>
    %swap3A = arith.constant 0 : index
    %swap3A_40 = arith.constant 0 : index
    %swap3A_41 = vector.load %arg8[%swap3A, %swap3A_40] : memref<2000x64xf32, #tpu.memory_space<vmem>>, vector<2000x64xf32>
    tpu.vector_store %arg8[%swap3A, %swap3A_40], %select_n3A {strides = array<i32>} : memref<2000x64xf32, #tpu.memory_space<vmem>>, vector<2000x64xf32>,
    %get3A_42 = arith.constant 0 : index
    %get3A_43 = arith.constant 0 : index
    %get3A_44 = vector.load %arg7[%get3A_42, %get3A_43] : memref<64x128xf32, #tpu.memory_space<vmem>>, vector<64x128xf32>
    %dot_general3A = arith.constant dense<0.000000e+00> : vector<2000x128xf32>
    %dot_general3A_45 = tpu.matmul %select_n3A, %get3A_44, %dot_general3A {dimension_numbers = #tpu.dot_dimension_numbers<[1], [0], [0], [1], [0, 0, 1, 1], [], []>, transpose_lhs_hint = false} : vector<2000x64xf32>, vector<64x128xf32>, vector<2000x128xf32> -> vector<2000x128xf32>
    %swap3A_46 = arith.constant 0 : index
    %swap3A_47 = arith.constant 0 : index
    %swap3A_48 = vector.load %arg9[%swap3A_46, %swap3A_47] : memref<2000x128xf32, #tpu.memory_space<vmem>>, vector<2000x128xf32>
    tpu.vector_store %arg9[%swap3A_46, %swap3A_47], %dot_general3A_45 {strides = array<i32>} : memref<2000x128xf32, #tpu.memory_space<vmem>>, vector<2000x128xf32>,
    return
  }
  func.func @transform_0(%arg0: i32) -> (i32, i32) {
    %c0_i32 = arith.constant 0 : i32
    %c0_i32_0 = arith.constant 0 : i32
    return %arg0, %c0_i32 : i32, i32
  }
  func.func @transform_1(%arg0: i32) -> (i32, i32) {
    %c0_i32 = arith.constant 0 : i32
    %c0_i32_0 = arith.constant 0 : i32
    return %arg0, %c0_i32 : i32, i32
  }
  func.func @transform_2(%arg0: i32) -> (i32, i32) {
    %c0_i32 = arith.constant 0 : i32
    %c0_i32_0 = arith.constant 0 : i32
    %c0_i32_1 = arith.constant 0 : i32
    return %c0_i32, %c0_i32_0 : i32, i32
  }
  func.func @transform_3(%arg0: i32) -> (i32, i32) {
    %c0_i32 = arith.constant 0 : i32
    %c0_i32_0 = arith.constant 0 : i32
    %c0_i32_1 = arith.constant 0 : i32
    return %c0_i32, %c0_i32_0 : i32, i32
  }
  func.func @transform_4(%arg0: i32) -> (i32, i32) {
    %c0_i32 = arith.constant 0 : i32
    %c0_i32_0 = arith.constant 0 : i32
    %c0_i32_1 = arith.constant 0 : i32
    return %c0_i32, %c0_i32_0 : i32, i32
  }
  func.func @transform_5(%arg0: i32) -> (i32, i32) {
    %c0_i32 = arith.constant 0 : i32
    %c0_i32_0 = arith.constant 0 : i32
    %c0_i32_1 = arith.constant 0 : i32
    return %c0_i32, %c0_i32_0 : i32, i32
  }
  func.func @transform_6(%arg0: i32) -> (i32, i32) {
    %c0_i32 = arith.constant 0 : i32
    %c0_i32_0 = arith.constant 0 : i32
    %c0_i32_1 = arith.constant 0 : i32
    return %c0_i32, %c0_i32_0 : i32, i32
  }
  func.func @transform_7(%arg0: i32) -> (i32, i32) {
    %c0_i32 = arith.constant 0 : i32
    %c0_i32_0 = arith.constant 0 : i32
    return %arg0, %c0_i32 : i32, i32
  }
  func.func @transform_8(%arg0: i32) -> (i32, i32) {
    %c0_i32 = arith.constant 0 : i32
    %c0_i32_0 = arith.constant 0 : i32
    return %arg0, %c0_i32 : i32, i32
  }
}

module attributes {stable_mosaic.version = 14 : i64} {
  func.func @body(%arg0: i32, %arg1: memref<1000x64xf32, #tpu.memory_space<vmem>>, %arg2: memref<1000x128xf32, #tpu.memory_space<vmem>>, %arg3: memref<1000x128xf32, #tpu.memory_space<vmem>>, %arg4: memref<1000x128xf32, #tpu.memory_space<vmem>>, %arg5: memref<1000x128xf32, #tpu.memory_space<vmem>>, %arg6: memref<1000x128xf32, #tpu.memory_space<vmem>>, %arg7: memref<1000x128xf32, #tpu.memory_space<vmem>>, %arg8: memref<1000x128xf32, #tpu.memory_space<vmem>>, %arg9: memref<1000x128xf32, #tpu.memory_space<vmem>>, %arg10: memref<1000x128xf32, #tpu.memory_space<vmem>>, %arg11: memref<1000x128xf32, #tpu.memory_space<vmem>>, %arg12: memref<1000x128xf32, #tpu.memory_space<vmem>>, %arg13: memref<1000x128xf32, #tpu.memory_space<vmem>>, %arg14: memref<1000x41xbf16, #tpu.memory_space<vmem>>, %arg15: memref<1000x41xbf16, #tpu.memory_space<vmem>>, %arg16: memref<1000x41xbf16, #tpu.memory_space<vmem>>, %arg17: memref<1000x41xbf16, #tpu.memory_space<vmem>>, %arg18: memref<1000x41xbf16, #tpu.memory_space<vmem>>, %arg19: memref<1000x41xbf16, #tpu.memory_space<vmem>>, %arg20: memref<1000x41xbf16, #tpu.memory_space<vmem>>, %arg21: memref<1000x41xbf16, #tpu.memory_space<vmem>>, %arg22: memref<1000x41xbf16, #tpu.memory_space<vmem>>, %arg23: memref<1000x41xbf16, #tpu.memory_space<vmem>>, %arg24: memref<1000x41xbf16, #tpu.memory_space<vmem>>, %arg25: memref<1000x41xbf16, #tpu.memory_space<vmem>>, %arg26: memref<64x128xf32, #tpu.memory_space<vmem>>, %arg27: memref<41x128xf32, #tpu.memory_space<vmem>>, %arg28: memref<1x128xf32, #tpu.memory_space<vmem>>, %arg29: memref<1x128xf32, #tpu.memory_space<vmem>>, %arg30: memref<1x128xf32, #tpu.memory_space<vmem>>, %arg31: memref<1x128xf32, #tpu.memory_space<vmem>>, %arg32: memref<1x128xf32, #tpu.memory_space<vmem>>, %arg33: memref<1000x64xf32, #tpu.memory_space<vmem>>, %arg34: memref<1x64xf32, #tpu.memory_space<vmem>>, %arg35: memref<1x64xf32, #tpu.memory_space<vmem>>) attributes {dimension_semantics = [#tpu.dimension_semantics<arbitrary>], iteration_bounds = array<i64: 10>, scalar_prefetch = 0 : i64, scratch_operands = 0 : i64, tpu.core_type = #tpu.core_type<tc>, window_params = [{transform_indices = @transform_0, window_bounds = array<i64: 1000, 64>}, {transform_indices = @transform_1, window_bounds = array<i64: 1000, 128>}, {transform_indices = @transform_2, window_bounds = array<i64: 1000, 128>}, {transform_indices = @transform_3, window_bounds = array<i64: 1000, 128>}, {transform_indices = @transform_4, window_bounds = array<i64: 1000, 128>}, {transform_indices = @transform_5, window_bounds = array<i64: 1000, 128>}, {transform_indices = @transform_6, window_bounds = array<i64: 1000, 128>}, {transform_indices = @transform_7, window_bounds = array<i64: 1000, 128>}, {transform_indices = @transform_8, window_bounds = array<i64: 1000, 128>}, {transform_indices = @transform_9, window_bounds = array<i64: 1000, 128>}, {transform_indices = @transform_10, window_bounds = array<i64: 1000, 128>}, {transform_indices = @transform_11, window_bounds = array<i64: 1000, 128>}, {transform_indices = @transform_12, window_bounds = array<i64: 1000, 128>}, {transform_indices = @transform_13, window_bounds = array<i64: 1000, 41>}, {transform_indices = @transform_14, window_bounds = array<i64: 1000, 41>}, {transform_indices = @transform_15, window_bounds = array<i64: 1000, 41>}, {transform_indices = @transform_16, window_bounds = array<i64: 1000, 41>}, {transform_indices = @transform_17, window_bounds = array<i64: 1000, 41>}, {transform_indices = @transform_18, window_bounds = array<i64: 1000, 41>}, {transform_indices = @transform_19, window_bounds = array<i64: 1000, 41>}, {transform_indices = @transform_20, window_bounds = array<i64: 1000, 41>}, {transform_indices = @transform_21, window_bounds = array<i64: 1000, 41>}, {transform_indices = @transform_22, window_bounds = array<i64: 1000, 41>}, {transform_indices = @transform_23, window_bounds = array<i64: 1000, 41>}, {transform_indices = @transform_24, window_bounds = array<i64: 1000, 41>}, {pipeline_mode = #tpu.pipeline_mode<synchronous>, transform_indices = @transform_25, window_bounds = array<i64: 64, 128>}, {pipeline_mode = #tpu.pipeline_mode<synchronous>, transform_indices = @transform_26, window_bounds = array<i64: 41, 128>}, {pipeline_mode = #tpu.pipeline_mode<synchronous>, transform_indices = @transform_27, window_bounds = array<i64: 1, 128>}, {pipeline_mode = #tpu.pipeline_mode<synchronous>, transform_indices = @transform_28, window_bounds = array<i64: 1, 128>}, {pipeline_mode = #tpu.pipeline_mode<synchronous>, transform_indices = @transform_29, window_bounds = array<i64: 1, 128>}, {pipeline_mode = #tpu.pipeline_mode<synchronous>, transform_indices = @transform_30, window_bounds = array<i64: 1, 128>}, {pipeline_mode = #tpu.pipeline_mode<synchronous>, transform_indices = @transform_31, window_bounds = array<i64: 1, 128>}, {transform_indices = @transform_32, window_bounds = array<i64: 1000, 64>}, {pipeline_mode = #tpu.pipeline_mode<synchronous>, transform_indices = @transform_33, window_bounds = array<i64: 1, 64>}, {pipeline_mode = #tpu.pipeline_mode<synchronous>, transform_indices = @transform_34, window_bounds = array<i64: 1, 64>}]} {
    %get3A = arith.constant 0 : index
    %get3A_0 = arith.constant 0 : index
    %get3A_1 = vector.load %arg29[%get3A, %get3A_0] : memref<1x128xf32, #tpu.memory_space<vmem>>, vector<1x128xf32>
    %div3A = arith.constant 1.200000e+05 : f32
    %div3A_2 = vector.broadcast %div3A : f32 to vector<1x128xf32>
    %div3A_3 = arith.divf %get3A_1, %div3A_2 : vector<1x128xf32>
    %get3A_4 = arith.constant 0 : index
    %get3A_5 = arith.constant 0 : index
    %get3A_6 = vector.load %arg30[%get3A_4, %get3A_5] : memref<1x128xf32, #tpu.memory_space<vmem>>, vector<1x128xf32>
    %div3A_7 = arith.constant 1.200000e+05 : f32
    %div3A_8 = vector.broadcast %div3A_7 : f32 to vector<1x128xf32>
    %div3A_9 = arith.divf %get3A_6, %div3A_8 : vector<1x128xf32>
    %mul3A = arith.mulf %div3A_3, %div3A_3 : vector<1x128xf32>
    %sub3A = arith.subf %div3A_9, %mul3A : vector<1x128xf32>
    %get3A_10 = arith.constant 0 : index
    %get3A_11 = arith.constant 0 : index
    %get3A_12 = vector.load %arg31[%get3A_10, %get3A_11] : memref<1x128xf32, #tpu.memory_space<vmem>>, vector<1x128xf32>
    %add3A = arith.constant 9.99999974E-6 : f32
    %add3A_13 = vector.broadcast %add3A : f32 to vector<1x128xf32>
    %add3A_14 = arith.addf %sub3A, %add3A_13 : vector<1x128xf32>
    %rsqrt3A = math.rsqrt %add3A_14 : vector<1x128xf32>
    %mul3A_15 = arith.mulf %get3A_12, %rsqrt3A : vector<1x128xf32>
    %get3A_16 = arith.constant 0 : index
    %get3A_17 = arith.constant 0 : index
    %get3A_18 = vector.load %arg32[%get3A_16, %get3A_17] : memref<1x128xf32, #tpu.memory_space<vmem>>, vector<1x128xf32>
    %mul3A_19 = arith.mulf %div3A_3, %mul3A_15 : vector<1x128xf32>
    %sub3A_20 = arith.subf %get3A_18, %mul3A_19 : vector<1x128xf32>
    %get3A_21 = arith.constant 0 : index
    %get3A_22 = arith.constant 0 : index
    %get3A_23 = vector.load %arg1[%get3A_21, %get3A_22] : memref<1000x64xf32, #tpu.memory_space<vmem>>, vector<1000x64xf32>
    %get3A_24 = arith.constant 0 : index
    %get3A_25 = arith.constant 0 : index
    %get3A_26 = vector.load %arg26[%get3A_24, %get3A_25] : memref<64x128xf32, #tpu.memory_space<vmem>>, vector<64x128xf32>
    %dot_general3A = arith.constant dense<0.000000e+00> : vector<1000x128xf32>
    %dot_general3A_27 = tpu.matmul %get3A_23, %get3A_26, %dot_general3A {dimension_numbers = #tpu.dot_dimension_numbers<[1], [0], [0], [1], [0, 0, 1, 1], [], []>, transpose_lhs_hint = false} : vector<1000x64xf32>, vector<64x128xf32>, vector<1000x128xf32> -> vector<1000x128xf32>
    %get3A_28 = arith.constant 0 : index
    %get3A_29 = arith.constant 0 : index
    %get3A_30 = vector.load %arg28[%get3A_28, %get3A_29] : memref<1x128xf32, #tpu.memory_space<vmem>>, vector<1x128xf32>
    %add3A_31 = vector.broadcast %get3A_30 : vector<1x128xf32> to vector<1000x128xf32>
    %add3A_32 = arith.addf %dot_general3A_27, %add3A_31 : vector<1000x128xf32>
    %mul3A_33 = vector.broadcast %mul3A_15 : vector<1x128xf32> to vector<1000x128xf32>
    %mul3A_34 = arith.mulf %add3A_32, %mul3A_33 : vector<1000x128xf32>
    %add3A_35 = vector.broadcast %sub3A_20 : vector<1x128xf32> to vector<1000x128xf32>
    %add3A_36 = arith.addf %mul3A_34, %add3A_35 : vector<1000x128xf32>
    %get3A_37 = arith.constant 0 : index
    %get3A_38 = arith.constant 0 : index
    %get3A_39 = vector.load %arg27[%get3A_37, %get3A_38] : memref<41x128xf32, #tpu.memory_space<vmem>>, vector<41x128xf32>
    %mul3A_40 = vector.broadcast %mul3A_15 : vector<1x128xf32> to vector<41x128xf32>
    %mul3A_41 = arith.mulf %get3A_39, %mul3A_40 : vector<41x128xf32>
    %convert_element_type3A = arith.truncf %mul3A_41 : vector<41x128xf32> to vector<41x128xbf16>
    %broadcast_in_dim3A = arith.constant 0.000000e+00 : f32
    %broadcast_in_dim3A_42 = vector.broadcast %broadcast_in_dim3A : f32 to vector<1000x64xf32>
    %get3A_43 = arith.constant 0 : index
    %get3A_44 = arith.constant 0 : index
    %get3A_45 = vector.load %arg2[%get3A_43, %get3A_44] : memref<1000x128xf32, #tpu.memory_space<vmem>>, vector<1000x128xf32>
    %mul3A_46 = vector.broadcast %mul3A_15 : vector<1x128xf32> to vector<1000x128xf32>
    %mul3A_47 = arith.mulf %get3A_45, %mul3A_46 : vector<1000x128xf32>
    %add3A_48 = arith.addf %add3A_36, %mul3A_47 : vector<1000x128xf32>
    %get3A_49 = arith.constant 0 : index
    %get3A_50 = arith.constant 0 : index
    %get3A_51 = vector.load %arg14[%get3A_49, %get3A_50] : memref<1000x41xbf16, #tpu.memory_space<vmem>>, vector<1000x41xbf16>
    %dot_general3A_52 = arith.constant dense<0.000000e+00> : vector<1000x128xf32>
    %dot_general3A_53 = tpu.matmul %get3A_51, %convert_element_type3A, %dot_general3A_52 {dimension_numbers = #tpu.dot_dimension_numbers<[1], [0], [0], [1], [0, 0, 1, 1], [], []>, transpose_lhs_hint = false} : vector<1000x41xbf16>, vector<41x128xbf16>, vector<1000x128xf32> -> vector<1000x128xf32>
    %add3A_54 = arith.addf %add3A_48, %dot_general3A_53 : vector<1000x128xf32>
    %slice3A = vector.extract_strided_slice %add3A_54 {offsets = [0, 0], sizes = [1000, 64], strides = [1, 1]} : vector<1000x128xf32> to vector<1000x64xf32>
    %logistic3A = arith.negf %slice3A : vector<1000x64xf32>
    %logistic3A_55 = math.exp %logistic3A : vector<1000x64xf32>
    %logistic3A_56 = arith.constant 1.000000e+00 : f32
    %logistic3A_57 = vector.broadcast %logistic3A_56 : f32 to vector<1000x64xf32>
    %logistic3A_58 = arith.addf %logistic3A_57, %logistic3A_55 : vector<1000x64xf32>
    %logistic3A_59 = arith.divf %logistic3A_57, %logistic3A_58 : vector<1000x64xf32>
    %slice3A_60 = vector.extract_strided_slice %add3A_54 {offsets = [0, 64], sizes = [1000, 64], strides = [1, 1]} : vector<1000x128xf32> to vector<1000x64xf32>
    %custom_jvp_call3A = arith.constant 0.000000e+00 : f32
    %max3A = vector.broadcast %custom_jvp_call3A : f32 to vector<1000x64xf32>
    %max3A_61 = arith.maximumf %slice3A_60, %max3A : vector<1000x64xf32>
    %sub3A_62 = vector.broadcast %custom_jvp_call3A : f32 to vector<1000x64xf32>
    %sub3A_63 = arith.subf %slice3A_60, %sub3A_62 : vector<1000x64xf32>
    %ne3A = arith.cmpf one, %sub3A_63, %sub3A_63 : vector<1000x64xf32>
    %add3A_64 = vector.broadcast %custom_jvp_call3A : f32 to vector<1000x64xf32>
    %add3A_65 = arith.addf %slice3A_60, %add3A_64 : vector<1000x64xf32>
    %abs3A = math.absf %sub3A_63 : vector<1000x64xf32>
    %neg3A = arith.constant 0.000000e+00 : f32
    %neg3A_66 = vector.broadcast %neg3A : f32 to vector<1000x64xf32>
    %neg3A_67 = arith.subf %neg3A_66, %abs3A : vector<1000x64xf32>
    %exp3A = math.exp %neg3A_67 : vector<1000x64xf32>
    %log1p3A = math.log1p %exp3A : vector<1000x64xf32>
    %add3A_68 = arith.addf %max3A_61, %log1p3A : vector<1000x64xf32>
    %select_n3A = arith.select %ne3A, %add3A_65, %add3A_68 : vector<1000x64xi1>, vector<1000x64xf32>
    %mul3A_69 = arith.mulf %logistic3A_59, %select_n3A : vector<1000x64xf32>
    %add3A_70 = arith.addf %broadcast_in_dim3A_42, %mul3A_69 : vector<1000x64xf32>
    %get3A_71 = arith.constant 0 : index
    %get3A_72 = arith.constant 0 : index
    %get3A_73 = vector.load %arg3[%get3A_71, %get3A_72] : memref<1000x128xf32, #tpu.memory_space<vmem>>, vector<1000x128xf32>
    %mul3A_74 = vector.broadcast %mul3A_15 : vector<1x128xf32> to vector<1000x128xf32>
    %mul3A_75 = arith.mulf %get3A_73, %mul3A_74 : vector<1000x128xf32>
    %add3A_76 = arith.addf %add3A_36, %mul3A_75 : vector<1000x128xf32>
    %get3A_77 = arith.constant 0 : index
    %get3A_78 = arith.constant 0 : index
    %get3A_79 = vector.load %arg15[%get3A_77, %get3A_78] : memref<1000x41xbf16, #tpu.memory_space<vmem>>, vector<1000x41xbf16>
    %dot_general3A_80 = arith.constant dense<0.000000e+00> : vector<1000x128xf32>
    %dot_general3A_81 = tpu.matmul %get3A_79, %convert_element_type3A, %dot_general3A_80 {dimension_numbers = #tpu.dot_dimension_numbers<[1], [0], [0], [1], [0, 0, 1, 1], [], []>, transpose_lhs_hint = false} : vector<1000x41xbf16>, vector<41x128xbf16>, vector<1000x128xf32> -> vector<1000x128xf32>
    %add3A_82 = arith.addf %add3A_76, %dot_general3A_81 : vector<1000x128xf32>
    %slice3A_83 = vector.extract_strided_slice %add3A_82 {offsets = [0, 0], sizes = [1000, 64], strides = [1, 1]} : vector<1000x128xf32> to vector<1000x64xf32>
    %logistic3A_84 = arith.negf %slice3A_83 : vector<1000x64xf32>
    %logistic3A_85 = math.exp %logistic3A_84 : vector<1000x64xf32>
    %logistic3A_86 = arith.constant 1.000000e+00 : f32
    %logistic3A_87 = vector.broadcast %logistic3A_86 : f32 to vector<1000x64xf32>
    %logistic3A_88 = arith.addf %logistic3A_87, %logistic3A_85 : vector<1000x64xf32>
    %logistic3A_89 = arith.divf %logistic3A_87, %logistic3A_88 : vector<1000x64xf32>
    %slice3A_90 = vector.extract_strided_slice %add3A_82 {offsets = [0, 64], sizes = [1000, 64], strides = [1, 1]} : vector<1000x128xf32> to vector<1000x64xf32>
    %custom_jvp_call3A_91 = arith.constant 0.000000e+00 : f32
    %max3A_92 = vector.broadcast %custom_jvp_call3A_91 : f32 to vector<1000x64xf32>
    %max3A_93 = arith.maximumf %slice3A_90, %max3A_92 : vector<1000x64xf32>
    %sub3A_94 = vector.broadcast %custom_jvp_call3A_91 : f32 to vector<1000x64xf32>
    %sub3A_95 = arith.subf %slice3A_90, %sub3A_94 : vector<1000x64xf32>
    %ne3A_96 = arith.cmpf one, %sub3A_95, %sub3A_95 : vector<1000x64xf32>
    %add3A_97 = vector.broadcast %custom_jvp_call3A_91 : f32 to vector<1000x64xf32>
    %add3A_98 = arith.addf %slice3A_90, %add3A_97 : vector<1000x64xf32>
    %abs3A_99 = math.absf %sub3A_95 : vector<1000x64xf32>
    %neg3A_100 = arith.constant 0.000000e+00 : f32
    %neg3A_101 = vector.broadcast %neg3A_100 : f32 to vector<1000x64xf32>
    %neg3A_102 = arith.subf %neg3A_101, %abs3A_99 : vector<1000x64xf32>
    %exp3A_103 = math.exp %neg3A_102 : vector<1000x64xf32>
    %log1p3A_104 = math.log1p %exp3A_103 : vector<1000x64xf32>
    %add3A_105 = arith.addf %max3A_93, %log1p3A_104 : vector<1000x64xf32>
    %select_n3A_106 = arith.select %ne3A_96, %add3A_98, %add3A_105 : vector<1000x64xi1>, vector<1000x64xf32>
    %mul3A_107 = arith.mulf %logistic3A_89, %select_n3A_106 : vector<1000x64xf32>
    %add3A_108 = arith.addf %add3A_70, %mul3A_107 : vector<1000x64xf32>
    %get3A_109 = arith.constant 0 : index
    %get3A_110 = arith.constant 0 : index
    %get3A_111 = vector.load %arg4[%get3A_109, %get3A_110] : memref<1000x128xf32, #tpu.memory_space<vmem>>, vector<1000x128xf32>
    %mul3A_112 = vector.broadcast %mul3A_15 : vector<1x128xf32> to vector<1000x128xf32>
    %mul3A_113 = arith.mulf %get3A_111, %mul3A_112 : vector<1000x128xf32>
    %add3A_114 = arith.addf %add3A_36, %mul3A_113 : vector<1000x128xf32>
    %get3A_115 = arith.constant 0 : index
    %get3A_116 = arith.constant 0 : index
    %get3A_117 = vector.load %arg16[%get3A_115, %get3A_116] : memref<1000x41xbf16, #tpu.memory_space<vmem>>, vector<1000x41xbf16>
    %dot_general3A_118 = arith.constant dense<0.000000e+00> : vector<1000x128xf32>
    %dot_general3A_119 = tpu.matmul %get3A_117, %convert_element_type3A, %dot_general3A_118 {dimension_numbers = #tpu.dot_dimension_numbers<[1], [0], [0], [1], [0, 0, 1, 1], [], []>, transpose_lhs_hint = false} : vector<1000x41xbf16>, vector<41x128xbf16>, vector<1000x128xf32> -> vector<1000x128xf32>
    %add3A_120 = arith.addf %add3A_114, %dot_general3A_119 : vector<1000x128xf32>
    %slice3A_121 = vector.extract_strided_slice %add3A_120 {offsets = [0, 0], sizes = [1000, 64], strides = [1, 1]} : vector<1000x128xf32> to vector<1000x64xf32>
    %logistic3A_122 = arith.negf %slice3A_121 : vector<1000x64xf32>
    %logistic3A_123 = math.exp %logistic3A_122 : vector<1000x64xf32>
    %logistic3A_124 = arith.constant 1.000000e+00 : f32
    %logistic3A_125 = vector.broadcast %logistic3A_124 : f32 to vector<1000x64xf32>
    %logistic3A_126 = arith.addf %logistic3A_125, %logistic3A_123 : vector<1000x64xf32>
    %logistic3A_127 = arith.divf %logistic3A_125, %logistic3A_126 : vector<1000x64xf32>
    %slice3A_128 = vector.extract_strided_slice %add3A_120 {offsets = [0, 64], sizes = [1000, 64], strides = [1, 1]} : vector<1000x128xf32> to vector<1000x64xf32>
    %custom_jvp_call3A_129 = arith.constant 0.000000e+00 : f32
    %max3A_130 = vector.broadcast %custom_jvp_call3A_129 : f32 to vector<1000x64xf32>
    %max3A_131 = arith.maximumf %slice3A_128, %max3A_130 : vector<1000x64xf32>
    %sub3A_132 = vector.broadcast %custom_jvp_call3A_129 : f32 to vector<1000x64xf32>
    %sub3A_133 = arith.subf %slice3A_128, %sub3A_132 : vector<1000x64xf32>
    %ne3A_134 = arith.cmpf one, %sub3A_133, %sub3A_133 : vector<1000x64xf32>
    %add3A_135 = vector.broadcast %custom_jvp_call3A_129 : f32 to vector<1000x64xf32>
    %add3A_136 = arith.addf %slice3A_128, %add3A_135 : vector<1000x64xf32>
    %abs3A_137 = math.absf %sub3A_133 : vector<1000x64xf32>
    %neg3A_138 = arith.constant 0.000000e+00 : f32
    %neg3A_139 = vector.broadcast %neg3A_138 : f32 to vector<1000x64xf32>
    %neg3A_140 = arith.subf %neg3A_139, %abs3A_137 : vector<1000x64xf32>
    %exp3A_141 = math.exp %neg3A_140 : vector<1000x64xf32>
    %log1p3A_142 = math.log1p %exp3A_141 : vector<1000x64xf32>
    %add3A_143 = arith.addf %max3A_131, %log1p3A_142 : vector<1000x64xf32>
    %select_n3A_144 = arith.select %ne3A_134, %add3A_136, %add3A_143 : vector<1000x64xi1>, vector<1000x64xf32>
    %mul3A_145 = arith.mulf %logistic3A_127, %select_n3A_144 : vector<1000x64xf32>
    %add3A_146 = arith.addf %add3A_108, %mul3A_145 : vector<1000x64xf32>
    %get3A_147 = arith.constant 0 : index
    %get3A_148 = arith.constant 0 : index
    %get3A_149 = vector.load %arg5[%get3A_147, %get3A_148] : memref<1000x128xf32, #tpu.memory_space<vmem>>, vector<1000x128xf32>
    %mul3A_150 = vector.broadcast %mul3A_15 : vector<1x128xf32> to vector<1000x128xf32>
    %mul3A_151 = arith.mulf %get3A_149, %mul3A_150 : vector<1000x128xf32>
    %add3A_152 = arith.addf %add3A_36, %mul3A_151 : vector<1000x128xf32>
    %get3A_153 = arith.constant 0 : index
    %get3A_154 = arith.constant 0 : index
    %get3A_155 = vector.load %arg17[%get3A_153, %get3A_154] : memref<1000x41xbf16, #tpu.memory_space<vmem>>, vector<1000x41xbf16>
    %dot_general3A_156 = arith.constant dense<0.000000e+00> : vector<1000x128xf32>
    %dot_general3A_157 = tpu.matmul %get3A_155, %convert_element_type3A, %dot_general3A_156 {dimension_numbers = #tpu.dot_dimension_numbers<[1], [0], [0], [1], [0, 0, 1, 1], [], []>, transpose_lhs_hint = false} : vector<1000x41xbf16>, vector<41x128xbf16>, vector<1000x128xf32> -> vector<1000x128xf32>
    %add3A_158 = arith.addf %add3A_152, %dot_general3A_157 : vector<1000x128xf32>
    %slice3A_159 = vector.extract_strided_slice %add3A_158 {offsets = [0, 0], sizes = [1000, 64], strides = [1, 1]} : vector<1000x128xf32> to vector<1000x64xf32>
    %logistic3A_160 = arith.negf %slice3A_159 : vector<1000x64xf32>
    %logistic3A_161 = math.exp %logistic3A_160 : vector<1000x64xf32>
    %logistic3A_162 = arith.constant 1.000000e+00 : f32
    %logistic3A_163 = vector.broadcast %logistic3A_162 : f32 to vector<1000x64xf32>
    %logistic3A_164 = arith.addf %logistic3A_163, %logistic3A_161 : vector<1000x64xf32>
    %logistic3A_165 = arith.divf %logistic3A_163, %logistic3A_164 : vector<1000x64xf32>
    %slice3A_166 = vector.extract_strided_slice %add3A_158 {offsets = [0, 64], sizes = [1000, 64], strides = [1, 1]} : vector<1000x128xf32> to vector<1000x64xf32>
    %custom_jvp_call3A_167 = arith.constant 0.000000e+00 : f32
    %max3A_168 = vector.broadcast %custom_jvp_call3A_167 : f32 to vector<1000x64xf32>
    %max3A_169 = arith.maximumf %slice3A_166, %max3A_168 : vector<1000x64xf32>
    %sub3A_170 = vector.broadcast %custom_jvp_call3A_167 : f32 to vector<1000x64xf32>
    %sub3A_171 = arith.subf %slice3A_166, %sub3A_170 : vector<1000x64xf32>
    %ne3A_172 = arith.cmpf one, %sub3A_171, %sub3A_171 : vector<1000x64xf32>
    %add3A_173 = vector.broadcast %custom_jvp_call3A_167 : f32 to vector<1000x64xf32>
    %add3A_174 = arith.addf %slice3A_166, %add3A_173 : vector<1000x64xf32>
    %abs3A_175 = math.absf %sub3A_171 : vector<1000x64xf32>
    %neg3A_176 = arith.constant 0.000000e+00 : f32
    %neg3A_177 = vector.broadcast %neg3A_176 : f32 to vector<1000x64xf32>
    %neg3A_178 = arith.subf %neg3A_177, %abs3A_175 : vector<1000x64xf32>
    %exp3A_179 = math.exp %neg3A_178 : vector<1000x64xf32>
    %log1p3A_180 = math.log1p %exp3A_179 : vector<1000x64xf32>
    %add3A_181 = arith.addf %max3A_169, %log1p3A_180 : vector<1000x64xf32>
    %select_n3A_182 = arith.select %ne3A_172, %add3A_174, %add3A_181 : vector<1000x64xi1>, vector<1000x64xf32>
    %mul3A_183 = arith.mulf %logistic3A_165, %select_n3A_182 : vector<1000x64xf32>
    %add3A_184 = arith.addf %add3A_146, %mul3A_183 : vector<1000x64xf32>
    %get3A_185 = arith.constant 0 : index
    %get3A_186 = arith.constant 0 : index
    %get3A_187 = vector.load %arg6[%get3A_185, %get3A_186] : memref<1000x128xf32, #tpu.memory_space<vmem>>, vector<1000x128xf32>
    %mul3A_188 = vector.broadcast %mul3A_15 : vector<1x128xf32> to vector<1000x128xf32>
    %mul3A_189 = arith.mulf %get3A_187, %mul3A_188 : vector<1000x128xf32>
    %add3A_190 = arith.addf %add3A_36, %mul3A_189 : vector<1000x128xf32>
    %get3A_191 = arith.constant 0 : index
    %get3A_192 = arith.constant 0 : index
    %get3A_193 = vector.load %arg18[%get3A_191, %get3A_192] : memref<1000x41xbf16, #tpu.memory_space<vmem>>, vector<1000x41xbf16>
    %dot_general3A_194 = arith.constant dense<0.000000e+00> : vector<1000x128xf32>
    %dot_general3A_195 = tpu.matmul %get3A_193, %convert_element_type3A, %dot_general3A_194 {dimension_numbers = #tpu.dot_dimension_numbers<[1], [0], [0], [1], [0, 0, 1, 1], [], []>, transpose_lhs_hint = false} : vector<1000x41xbf16>, vector<41x128xbf16>, vector<1000x128xf32> -> vector<1000x128xf32>
    %add3A_196 = arith.addf %add3A_190, %dot_general3A_195 : vector<1000x128xf32>
    %slice3A_197 = vector.extract_strided_slice %add3A_196 {offsets = [0, 0], sizes = [1000, 64], strides = [1, 1]} : vector<1000x128xf32> to vector<1000x64xf32>
    %logistic3A_198 = arith.negf %slice3A_197 : vector<1000x64xf32>
    %logistic3A_199 = math.exp %logistic3A_198 : vector<1000x64xf32>
    %logistic3A_200 = arith.constant 1.000000e+00 : f32
    %logistic3A_201 = vector.broadcast %logistic3A_200 : f32 to vector<1000x64xf32>
    %logistic3A_202 = arith.addf %logistic3A_201, %logistic3A_199 : vector<1000x64xf32>
    %logistic3A_203 = arith.divf %logistic3A_201, %logistic3A_202 : vector<1000x64xf32>
    %slice3A_204 = vector.extract_strided_slice %add3A_196 {offsets = [0, 64], sizes = [1000, 64], strides = [1, 1]} : vector<1000x128xf32> to vector<1000x64xf32>
    %custom_jvp_call3A_205 = arith.constant 0.000000e+00 : f32
    %max3A_206 = vector.broadcast %custom_jvp_call3A_205 : f32 to vector<1000x64xf32>
    %max3A_207 = arith.maximumf %slice3A_204, %max3A_206 : vector<1000x64xf32>
    %sub3A_208 = vector.broadcast %custom_jvp_call3A_205 : f32 to vector<1000x64xf32>
    %sub3A_209 = arith.subf %slice3A_204, %sub3A_208 : vector<1000x64xf32>
    %ne3A_210 = arith.cmpf one, %sub3A_209, %sub3A_209 : vector<1000x64xf32>
    %add3A_211 = vector.broadcast %custom_jvp_call3A_205 : f32 to vector<1000x64xf32>
    %add3A_212 = arith.addf %slice3A_204, %add3A_211 : vector<1000x64xf32>
    %abs3A_213 = math.absf %sub3A_209 : vector<1000x64xf32>
    %neg3A_214 = arith.constant 0.000000e+00 : f32
    %neg3A_215 = vector.broadcast %neg3A_214 : f32 to vector<1000x64xf32>
    %neg3A_216 = arith.subf %neg3A_215, %abs3A_213 : vector<1000x64xf32>
    %exp3A_217 = math.exp %neg3A_216 : vector<1000x64xf32>
    %log1p3A_218 = math.log1p %exp3A_217 : vector<1000x64xf32>
    %add3A_219 = arith.addf %max3A_207, %log1p3A_218 : vector<1000x64xf32>
    %select_n3A_220 = arith.select %ne3A_210, %add3A_212, %add3A_219 : vector<1000x64xi1>, vector<1000x64xf32>
    %mul3A_221 = arith.mulf %logistic3A_203, %select_n3A_220 : vector<1000x64xf32>
    %add3A_222 = arith.addf %add3A_184, %mul3A_221 : vector<1000x64xf32>
    %get3A_223 = arith.constant 0 : index
    %get3A_224 = arith.constant 0 : index
    %get3A_225 = vector.load %arg7[%get3A_223, %get3A_224] : memref<1000x128xf32, #tpu.memory_space<vmem>>, vector<1000x128xf32>
    %mul3A_226 = vector.broadcast %mul3A_15 : vector<1x128xf32> to vector<1000x128xf32>
    %mul3A_227 = arith.mulf %get3A_225, %mul3A_226 : vector<1000x128xf32>
    %add3A_228 = arith.addf %add3A_36, %mul3A_227 : vector<1000x128xf32>
    %get3A_229 = arith.constant 0 : index
    %get3A_230 = arith.constant 0 : index
    %get3A_231 = vector.load %arg19[%get3A_229, %get3A_230] : memref<1000x41xbf16, #tpu.memory_space<vmem>>, vector<1000x41xbf16>
    %dot_general3A_232 = arith.constant dense<0.000000e+00> : vector<1000x128xf32>
    %dot_general3A_233 = tpu.matmul %get3A_231, %convert_element_type3A, %dot_general3A_232 {dimension_numbers = #tpu.dot_dimension_numbers<[1], [0], [0], [1], [0, 0, 1, 1], [], []>, transpose_lhs_hint = false} : vector<1000x41xbf16>, vector<41x128xbf16>, vector<1000x128xf32> -> vector<1000x128xf32>
    %add3A_234 = arith.addf %add3A_228, %dot_general3A_233 : vector<1000x128xf32>
    %slice3A_235 = vector.extract_strided_slice %add3A_234 {offsets = [0, 0], sizes = [1000, 64], strides = [1, 1]} : vector<1000x128xf32> to vector<1000x64xf32>
    %logistic3A_236 = arith.negf %slice3A_235 : vector<1000x64xf32>
    %logistic3A_237 = math.exp %logistic3A_236 : vector<1000x64xf32>
    %logistic3A_238 = arith.constant 1.000000e+00 : f32
    %logistic3A_239 = vector.broadcast %logistic3A_238 : f32 to vector<1000x64xf32>
    %logistic3A_240 = arith.addf %logistic3A_239, %logistic3A_237 : vector<1000x64xf32>
    %logistic3A_241 = arith.divf %logistic3A_239, %logistic3A_240 : vector<1000x64xf32>
    %slice3A_242 = vector.extract_strided_slice %add3A_234 {offsets = [0, 64], sizes = [1000, 64], strides = [1, 1]} : vector<1000x128xf32> to vector<1000x64xf32>
    %custom_jvp_call3A_243 = arith.constant 0.000000e+00 : f32
    %max3A_244 = vector.broadcast %custom_jvp_call3A_243 : f32 to vector<1000x64xf32>
    %max3A_245 = arith.maximumf %slice3A_242, %max3A_244 : vector<1000x64xf32>
    %sub3A_246 = vector.broadcast %custom_jvp_call3A_243 : f32 to vector<1000x64xf32>
    %sub3A_247 = arith.subf %slice3A_242, %sub3A_246 : vector<1000x64xf32>
    %ne3A_248 = arith.cmpf one, %sub3A_247, %sub3A_247 : vector<1000x64xf32>
    %add3A_249 = vector.broadcast %custom_jvp_call3A_243 : f32 to vector<1000x64xf32>
    %add3A_250 = arith.addf %slice3A_242, %add3A_249 : vector<1000x64xf32>
    %abs3A_251 = math.absf %sub3A_247 : vector<1000x64xf32>
    %neg3A_252 = arith.constant 0.000000e+00 : f32
    %neg3A_253 = vector.broadcast %neg3A_252 : f32 to vector<1000x64xf32>
    %neg3A_254 = arith.subf %neg3A_253, %abs3A_251 : vector<1000x64xf32>
    %exp3A_255 = math.exp %neg3A_254 : vector<1000x64xf32>
    %log1p3A_256 = math.log1p %exp3A_255 : vector<1000x64xf32>
    %add3A_257 = arith.addf %max3A_245, %log1p3A_256 : vector<1000x64xf32>
    %select_n3A_258 = arith.select %ne3A_248, %add3A_250, %add3A_257 : vector<1000x64xi1>, vector<1000x64xf32>
    %mul3A_259 = arith.mulf %logistic3A_241, %select_n3A_258 : vector<1000x64xf32>
    %add3A_260 = arith.addf %add3A_222, %mul3A_259 : vector<1000x64xf32>
    %get3A_261 = arith.constant 0 : index
    %get3A_262 = arith.constant 0 : index
    %get3A_263 = vector.load %arg8[%get3A_261, %get3A_262] : memref<1000x128xf32, #tpu.memory_space<vmem>>, vector<1000x128xf32>
    %mul3A_264 = vector.broadcast %mul3A_15 : vector<1x128xf32> to vector<1000x128xf32>
    %mul3A_265 = arith.mulf %get3A_263, %mul3A_264 : vector<1000x128xf32>
    %add3A_266 = arith.addf %add3A_36, %mul3A_265 : vector<1000x128xf32>
    %get3A_267 = arith.constant 0 : index
    %get3A_268 = arith.constant 0 : index
    %get3A_269 = vector.load %arg20[%get3A_267, %get3A_268] : memref<1000x41xbf16, #tpu.memory_space<vmem>>, vector<1000x41xbf16>
    %dot_general3A_270 = arith.constant dense<0.000000e+00> : vector<1000x128xf32>
    %dot_general3A_271 = tpu.matmul %get3A_269, %convert_element_type3A, %dot_general3A_270 {dimension_numbers = #tpu.dot_dimension_numbers<[1], [0], [0], [1], [0, 0, 1, 1], [], []>, transpose_lhs_hint = false} : vector<1000x41xbf16>, vector<41x128xbf16>, vector<1000x128xf32> -> vector<1000x128xf32>
    %add3A_272 = arith.addf %add3A_266, %dot_general3A_271 : vector<1000x128xf32>
    %slice3A_273 = vector.extract_strided_slice %add3A_272 {offsets = [0, 0], sizes = [1000, 64], strides = [1, 1]} : vector<1000x128xf32> to vector<1000x64xf32>
    %logistic3A_274 = arith.negf %slice3A_273 : vector<1000x64xf32>
    %logistic3A_275 = math.exp %logistic3A_274 : vector<1000x64xf32>
    %logistic3A_276 = arith.constant 1.000000e+00 : f32
    %logistic3A_277 = vector.broadcast %logistic3A_276 : f32 to vector<1000x64xf32>
    %logistic3A_278 = arith.addf %logistic3A_277, %logistic3A_275 : vector<1000x64xf32>
    %logistic3A_279 = arith.divf %logistic3A_277, %logistic3A_278 : vector<1000x64xf32>
    %slice3A_280 = vector.extract_strided_slice %add3A_272 {offsets = [0, 64], sizes = [1000, 64], strides = [1, 1]} : vector<1000x128xf32> to vector<1000x64xf32>
    %custom_jvp_call3A_281 = arith.constant 0.000000e+00 : f32
    %max3A_282 = vector.broadcast %custom_jvp_call3A_281 : f32 to vector<1000x64xf32>
    %max3A_283 = arith.maximumf %slice3A_280, %max3A_282 : vector<1000x64xf32>
    %sub3A_284 = vector.broadcast %custom_jvp_call3A_281 : f32 to vector<1000x64xf32>
    %sub3A_285 = arith.subf %slice3A_280, %sub3A_284 : vector<1000x64xf32>
    %ne3A_286 = arith.cmpf one, %sub3A_285, %sub3A_285 : vector<1000x64xf32>
    %add3A_287 = vector.broadcast %custom_jvp_call3A_281 : f32 to vector<1000x64xf32>
    %add3A_288 = arith.addf %slice3A_280, %add3A_287 : vector<1000x64xf32>
    %abs3A_289 = math.absf %sub3A_285 : vector<1000x64xf32>
    %neg3A_290 = arith.constant 0.000000e+00 : f32
    %neg3A_291 = vector.broadcast %neg3A_290 : f32 to vector<1000x64xf32>
    %neg3A_292 = arith.subf %neg3A_291, %abs3A_289 : vector<1000x64xf32>
    %exp3A_293 = math.exp %neg3A_292 : vector<1000x64xf32>
    %log1p3A_294 = math.log1p %exp3A_293 : vector<1000x64xf32>
    %add3A_295 = arith.addf %max3A_283, %log1p3A_294 : vector<1000x64xf32>
    %select_n3A_296 = arith.select %ne3A_286, %add3A_288, %add3A_295 : vector<1000x64xi1>, vector<1000x64xf32>
    %mul3A_297 = arith.mulf %logistic3A_279, %select_n3A_296 : vector<1000x64xf32>
    %add3A_298 = arith.addf %add3A_260, %mul3A_297 : vector<1000x64xf32>
    %get3A_299 = arith.constant 0 : index
    %get3A_300 = arith.constant 0 : index
    %get3A_301 = vector.load %arg9[%get3A_299, %get3A_300] : memref<1000x128xf32, #tpu.memory_space<vmem>>, vector<1000x128xf32>
    %mul3A_302 = vector.broadcast %mul3A_15 : vector<1x128xf32> to vector<1000x128xf32>
    %mul3A_303 = arith.mulf %get3A_301, %mul3A_302 : vector<1000x128xf32>
    %add3A_304 = arith.addf %add3A_36, %mul3A_303 : vector<1000x128xf32>
    %get3A_305 = arith.constant 0 : index
    %get3A_306 = arith.constant 0 : index
    %get3A_307 = vector.load %arg21[%get3A_305, %get3A_306] : memref<1000x41xbf16, #tpu.memory_space<vmem>>, vector<1000x41xbf16>
    %dot_general3A_308 = arith.constant dense<0.000000e+00> : vector<1000x128xf32>
    %dot_general3A_309 = tpu.matmul %get3A_307, %convert_element_type3A, %dot_general3A_308 {dimension_numbers = #tpu.dot_dimension_numbers<[1], [0], [0], [1], [0, 0, 1, 1], [], []>, transpose_lhs_hint = false} : vector<1000x41xbf16>, vector<41x128xbf16>, vector<1000x128xf32> -> vector<1000x128xf32>
    %add3A_310 = arith.addf %add3A_304, %dot_general3A_309 : vector<1000x128xf32>
    %slice3A_311 = vector.extract_strided_slice %add3A_310 {offsets = [0, 0], sizes = [1000, 64], strides = [1, 1]} : vector<1000x128xf32> to vector<1000x64xf32>
    %logistic3A_312 = arith.negf %slice3A_311 : vector<1000x64xf32>
    %logistic3A_313 = math.exp %logistic3A_312 : vector<1000x64xf32>
    %logistic3A_314 = arith.constant 1.000000e+00 : f32
    %logistic3A_315 = vector.broadcast %logistic3A_314 : f32 to vector<1000x64xf32>
    %logistic3A_316 = arith.addf %logistic3A_315, %logistic3A_313 : vector<1000x64xf32>
    %logistic3A_317 = arith.divf %logistic3A_315, %logistic3A_316 : vector<1000x64xf32>
    %slice3A_318 = vector.extract_strided_slice %add3A_310 {offsets = [0, 64], sizes = [1000, 64], strides = [1, 1]} : vector<1000x128xf32> to vector<1000x64xf32>
    %custom_jvp_call3A_319 = arith.constant 0.000000e+00 : f32
    %max3A_320 = vector.broadcast %custom_jvp_call3A_319 : f32 to vector<1000x64xf32>
    %max3A_321 = arith.maximumf %slice3A_318, %max3A_320 : vector<1000x64xf32>
    %sub3A_322 = vector.broadcast %custom_jvp_call3A_319 : f32 to vector<1000x64xf32>
    %sub3A_323 = arith.subf %slice3A_318, %sub3A_322 : vector<1000x64xf32>
    %ne3A_324 = arith.cmpf one, %sub3A_323, %sub3A_323 : vector<1000x64xf32>
    %add3A_325 = vector.broadcast %custom_jvp_call3A_319 : f32 to vector<1000x64xf32>
    %add3A_326 = arith.addf %slice3A_318, %add3A_325 : vector<1000x64xf32>
    %abs3A_327 = math.absf %sub3A_323 : vector<1000x64xf32>
    %neg3A_328 = arith.constant 0.000000e+00 : f32
    %neg3A_329 = vector.broadcast %neg3A_328 : f32 to vector<1000x64xf32>
    %neg3A_330 = arith.subf %neg3A_329, %abs3A_327 : vector<1000x64xf32>
    %exp3A_331 = math.exp %neg3A_330 : vector<1000x64xf32>
    %log1p3A_332 = math.log1p %exp3A_331 : vector<1000x64xf32>
    %add3A_333 = arith.addf %max3A_321, %log1p3A_332 : vector<1000x64xf32>
    %select_n3A_334 = arith.select %ne3A_324, %add3A_326, %add3A_333 : vector<1000x64xi1>, vector<1000x64xf32>
    %mul3A_335 = arith.mulf %logistic3A_317, %select_n3A_334 : vector<1000x64xf32>
    %add3A_336 = arith.addf %add3A_298, %mul3A_335 : vector<1000x64xf32>
    %get3A_337 = arith.constant 0 : index
    %get3A_338 = arith.constant 0 : index
    %get3A_339 = vector.load %arg10[%get3A_337, %get3A_338] : memref<1000x128xf32, #tpu.memory_space<vmem>>, vector<1000x128xf32>
    %mul3A_340 = vector.broadcast %mul3A_15 : vector<1x128xf32> to vector<1000x128xf32>
    %mul3A_341 = arith.mulf %get3A_339, %mul3A_340 : vector<1000x128xf32>
    %add3A_342 = arith.addf %add3A_36, %mul3A_341 : vector<1000x128xf32>
    %get3A_343 = arith.constant 0 : index
    %get3A_344 = arith.constant 0 : index
    %get3A_345 = vector.load %arg22[%get3A_343, %get3A_344] : memref<1000x41xbf16, #tpu.memory_space<vmem>>, vector<1000x41xbf16>
    %dot_general3A_346 = arith.constant dense<0.000000e+00> : vector<1000x128xf32>
    %dot_general3A_347 = tpu.matmul %get3A_345, %convert_element_type3A, %dot_general3A_346 {dimension_numbers = #tpu.dot_dimension_numbers<[1], [0], [0], [1], [0, 0, 1, 1], [], []>, transpose_lhs_hint = false} : vector<1000x41xbf16>, vector<41x128xbf16>, vector<1000x128xf32> -> vector<1000x128xf32>
    %add3A_348 = arith.addf %add3A_342, %dot_general3A_347 : vector<1000x128xf32>
    %slice3A_349 = vector.extract_strided_slice %add3A_348 {offsets = [0, 0], sizes = [1000, 64], strides = [1, 1]} : vector<1000x128xf32> to vector<1000x64xf32>
    %logistic3A_350 = arith.negf %slice3A_349 : vector<1000x64xf32>
    %logistic3A_351 = math.exp %logistic3A_350 : vector<1000x64xf32>
    %logistic3A_352 = arith.constant 1.000000e+00 : f32
    %logistic3A_353 = vector.broadcast %logistic3A_352 : f32 to vector<1000x64xf32>
    %logistic3A_354 = arith.addf %logistic3A_353, %logistic3A_351 : vector<1000x64xf32>
    %logistic3A_355 = arith.divf %logistic3A_353, %logistic3A_354 : vector<1000x64xf32>
    %slice3A_356 = vector.extract_strided_slice %add3A_348 {offsets = [0, 64], sizes = [1000, 64], strides = [1, 1]} : vector<1000x128xf32> to vector<1000x64xf32>
    %custom_jvp_call3A_357 = arith.constant 0.000000e+00 : f32
    %max3A_358 = vector.broadcast %custom_jvp_call3A_357 : f32 to vector<1000x64xf32>
    %max3A_359 = arith.maximumf %slice3A_356, %max3A_358 : vector<1000x64xf32>
    %sub3A_360 = vector.broadcast %custom_jvp_call3A_357 : f32 to vector<1000x64xf32>
    %sub3A_361 = arith.subf %slice3A_356, %sub3A_360 : vector<1000x64xf32>
    %ne3A_362 = arith.cmpf one, %sub3A_361, %sub3A_361 : vector<1000x64xf32>
    %add3A_363 = vector.broadcast %custom_jvp_call3A_357 : f32 to vector<1000x64xf32>
    %add3A_364 = arith.addf %slice3A_356, %add3A_363 : vector<1000x64xf32>
    %abs3A_365 = math.absf %sub3A_361 : vector<1000x64xf32>
    %neg3A_366 = arith.constant 0.000000e+00 : f32
    %neg3A_367 = vector.broadcast %neg3A_366 : f32 to vector<1000x64xf32>
    %neg3A_368 = arith.subf %neg3A_367, %abs3A_365 : vector<1000x64xf32>
    %exp3A_369 = math.exp %neg3A_368 : vector<1000x64xf32>
    %log1p3A_370 = math.log1p %exp3A_369 : vector<1000x64xf32>
    %add3A_371 = arith.addf %max3A_359, %log1p3A_370 : vector<1000x64xf32>
    %select_n3A_372 = arith.select %ne3A_362, %add3A_364, %add3A_371 : vector<1000x64xi1>, vector<1000x64xf32>
    %mul3A_373 = arith.mulf %logistic3A_355, %select_n3A_372 : vector<1000x64xf32>
    %add3A_374 = arith.addf %add3A_336, %mul3A_373 : vector<1000x64xf32>
    %get3A_375 = arith.constant 0 : index
    %get3A_376 = arith.constant 0 : index
    %get3A_377 = vector.load %arg11[%get3A_375, %get3A_376] : memref<1000x128xf32, #tpu.memory_space<vmem>>, vector<1000x128xf32>
    %mul3A_378 = vector.broadcast %mul3A_15 : vector<1x128xf32> to vector<1000x128xf32>
    %mul3A_379 = arith.mulf %get3A_377, %mul3A_378 : vector<1000x128xf32>
    %add3A_380 = arith.addf %add3A_36, %mul3A_379 : vector<1000x128xf32>
    %get3A_381 = arith.constant 0 : index
    %get3A_382 = arith.constant 0 : index
    %get3A_383 = vector.load %arg23[%get3A_381, %get3A_382] : memref<1000x41xbf16, #tpu.memory_space<vmem>>, vector<1000x41xbf16>
    %dot_general3A_384 = arith.constant dense<0.000000e+00> : vector<1000x128xf32>
    %dot_general3A_385 = tpu.matmul %get3A_383, %convert_element_type3A, %dot_general3A_384 {dimension_numbers = #tpu.dot_dimension_numbers<[1], [0], [0], [1], [0, 0, 1, 1], [], []>, transpose_lhs_hint = false} : vector<1000x41xbf16>, vector<41x128xbf16>, vector<1000x128xf32> -> vector<1000x128xf32>
    %add3A_386 = arith.addf %add3A_380, %dot_general3A_385 : vector<1000x128xf32>
    %slice3A_387 = vector.extract_strided_slice %add3A_386 {offsets = [0, 0], sizes = [1000, 64], strides = [1, 1]} : vector<1000x128xf32> to vector<1000x64xf32>
    %logistic3A_388 = arith.negf %slice3A_387 : vector<1000x64xf32>
    %logistic3A_389 = math.exp %logistic3A_388 : vector<1000x64xf32>
    %logistic3A_390 = arith.constant 1.000000e+00 : f32
    %logistic3A_391 = vector.broadcast %logistic3A_390 : f32 to vector<1000x64xf32>
    %logistic3A_392 = arith.addf %logistic3A_391, %logistic3A_389 : vector<1000x64xf32>
    %logistic3A_393 = arith.divf %logistic3A_391, %logistic3A_392 : vector<1000x64xf32>
    %slice3A_394 = vector.extract_strided_slice %add3A_386 {offsets = [0, 64], sizes = [1000, 64], strides = [1, 1]} : vector<1000x128xf32> to vector<1000x64xf32>
    %custom_jvp_call3A_395 = arith.constant 0.000000e+00 : f32
    %max3A_396 = vector.broadcast %custom_jvp_call3A_395 : f32 to vector<1000x64xf32>
    %max3A_397 = arith.maximumf %slice3A_394, %max3A_396 : vector<1000x64xf32>
    %sub3A_398 = vector.broadcast %custom_jvp_call3A_395 : f32 to vector<1000x64xf32>
    %sub3A_399 = arith.subf %slice3A_394, %sub3A_398 : vector<1000x64xf32>
    %ne3A_400 = arith.cmpf one, %sub3A_399, %sub3A_399 : vector<1000x64xf32>
    %add3A_401 = vector.broadcast %custom_jvp_call3A_395 : f32 to vector<1000x64xf32>
    %add3A_402 = arith.addf %slice3A_394, %add3A_401 : vector<1000x64xf32>
    %abs3A_403 = math.absf %sub3A_399 : vector<1000x64xf32>
    %neg3A_404 = arith.constant 0.000000e+00 : f32
    %neg3A_405 = vector.broadcast %neg3A_404 : f32 to vector<1000x64xf32>
    %neg3A_406 = arith.subf %neg3A_405, %abs3A_403 : vector<1000x64xf32>
    %exp3A_407 = math.exp %neg3A_406 : vector<1000x64xf32>
    %log1p3A_408 = math.log1p %exp3A_407 : vector<1000x64xf32>
    %add3A_409 = arith.addf %max3A_397, %log1p3A_408 : vector<1000x64xf32>
    %select_n3A_410 = arith.select %ne3A_400, %add3A_402, %add3A_409 : vector<1000x64xi1>, vector<1000x64xf32>
    %mul3A_411 = arith.mulf %logistic3A_393, %select_n3A_410 : vector<1000x64xf32>
    %add3A_412 = arith.addf %add3A_374, %mul3A_411 : vector<1000x64xf32>
    %get3A_413 = arith.constant 0 : index
    %get3A_414 = arith.constant 0 : index
    %get3A_415 = vector.load %arg12[%get3A_413, %get3A_414] : memref<1000x128xf32, #tpu.memory_space<vmem>>, vector<1000x128xf32>
    %mul3A_416 = vector.broadcast %mul3A_15 : vector<1x128xf32> to vector<1000x128xf32>
    %mul3A_417 = arith.mulf %get3A_415, %mul3A_416 : vector<1000x128xf32>
    %add3A_418 = arith.addf %add3A_36, %mul3A_417 : vector<1000x128xf32>
    %get3A_419 = arith.constant 0 : index
    %get3A_420 = arith.constant 0 : index
    %get3A_421 = vector.load %arg24[%get3A_419, %get3A_420] : memref<1000x41xbf16, #tpu.memory_space<vmem>>, vector<1000x41xbf16>
    %dot_general3A_422 = arith.constant dense<0.000000e+00> : vector<1000x128xf32>
    %dot_general3A_423 = tpu.matmul %get3A_421, %convert_element_type3A, %dot_general3A_422 {dimension_numbers = #tpu.dot_dimension_numbers<[1], [0], [0], [1], [0, 0, 1, 1], [], []>, transpose_lhs_hint = false} : vector<1000x41xbf16>, vector<41x128xbf16>, vector<1000x128xf32> -> vector<1000x128xf32>
    %add3A_424 = arith.addf %add3A_418, %dot_general3A_423 : vector<1000x128xf32>
    %slice3A_425 = vector.extract_strided_slice %add3A_424 {offsets = [0, 0], sizes = [1000, 64], strides = [1, 1]} : vector<1000x128xf32> to vector<1000x64xf32>
    %logistic3A_426 = arith.negf %slice3A_425 : vector<1000x64xf32>
    %logistic3A_427 = math.exp %logistic3A_426 : vector<1000x64xf32>
    %logistic3A_428 = arith.constant 1.000000e+00 : f32
    %logistic3A_429 = vector.broadcast %logistic3A_428 : f32 to vector<1000x64xf32>
    %logistic3A_430 = arith.addf %logistic3A_429, %logistic3A_427 : vector<1000x64xf32>
    %logistic3A_431 = arith.divf %logistic3A_429, %logistic3A_430 : vector<1000x64xf32>
    %slice3A_432 = vector.extract_strided_slice %add3A_424 {offsets = [0, 64], sizes = [1000, 64], strides = [1, 1]} : vector<1000x128xf32> to vector<1000x64xf32>
    %custom_jvp_call3A_433 = arith.constant 0.000000e+00 : f32
    %max3A_434 = vector.broadcast %custom_jvp_call3A_433 : f32 to vector<1000x64xf32>
    %max3A_435 = arith.maximumf %slice3A_432, %max3A_434 : vector<1000x64xf32>
    %sub3A_436 = vector.broadcast %custom_jvp_call3A_433 : f32 to vector<1000x64xf32>
    %sub3A_437 = arith.subf %slice3A_432, %sub3A_436 : vector<1000x64xf32>
    %ne3A_438 = arith.cmpf one, %sub3A_437, %sub3A_437 : vector<1000x64xf32>
    %add3A_439 = vector.broadcast %custom_jvp_call3A_433 : f32 to vector<1000x64xf32>
    %add3A_440 = arith.addf %slice3A_432, %add3A_439 : vector<1000x64xf32>
    %abs3A_441 = math.absf %sub3A_437 : vector<1000x64xf32>
    %neg3A_442 = arith.constant 0.000000e+00 : f32
    %neg3A_443 = vector.broadcast %neg3A_442 : f32 to vector<1000x64xf32>
    %neg3A_444 = arith.subf %neg3A_443, %abs3A_441 : vector<1000x64xf32>
    %exp3A_445 = math.exp %neg3A_444 : vector<1000x64xf32>
    %log1p3A_446 = math.log1p %exp3A_445 : vector<1000x64xf32>
    %add3A_447 = arith.addf %max3A_435, %log1p3A_446 : vector<1000x64xf32>
    %select_n3A_448 = arith.select %ne3A_438, %add3A_440, %add3A_447 : vector<1000x64xi1>, vector<1000x64xf32>
    %mul3A_449 = arith.mulf %logistic3A_431, %select_n3A_448 : vector<1000x64xf32>
    %add3A_450 = arith.addf %add3A_412, %mul3A_449 : vector<1000x64xf32>
    %get3A_451 = arith.constant 0 : index
    %get3A_452 = arith.constant 0 : index
    %get3A_453 = vector.load %arg13[%get3A_451, %get3A_452] : memref<1000x128xf32, #tpu.memory_space<vmem>>, vector<1000x128xf32>
    %mul3A_454 = vector.broadcast %mul3A_15 : vector<1x128xf32> to vector<1000x128xf32>
    %mul3A_455 = arith.mulf %get3A_453, %mul3A_454 : vector<1000x128xf32>
    %add3A_456 = arith.addf %add3A_36, %mul3A_455 : vector<1000x128xf32>
    %get3A_457 = arith.constant 0 : index
    %get3A_458 = arith.constant 0 : index
    %get3A_459 = vector.load %arg25[%get3A_457, %get3A_458] : memref<1000x41xbf16, #tpu.memory_space<vmem>>, vector<1000x41xbf16>
    %dot_general3A_460 = arith.constant dense<0.000000e+00> : vector<1000x128xf32>
    %dot_general3A_461 = tpu.matmul %get3A_459, %convert_element_type3A, %dot_general3A_460 {dimension_numbers = #tpu.dot_dimension_numbers<[1], [0], [0], [1], [0, 0, 1, 1], [], []>, transpose_lhs_hint = false} : vector<1000x41xbf16>, vector<41x128xbf16>, vector<1000x128xf32> -> vector<1000x128xf32>
    %add3A_462 = arith.addf %add3A_456, %dot_general3A_461 : vector<1000x128xf32>
    %slice3A_463 = vector.extract_strided_slice %add3A_462 {offsets = [0, 0], sizes = [1000, 64], strides = [1, 1]} : vector<1000x128xf32> to vector<1000x64xf32>
    %logistic3A_464 = arith.negf %slice3A_463 : vector<1000x64xf32>
    %logistic3A_465 = math.exp %logistic3A_464 : vector<1000x64xf32>
    %logistic3A_466 = arith.constant 1.000000e+00 : f32
    %logistic3A_467 = vector.broadcast %logistic3A_466 : f32 to vector<1000x64xf32>
    %logistic3A_468 = arith.addf %logistic3A_467, %logistic3A_465 : vector<1000x64xf32>
    %logistic3A_469 = arith.divf %logistic3A_467, %logistic3A_468 : vector<1000x64xf32>
    %slice3A_470 = vector.extract_strided_slice %add3A_462 {offsets = [0, 64], sizes = [1000, 64], strides = [1, 1]} : vector<1000x128xf32> to vector<1000x64xf32>
    %custom_jvp_call3A_471 = arith.constant 0.000000e+00 : f32
    %max3A_472 = vector.broadcast %custom_jvp_call3A_471 : f32 to vector<1000x64xf32>
    %max3A_473 = arith.maximumf %slice3A_470, %max3A_472 : vector<1000x64xf32>
    %sub3A_474 = vector.broadcast %custom_jvp_call3A_471 : f32 to vector<1000x64xf32>
    %sub3A_475 = arith.subf %slice3A_470, %sub3A_474 : vector<1000x64xf32>
    %ne3A_476 = arith.cmpf one, %sub3A_475, %sub3A_475 : vector<1000x64xf32>
    %add3A_477 = vector.broadcast %custom_jvp_call3A_471 : f32 to vector<1000x64xf32>
    %add3A_478 = arith.addf %slice3A_470, %add3A_477 : vector<1000x64xf32>
    %abs3A_479 = math.absf %sub3A_475 : vector<1000x64xf32>
    %neg3A_480 = arith.constant 0.000000e+00 : f32
    %neg3A_481 = vector.broadcast %neg3A_480 : f32 to vector<1000x64xf32>
    %neg3A_482 = arith.subf %neg3A_481, %abs3A_479 : vector<1000x64xf32>
    %exp3A_483 = math.exp %neg3A_482 : vector<1000x64xf32>
    %log1p3A_484 = math.log1p %exp3A_483 : vector<1000x64xf32>
    %add3A_485 = arith.addf %max3A_473, %log1p3A_484 : vector<1000x64xf32>
    %select_n3A_486 = arith.select %ne3A_476, %add3A_478, %add3A_485 : vector<1000x64xi1>, vector<1000x64xf32>
    %mul3A_487 = arith.mulf %logistic3A_469, %select_n3A_486 : vector<1000x64xf32>
    %add3A_488 = arith.addf %add3A_450, %mul3A_487 : vector<1000x64xf32>
    %swap3A = arith.constant 0 : index
    %swap3A_489 = arith.constant 0 : index
    %swap3A_490 = vector.load %arg33[%swap3A, %swap3A_489] : memref<1000x64xf32, #tpu.memory_space<vmem>>, vector<1000x64xf32>
    tpu.vector_store %arg33[%swap3A, %swap3A_489], %add3A_488 {strides = array<i32>} : memref<1000x64xf32, #tpu.memory_space<vmem>>, vector<1000x64xf32>,
    %eq3A = arith.constant 0 : i32
    %eq3A_491 = arith.cmpi eq, %arg0, %eq3A : i32
    %convert_element_type3A_492 = arith.extui %eq3A_491 : i1 to i32
    %cond3A = arith.constant 0 : i32
    %cond3A_493 = arith.cmpi ne, %convert_element_type3A_492, %cond3A : i32
    scf.if %cond3A_493 {
      %broadcast_in_dim3A_514 = arith.constant 0.000000e+00 : f32
      %broadcast_in_dim3A_515 = vector.broadcast %broadcast_in_dim3A_514 : f32 to vector<1x64xf32>
      %swap3A_516 = arith.constant 0 : index
      %swap3A_517 = arith.constant 0 : index
      %swap3A_518 = vector.load %arg34[%swap3A_516, %swap3A_517] : memref<1x64xf32, #tpu.memory_space<vmem>>, vector<1x64xf32>
      tpu.vector_store %arg34[%swap3A_516, %swap3A_517], %broadcast_in_dim3A_515 {strides = array<i32>} : memref<1x64xf32, #tpu.memory_space<vmem>>, vector<1x64xf32>,
      %broadcast_in_dim3A_519 = arith.constant 0.000000e+00 : f32
      %broadcast_in_dim3A_520 = vector.broadcast %broadcast_in_dim3A_519 : f32 to vector<1x64xf32>
      %swap3A_521 = arith.constant 0 : index
      %swap3A_522 = arith.constant 0 : index
      %swap3A_523 = vector.load %arg35[%swap3A_521, %swap3A_522] : memref<1x64xf32, #tpu.memory_space<vmem>>, vector<1x64xf32>
      tpu.vector_store %arg35[%swap3A_521, %swap3A_522], %broadcast_in_dim3A_520 {strides = array<i32>} : memref<1x64xf32, #tpu.memory_space<vmem>>, vector<1x64xf32>,
    } else {
    }
    %get3A_494 = arith.constant 0 : index
    %get3A_495 = arith.constant 0 : index
    %get3A_496 = vector.load %arg34[%get3A_494, %get3A_495] : memref<1x64xf32, #tpu.memory_space<vmem>>, vector<1x64xf32>
    %reduce_sum3A = arith.constant dense<0.000000e+00> : vector<64xf32>
    %reduce_sum3A_497 = vector.multi_reduction <add>, %add3A_488, %reduce_sum3A [0] : vector<1000x64xf32> to vector<64xf32>
    %broadcast_in_dim3A_498 = vector.shape_cast %reduce_sum3A_497 : vector<64xf32> to vector<1x64xf32>
    %add3A_499 = arith.addf %get3A_496, %broadcast_in_dim3A_498 : vector<1x64xf32>
    %swap3A_500 = arith.constant 0 : index
    %swap3A_501 = arith.constant 0 : index
    %swap3A_502 = vector.load %arg34[%swap3A_500, %swap3A_501] : memref<1x64xf32, #tpu.memory_space<vmem>>, vector<1x64xf32>
    tpu.vector_store %arg34[%swap3A_500, %swap3A_501], %add3A_499 {strides = array<i32>} : memref<1x64xf32, #tpu.memory_space<vmem>>, vector<1x64xf32>,
    %get3A_503 = arith.constant 0 : index
    %get3A_504 = arith.constant 0 : index
    %get3A_505 = vector.load %arg35[%get3A_503, %get3A_504] : memref<1x64xf32, #tpu.memory_space<vmem>>, vector<1x64xf32>
    %mul3A_506 = arith.mulf %add3A_488, %add3A_488 : vector<1000x64xf32>
    %reduce_sum3A_507 = arith.constant dense<0.000000e+00> : vector<64xf32>
    %reduce_sum3A_508 = vector.multi_reduction <add>, %mul3A_506, %reduce_sum3A_507 [0] : vector<1000x64xf32> to vector<64xf32>
    %broadcast_in_dim3A_509 = vector.shape_cast %reduce_sum3A_508 : vector<64xf32> to vector<1x64xf32>
    %add3A_510 = arith.addf %get3A_505, %broadcast_in_dim3A_509 : vector<1x64xf32>
    %swap3A_511 = arith.constant 0 : index
    %swap3A_512 = arith.constant 0 : index
    %swap3A_513 = vector.load %arg35[%swap3A_511, %swap3A_512] : memref<1x64xf32, #tpu.memory_space<vmem>>, vector<1x64xf32>
    tpu.vector_store %arg35[%swap3A_511, %swap3A_512], %add3A_510 {strides = array<i32>} : memref<1x64xf32, #tpu.memory_space<vmem>>, vector<1x64xf32>,
    return
  }
  func.func @transform_0(%arg0: i32) -> (i32, i32) {
    %c0_i32 = arith.constant 0 : i32
    %c0_i32_0 = arith.constant 0 : i32
    return %arg0, %c0_i32 : i32, i32
  }
  func.func @transform_1(%arg0: i32) -> (i32, i32) {
    %add3A = arith.constant 0 : i32
    %add3A_0 = arith.addi %add3A, %arg0 : i32
    %c0_i32 = arith.constant 0 : i32
    %c0_i32_1 = arith.constant 0 : i32
    return %add3A_0, %c0_i32 : i32, i32
  }
  func.func @transform_2(%arg0: i32) -> (i32, i32) {
    %add3A = arith.constant 10 : i32
    %add3A_0 = arith.addi %add3A, %arg0 : i32
    %c0_i32 = arith.constant 0 : i32
    %c0_i32_1 = arith.constant 0 : i32
    return %add3A_0, %c0_i32 : i32, i32
  }
  func.func @transform_3(%arg0: i32) -> (i32, i32) {
    %add3A = arith.constant 20 : i32
    %add3A_0 = arith.addi %add3A, %arg0 : i32
    %c0_i32 = arith.constant 0 : i32
    %c0_i32_1 = arith.constant 0 : i32
    return %add3A_0, %c0_i32 : i32, i32
  }
  func.func @transform_4(%arg0: i32) -> (i32, i32) {
    %add3A = arith.constant 30 : i32
    %add3A_0 = arith.addi %add3A, %arg0 : i32
    %c0_i32 = arith.constant 0 : i32
    %c0_i32_1 = arith.constant 0 : i32
    return %add3A_0, %c0_i32 : i32, i32
  }
  func.func @transform_5(%arg0: i32) -> (i32, i32) {
    %add3A = arith.constant 40 : i32
    %add3A_0 = arith.addi %add3A, %arg0 : i32
    %c0_i32 = arith.constant 0 : i32
    %c0_i32_1 = arith.constant 0 : i32
    return %add3A_0, %c0_i32 : i32, i32
  }
  func.func @transform_6(%arg0: i32) -> (i32, i32) {
    %add3A = arith.constant 50 : i32
    %add3A_0 = arith.addi %add3A, %arg0 : i32
    %c0_i32 = arith.constant 0 : i32
    %c0_i32_1 = arith.constant 0 : i32
    return %add3A_0, %c0_i32 : i32, i32
  }
  func.func @transform_7(%arg0: i32) -> (i32, i32) {
    %add3A = arith.constant 60 : i32
    %add3A_0 = arith.addi %add3A, %arg0 : i32
    %c0_i32 = arith.constant 0 : i32
    %c0_i32_1 = arith.constant 0 : i32
    return %add3A_0, %c0_i32 : i32, i32
  }
  func.func @transform_8(%arg0: i32) -> (i32, i32) {
    %add3A = arith.constant 70 : i32
    %add3A_0 = arith.addi %add3A, %arg0 : i32
    %c0_i32 = arith.constant 0 : i32
    %c0_i32_1 = arith.constant 0 : i32
    return %add3A_0, %c0_i32 : i32, i32
  }
  func.func @transform_9(%arg0: i32) -> (i32, i32) {
    %add3A = arith.constant 80 : i32
    %add3A_0 = arith.addi %add3A, %arg0 : i32
    %c0_i32 = arith.constant 0 : i32
    %c0_i32_1 = arith.constant 0 : i32
    return %add3A_0, %c0_i32 : i32, i32
  }
  func.func @transform_10(%arg0: i32) -> (i32, i32) {
    %add3A = arith.constant 90 : i32
    %add3A_0 = arith.addi %add3A, %arg0 : i32
    %c0_i32 = arith.constant 0 : i32
    %c0_i32_1 = arith.constant 0 : i32
    return %add3A_0, %c0_i32 : i32, i32
  }
  func.func @transform_11(%arg0: i32) -> (i32, i32) {
    %add3A = arith.constant 100 : i32
    %add3A_0 = arith.addi %add3A, %arg0 : i32
    %c0_i32 = arith.constant 0 : i32
    %c0_i32_1 = arith.constant 0 : i32
    return %add3A_0, %c0_i32 : i32, i32
  }
  func.func @transform_12(%arg0: i32) -> (i32, i32) {
    %add3A = arith.constant 110 : i32
    %add3A_0 = arith.addi %add3A, %arg0 : i32
    %c0_i32 = arith.constant 0 : i32
    %c0_i32_1 = arith.constant 0 : i32
    return %add3A_0, %c0_i32 : i32, i32
  }
  func.func @transform_13(%arg0: i32) -> (i32, i32) {
    %add3A = arith.constant 0 : i32
    %add3A_0 = arith.addi %add3A, %arg0 : i32
    %c0_i32 = arith.constant 0 : i32
    %c0_i32_1 = arith.constant 0 : i32
    return %add3A_0, %c0_i32 : i32, i32
  }
  func.func @transform_14(%arg0: i32) -> (i32, i32) {
    %add3A = arith.constant 10 : i32
    %add3A_0 = arith.addi %add3A, %arg0 : i32
    %c0_i32 = arith.constant 0 : i32
    %c0_i32_1 = arith.constant 0 : i32
    return %add3A_0, %c0_i32 : i32, i32
  }
  func.func @transform_15(%arg0: i32) -> (i32, i32) {
    %add3A = arith.constant 20 : i32
    %add3A_0 = arith.addi %add3A, %arg0 : i32
    %c0_i32 = arith.constant 0 : i32
    %c0_i32_1 = arith.constant 0 : i32
    return %add3A_0, %c0_i32 : i32, i32
  }
  func.func @transform_16(%arg0: i32) -> (i32, i32) {
    %add3A = arith.constant 30 : i32
    %add3A_0 = arith.addi %add3A, %arg0 : i32
    %c0_i32 = arith.constant 0 : i32
    %c0_i32_1 = arith.constant 0 : i32
    return %add3A_0, %c0_i32 : i32, i32
  }
  func.func @transform_17(%arg0: i32) -> (i32, i32) {
    %add3A = arith.constant 40 : i32
    %add3A_0 = arith.addi %add3A, %arg0 : i32
    %c0_i32 = arith.constant 0 : i32
    %c0_i32_1 = arith.constant 0 : i32
    return %add3A_0, %c0_i32 : i32, i32
  }
  func.func @transform_18(%arg0: i32) -> (i32, i32) {
    %add3A = arith.constant 50 : i32
    %add3A_0 = arith.addi %add3A, %arg0 : i32
    %c0_i32 = arith.constant 0 : i32
    %c0_i32_1 = arith.constant 0 : i32
    return %add3A_0, %c0_i32 : i32, i32
  }
  func.func @transform_19(%arg0: i32) -> (i32, i32) {
    %add3A = arith.constant 60 : i32
    %add3A_0 = arith.addi %add3A, %arg0 : i32
    %c0_i32 = arith.constant 0 : i32
    %c0_i32_1 = arith.constant 0 : i32
    return %add3A_0, %c0_i32 : i32, i32
  }
  func.func @transform_20(%arg0: i32) -> (i32, i32) {
    %add3A = arith.constant 70 : i32
    %add3A_0 = arith.addi %add3A, %arg0 : i32
    %c0_i32 = arith.constant 0 : i32
    %c0_i32_1 = arith.constant 0 : i32
    return %add3A_0, %c0_i32 : i32, i32
  }
  func.func @transform_21(%arg0: i32) -> (i32, i32) {
    %add3A = arith.constant 80 : i32
    %add3A_0 = arith.addi %add3A, %arg0 : i32
    %c0_i32 = arith.constant 0 : i32
    %c0_i32_1 = arith.constant 0 : i32
    return %add3A_0, %c0_i32 : i32, i32
  }
  func.func @transform_22(%arg0: i32) -> (i32, i32) {
    %add3A = arith.constant 90 : i32
    %add3A_0 = arith.addi %add3A, %arg0 : i32
    %c0_i32 = arith.constant 0 : i32
    %c0_i32_1 = arith.constant 0 : i32
    return %add3A_0, %c0_i32 : i32, i32
  }
  func.func @transform_23(%arg0: i32) -> (i32, i32) {
    %add3A = arith.constant 100 : i32
    %add3A_0 = arith.addi %add3A, %arg0 : i32
    %c0_i32 = arith.constant 0 : i32
    %c0_i32_1 = arith.constant 0 : i32
    return %add3A_0, %c0_i32 : i32, i32
  }
  func.func @transform_24(%arg0: i32) -> (i32, i32) {
    %add3A = arith.constant 110 : i32
    %add3A_0 = arith.addi %add3A, %arg0 : i32
    %c0_i32 = arith.constant 0 : i32
    %c0_i32_1 = arith.constant 0 : i32
    return %add3A_0, %c0_i32 : i32, i32
  }
  func.func @transform_25(%arg0: i32) -> (i32, i32) {
    %c0_i32 = arith.constant 0 : i32
    %c0_i32_0 = arith.constant 0 : i32
    %c0_i32_1 = arith.constant 0 : i32
    return %c0_i32, %c0_i32_0 : i32, i32
  }
  func.func @transform_26(%arg0: i32) -> (i32, i32) {
    %c0_i32 = arith.constant 0 : i32
    %c0_i32_0 = arith.constant 0 : i32
    %c0_i32_1 = arith.constant 0 : i32
    return %c0_i32, %c0_i32_0 : i32, i32
  }
  func.func @transform_27(%arg0: i32) -> (i32, i32) {
    %c0_i32 = arith.constant 0 : i32
    %c0_i32_0 = arith.constant 0 : i32
    %c0_i32_1 = arith.constant 0 : i32
    return %c0_i32, %c0_i32_0 : i32, i32
  }
  func.func @transform_28(%arg0: i32) -> (i32, i32) {
    %c0_i32 = arith.constant 0 : i32
    %c0_i32_0 = arith.constant 0 : i32
    %c0_i32_1 = arith.constant 0 : i32
    return %c0_i32, %c0_i32_0 : i32, i32
  }
  func.func @transform_29(%arg0: i32) -> (i32, i32) {
    %c0_i32 = arith.constant 0 : i32
    %c0_i32_0 = arith.constant 0 : i32
    %c0_i32_1 = arith.constant 0 : i32
    return %c0_i32, %c0_i32_0 : i32, i32
  }
  func.func @transform_30(%arg0: i32) -> (i32, i32) {
    %c0_i32 = arith.constant 0 : i32
    %c0_i32_0 = arith.constant 0 : i32
    %c0_i32_1 = arith.constant 0 : i32
    return %c0_i32, %c0_i32_0 : i32, i32
  }
  func.func @transform_31(%arg0: i32) -> (i32, i32) {
    %c0_i32 = arith.constant 0 : i32
    %c0_i32_0 = arith.constant 0 : i32
    %c0_i32_1 = arith.constant 0 : i32
    return %c0_i32, %c0_i32_0 : i32, i32
  }
  func.func @transform_32(%arg0: i32) -> (i32, i32) {
    %c0_i32 = arith.constant 0 : i32
    %c0_i32_0 = arith.constant 0 : i32
    return %arg0, %c0_i32 : i32, i32
  }
  func.func @transform_33(%arg0: i32) -> (i32, i32) {
    %c0_i32 = arith.constant 0 : i32
    %c0_i32_0 = arith.constant 0 : i32
    %c0_i32_1 = arith.constant 0 : i32
    return %c0_i32, %c0_i32_0 : i32, i32
  }
  func.func @transform_34(%arg0: i32) -> (i32, i32) {
    %c0_i32 = arith.constant 0 : i32
    %c0_i32_0 = arith.constant 0 : i32
    %c0_i32_1 = arith.constant 0 : i32
    return %c0_i32, %c0_i32_0 : i32, i32
  }
}

module attributes {stable_mosaic.version = 14 : i64} {
  func.func @body(%arg0: i32, %arg1: memref<2000x64xf32, #tpu.memory_space<vmem>>, %arg2: memref<2000x64xf32, #tpu.memory_space<vmem>>, %arg3: memref<1x64xf32, #tpu.memory_space<vmem>>, %arg4: memref<1x64xf32, #tpu.memory_space<vmem>>, %arg5: memref<1x64xf32, #tpu.memory_space<vmem>>, %arg6: memref<1x64xf32, #tpu.memory_space<vmem>>, %arg7: memref<64x128xf32, #tpu.memory_space<vmem>>, %arg8: memref<2000x64xf32, #tpu.memory_space<vmem>>, %arg9: memref<2000x128xf32, #tpu.memory_space<vmem>>) attributes {dimension_semantics = [#tpu.dimension_semantics<arbitrary>], iteration_bounds = array<i64: 5>, scalar_prefetch = 0 : i64, scratch_operands = 0 : i64, tpu.core_type = #tpu.core_type<tc>, window_params = [{transform_indices = @transform_0, window_bounds = array<i64: 2000, 64>}, {transform_indices = @transform_1, window_bounds = array<i64: 2000, 64>}, {pipeline_mode = #tpu.pipeline_mode<synchronous>, transform_indices = @transform_2, window_bounds = array<i64: 1, 64>}, {pipeline_mode = #tpu.pipeline_mode<synchronous>, transform_indices = @transform_3, window_bounds = array<i64: 1, 64>}, {pipeline_mode = #tpu.pipeline_mode<synchronous>, transform_indices = @transform_4, window_bounds = array<i64: 1, 64>}, {pipeline_mode = #tpu.pipeline_mode<synchronous>, transform_indices = @transform_5, window_bounds = array<i64: 1, 64>}, {pipeline_mode = #tpu.pipeline_mode<synchronous>, transform_indices = @transform_6, window_bounds = array<i64: 64, 128>}, {transform_indices = @transform_7, window_bounds = array<i64: 2000, 64>}, {transform_indices = @transform_8, window_bounds = array<i64: 2000, 128>}]} {
    %get3A = arith.constant 0 : index
    %get3A_0 = arith.constant 0 : index
    %get3A_1 = vector.load %arg3[%get3A, %get3A_0] : memref<1x64xf32, #tpu.memory_space<vmem>>, vector<1x64xf32>
    %div3A = arith.constant 1.000000e+04 : f32
    %div3A_2 = vector.broadcast %div3A : f32 to vector<1x64xf32>
    %div3A_3 = arith.divf %get3A_1, %div3A_2 : vector<1x64xf32>
    %get3A_4 = arith.constant 0 : index
    %get3A_5 = arith.constant 0 : index
    %get3A_6 = vector.load %arg4[%get3A_4, %get3A_5] : memref<1x64xf32, #tpu.memory_space<vmem>>, vector<1x64xf32>
    %div3A_7 = arith.constant 1.000000e+04 : f32
    %div3A_8 = vector.broadcast %div3A_7 : f32 to vector<1x64xf32>
    %div3A_9 = arith.divf %get3A_6, %div3A_8 : vector<1x64xf32>
    %mul3A = arith.mulf %div3A_3, %div3A_3 : vector<1x64xf32>
    %sub3A = arith.subf %div3A_9, %mul3A : vector<1x64xf32>
    %get3A_10 = arith.constant 0 : index
    %get3A_11 = arith.constant 0 : index
    %get3A_12 = vector.load %arg5[%get3A_10, %get3A_11] : memref<1x64xf32, #tpu.memory_space<vmem>>, vector<1x64xf32>
    %add3A = arith.constant 9.99999974E-6 : f32
    %add3A_13 = vector.broadcast %add3A : f32 to vector<1x64xf32>
    %add3A_14 = arith.addf %sub3A, %add3A_13 : vector<1x64xf32>
    %rsqrt3A = math.rsqrt %add3A_14 : vector<1x64xf32>
    %mul3A_15 = arith.mulf %get3A_12, %rsqrt3A : vector<1x64xf32>
    %get3A_16 = arith.constant 0 : index
    %get3A_17 = arith.constant 0 : index
    %get3A_18 = vector.load %arg6[%get3A_16, %get3A_17] : memref<1x64xf32, #tpu.memory_space<vmem>>, vector<1x64xf32>
    %mul3A_19 = arith.mulf %div3A_3, %mul3A_15 : vector<1x64xf32>
    %sub3A_20 = arith.subf %get3A_18, %mul3A_19 : vector<1x64xf32>
    %get3A_21 = arith.constant 0 : index
    %get3A_22 = arith.constant 0 : index
    %get3A_23 = vector.load %arg1[%get3A_21, %get3A_22] : memref<2000x64xf32, #tpu.memory_space<vmem>>, vector<2000x64xf32>
    %get3A_24 = arith.constant 0 : index
    %get3A_25 = arith.constant 0 : index
    %get3A_26 = vector.load %arg2[%get3A_24, %get3A_25] : memref<2000x64xf32, #tpu.memory_space<vmem>>, vector<2000x64xf32>
    %mul3A_27 = vector.broadcast %mul3A_15 : vector<1x64xf32> to vector<2000x64xf32>
    %mul3A_28 = arith.mulf %get3A_26, %mul3A_27 : vector<2000x64xf32>
    %add3A_29 = arith.addf %get3A_23, %mul3A_28 : vector<2000x64xf32>
    %add3A_30 = vector.broadcast %sub3A_20 : vector<1x64xf32> to vector<2000x64xf32>
    %add3A_31 = arith.addf %add3A_29, %add3A_30 : vector<2000x64xf32>
    %custom_jvp_call3A = arith.constant 0.000000e+00 : f32
    %max3A = vector.broadcast %custom_jvp_call3A : f32 to vector<2000x64xf32>
    %max3A_32 = arith.maximumf %add3A_31, %max3A : vector<2000x64xf32>
    %sub3A_33 = vector.broadcast %custom_jvp_call3A : f32 to vector<2000x64xf32>
    %sub3A_34 = arith.subf %add3A_31, %sub3A_33 : vector<2000x64xf32>
    %ne3A = arith.cmpf one, %sub3A_34, %sub3A_34 : vector<2000x64xf32>
    %add3A_35 = vector.broadcast %custom_jvp_call3A : f32 to vector<2000x64xf32>
    %add3A_36 = arith.addf %add3A_31, %add3A_35 : vector<2000x64xf32>
    %abs3A = math.absf %sub3A_34 : vector<2000x64xf32>
    %neg3A = arith.constant 0.000000e+00 : f32
    %neg3A_37 = vector.broadcast %neg3A : f32 to vector<2000x64xf32>
    %neg3A_38 = arith.subf %neg3A_37, %abs3A : vector<2000x64xf32>
    %exp3A = math.exp %neg3A_38 : vector<2000x64xf32>
    %log1p3A = math.log1p %exp3A : vector<2000x64xf32>
    %add3A_39 = arith.addf %max3A_32, %log1p3A : vector<2000x64xf32>
    %select_n3A = arith.select %ne3A, %add3A_36, %add3A_39 : vector<2000x64xi1>, vector<2000x64xf32>
    %swap3A = arith.constant 0 : index
    %swap3A_40 = arith.constant 0 : index
    %swap3A_41 = vector.load %arg8[%swap3A, %swap3A_40] : memref<2000x64xf32, #tpu.memory_space<vmem>>, vector<2000x64xf32>
    tpu.vector_store %arg8[%swap3A, %swap3A_40], %select_n3A {strides = array<i32>} : memref<2000x64xf32, #tpu.memory_space<vmem>>, vector<2000x64xf32>,
    %get3A_42 = arith.constant 0 : index
    %get3A_43 = arith.constant 0 : index
    %get3A_44 = vector.load %arg7[%get3A_42, %get3A_43] : memref<64x128xf32, #tpu.memory_space<vmem>>, vector<64x128xf32>
    %dot_general3A = arith.constant dense<0.000000e+00> : vector<2000x128xf32>
    %dot_general3A_45 = tpu.matmul %select_n3A, %get3A_44, %dot_general3A {dimension_numbers = #tpu.dot_dimension_numbers<[1], [0], [0], [1], [0, 0, 1, 1], [], []>, transpose_lhs_hint = false} : vector<2000x64xf32>, vector<64x128xf32>, vector<2000x128xf32> -> vector<2000x128xf32>
    %swap3A_46 = arith.constant 0 : index
    %swap3A_47 = arith.constant 0 : index
    %swap3A_48 = vector.load %arg9[%swap3A_46, %swap3A_47] : memref<2000x128xf32, #tpu.memory_space<vmem>>, vector<2000x128xf32>
    tpu.vector_store %arg9[%swap3A_46, %swap3A_47], %dot_general3A_45 {strides = array<i32>} : memref<2000x128xf32, #tpu.memory_space<vmem>>, vector<2000x128xf32>,
    return
  }
  func.func @transform_0(%arg0: i32) -> (i32, i32) {
    %c0_i32 = arith.constant 0 : i32
    %c0_i32_0 = arith.constant 0 : i32
    return %arg0, %c0_i32 : i32, i32
  }
  func.func @transform_1(%arg0: i32) -> (i32, i32) {
    %c0_i32 = arith.constant 0 : i32
    %c0_i32_0 = arith.constant 0 : i32
    return %arg0, %c0_i32 : i32, i32
  }
  func.func @transform_2(%arg0: i32) -> (i32, i32) {
    %c0_i32 = arith.constant 0 : i32
    %c0_i32_0 = arith.constant 0 : i32
    %c0_i32_1 = arith.constant 0 : i32
    return %c0_i32, %c0_i32_0 : i32, i32
  }
  func.func @transform_3(%arg0: i32) -> (i32, i32) {
    %c0_i32 = arith.constant 0 : i32
    %c0_i32_0 = arith.constant 0 : i32
    %c0_i32_1 = arith.constant 0 : i32
    return %c0_i32, %c0_i32_0 : i32, i32
  }
  func.func @transform_4(%arg0: i32) -> (i32, i32) {
    %c0_i32 = arith.constant 0 : i32
    %c0_i32_0 = arith.constant 0 : i32
    %c0_i32_1 = arith.constant 0 : i32
    return %c0_i32, %c0_i32_0 : i32, i32
  }
  func.func @transform_5(%arg0: i32) -> (i32, i32) {
    %c0_i32 = arith.constant 0 : i32
    %c0_i32_0 = arith.constant 0 : i32
    %c0_i32_1 = arith.constant 0 : i32
    return %c0_i32, %c0_i32_0 : i32, i32
  }
  func.func @transform_6(%arg0: i32) -> (i32, i32) {
    %c0_i32 = arith.constant 0 : i32
    %c0_i32_0 = arith.constant 0 : i32
    %c0_i32_1 = arith.constant 0 : i32
    return %c0_i32, %c0_i32_0 : i32, i32
  }
  func.func @transform_7(%arg0: i32) -> (i32, i32) {
    %c0_i32 = arith.constant 0 : i32
    %c0_i32_0 = arith.constant 0 : i32
    return %arg0, %c0_i32 : i32, i32
  }
  func.func @transform_8(%arg0: i32) -> (i32, i32) {
    %c0_i32 = arith.constant 0 : i32
    %c0_i32_0 = arith.constant 0 : i32
    return %arg0, %c0_i32 : i32, i32
  }
}

module attributes {stable_mosaic.version = 14 : i64} {
  func.func @body(%arg0: i32, %arg1: memref<10x50x64xf32, #tpu.memory_space<vmem>>, %arg2: memref<6x64x64xf32, #tpu.memory_space<vmem>>, %arg3: memref<6x6xf32, #tpu.memory_space<smem>>, %arg4: memref<1x6xf32, #tpu.memory_space<smem>>, %arg5: memref<5x64x64xf32, #tpu.memory_space<vmem>>, %arg6: memref<5x5xf32, #tpu.memory_space<smem>>, %arg7: memref<1x5xf32, #tpu.memory_space<smem>>, %arg8: memref<64x92xf32, #tpu.memory_space<vmem>>, %arg9: memref<1x92xf32, #tpu.memory_space<vmem>>, %arg10: memref<10x50x50xf32, #tpu.memory_space<vmem>>, %arg11: memref<10x50x50xf32, #tpu.memory_space<vmem>>, %arg12: memref<10x50x50xf32, #tpu.memory_space<vmem>>, %arg13: memref<10x50x50xf32, #tpu.memory_space<vmem>>, %arg14: memref<10x50x50xf32, #tpu.memory_space<vmem>>, %arg15: memref<10x50x50xf32, #tpu.memory_space<vmem>>, %arg16: memref<10x50x50xf32, #tpu.memory_space<vmem>>, %arg17: memref<10x50x50xf32, #tpu.memory_space<vmem>>, %arg18: memref<10x50x50xf32, #tpu.memory_space<vmem>>, %arg19: memref<10x50x50xf32, #tpu.memory_space<vmem>>, %arg20: memref<10x50x50xf32, #tpu.memory_space<vmem>>, %arg21: memref<10x50x92xf32, #tpu.memory_space<vmem>>) attributes {dimension_semantics = [#tpu.dimension_semantics<arbitrary>], iteration_bounds = array<i64: 20>, scalar_prefetch = 0 : i64, scratch_operands = 0 : i64, tpu.core_type = #tpu.core_type<tc>, window_params = [{transform_indices = @transform_0, window_bounds = array<i64: 10, 50, 64>}, {pipeline_mode = #tpu.pipeline_mode<synchronous>, transform_indices = @transform_1, window_bounds = array<i64: 6, 64, 64>}, {transform_indices = @transform_2, window_bounds = array<i64: 6, 6>}, {transform_indices = @transform_3, window_bounds = array<i64: 1, 6>}, {pipeline_mode = #tpu.pipeline_mode<synchronous>, transform_indices = @transform_4, window_bounds = array<i64: 5, 64, 64>}, {transform_indices = @transform_5, window_bounds = array<i64: 5, 5>}, {transform_indices = @transform_6, window_bounds = array<i64: 1, 5>}, {pipeline_mode = #tpu.pipeline_mode<synchronous>, transform_indices = @transform_7, window_bounds = array<i64: 64, 92>}, {pipeline_mode = #tpu.pipeline_mode<synchronous>, transform_indices = @transform_8, window_bounds = array<i64: 1, 92>}, {transform_indices = @transform_9, window_bounds = array<i64: 10, 50, 50>}, {transform_indices = @transform_10, window_bounds = array<i64: 10, 50, 50>}, {transform_indices = @transform_11, window_bounds = array<i64: 10, 50, 50>}, {transform_indices = @transform_12, window_bounds = array<i64: 10, 50, 50>}, {transform_indices = @transform_13, window_bounds = array<i64: 10, 50, 50>}, {transform_indices = @transform_14, window_bounds = array<i64: 10, 50, 50>}, {transform_indices = @transform_15, window_bounds = array<i64: 10, 50, 50>}, {transform_indices = @transform_16, window_bounds = array<i64: 10, 50, 50>}, {transform_indices = @transform_17, window_bounds = array<i64: 10, 50, 50>}, {transform_indices = @transform_18, window_bounds = array<i64: 10, 50, 50>}, {transform_indices = @transform_19, window_bounds = array<i64: 10, 50, 50>}, {transform_indices = @transform_20, window_bounds = array<i64: 10, 50, 92>}]} {
    %get3A = arith.constant 0 : index
    %get3A_0 = arith.constant 0 : index
    %get3A_1 = memref.load %arg3[%get3A, %get3A_0] : memref<6x6xf32, #tpu.memory_space<smem>>
    %get3A_2 = arith.constant 0 : index
    %get3A_3 = arith.constant 0 : index
    %get3A_4 = arith.constant 0 : index
    %get3A_5 = vector.load %arg2[%get3A_2, %get3A_3, %get3A_4] : memref<6x64x64xf32, #tpu.memory_space<vmem>>, vector<1x64x64xf32>
    %get3A_6 = vector.shape_cast %get3A_5 : vector<1x64x64xf32> to vector<64x64xf32>
    %mul3A = vector.broadcast %get3A_1 : f32 to vector<64x64xf32>
    %mul3A_7 = arith.mulf %mul3A, %get3A_6 : vector<64x64xf32>
    %get3A_8 = arith.constant 0 : index
    %get3A_9 = arith.constant 1 : index
    %get3A_10 = memref.load %arg3[%get3A_8, %get3A_9] : memref<6x6xf32, #tpu.memory_space<smem>>
    %get3A_11 = arith.constant 1 : index
    %get3A_12 = arith.constant 0 : index
    %get3A_13 = arith.constant 0 : index
    %get3A_14 = vector.load %arg2[%get3A_11, %get3A_12, %get3A_13] : memref<6x64x64xf32, #tpu.memory_space<vmem>>, vector<1x64x64xf32>
    %get3A_15 = vector.shape_cast %get3A_14 : vector<1x64x64xf32> to vector<64x64xf32>
    %mul3A_16 = vector.broadcast %get3A_10 : f32 to vector<64x64xf32>
    %mul3A_17 = arith.mulf %mul3A_16, %get3A_15 : vector<64x64xf32>
    %add3A = arith.addf %mul3A_7, %mul3A_17 : vector<64x64xf32>
    %get3A_18 = arith.constant 0 : index
    %get3A_19 = arith.constant 2 : index
    %get3A_20 = memref.load %arg3[%get3A_18, %get3A_19] : memref<6x6xf32, #tpu.memory_space<smem>>
    %get3A_21 = arith.constant 2 : index
    %get3A_22 = arith.constant 0 : index
    %get3A_23 = arith.constant 0 : index
    %get3A_24 = vector.load %arg2[%get3A_21, %get3A_22, %get3A_23] : memref<6x64x64xf32, #tpu.memory_space<vmem>>, vector<1x64x64xf32>
    %get3A_25 = vector.shape_cast %get3A_24 : vector<1x64x64xf32> to vector<64x64xf32>
    %mul3A_26 = vector.broadcast %get3A_20 : f32 to vector<64x64xf32>
    %mul3A_27 = arith.mulf %mul3A_26, %get3A_25 : vector<64x64xf32>
    %add3A_28 = arith.addf %add3A, %mul3A_27 : vector<64x64xf32>
    %get3A_29 = arith.constant 0 : index
    %get3A_30 = arith.constant 3 : index
    %get3A_31 = memref.load %arg3[%get3A_29, %get3A_30] : memref<6x6xf32, #tpu.memory_space<smem>>
    %get3A_32 = arith.constant 3 : index
    %get3A_33 = arith.constant 0 : index
    %get3A_34 = arith.constant 0 : index
    %get3A_35 = vector.load %arg2[%get3A_32, %get3A_33, %get3A_34] : memref<6x64x64xf32, #tpu.memory_space<vmem>>, vector<1x64x64xf32>
    %get3A_36 = vector.shape_cast %get3A_35 : vector<1x64x64xf32> to vector<64x64xf32>
    %mul3A_37 = vector.broadcast %get3A_31 : f32 to vector<64x64xf32>
    %mul3A_38 = arith.mulf %mul3A_37, %get3A_36 : vector<64x64xf32>
    %add3A_39 = arith.addf %add3A_28, %mul3A_38 : vector<64x64xf32>
    %get3A_40 = arith.constant 0 : index
    %get3A_41 = arith.constant 4 : index
    %get3A_42 = memref.load %arg3[%get3A_40, %get3A_41] : memref<6x6xf32, #tpu.memory_space<smem>>
    %get3A_43 = arith.constant 4 : index
    %get3A_44 = arith.constant 0 : index
    %get3A_45 = arith.constant 0 : index
    %get3A_46 = vector.load %arg2[%get3A_43, %get3A_44, %get3A_45] : memref<6x64x64xf32, #tpu.memory_space<vmem>>, vector<1x64x64xf32>
    %get3A_47 = vector.shape_cast %get3A_46 : vector<1x64x64xf32> to vector<64x64xf32>
    %mul3A_48 = vector.broadcast %get3A_42 : f32 to vector<64x64xf32>
    %mul3A_49 = arith.mulf %mul3A_48, %get3A_47 : vector<64x64xf32>
    %add3A_50 = arith.addf %add3A_39, %mul3A_49 : vector<64x64xf32>
    %get3A_51 = arith.constant 0 : index
    %get3A_52 = arith.constant 5 : index
    %get3A_53 = memref.load %arg3[%get3A_51, %get3A_52] : memref<6x6xf32, #tpu.memory_space<smem>>
    %get3A_54 = arith.constant 5 : index
    %get3A_55 = arith.constant 0 : index
    %get3A_56 = arith.constant 0 : index
    %get3A_57 = vector.load %arg2[%get3A_54, %get3A_55, %get3A_56] : memref<6x64x64xf32, #tpu.memory_space<vmem>>, vector<1x64x64xf32>
    %get3A_58 = vector.shape_cast %get3A_57 : vector<1x64x64xf32> to vector<64x64xf32>
    %mul3A_59 = vector.broadcast %get3A_53 : f32 to vector<64x64xf32>
    %mul3A_60 = arith.mulf %mul3A_59, %get3A_58 : vector<64x64xf32>
    %add3A_61 = arith.addf %add3A_50, %mul3A_60 : vector<64x64xf32>
    %get3A_62 = arith.constant 1 : index
    %get3A_63 = arith.constant 0 : index
    %get3A_64 = memref.load %arg3[%get3A_62, %get3A_63] : memref<6x6xf32, #tpu.memory_space<smem>>
    %get3A_65 = arith.constant 0 : index
    %get3A_66 = arith.constant 0 : index
    %get3A_67 = arith.constant 0 : index
    %get3A_68 = vector.load %arg2[%get3A_65, %get3A_66, %get3A_67] : memref<6x64x64xf32, #tpu.memory_space<vmem>>, vector<1x64x64xf32>
    %get3A_69 = vector.shape_cast %get3A_68 : vector<1x64x64xf32> to vector<64x64xf32>
    %mul3A_70 = vector.broadcast %get3A_64 : f32 to vector<64x64xf32>
    %mul3A_71 = arith.mulf %mul3A_70, %get3A_69 : vector<64x64xf32>
    %get3A_72 = arith.constant 1 : index
    %get3A_73 = arith.constant 1 : index
    %get3A_74 = memref.load %arg3[%get3A_72, %get3A_73] : memref<6x6xf32, #tpu.memory_space<smem>>
    %get3A_75 = arith.constant 1 : index
    %get3A_76 = arith.constant 0 : index
    %get3A_77 = arith.constant 0 : index
    %get3A_78 = vector.load %arg2[%get3A_75, %get3A_76, %get3A_77] : memref<6x64x64xf32, #tpu.memory_space<vmem>>, vector<1x64x64xf32>
    %get3A_79 = vector.shape_cast %get3A_78 : vector<1x64x64xf32> to vector<64x64xf32>
    %mul3A_80 = vector.broadcast %get3A_74 : f32 to vector<64x64xf32>
    %mul3A_81 = arith.mulf %mul3A_80, %get3A_79 : vector<64x64xf32>
    %add3A_82 = arith.addf %mul3A_71, %mul3A_81 : vector<64x64xf32>
    %get3A_83 = arith.constant 1 : index
    %get3A_84 = arith.constant 2 : index
    %get3A_85 = memref.load %arg3[%get3A_83, %get3A_84] : memref<6x6xf32, #tpu.memory_space<smem>>
    %get3A_86 = arith.constant 2 : index
    %get3A_87 = arith.constant 0 : index
    %get3A_88 = arith.constant 0 : index
    %get3A_89 = vector.load %arg2[%get3A_86, %get3A_87, %get3A_88] : memref<6x64x64xf32, #tpu.memory_space<vmem>>, vector<1x64x64xf32>
    %get3A_90 = vector.shape_cast %get3A_89 : vector<1x64x64xf32> to vector<64x64xf32>
    %mul3A_91 = vector.broadcast %get3A_85 : f32 to vector<64x64xf32>
    %mul3A_92 = arith.mulf %mul3A_91, %get3A_90 : vector<64x64xf32>
    %add3A_93 = arith.addf %add3A_82, %mul3A_92 : vector<64x64xf32>
    %get3A_94 = arith.constant 1 : index
    %get3A_95 = arith.constant 3 : index
    %get3A_96 = memref.load %arg3[%get3A_94, %get3A_95] : memref<6x6xf32, #tpu.memory_space<smem>>
    %get3A_97 = arith.constant 3 : index
    %get3A_98 = arith.constant 0 : index
    %get3A_99 = arith.constant 0 : index
    %get3A_100 = vector.load %arg2[%get3A_97, %get3A_98, %get3A_99] : memref<6x64x64xf32, #tpu.memory_space<vmem>>, vector<1x64x64xf32>
    %get3A_101 = vector.shape_cast %get3A_100 : vector<1x64x64xf32> to vector<64x64xf32>
    %mul3A_102 = vector.broadcast %get3A_96 : f32 to vector<64x64xf32>
    %mul3A_103 = arith.mulf %mul3A_102, %get3A_101 : vector<64x64xf32>
    %add3A_104 = arith.addf %add3A_93, %mul3A_103 : vector<64x64xf32>
    %get3A_105 = arith.constant 1 : index
    %get3A_106 = arith.constant 4 : index
    %get3A_107 = memref.load %arg3[%get3A_105, %get3A_106] : memref<6x6xf32, #tpu.memory_space<smem>>
    %get3A_108 = arith.constant 4 : index
    %get3A_109 = arith.constant 0 : index
    %get3A_110 = arith.constant 0 : index
    %get3A_111 = vector.load %arg2[%get3A_108, %get3A_109, %get3A_110] : memref<6x64x64xf32, #tpu.memory_space<vmem>>, vector<1x64x64xf32>
    %get3A_112 = vector.shape_cast %get3A_111 : vector<1x64x64xf32> to vector<64x64xf32>
    %mul3A_113 = vector.broadcast %get3A_107 : f32 to vector<64x64xf32>
    %mul3A_114 = arith.mulf %mul3A_113, %get3A_112 : vector<64x64xf32>
    %add3A_115 = arith.addf %add3A_104, %mul3A_114 : vector<64x64xf32>
    %get3A_116 = arith.constant 1 : index
    %get3A_117 = arith.constant 5 : index
    %get3A_118 = memref.load %arg3[%get3A_116, %get3A_117] : memref<6x6xf32, #tpu.memory_space<smem>>
    %get3A_119 = arith.constant 5 : index
    %get3A_120 = arith.constant 0 : index
    %get3A_121 = arith.constant 0 : index
    %get3A_122 = vector.load %arg2[%get3A_119, %get3A_120, %get3A_121] : memref<6x64x64xf32, #tpu.memory_space<vmem>>, vector<1x64x64xf32>
    %get3A_123 = vector.shape_cast %get3A_122 : vector<1x64x64xf32> to vector<64x64xf32>
    %mul3A_124 = vector.broadcast %get3A_118 : f32 to vector<64x64xf32>
    %mul3A_125 = arith.mulf %mul3A_124, %get3A_123 : vector<64x64xf32>
    %add3A_126 = arith.addf %add3A_115, %mul3A_125 : vector<64x64xf32>
    %get3A_127 = arith.constant 2 : index
    %get3A_128 = arith.constant 0 : index
    %get3A_129 = memref.load %arg3[%get3A_127, %get3A_128] : memref<6x6xf32, #tpu.memory_space<smem>>
    %get3A_130 = arith.constant 0 : index
    %get3A_131 = arith.constant 0 : index
    %get3A_132 = arith.constant 0 : index
    %get3A_133 = vector.load %arg2[%get3A_130, %get3A_131, %get3A_132] : memref<6x64x64xf32, #tpu.memory_space<vmem>>, vector<1x64x64xf32>
    %get3A_134 = vector.shape_cast %get3A_133 : vector<1x64x64xf32> to vector<64x64xf32>
    %mul3A_135 = vector.broadcast %get3A_129 : f32 to vector<64x64xf32>
    %mul3A_136 = arith.mulf %mul3A_135, %get3A_134 : vector<64x64xf32>
    %get3A_137 = arith.constant 2 : index
    %get3A_138 = arith.constant 1 : index
    %get3A_139 = memref.load %arg3[%get3A_137, %get3A_138] : memref<6x6xf32, #tpu.memory_space<smem>>
    %get3A_140 = arith.constant 1 : index
    %get3A_141 = arith.constant 0 : index
    %get3A_142 = arith.constant 0 : index
    %get3A_143 = vector.load %arg2[%get3A_140, %get3A_141, %get3A_142] : memref<6x64x64xf32, #tpu.memory_space<vmem>>, vector<1x64x64xf32>
    %get3A_144 = vector.shape_cast %get3A_143 : vector<1x64x64xf32> to vector<64x64xf32>
    %mul3A_145 = vector.broadcast %get3A_139 : f32 to vector<64x64xf32>
    %mul3A_146 = arith.mulf %mul3A_145, %get3A_144 : vector<64x64xf32>
    %add3A_147 = arith.addf %mul3A_136, %mul3A_146 : vector<64x64xf32>
    %get3A_148 = arith.constant 2 : index
    %get3A_149 = arith.constant 2 : index
    %get3A_150 = memref.load %arg3[%get3A_148, %get3A_149] : memref<6x6xf32, #tpu.memory_space<smem>>
    %get3A_151 = arith.constant 2 : index
    %get3A_152 = arith.constant 0 : index
    %get3A_153 = arith.constant 0 : index
    %get3A_154 = vector.load %arg2[%get3A_151, %get3A_152, %get3A_153] : memref<6x64x64xf32, #tpu.memory_space<vmem>>, vector<1x64x64xf32>
    %get3A_155 = vector.shape_cast %get3A_154 : vector<1x64x64xf32> to vector<64x64xf32>
    %mul3A_156 = vector.broadcast %get3A_150 : f32 to vector<64x64xf32>
    %mul3A_157 = arith.mulf %mul3A_156, %get3A_155 : vector<64x64xf32>
    %add3A_158 = arith.addf %add3A_147, %mul3A_157 : vector<64x64xf32>
    %get3A_159 = arith.constant 2 : index
    %get3A_160 = arith.constant 3 : index
    %get3A_161 = memref.load %arg3[%get3A_159, %get3A_160] : memref<6x6xf32, #tpu.memory_space<smem>>
    %get3A_162 = arith.constant 3 : index
    %get3A_163 = arith.constant 0 : index
    %get3A_164 = arith.constant 0 : index
    %get3A_165 = vector.load %arg2[%get3A_162, %get3A_163, %get3A_164] : memref<6x64x64xf32, #tpu.memory_space<vmem>>, vector<1x64x64xf32>
    %get3A_166 = vector.shape_cast %get3A_165 : vector<1x64x64xf32> to vector<64x64xf32>
    %mul3A_167 = vector.broadcast %get3A_161 : f32 to vector<64x64xf32>
    %mul3A_168 = arith.mulf %mul3A_167, %get3A_166 : vector<64x64xf32>
    %add3A_169 = arith.addf %add3A_158, %mul3A_168 : vector<64x64xf32>
    %get3A_170 = arith.constant 2 : index
    %get3A_171 = arith.constant 4 : index
    %get3A_172 = memref.load %arg3[%get3A_170, %get3A_171] : memref<6x6xf32, #tpu.memory_space<smem>>
    %get3A_173 = arith.constant 4 : index
    %get3A_174 = arith.constant 0 : index
    %get3A_175 = arith.constant 0 : index
    %get3A_176 = vector.load %arg2[%get3A_173, %get3A_174, %get3A_175] : memref<6x64x64xf32, #tpu.memory_space<vmem>>, vector<1x64x64xf32>
    %get3A_177 = vector.shape_cast %get3A_176 : vector<1x64x64xf32> to vector<64x64xf32>
    %mul3A_178 = vector.broadcast %get3A_172 : f32 to vector<64x64xf32>
    %mul3A_179 = arith.mulf %mul3A_178, %get3A_177 : vector<64x64xf32>
    %add3A_180 = arith.addf %add3A_169, %mul3A_179 : vector<64x64xf32>
    %get3A_181 = arith.constant 2 : index
    %get3A_182 = arith.constant 5 : index
    %get3A_183 = memref.load %arg3[%get3A_181, %get3A_182] : memref<6x6xf32, #tpu.memory_space<smem>>
    %get3A_184 = arith.constant 5 : index
    %get3A_185 = arith.constant 0 : index
    %get3A_186 = arith.constant 0 : index
    %get3A_187 = vector.load %arg2[%get3A_184, %get3A_185, %get3A_186] : memref<6x64x64xf32, #tpu.memory_space<vmem>>, vector<1x64x64xf32>
    %get3A_188 = vector.shape_cast %get3A_187 : vector<1x64x64xf32> to vector<64x64xf32>
    %mul3A_189 = vector.broadcast %get3A_183 : f32 to vector<64x64xf32>
    %mul3A_190 = arith.mulf %mul3A_189, %get3A_188 : vector<64x64xf32>
    %add3A_191 = arith.addf %add3A_180, %mul3A_190 : vector<64x64xf32>
    %get3A_192 = arith.constant 3 : index
    %get3A_193 = arith.constant 0 : index
    %get3A_194 = memref.load %arg3[%get3A_192, %get3A_193] : memref<6x6xf32, #tpu.memory_space<smem>>
    %get3A_195 = arith.constant 0 : index
    %get3A_196 = arith.constant 0 : index
    %get3A_197 = arith.constant 0 : index
    %get3A_198 = vector.load %arg2[%get3A_195, %get3A_196, %get3A_197] : memref<6x64x64xf32, #tpu.memory_space<vmem>>, vector<1x64x64xf32>
    %get3A_199 = vector.shape_cast %get3A_198 : vector<1x64x64xf32> to vector<64x64xf32>
    %mul3A_200 = vector.broadcast %get3A_194 : f32 to vector<64x64xf32>
    %mul3A_201 = arith.mulf %mul3A_200, %get3A_199 : vector<64x64xf32>
    %get3A_202 = arith.constant 3 : index
    %get3A_203 = arith.constant 1 : index
    %get3A_204 = memref.load %arg3[%get3A_202, %get3A_203] : memref<6x6xf32, #tpu.memory_space<smem>>
    %get3A_205 = arith.constant 1 : index
    %get3A_206 = arith.constant 0 : index
    %get3A_207 = arith.constant 0 : index
    %get3A_208 = vector.load %arg2[%get3A_205, %get3A_206, %get3A_207] : memref<6x64x64xf32, #tpu.memory_space<vmem>>, vector<1x64x64xf32>
    %get3A_209 = vector.shape_cast %get3A_208 : vector<1x64x64xf32> to vector<64x64xf32>
    %mul3A_210 = vector.broadcast %get3A_204 : f32 to vector<64x64xf32>
    %mul3A_211 = arith.mulf %mul3A_210, %get3A_209 : vector<64x64xf32>
    %add3A_212 = arith.addf %mul3A_201, %mul3A_211 : vector<64x64xf32>
    %get3A_213 = arith.constant 3 : index
    %get3A_214 = arith.constant 2 : index
    %get3A_215 = memref.load %arg3[%get3A_213, %get3A_214] : memref<6x6xf32, #tpu.memory_space<smem>>
    %get3A_216 = arith.constant 2 : index
    %get3A_217 = arith.constant 0 : index
    %get3A_218 = arith.constant 0 : index
    %get3A_219 = vector.load %arg2[%get3A_216, %get3A_217, %get3A_218] : memref<6x64x64xf32, #tpu.memory_space<vmem>>, vector<1x64x64xf32>
    %get3A_220 = vector.shape_cast %get3A_219 : vector<1x64x64xf32> to vector<64x64xf32>
    %mul3A_221 = vector.broadcast %get3A_215 : f32 to vector<64x64xf32>
    %mul3A_222 = arith.mulf %mul3A_221, %get3A_220 : vector<64x64xf32>
    %add3A_223 = arith.addf %add3A_212, %mul3A_222 : vector<64x64xf32>
    %get3A_224 = arith.constant 3 : index
    %get3A_225 = arith.constant 3 : index
    %get3A_226 = memref.load %arg3[%get3A_224, %get3A_225] : memref<6x6xf32, #tpu.memory_space<smem>>
    %get3A_227 = arith.constant 3 : index
    %get3A_228 = arith.constant 0 : index
    %get3A_229 = arith.constant 0 : index
    %get3A_230 = vector.load %arg2[%get3A_227, %get3A_228, %get3A_229] : memref<6x64x64xf32, #tpu.memory_space<vmem>>, vector<1x64x64xf32>
    %get3A_231 = vector.shape_cast %get3A_230 : vector<1x64x64xf32> to vector<64x64xf32>
    %mul3A_232 = vector.broadcast %get3A_226 : f32 to vector<64x64xf32>
    %mul3A_233 = arith.mulf %mul3A_232, %get3A_231 : vector<64x64xf32>
    %add3A_234 = arith.addf %add3A_223, %mul3A_233 : vector<64x64xf32>
    %get3A_235 = arith.constant 3 : index
    %get3A_236 = arith.constant 4 : index
    %get3A_237 = memref.load %arg3[%get3A_235, %get3A_236] : memref<6x6xf32, #tpu.memory_space<smem>>
    %get3A_238 = arith.constant 4 : index
    %get3A_239 = arith.constant 0 : index
    %get3A_240 = arith.constant 0 : index
    %get3A_241 = vector.load %arg2[%get3A_238, %get3A_239, %get3A_240] : memref<6x64x64xf32, #tpu.memory_space<vmem>>, vector<1x64x64xf32>
    %get3A_242 = vector.shape_cast %get3A_241 : vector<1x64x64xf32> to vector<64x64xf32>
    %mul3A_243 = vector.broadcast %get3A_237 : f32 to vector<64x64xf32>
    %mul3A_244 = arith.mulf %mul3A_243, %get3A_242 : vector<64x64xf32>
    %add3A_245 = arith.addf %add3A_234, %mul3A_244 : vector<64x64xf32>
    %get3A_246 = arith.constant 3 : index
    %get3A_247 = arith.constant 5 : index
    %get3A_248 = memref.load %arg3[%get3A_246, %get3A_247] : memref<6x6xf32, #tpu.memory_space<smem>>
    %get3A_249 = arith.constant 5 : index
    %get3A_250 = arith.constant 0 : index
    %get3A_251 = arith.constant 0 : index
    %get3A_252 = vector.load %arg2[%get3A_249, %get3A_250, %get3A_251] : memref<6x64x64xf32, #tpu.memory_space<vmem>>, vector<1x64x64xf32>
    %get3A_253 = vector.shape_cast %get3A_252 : vector<1x64x64xf32> to vector<64x64xf32>
    %mul3A_254 = vector.broadcast %get3A_248 : f32 to vector<64x64xf32>
    %mul3A_255 = arith.mulf %mul3A_254, %get3A_253 : vector<64x64xf32>
    %add3A_256 = arith.addf %add3A_245, %mul3A_255 : vector<64x64xf32>
    %get3A_257 = arith.constant 4 : index
    %get3A_258 = arith.constant 0 : index
    %get3A_259 = memref.load %arg3[%get3A_257, %get3A_258] : memref<6x6xf32, #tpu.memory_space<smem>>
    %get3A_260 = arith.constant 0 : index
    %get3A_261 = arith.constant 0 : index
    %get3A_262 = arith.constant 0 : index
    %get3A_263 = vector.load %arg2[%get3A_260, %get3A_261, %get3A_262] : memref<6x64x64xf32, #tpu.memory_space<vmem>>, vector<1x64x64xf32>
    %get3A_264 = vector.shape_cast %get3A_263 : vector<1x64x64xf32> to vector<64x64xf32>
    %mul3A_265 = vector.broadcast %get3A_259 : f32 to vector<64x64xf32>
    %mul3A_266 = arith.mulf %mul3A_265, %get3A_264 : vector<64x64xf32>
    %get3A_267 = arith.constant 4 : index
    %get3A_268 = arith.constant 1 : index
    %get3A_269 = memref.load %arg3[%get3A_267, %get3A_268] : memref<6x6xf32, #tpu.memory_space<smem>>
    %get3A_270 = arith.constant 1 : index
    %get3A_271 = arith.constant 0 : index
    %get3A_272 = arith.constant 0 : index
    %get3A_273 = vector.load %arg2[%get3A_270, %get3A_271, %get3A_272] : memref<6x64x64xf32, #tpu.memory_space<vmem>>, vector<1x64x64xf32>
    %get3A_274 = vector.shape_cast %get3A_273 : vector<1x64x64xf32> to vector<64x64xf32>
    %mul3A_275 = vector.broadcast %get3A_269 : f32 to vector<64x64xf32>
    %mul3A_276 = arith.mulf %mul3A_275, %get3A_274 : vector<64x64xf32>
    %add3A_277 = arith.addf %mul3A_266, %mul3A_276 : vector<64x64xf32>
    %get3A_278 = arith.constant 4 : index
    %get3A_279 = arith.constant 2 : index
    %get3A_280 = memref.load %arg3[%get3A_278, %get3A_279] : memref<6x6xf32, #tpu.memory_space<smem>>
    %get3A_281 = arith.constant 2 : index
    %get3A_282 = arith.constant 0 : index
    %get3A_283 = arith.constant 0 : index
    %get3A_284 = vector.load %arg2[%get3A_281, %get3A_282, %get3A_283] : memref<6x64x64xf32, #tpu.memory_space<vmem>>, vector<1x64x64xf32>
    %get3A_285 = vector.shape_cast %get3A_284 : vector<1x64x64xf32> to vector<64x64xf32>
    %mul3A_286 = vector.broadcast %get3A_280 : f32 to vector<64x64xf32>
    %mul3A_287 = arith.mulf %mul3A_286, %get3A_285 : vector<64x64xf32>
    %add3A_288 = arith.addf %add3A_277, %mul3A_287 : vector<64x64xf32>
    %get3A_289 = arith.constant 4 : index
    %get3A_290 = arith.constant 3 : index
    %get3A_291 = memref.load %arg3[%get3A_289, %get3A_290] : memref<6x6xf32, #tpu.memory_space<smem>>
    %get3A_292 = arith.constant 3 : index
    %get3A_293 = arith.constant 0 : index
    %get3A_294 = arith.constant 0 : index
    %get3A_295 = vector.load %arg2[%get3A_292, %get3A_293, %get3A_294] : memref<6x64x64xf32, #tpu.memory_space<vmem>>, vector<1x64x64xf32>
    %get3A_296 = vector.shape_cast %get3A_295 : vector<1x64x64xf32> to vector<64x64xf32>
    %mul3A_297 = vector.broadcast %get3A_291 : f32 to vector<64x64xf32>
    %mul3A_298 = arith.mulf %mul3A_297, %get3A_296 : vector<64x64xf32>
    %add3A_299 = arith.addf %add3A_288, %mul3A_298 : vector<64x64xf32>
    %get3A_300 = arith.constant 4 : index
    %get3A_301 = arith.constant 4 : index
    %get3A_302 = memref.load %arg3[%get3A_300, %get3A_301] : memref<6x6xf32, #tpu.memory_space<smem>>
    %get3A_303 = arith.constant 4 : index
    %get3A_304 = arith.constant 0 : index
    %get3A_305 = arith.constant 0 : index
    %get3A_306 = vector.load %arg2[%get3A_303, %get3A_304, %get3A_305] : memref<6x64x64xf32, #tpu.memory_space<vmem>>, vector<1x64x64xf32>
    %get3A_307 = vector.shape_cast %get3A_306 : vector<1x64x64xf32> to vector<64x64xf32>
    %mul3A_308 = vector.broadcast %get3A_302 : f32 to vector<64x64xf32>
    %mul3A_309 = arith.mulf %mul3A_308, %get3A_307 : vector<64x64xf32>
    %add3A_310 = arith.addf %add3A_299, %mul3A_309 : vector<64x64xf32>
    %get3A_311 = arith.constant 4 : index
    %get3A_312 = arith.constant 5 : index
    %get3A_313 = memref.load %arg3[%get3A_311, %get3A_312] : memref<6x6xf32, #tpu.memory_space<smem>>
    %get3A_314 = arith.constant 5 : index
    %get3A_315 = arith.constant 0 : index
    %get3A_316 = arith.constant 0 : index
    %get3A_317 = vector.load %arg2[%get3A_314, %get3A_315, %get3A_316] : memref<6x64x64xf32, #tpu.memory_space<vmem>>, vector<1x64x64xf32>
    %get3A_318 = vector.shape_cast %get3A_317 : vector<1x64x64xf32> to vector<64x64xf32>
    %mul3A_319 = vector.broadcast %get3A_313 : f32 to vector<64x64xf32>
    %mul3A_320 = arith.mulf %mul3A_319, %get3A_318 : vector<64x64xf32>
    %add3A_321 = arith.addf %add3A_310, %mul3A_320 : vector<64x64xf32>
    %get3A_322 = arith.constant 5 : index
    %get3A_323 = arith.constant 0 : index
    %get3A_324 = memref.load %arg3[%get3A_322, %get3A_323] : memref<6x6xf32, #tpu.memory_space<smem>>
    %get3A_325 = arith.constant 0 : index
    %get3A_326 = arith.constant 0 : index
    %get3A_327 = arith.constant 0 : index
    %get3A_328 = vector.load %arg2[%get3A_325, %get3A_326, %get3A_327] : memref<6x64x64xf32, #tpu.memory_space<vmem>>, vector<1x64x64xf32>
    %get3A_329 = vector.shape_cast %get3A_328 : vector<1x64x64xf32> to vector<64x64xf32>
    %mul3A_330 = vector.broadcast %get3A_324 : f32 to vector<64x64xf32>
    %mul3A_331 = arith.mulf %mul3A_330, %get3A_329 : vector<64x64xf32>
    %get3A_332 = arith.constant 5 : index
    %get3A_333 = arith.constant 1 : index
    %get3A_334 = memref.load %arg3[%get3A_332, %get3A_333] : memref<6x6xf32, #tpu.memory_space<smem>>
    %get3A_335 = arith.constant 1 : index
    %get3A_336 = arith.constant 0 : index
    %get3A_337 = arith.constant 0 : index
    %get3A_338 = vector.load %arg2[%get3A_335, %get3A_336, %get3A_337] : memref<6x64x64xf32, #tpu.memory_space<vmem>>, vector<1x64x64xf32>
    %get3A_339 = vector.shape_cast %get3A_338 : vector<1x64x64xf32> to vector<64x64xf32>
    %mul3A_340 = vector.broadcast %get3A_334 : f32 to vector<64x64xf32>
    %mul3A_341 = arith.mulf %mul3A_340, %get3A_339 : vector<64x64xf32>
    %add3A_342 = arith.addf %mul3A_331, %mul3A_341 : vector<64x64xf32>
    %get3A_343 = arith.constant 5 : index
    %get3A_344 = arith.constant 2 : index
    %get3A_345 = memref.load %arg3[%get3A_343, %get3A_344] : memref<6x6xf32, #tpu.memory_space<smem>>
    %get3A_346 = arith.constant 2 : index
    %get3A_347 = arith.constant 0 : index
    %get3A_348 = arith.constant 0 : index
    %get3A_349 = vector.load %arg2[%get3A_346, %get3A_347, %get3A_348] : memref<6x64x64xf32, #tpu.memory_space<vmem>>, vector<1x64x64xf32>
    %get3A_350 = vector.shape_cast %get3A_349 : vector<1x64x64xf32> to vector<64x64xf32>
    %mul3A_351 = vector.broadcast %get3A_345 : f32 to vector<64x64xf32>
    %mul3A_352 = arith.mulf %mul3A_351, %get3A_350 : vector<64x64xf32>
    %add3A_353 = arith.addf %add3A_342, %mul3A_352 : vector<64x64xf32>
    %get3A_354 = arith.constant 5 : index
    %get3A_355 = arith.constant 3 : index
    %get3A_356 = memref.load %arg3[%get3A_354, %get3A_355] : memref<6x6xf32, #tpu.memory_space<smem>>
    %get3A_357 = arith.constant 3 : index
    %get3A_358 = arith.constant 0 : index
    %get3A_359 = arith.constant 0 : index
    %get3A_360 = vector.load %arg2[%get3A_357, %get3A_358, %get3A_359] : memref<6x64x64xf32, #tpu.memory_space<vmem>>, vector<1x64x64xf32>
    %get3A_361 = vector.shape_cast %get3A_360 : vector<1x64x64xf32> to vector<64x64xf32>
    %mul3A_362 = vector.broadcast %get3A_356 : f32 to vector<64x64xf32>
    %mul3A_363 = arith.mulf %mul3A_362, %get3A_361 : vector<64x64xf32>
    %add3A_364 = arith.addf %add3A_353, %mul3A_363 : vector<64x64xf32>
    %get3A_365 = arith.constant 5 : index
    %get3A_366 = arith.constant 4 : index
    %get3A_367 = memref.load %arg3[%get3A_365, %get3A_366] : memref<6x6xf32, #tpu.memory_space<smem>>
    %get3A_368 = arith.constant 4 : index
    %get3A_369 = arith.constant 0 : index
    %get3A_370 = arith.constant 0 : index
    %get3A_371 = vector.load %arg2[%get3A_368, %get3A_369, %get3A_370] : memref<6x64x64xf32, #tpu.memory_space<vmem>>, vector<1x64x64xf32>
    %get3A_372 = vector.shape_cast %get3A_371 : vector<1x64x64xf32> to vector<64x64xf32>
    %mul3A_373 = vector.broadcast %get3A_367 : f32 to vector<64x64xf32>
    %mul3A_374 = arith.mulf %mul3A_373, %get3A_372 : vector<64x64xf32>
    %add3A_375 = arith.addf %add3A_364, %mul3A_374 : vector<64x64xf32>
    %get3A_376 = arith.constant 5 : index
    %get3A_377 = arith.constant 5 : index
    %get3A_378 = memref.load %arg3[%get3A_376, %get3A_377] : memref<6x6xf32, #tpu.memory_space<smem>>
    %get3A_379 = arith.constant 5 : index
    %get3A_380 = arith.constant 0 : index
    %get3A_381 = arith.constant 0 : index
    %get3A_382 = vector.load %arg2[%get3A_379, %get3A_380, %get3A_381] : memref<6x64x64xf32, #tpu.memory_space<vmem>>, vector<1x64x64xf32>
    %get3A_383 = vector.shape_cast %get3A_382 : vector<1x64x64xf32> to vector<64x64xf32>
    %mul3A_384 = vector.broadcast %get3A_378 : f32 to vector<64x64xf32>
    %mul3A_385 = arith.mulf %mul3A_384, %get3A_383 : vector<64x64xf32>
    %add3A_386 = arith.addf %add3A_375, %mul3A_385 : vector<64x64xf32>
    %get3A_387 = arith.constant 0 : index
    %get3A_388 = arith.constant 0 : index
    %get3A_389 = memref.load %arg6[%get3A_387, %get3A_388] : memref<5x5xf32, #tpu.memory_space<smem>>
    %get3A_390 = arith.constant 0 : index
    %get3A_391 = arith.constant 0 : index
    %get3A_392 = arith.constant 0 : index
    %get3A_393 = vector.load %arg5[%get3A_390, %get3A_391, %get3A_392] : memref<5x64x64xf32, #tpu.memory_space<vmem>>, vector<1x64x64xf32>
    %get3A_394 = vector.shape_cast %get3A_393 : vector<1x64x64xf32> to vector<64x64xf32>
    %mul3A_395 = vector.broadcast %get3A_389 : f32 to vector<64x64xf32>
    %mul3A_396 = arith.mulf %mul3A_395, %get3A_394 : vector<64x64xf32>
    %get3A_397 = arith.constant 0 : index
    %get3A_398 = arith.constant 1 : index
    %get3A_399 = memref.load %arg6[%get3A_397, %get3A_398] : memref<5x5xf32, #tpu.memory_space<smem>>
    %get3A_400 = arith.constant 1 : index
    %get3A_401 = arith.constant 0 : index
    %get3A_402 = arith.constant 0 : index
    %get3A_403 = vector.load %arg5[%get3A_400, %get3A_401, %get3A_402] : memref<5x64x64xf32, #tpu.memory_space<vmem>>, vector<1x64x64xf32>
    %get3A_404 = vector.shape_cast %get3A_403 : vector<1x64x64xf32> to vector<64x64xf32>
    %mul3A_405 = vector.broadcast %get3A_399 : f32 to vector<64x64xf32>
    %mul3A_406 = arith.mulf %mul3A_405, %get3A_404 : vector<64x64xf32>
    %add3A_407 = arith.addf %mul3A_396, %mul3A_406 : vector<64x64xf32>
    %get3A_408 = arith.constant 0 : index
    %get3A_409 = arith.constant 2 : index
    %get3A_410 = memref.load %arg6[%get3A_408, %get3A_409] : memref<5x5xf32, #tpu.memory_space<smem>>
    %get3A_411 = arith.constant 2 : index
    %get3A_412 = arith.constant 0 : index
    %get3A_413 = arith.constant 0 : index
    %get3A_414 = vector.load %arg5[%get3A_411, %get3A_412, %get3A_413] : memref<5x64x64xf32, #tpu.memory_space<vmem>>, vector<1x64x64xf32>
    %get3A_415 = vector.shape_cast %get3A_414 : vector<1x64x64xf32> to vector<64x64xf32>
    %mul3A_416 = vector.broadcast %get3A_410 : f32 to vector<64x64xf32>
    %mul3A_417 = arith.mulf %mul3A_416, %get3A_415 : vector<64x64xf32>
    %add3A_418 = arith.addf %add3A_407, %mul3A_417 : vector<64x64xf32>
    %get3A_419 = arith.constant 0 : index
    %get3A_420 = arith.constant 3 : index
    %get3A_421 = memref.load %arg6[%get3A_419, %get3A_420] : memref<5x5xf32, #tpu.memory_space<smem>>
    %get3A_422 = arith.constant 3 : index
    %get3A_423 = arith.constant 0 : index
    %get3A_424 = arith.constant 0 : index
    %get3A_425 = vector.load %arg5[%get3A_422, %get3A_423, %get3A_424] : memref<5x64x64xf32, #tpu.memory_space<vmem>>, vector<1x64x64xf32>
    %get3A_426 = vector.shape_cast %get3A_425 : vector<1x64x64xf32> to vector<64x64xf32>
    %mul3A_427 = vector.broadcast %get3A_421 : f32 to vector<64x64xf32>
    %mul3A_428 = arith.mulf %mul3A_427, %get3A_426 : vector<64x64xf32>
    %add3A_429 = arith.addf %add3A_418, %mul3A_428 : vector<64x64xf32>
    %get3A_430 = arith.constant 0 : index
    %get3A_431 = arith.constant 4 : index
    %get3A_432 = memref.load %arg6[%get3A_430, %get3A_431] : memref<5x5xf32, #tpu.memory_space<smem>>
    %get3A_433 = arith.constant 4 : index
    %get3A_434 = arith.constant 0 : index
    %get3A_435 = arith.constant 0 : index
    %get3A_436 = vector.load %arg5[%get3A_433, %get3A_434, %get3A_435] : memref<5x64x64xf32, #tpu.memory_space<vmem>>, vector<1x64x64xf32>
    %get3A_437 = vector.shape_cast %get3A_436 : vector<1x64x64xf32> to vector<64x64xf32>
    %mul3A_438 = vector.broadcast %get3A_432 : f32 to vector<64x64xf32>
    %mul3A_439 = arith.mulf %mul3A_438, %get3A_437 : vector<64x64xf32>
    %add3A_440 = arith.addf %add3A_429, %mul3A_439 : vector<64x64xf32>
    %get3A_441 = arith.constant 1 : index
    %get3A_442 = arith.constant 0 : index
    %get3A_443 = memref.load %arg6[%get3A_441, %get3A_442] : memref<5x5xf32, #tpu.memory_space<smem>>
    %get3A_444 = arith.constant 0 : index
    %get3A_445 = arith.constant 0 : index
    %get3A_446 = arith.constant 0 : index
    %get3A_447 = vector.load %arg5[%get3A_444, %get3A_445, %get3A_446] : memref<5x64x64xf32, #tpu.memory_space<vmem>>, vector<1x64x64xf32>
    %get3A_448 = vector.shape_cast %get3A_447 : vector<1x64x64xf32> to vector<64x64xf32>
    %mul3A_449 = vector.broadcast %get3A_443 : f32 to vector<64x64xf32>
    %mul3A_450 = arith.mulf %mul3A_449, %get3A_448 : vector<64x64xf32>
    %get3A_451 = arith.constant 1 : index
    %get3A_452 = arith.constant 1 : index
    %get3A_453 = memref.load %arg6[%get3A_451, %get3A_452] : memref<5x5xf32, #tpu.memory_space<smem>>
    %get3A_454 = arith.constant 1 : index
    %get3A_455 = arith.constant 0 : index
    %get3A_456 = arith.constant 0 : index
    %get3A_457 = vector.load %arg5[%get3A_454, %get3A_455, %get3A_456] : memref<5x64x64xf32, #tpu.memory_space<vmem>>, vector<1x64x64xf32>
    %get3A_458 = vector.shape_cast %get3A_457 : vector<1x64x64xf32> to vector<64x64xf32>
    %mul3A_459 = vector.broadcast %get3A_453 : f32 to vector<64x64xf32>
    %mul3A_460 = arith.mulf %mul3A_459, %get3A_458 : vector<64x64xf32>
    %add3A_461 = arith.addf %mul3A_450, %mul3A_460 : vector<64x64xf32>
    %get3A_462 = arith.constant 1 : index
    %get3A_463 = arith.constant 2 : index
    %get3A_464 = memref.load %arg6[%get3A_462, %get3A_463] : memref<5x5xf32, #tpu.memory_space<smem>>
    %get3A_465 = arith.constant 2 : index
    %get3A_466 = arith.constant 0 : index
    %get3A_467 = arith.constant 0 : index
    %get3A_468 = vector.load %arg5[%get3A_465, %get3A_466, %get3A_467] : memref<5x64x64xf32, #tpu.memory_space<vmem>>, vector<1x64x64xf32>
    %get3A_469 = vector.shape_cast %get3A_468 : vector<1x64x64xf32> to vector<64x64xf32>
    %mul3A_470 = vector.broadcast %get3A_464 : f32 to vector<64x64xf32>
    %mul3A_471 = arith.mulf %mul3A_470, %get3A_469 : vector<64x64xf32>
    %add3A_472 = arith.addf %add3A_461, %mul3A_471 : vector<64x64xf32>
    %get3A_473 = arith.constant 1 : index
    %get3A_474 = arith.constant 3 : index
    %get3A_475 = memref.load %arg6[%get3A_473, %get3A_474] : memref<5x5xf32, #tpu.memory_space<smem>>
    %get3A_476 = arith.constant 3 : index
    %get3A_477 = arith.constant 0 : index
    %get3A_478 = arith.constant 0 : index
    %get3A_479 = vector.load %arg5[%get3A_476, %get3A_477, %get3A_478] : memref<5x64x64xf32, #tpu.memory_space<vmem>>, vector<1x64x64xf32>
    %get3A_480 = vector.shape_cast %get3A_479 : vector<1x64x64xf32> to vector<64x64xf32>
    %mul3A_481 = vector.broadcast %get3A_475 : f32 to vector<64x64xf32>
    %mul3A_482 = arith.mulf %mul3A_481, %get3A_480 : vector<64x64xf32>
    %add3A_483 = arith.addf %add3A_472, %mul3A_482 : vector<64x64xf32>
    %get3A_484 = arith.constant 1 : index
    %get3A_485 = arith.constant 4 : index
    %get3A_486 = memref.load %arg6[%get3A_484, %get3A_485] : memref<5x5xf32, #tpu.memory_space<smem>>
    %get3A_487 = arith.constant 4 : index
    %get3A_488 = arith.constant 0 : index
    %get3A_489 = arith.constant 0 : index
    %get3A_490 = vector.load %arg5[%get3A_487, %get3A_488, %get3A_489] : memref<5x64x64xf32, #tpu.memory_space<vmem>>, vector<1x64x64xf32>
    %get3A_491 = vector.shape_cast %get3A_490 : vector<1x64x64xf32> to vector<64x64xf32>
    %mul3A_492 = vector.broadcast %get3A_486 : f32 to vector<64x64xf32>
    %mul3A_493 = arith.mulf %mul3A_492, %get3A_491 : vector<64x64xf32>
    %add3A_494 = arith.addf %add3A_483, %mul3A_493 : vector<64x64xf32>
    %get3A_495 = arith.constant 2 : index
    %get3A_496 = arith.constant 0 : index
    %get3A_497 = memref.load %arg6[%get3A_495, %get3A_496] : memref<5x5xf32, #tpu.memory_space<smem>>
    %get3A_498 = arith.constant 0 : index
    %get3A_499 = arith.constant 0 : index
    %get3A_500 = arith.constant 0 : index
    %get3A_501 = vector.load %arg5[%get3A_498, %get3A_499, %get3A_500] : memref<5x64x64xf32, #tpu.memory_space<vmem>>, vector<1x64x64xf32>
    %get3A_502 = vector.shape_cast %get3A_501 : vector<1x64x64xf32> to vector<64x64xf32>
    %mul3A_503 = vector.broadcast %get3A_497 : f32 to vector<64x64xf32>
    %mul3A_504 = arith.mulf %mul3A_503, %get3A_502 : vector<64x64xf32>
    %get3A_505 = arith.constant 2 : index
    %get3A_506 = arith.constant 1 : index
    %get3A_507 = memref.load %arg6[%get3A_505, %get3A_506] : memref<5x5xf32, #tpu.memory_space<smem>>
    %get3A_508 = arith.constant 1 : index
    %get3A_509 = arith.constant 0 : index
    %get3A_510 = arith.constant 0 : index
    %get3A_511 = vector.load %arg5[%get3A_508, %get3A_509, %get3A_510] : memref<5x64x64xf32, #tpu.memory_space<vmem>>, vector<1x64x64xf32>
    %get3A_512 = vector.shape_cast %get3A_511 : vector<1x64x64xf32> to vector<64x64xf32>
    %mul3A_513 = vector.broadcast %get3A_507 : f32 to vector<64x64xf32>
    %mul3A_514 = arith.mulf %mul3A_513, %get3A_512 : vector<64x64xf32>
    %add3A_515 = arith.addf %mul3A_504, %mul3A_514 : vector<64x64xf32>
    %get3A_516 = arith.constant 2 : index
    %get3A_517 = arith.constant 2 : index
    %get3A_518 = memref.load %arg6[%get3A_516, %get3A_517] : memref<5x5xf32, #tpu.memory_space<smem>>
    %get3A_519 = arith.constant 2 : index
    %get3A_520 = arith.constant 0 : index
    %get3A_521 = arith.constant 0 : index
    %get3A_522 = vector.load %arg5[%get3A_519, %get3A_520, %get3A_521] : memref<5x64x64xf32, #tpu.memory_space<vmem>>, vector<1x64x64xf32>
    %get3A_523 = vector.shape_cast %get3A_522 : vector<1x64x64xf32> to vector<64x64xf32>
    %mul3A_524 = vector.broadcast %get3A_518 : f32 to vector<64x64xf32>
    %mul3A_525 = arith.mulf %mul3A_524, %get3A_523 : vector<64x64xf32>
    %add3A_526 = arith.addf %add3A_515, %mul3A_525 : vector<64x64xf32>
    %get3A_527 = arith.constant 2 : index
    %get3A_528 = arith.constant 3 : index
    %get3A_529 = memref.load %arg6[%get3A_527, %get3A_528] : memref<5x5xf32, #tpu.memory_space<smem>>
    %get3A_530 = arith.constant 3 : index
    %get3A_531 = arith.constant 0 : index
    %get3A_532 = arith.constant 0 : index
    %get3A_533 = vector.load %arg5[%get3A_530, %get3A_531, %get3A_532] : memref<5x64x64xf32, #tpu.memory_space<vmem>>, vector<1x64x64xf32>
    %get3A_534 = vector.shape_cast %get3A_533 : vector<1x64x64xf32> to vector<64x64xf32>
    %mul3A_535 = vector.broadcast %get3A_529 : f32 to vector<64x64xf32>
    %mul3A_536 = arith.mulf %mul3A_535, %get3A_534 : vector<64x64xf32>
    %add3A_537 = arith.addf %add3A_526, %mul3A_536 : vector<64x64xf32>
    %get3A_538 = arith.constant 2 : index
    %get3A_539 = arith.constant 4 : index
    %get3A_540 = memref.load %arg6[%get3A_538, %get3A_539] : memref<5x5xf32, #tpu.memory_space<smem>>
    %get3A_541 = arith.constant 4 : index
    %get3A_542 = arith.constant 0 : index
    %get3A_543 = arith.constant 0 : index
    %get3A_544 = vector.load %arg5[%get3A_541, %get3A_542, %get3A_543] : memref<5x64x64xf32, #tpu.memory_space<vmem>>, vector<1x64x64xf32>
    %get3A_545 = vector.shape_cast %get3A_544 : vector<1x64x64xf32> to vector<64x64xf32>
    %mul3A_546 = vector.broadcast %get3A_540 : f32 to vector<64x64xf32>
    %mul3A_547 = arith.mulf %mul3A_546, %get3A_545 : vector<64x64xf32>
    %add3A_548 = arith.addf %add3A_537, %mul3A_547 : vector<64x64xf32>
    %get3A_549 = arith.constant 3 : index
    %get3A_550 = arith.constant 0 : index
    %get3A_551 = memref.load %arg6[%get3A_549, %get3A_550] : memref<5x5xf32, #tpu.memory_space<smem>>
    %get3A_552 = arith.constant 0 : index
    %get3A_553 = arith.constant 0 : index
    %get3A_554 = arith.constant 0 : index
    %get3A_555 = vector.load %arg5[%get3A_552, %get3A_553, %get3A_554] : memref<5x64x64xf32, #tpu.memory_space<vmem>>, vector<1x64x64xf32>
    %get3A_556 = vector.shape_cast %get3A_555 : vector<1x64x64xf32> to vector<64x64xf32>
    %mul3A_557 = vector.broadcast %get3A_551 : f32 to vector<64x64xf32>
    %mul3A_558 = arith.mulf %mul3A_557, %get3A_556 : vector<64x64xf32>
    %get3A_559 = arith.constant 3 : index
    %get3A_560 = arith.constant 1 : index
    %get3A_561 = memref.load %arg6[%get3A_559, %get3A_560] : memref<5x5xf32, #tpu.memory_space<smem>>
    %get3A_562 = arith.constant 1 : index
    %get3A_563 = arith.constant 0 : index
    %get3A_564 = arith.constant 0 : index
    %get3A_565 = vector.load %arg5[%get3A_562, %get3A_563, %get3A_564] : memref<5x64x64xf32, #tpu.memory_space<vmem>>, vector<1x64x64xf32>
    %get3A_566 = vector.shape_cast %get3A_565 : vector<1x64x64xf32> to vector<64x64xf32>
    %mul3A_567 = vector.broadcast %get3A_561 : f32 to vector<64x64xf32>
    %mul3A_568 = arith.mulf %mul3A_567, %get3A_566 : vector<64x64xf32>
    %add3A_569 = arith.addf %mul3A_558, %mul3A_568 : vector<64x64xf32>
    %get3A_570 = arith.constant 3 : index
    %get3A_571 = arith.constant 2 : index
    %get3A_572 = memref.load %arg6[%get3A_570, %get3A_571] : memref<5x5xf32, #tpu.memory_space<smem>>
    %get3A_573 = arith.constant 2 : index
    %get3A_574 = arith.constant 0 : index
    %get3A_575 = arith.constant 0 : index
    %get3A_576 = vector.load %arg5[%get3A_573, %get3A_574, %get3A_575] : memref<5x64x64xf32, #tpu.memory_space<vmem>>, vector<1x64x64xf32>
    %get3A_577 = vector.shape_cast %get3A_576 : vector<1x64x64xf32> to vector<64x64xf32>
    %mul3A_578 = vector.broadcast %get3A_572 : f32 to vector<64x64xf32>
    %mul3A_579 = arith.mulf %mul3A_578, %get3A_577 : vector<64x64xf32>
    %add3A_580 = arith.addf %add3A_569, %mul3A_579 : vector<64x64xf32>
    %get3A_581 = arith.constant 3 : index
    %get3A_582 = arith.constant 3 : index
    %get3A_583 = memref.load %arg6[%get3A_581, %get3A_582] : memref<5x5xf32, #tpu.memory_space<smem>>
    %get3A_584 = arith.constant 3 : index
    %get3A_585 = arith.constant 0 : index
    %get3A_586 = arith.constant 0 : index
    %get3A_587 = vector.load %arg5[%get3A_584, %get3A_585, %get3A_586] : memref<5x64x64xf32, #tpu.memory_space<vmem>>, vector<1x64x64xf32>
    %get3A_588 = vector.shape_cast %get3A_587 : vector<1x64x64xf32> to vector<64x64xf32>
    %mul3A_589 = vector.broadcast %get3A_583 : f32 to vector<64x64xf32>
    %mul3A_590 = arith.mulf %mul3A_589, %get3A_588 : vector<64x64xf32>
    %add3A_591 = arith.addf %add3A_580, %mul3A_590 : vector<64x64xf32>
    %get3A_592 = arith.constant 3 : index
    %get3A_593 = arith.constant 4 : index
    %get3A_594 = memref.load %arg6[%get3A_592, %get3A_593] : memref<5x5xf32, #tpu.memory_space<smem>>
    %get3A_595 = arith.constant 4 : index
    %get3A_596 = arith.constant 0 : index
    %get3A_597 = arith.constant 0 : index
    %get3A_598 = vector.load %arg5[%get3A_595, %get3A_596, %get3A_597] : memref<5x64x64xf32, #tpu.memory_space<vmem>>, vector<1x64x64xf32>
    %get3A_599 = vector.shape_cast %get3A_598 : vector<1x64x64xf32> to vector<64x64xf32>
    %mul3A_600 = vector.broadcast %get3A_594 : f32 to vector<64x64xf32>
    %mul3A_601 = arith.mulf %mul3A_600, %get3A_599 : vector<64x64xf32>
    %add3A_602 = arith.addf %add3A_591, %mul3A_601 : vector<64x64xf32>
    %get3A_603 = arith.constant 4 : index
    %get3A_604 = arith.constant 0 : index
    %get3A_605 = memref.load %arg6[%get3A_603, %get3A_604] : memref<5x5xf32, #tpu.memory_space<smem>>
    %get3A_606 = arith.constant 0 : index
    %get3A_607 = arith.constant 0 : index
    %get3A_608 = arith.constant 0 : index
    %get3A_609 = vector.load %arg5[%get3A_606, %get3A_607, %get3A_608] : memref<5x64x64xf32, #tpu.memory_space<vmem>>, vector<1x64x64xf32>
    %get3A_610 = vector.shape_cast %get3A_609 : vector<1x64x64xf32> to vector<64x64xf32>
    %mul3A_611 = vector.broadcast %get3A_605 : f32 to vector<64x64xf32>
    %mul3A_612 = arith.mulf %mul3A_611, %get3A_610 : vector<64x64xf32>
    %get3A_613 = arith.constant 4 : index
    %get3A_614 = arith.constant 1 : index
    %get3A_615 = memref.load %arg6[%get3A_613, %get3A_614] : memref<5x5xf32, #tpu.memory_space<smem>>
    %get3A_616 = arith.constant 1 : index
    %get3A_617 = arith.constant 0 : index
    %get3A_618 = arith.constant 0 : index
    %get3A_619 = vector.load %arg5[%get3A_616, %get3A_617, %get3A_618] : memref<5x64x64xf32, #tpu.memory_space<vmem>>, vector<1x64x64xf32>
    %get3A_620 = vector.shape_cast %get3A_619 : vector<1x64x64xf32> to vector<64x64xf32>
    %mul3A_621 = vector.broadcast %get3A_615 : f32 to vector<64x64xf32>
    %mul3A_622 = arith.mulf %mul3A_621, %get3A_620 : vector<64x64xf32>
    %add3A_623 = arith.addf %mul3A_612, %mul3A_622 : vector<64x64xf32>
    %get3A_624 = arith.constant 4 : index
    %get3A_625 = arith.constant 2 : index
    %get3A_626 = memref.load %arg6[%get3A_624, %get3A_625] : memref<5x5xf32, #tpu.memory_space<smem>>
    %get3A_627 = arith.constant 2 : index
    %get3A_628 = arith.constant 0 : index
    %get3A_629 = arith.constant 0 : index
    %get3A_630 = vector.load %arg5[%get3A_627, %get3A_628, %get3A_629] : memref<5x64x64xf32, #tpu.memory_space<vmem>>, vector<1x64x64xf32>
    %get3A_631 = vector.shape_cast %get3A_630 : vector<1x64x64xf32> to vector<64x64xf32>
    %mul3A_632 = vector.broadcast %get3A_626 : f32 to vector<64x64xf32>
    %mul3A_633 = arith.mulf %mul3A_632, %get3A_631 : vector<64x64xf32>
    %add3A_634 = arith.addf %add3A_623, %mul3A_633 : vector<64x64xf32>
    %get3A_635 = arith.constant 4 : index
    %get3A_636 = arith.constant 3 : index
    %get3A_637 = memref.load %arg6[%get3A_635, %get3A_636] : memref<5x5xf32, #tpu.memory_space<smem>>
    %get3A_638 = arith.constant 3 : index
    %get3A_639 = arith.constant 0 : index
    %get3A_640 = arith.constant 0 : index
    %get3A_641 = vector.load %arg5[%get3A_638, %get3A_639, %get3A_640] : memref<5x64x64xf32, #tpu.memory_space<vmem>>, vector<1x64x64xf32>
    %get3A_642 = vector.shape_cast %get3A_641 : vector<1x64x64xf32> to vector<64x64xf32>
    %mul3A_643 = vector.broadcast %get3A_637 : f32 to vector<64x64xf32>
    %mul3A_644 = arith.mulf %mul3A_643, %get3A_642 : vector<64x64xf32>
    %add3A_645 = arith.addf %add3A_634, %mul3A_644 : vector<64x64xf32>
    %get3A_646 = arith.constant 4 : index
    %get3A_647 = arith.constant 4 : index
    %get3A_648 = memref.load %arg6[%get3A_646, %get3A_647] : memref<5x5xf32, #tpu.memory_space<smem>>
    %get3A_649 = arith.constant 4 : index
    %get3A_650 = arith.constant 0 : index
    %get3A_651 = arith.constant 0 : index
    %get3A_652 = vector.load %arg5[%get3A_649, %get3A_650, %get3A_651] : memref<5x64x64xf32, #tpu.memory_space<vmem>>, vector<1x64x64xf32>
    %get3A_653 = vector.shape_cast %get3A_652 : vector<1x64x64xf32> to vector<64x64xf32>
    %mul3A_654 = vector.broadcast %get3A_648 : f32 to vector<64x64xf32>
    %mul3A_655 = arith.mulf %mul3A_654, %get3A_653 : vector<64x64xf32>
    %add3A_656 = arith.addf %add3A_645, %mul3A_655 : vector<64x64xf32>
    %get3A_657 = arith.constant 0 : index
    %get3A_658 = arith.constant 0 : index
    %get3A_659 = arith.constant 0 : index
    %get3A_660 = vector.load %arg1[%get3A_657, %get3A_658, %get3A_659] : memref<10x50x64xf32, #tpu.memory_space<vmem>>, vector<1x50x64xf32>
    %get3A_661 = vector.shape_cast %get3A_660 : vector<1x50x64xf32> to vector<50x64xf32>
    %dot_general3A = arith.constant dense<0.000000e+00> : vector<50x64xf32>
    %dot_general3A_662 = tpu.matmul %get3A_661, %add3A_61, %dot_general3A {dimension_numbers = #tpu.dot_dimension_numbers<[1], [0], [0], [1], [0, 0, 1, 1], [], []>, transpose_lhs_hint = false} : vector<50x64xf32>, vector<64x64xf32>, vector<50x64xf32> -> vector<50x64xf32>
    %dot_general3A_663 = arith.constant dense<0.000000e+00> : vector<50x50xf32>
    %dot_general3A_664 = tpu.matmul %dot_general3A_662, %get3A_661, %dot_general3A_663 {dimension_numbers = #tpu.dot_dimension_numbers<[1], [1], [0], [0], [0, 0, 1, 0], [], []>, transpose_lhs_hint = false} : vector<50x64xf32>, vector<50x64xf32>, vector<50x50xf32> -> vector<50x50xf32>
    %get3A_665 = arith.constant 0 : index
    %get3A_666 = arith.constant 0 : index
    %get3A_667 = memref.load %arg4[%get3A_665, %get3A_666] : memref<1x6xf32, #tpu.memory_space<smem>>
    %add3A_668 = vector.broadcast %get3A_667 : f32 to vector<50x50xf32>
    %add3A_669 = arith.addf %dot_general3A_664, %add3A_668 : vector<50x50xf32>
    %dot_general3A_670 = arith.constant dense<0.000000e+00> : vector<50x64xf32>
    %dot_general3A_671 = tpu.matmul %get3A_661, %add3A_126, %dot_general3A_670 {dimension_numbers = #tpu.dot_dimension_numbers<[1], [0], [0], [1], [0, 0, 1, 1], [], []>, transpose_lhs_hint = false} : vector<50x64xf32>, vector<64x64xf32>, vector<50x64xf32> -> vector<50x64xf32>
    %dot_general3A_672 = arith.constant dense<0.000000e+00> : vector<50x50xf32>
    %dot_general3A_673 = tpu.matmul %dot_general3A_671, %get3A_661, %dot_general3A_672 {dimension_numbers = #tpu.dot_dimension_numbers<[1], [1], [0], [0], [0, 0, 1, 0], [], []>, transpose_lhs_hint = false} : vector<50x64xf32>, vector<50x64xf32>, vector<50x50xf32> -> vector<50x50xf32>
    %get3A_674 = arith.constant 0 : index
    %get3A_675 = arith.constant 1 : index
    %get3A_676 = memref.load %arg4[%get3A_674, %get3A_675] : memref<1x6xf32, #tpu.memory_space<smem>>
    %add3A_677 = vector.broadcast %get3A_676 : f32 to vector<50x50xf32>
    %add3A_678 = arith.addf %dot_general3A_673, %add3A_677 : vector<50x50xf32>
    %dot_general3A_679 = arith.constant dense<0.000000e+00> : vector<50x64xf32>
    %dot_general3A_680 = tpu.matmul %get3A_661, %add3A_191, %dot_general3A_679 {dimension_numbers = #tpu.dot_dimension_numbers<[1], [0], [0], [1], [0, 0, 1, 1], [], []>, transpose_lhs_hint = false} : vector<50x64xf32>, vector<64x64xf32>, vector<50x64xf32> -> vector<50x64xf32>
    %dot_general3A_681 = arith.constant dense<0.000000e+00> : vector<50x50xf32>
    %dot_general3A_682 = tpu.matmul %dot_general3A_680, %get3A_661, %dot_general3A_681 {dimension_numbers = #tpu.dot_dimension_numbers<[1], [1], [0], [0], [0, 0, 1, 0], [], []>, transpose_lhs_hint = false} : vector<50x64xf32>, vector<50x64xf32>, vector<50x50xf32> -> vector<50x50xf32>
    %get3A_683 = arith.constant 0 : index
    %get3A_684 = arith.constant 2 : index
    %get3A_685 = memref.load %arg4[%get3A_683, %get3A_684] : memref<1x6xf32, #tpu.memory_space<smem>>
    %add3A_686 = vector.broadcast %get3A_685 : f32 to vector<50x50xf32>
    %add3A_687 = arith.addf %dot_general3A_682, %add3A_686 : vector<50x50xf32>
    %dot_general3A_688 = arith.constant dense<0.000000e+00> : vector<50x64xf32>
    %dot_general3A_689 = tpu.matmul %get3A_661, %add3A_256, %dot_general3A_688 {dimension_numbers = #tpu.dot_dimension_numbers<[1], [0], [0], [1], [0, 0, 1, 1], [], []>, transpose_lhs_hint = false} : vector<50x64xf32>, vector<64x64xf32>, vector<50x64xf32> -> vector<50x64xf32>
    %dot_general3A_690 = arith.constant dense<0.000000e+00> : vector<50x50xf32>
    %dot_general3A_691 = tpu.matmul %dot_general3A_689, %get3A_661, %dot_general3A_690 {dimension_numbers = #tpu.dot_dimension_numbers<[1], [1], [0], [0], [0, 0, 1, 0], [], []>, transpose_lhs_hint = false} : vector<50x64xf32>, vector<50x64xf32>, vector<50x50xf32> -> vector<50x50xf32>
    %get3A_692 = arith.constant 0 : index
    %get3A_693 = arith.constant 3 : index
    %get3A_694 = memref.load %arg4[%get3A_692, %get3A_693] : memref<1x6xf32, #tpu.memory_space<smem>>
    %add3A_695 = vector.broadcast %get3A_694 : f32 to vector<50x50xf32>
    %add3A_696 = arith.addf %dot_general3A_691, %add3A_695 : vector<50x50xf32>
    %dot_general3A_697 = arith.constant dense<0.000000e+00> : vector<50x64xf32>
    %dot_general3A_698 = tpu.matmul %get3A_661, %add3A_321, %dot_general3A_697 {dimension_numbers = #tpu.dot_dimension_numbers<[1], [0], [0], [1], [0, 0, 1, 1], [], []>, transpose_lhs_hint = false} : vector<50x64xf32>, vector<64x64xf32>, vector<50x64xf32> -> vector<50x64xf32>
    %dot_general3A_699 = arith.constant dense<0.000000e+00> : vector<50x50xf32>
    %dot_general3A_700 = tpu.matmul %dot_general3A_698, %get3A_661, %dot_general3A_699 {dimension_numbers = #tpu.dot_dimension_numbers<[1], [1], [0], [0], [0, 0, 1, 0], [], []>, transpose_lhs_hint = false} : vector<50x64xf32>, vector<50x64xf32>, vector<50x50xf32> -> vector<50x50xf32>
    %get3A_701 = arith.constant 0 : index
    %get3A_702 = arith.constant 4 : index
    %get3A_703 = memref.load %arg4[%get3A_701, %get3A_702] : memref<1x6xf32, #tpu.memory_space<smem>>
    %add3A_704 = vector.broadcast %get3A_703 : f32 to vector<50x50xf32>
    %add3A_705 = arith.addf %dot_general3A_700, %add3A_704 : vector<50x50xf32>
    %dot_general3A_706 = arith.constant dense<0.000000e+00> : vector<50x64xf32>
    %dot_general3A_707 = tpu.matmul %get3A_661, %add3A_386, %dot_general3A_706 {dimension_numbers = #tpu.dot_dimension_numbers<[1], [0], [0], [1], [0, 0, 1, 1], [], []>, transpose_lhs_hint = false} : vector<50x64xf32>, vector<64x64xf32>, vector<50x64xf32> -> vector<50x64xf32>
    %dot_general3A_708 = arith.constant dense<0.000000e+00> : vector<50x50xf32>
    %dot_general3A_709 = tpu.matmul %dot_general3A_707, %get3A_661, %dot_general3A_708 {dimension_numbers = #tpu.dot_dimension_numbers<[1], [1], [0], [0], [0, 0, 1, 0], [], []>, transpose_lhs_hint = false} : vector<50x64xf32>, vector<50x64xf32>, vector<50x50xf32> -> vector<50x50xf32>
    %get3A_710 = arith.constant 0 : index
    %get3A_711 = arith.constant 5 : index
    %get3A_712 = memref.load %arg4[%get3A_710, %get3A_711] : memref<1x6xf32, #tpu.memory_space<smem>>
    %add3A_713 = vector.broadcast %get3A_712 : f32 to vector<50x50xf32>
    %add3A_714 = arith.addf %dot_general3A_709, %add3A_713 : vector<50x50xf32>
    %max3A = arith.maximumf %add3A_669, %add3A_678 : vector<50x50xf32>
    %max3A_715 = arith.maximumf %max3A, %add3A_687 : vector<50x50xf32>
    %max3A_716 = arith.maximumf %max3A_715, %add3A_696 : vector<50x50xf32>
    %max3A_717 = arith.maximumf %max3A_716, %add3A_705 : vector<50x50xf32>
    %max3A_718 = arith.maximumf %max3A_717, %add3A_714 : vector<50x50xf32>
    %sub3A = arith.subf %add3A_669, %max3A_718 : vector<50x50xf32>
    %exp3A = math.exp %sub3A : vector<50x50xf32>
    %sub3A_719 = arith.subf %add3A_678, %max3A_718 : vector<50x50xf32>
    %exp3A_720 = math.exp %sub3A_719 : vector<50x50xf32>
    %add3A_721 = arith.addf %exp3A, %exp3A_720 : vector<50x50xf32>
    %sub3A_722 = arith.subf %add3A_687, %max3A_718 : vector<50x50xf32>
    %exp3A_723 = math.exp %sub3A_722 : vector<50x50xf32>
    %add3A_724 = arith.addf %add3A_721, %exp3A_723 : vector<50x50xf32>
    %sub3A_725 = arith.subf %add3A_696, %max3A_718 : vector<50x50xf32>
    %exp3A_726 = math.exp %sub3A_725 : vector<50x50xf32>
    %add3A_727 = arith.addf %add3A_724, %exp3A_726 : vector<50x50xf32>
    %sub3A_728 = arith.subf %add3A_705, %max3A_718 : vector<50x50xf32>
    %exp3A_729 = math.exp %sub3A_728 : vector<50x50xf32>
    %add3A_730 = arith.addf %add3A_727, %exp3A_729 : vector<50x50xf32>
    %sub3A_731 = arith.subf %add3A_714, %max3A_718 : vector<50x50xf32>
    %exp3A_732 = math.exp %sub3A_731 : vector<50x50xf32>
    %add3A_733 = arith.addf %add3A_730, %exp3A_732 : vector<50x50xf32>
    %log3A = math.log %add3A_733 : vector<50x50xf32>
    %sub3A_734 = arith.subf %add3A_669, %max3A_718 : vector<50x50xf32>
    %sub3A_735 = arith.subf %sub3A_734, %log3A : vector<50x50xf32>
    %swap3A = arith.constant 0 : index
    %swap3A_736 = arith.constant 0 : index
    %swap3A_737 = arith.constant 0 : index
    %swap3A_738 = vector.load %arg10[%swap3A, %swap3A_736, %swap3A_737] : memref<10x50x50xf32, #tpu.memory_space<vmem>>, vector<1x50x50xf32>
    %swap3A_739 = vector.shape_cast %swap3A_738 : vector<1x50x50xf32> to vector<50x50xf32>
    %swap3A_740 = vector.shape_cast %sub3A_735 : vector<50x50xf32> to vector<1x50x50xf32>
    tpu.vector_store %arg10[%swap3A, %swap3A_736, %swap3A_737], %swap3A_740 {strides = array<i32>} : memref<10x50x50xf32, #tpu.memory_space<vmem>>, vector<1x50x50xf32>,
    %sub3A_741 = arith.subf %add3A_678, %max3A_718 : vector<50x50xf32>
    %sub3A_742 = arith.subf %sub3A_741, %log3A : vector<50x50xf32>
    %swap3A_743 = arith.constant 0 : index
    %swap3A_744 = arith.constant 0 : index
    %swap3A_745 = arith.constant 0 : index
    %swap3A_746 = vector.load %arg11[%swap3A_743, %swap3A_744, %swap3A_745] : memref<10x50x50xf32, #tpu.memory_space<vmem>>, vector<1x50x50xf32>
    %swap3A_747 = vector.shape_cast %swap3A_746 : vector<1x50x50xf32> to vector<50x50xf32>
    %swap3A_748 = vector.shape_cast %sub3A_742 : vector<50x50xf32> to vector<1x50x50xf32>
    tpu.vector_store %arg11[%swap3A_743, %swap3A_744, %swap3A_745], %swap3A_748 {strides = array<i32>} : memref<10x50x50xf32, #tpu.memory_space<vmem>>, vector<1x50x50xf32>,
    %sub3A_749 = arith.subf %add3A_687, %max3A_718 : vector<50x50xf32>
    %sub3A_750 = arith.subf %sub3A_749, %log3A : vector<50x50xf32>
    %swap3A_751 = arith.constant 0 : index
    %swap3A_752 = arith.constant 0 : index
    %swap3A_753 = arith.constant 0 : index
    %swap3A_754 = vector.load %arg12[%swap3A_751, %swap3A_752, %swap3A_753] : memref<10x50x50xf32, #tpu.memory_space<vmem>>, vector<1x50x50xf32>
    %swap3A_755 = vector.shape_cast %swap3A_754 : vector<1x50x50xf32> to vector<50x50xf32>
    %swap3A_756 = vector.shape_cast %sub3A_750 : vector<50x50xf32> to vector<1x50x50xf32>
    tpu.vector_store %arg12[%swap3A_751, %swap3A_752, %swap3A_753], %swap3A_756 {strides = array<i32>} : memref<10x50x50xf32, #tpu.memory_space<vmem>>, vector<1x50x50xf32>,
    %sub3A_757 = arith.subf %add3A_696, %max3A_718 : vector<50x50xf32>
    %sub3A_758 = arith.subf %sub3A_757, %log3A : vector<50x50xf32>
    %swap3A_759 = arith.constant 0 : index
    %swap3A_760 = arith.constant 0 : index
    %swap3A_761 = arith.constant 0 : index
    %swap3A_762 = vector.load %arg13[%swap3A_759, %swap3A_760, %swap3A_761] : memref<10x50x50xf32, #tpu.memory_space<vmem>>, vector<1x50x50xf32>
    %swap3A_763 = vector.shape_cast %swap3A_762 : vector<1x50x50xf32> to vector<50x50xf32>
    %swap3A_764 = vector.shape_cast %sub3A_758 : vector<50x50xf32> to vector<1x50x50xf32>
    tpu.vector_store %arg13[%swap3A_759, %swap3A_760, %swap3A_761], %swap3A_764 {strides = array<i32>} : memref<10x50x50xf32, #tpu.memory_space<vmem>>, vector<1x50x50xf32>,
    %sub3A_765 = arith.subf %add3A_705, %max3A_718 : vector<50x50xf32>
    %sub3A_766 = arith.subf %sub3A_765, %log3A : vector<50x50xf32>
    %swap3A_767 = arith.constant 0 : index
    %swap3A_768 = arith.constant 0 : index
    %swap3A_769 = arith.constant 0 : index
    %swap3A_770 = vector.load %arg14[%swap3A_767, %swap3A_768, %swap3A_769] : memref<10x50x50xf32, #tpu.memory_space<vmem>>, vector<1x50x50xf32>
    %swap3A_771 = vector.shape_cast %swap3A_770 : vector<1x50x50xf32> to vector<50x50xf32>
    %swap3A_772 = vector.shape_cast %sub3A_766 : vector<50x50xf32> to vector<1x50x50xf32>
    tpu.vector_store %arg14[%swap3A_767, %swap3A_768, %swap3A_769], %swap3A_772 {strides = array<i32>} : memref<10x50x50xf32, #tpu.memory_space<vmem>>, vector<1x50x50xf32>,
    %sub3A_773 = arith.subf %add3A_714, %max3A_718 : vector<50x50xf32>
    %sub3A_774 = arith.subf %sub3A_773, %log3A : vector<50x50xf32>
    %swap3A_775 = arith.constant 0 : index
    %swap3A_776 = arith.constant 0 : index
    %swap3A_777 = arith.constant 0 : index
    %swap3A_778 = vector.load %arg15[%swap3A_775, %swap3A_776, %swap3A_777] : memref<10x50x50xf32, #tpu.memory_space<vmem>>, vector<1x50x50xf32>
    %swap3A_779 = vector.shape_cast %swap3A_778 : vector<1x50x50xf32> to vector<50x50xf32>
    %swap3A_780 = vector.shape_cast %sub3A_774 : vector<50x50xf32> to vector<1x50x50xf32>
    tpu.vector_store %arg15[%swap3A_775, %swap3A_776, %swap3A_777], %swap3A_780 {strides = array<i32>} : memref<10x50x50xf32, #tpu.memory_space<vmem>>, vector<1x50x50xf32>,
    %dot_general3A_781 = arith.constant dense<0.000000e+00> : vector<50x64xf32>
    %dot_general3A_782 = tpu.matmul %get3A_661, %add3A_440, %dot_general3A_781 {dimension_numbers = #tpu.dot_dimension_numbers<[1], [0], [0], [1], [0, 0, 1, 1], [], []>, transpose_lhs_hint = false} : vector<50x64xf32>, vector<64x64xf32>, vector<50x64xf32> -> vector<50x64xf32>
    %dot_general3A_783 = arith.constant dense<0.000000e+00> : vector<50x50xf32>
    %dot_general3A_784 = tpu.matmul %dot_general3A_782, %get3A_661, %dot_general3A_783 {dimension_numbers = #tpu.dot_dimension_numbers<[1], [1], [0], [0], [0, 0, 1, 0], [], []>, transpose_lhs_hint = false} : vector<50x64xf32>, vector<50x64xf32>, vector<50x50xf32> -> vector<50x50xf32>
    %get3A_785 = arith.constant 0 : index
    %get3A_786 = arith.constant 0 : index
    %get3A_787 = memref.load %arg7[%get3A_785, %get3A_786] : memref<1x5xf32, #tpu.memory_space<smem>>
    %add3A_788 = vector.broadcast %get3A_787 : f32 to vector<50x50xf32>
    %add3A_789 = arith.addf %dot_general3A_784, %add3A_788 : vector<50x50xf32>
    %swap3A_790 = arith.constant 0 : index
    %swap3A_791 = arith.constant 0 : index
    %swap3A_792 = arith.constant 0 : index
    %swap3A_793 = vector.load %arg16[%swap3A_790, %swap3A_791, %swap3A_792] : memref<10x50x50xf32, #tpu.memory_space<vmem>>, vector<1x50x50xf32>
    %swap3A_794 = vector.shape_cast %swap3A_793 : vector<1x50x50xf32> to vector<50x50xf32>
    %swap3A_795 = vector.shape_cast %add3A_789 : vector<50x50xf32> to vector<1x50x50xf32>
    tpu.vector_store %arg16[%swap3A_790, %swap3A_791, %swap3A_792], %swap3A_795 {strides = array<i32>} : memref<10x50x50xf32, #tpu.memory_space<vmem>>, vector<1x50x50xf32>,
    %dot_general3A_796 = arith.constant dense<0.000000e+00> : vector<50x64xf32>
    %dot_general3A_797 = tpu.matmul %get3A_661, %add3A_494, %dot_general3A_796 {dimension_numbers = #tpu.dot_dimension_numbers<[1], [0], [0], [1], [0, 0, 1, 1], [], []>, transpose_lhs_hint = false} : vector<50x64xf32>, vector<64x64xf32>, vector<50x64xf32> -> vector<50x64xf32>
    %dot_general3A_798 = arith.constant dense<0.000000e+00> : vector<50x50xf32>
    %dot_general3A_799 = tpu.matmul %dot_general3A_797, %get3A_661, %dot_general3A_798 {dimension_numbers = #tpu.dot_dimension_numbers<[1], [1], [0], [0], [0, 0, 1, 0], [], []>, transpose_lhs_hint = false} : vector<50x64xf32>, vector<50x64xf32>, vector<50x50xf32> -> vector<50x50xf32>
    %get3A_800 = arith.constant 0 : index
    %get3A_801 = arith.constant 1 : index
    %get3A_802 = memref.load %arg7[%get3A_800, %get3A_801] : memref<1x5xf32, #tpu.memory_space<smem>>
    %add3A_803 = vector.broadcast %get3A_802 : f32 to vector<50x50xf32>
    %add3A_804 = arith.addf %dot_general3A_799, %add3A_803 : vector<50x50xf32>
    %swap3A_805 = arith.constant 0 : index
    %swap3A_806 = arith.constant 0 : index
    %swap3A_807 = arith.constant 0 : index
    %swap3A_808 = vector.load %arg17[%swap3A_805, %swap3A_806, %swap3A_807] : memref<10x50x50xf32, #tpu.memory_space<vmem>>, vector<1x50x50xf32>
    %swap3A_809 = vector.shape_cast %swap3A_808 : vector<1x50x50xf32> to vector<50x50xf32>
    %swap3A_810 = vector.shape_cast %add3A_804 : vector<50x50xf32> to vector<1x50x50xf32>
    tpu.vector_store %arg17[%swap3A_805, %swap3A_806, %swap3A_807], %swap3A_810 {strides = array<i32>} : memref<10x50x50xf32, #tpu.memory_space<vmem>>, vector<1x50x50xf32>,
    %dot_general3A_811 = arith.constant dense<0.000000e+00> : vector<50x64xf32>
    %dot_general3A_812 = tpu.matmul %get3A_661, %add3A_548, %dot_general3A_811 {dimension_numbers = #tpu.dot_dimension_numbers<[1], [0], [0], [1], [0, 0, 1, 1], [], []>, transpose_lhs_hint = false} : vector<50x64xf32>, vector<64x64xf32>, vector<50x64xf32> -> vector<50x64xf32>
    %dot_general3A_813 = arith.constant dense<0.000000e+00> : vector<50x50xf32>
    %dot_general3A_814 = tpu.matmul %dot_general3A_812, %get3A_661, %dot_general3A_813 {dimension_numbers = #tpu.dot_dimension_numbers<[1], [1], [0], [0], [0, 0, 1, 0], [], []>, transpose_lhs_hint = false} : vector<50x64xf32>, vector<50x64xf32>, vector<50x50xf32> -> vector<50x50xf32>
    %get3A_815 = arith.constant 0 : index
    %get3A_816 = arith.constant 2 : index
    %get3A_817 = memref.load %arg7[%get3A_815, %get3A_816] : memref<1x5xf32, #tpu.memory_space<smem>>
    %add3A_818 = vector.broadcast %get3A_817 : f32 to vector<50x50xf32>
    %add3A_819 = arith.addf %dot_general3A_814, %add3A_818 : vector<50x50xf32>
    %swap3A_820 = arith.constant 0 : index
    %swap3A_821 = arith.constant 0 : index
    %swap3A_822 = arith.constant 0 : index
    %swap3A_823 = vector.load %arg18[%swap3A_820, %swap3A_821, %swap3A_822] : memref<10x50x50xf32, #tpu.memory_space<vmem>>, vector<1x50x50xf32>
    %swap3A_824 = vector.shape_cast %swap3A_823 : vector<1x50x50xf32> to vector<50x50xf32>
    %swap3A_825 = vector.shape_cast %add3A_819 : vector<50x50xf32> to vector<1x50x50xf32>
    tpu.vector_store %arg18[%swap3A_820, %swap3A_821, %swap3A_822], %swap3A_825 {strides = array<i32>} : memref<10x50x50xf32, #tpu.memory_space<vmem>>, vector<1x50x50xf32>,
    %dot_general3A_826 = arith.constant dense<0.000000e+00> : vector<50x64xf32>
    %dot_general3A_827 = tpu.matmul %get3A_661, %add3A_602, %dot_general3A_826 {dimension_numbers = #tpu.dot_dimension_numbers<[1], [0], [0], [1], [0, 0, 1, 1], [], []>, transpose_lhs_hint = false} : vector<50x64xf32>, vector<64x64xf32>, vector<50x64xf32> -> vector<50x64xf32>
    %dot_general3A_828 = arith.constant dense<0.000000e+00> : vector<50x50xf32>
    %dot_general3A_829 = tpu.matmul %dot_general3A_827, %get3A_661, %dot_general3A_828 {dimension_numbers = #tpu.dot_dimension_numbers<[1], [1], [0], [0], [0, 0, 1, 0], [], []>, transpose_lhs_hint = false} : vector<50x64xf32>, vector<50x64xf32>, vector<50x50xf32> -> vector<50x50xf32>
    %get3A_830 = arith.constant 0 : index
    %get3A_831 = arith.constant 3 : index
    %get3A_832 = memref.load %arg7[%get3A_830, %get3A_831] : memref<1x5xf32, #tpu.memory_space<smem>>
    %add3A_833 = vector.broadcast %get3A_832 : f32 to vector<50x50xf32>
    %add3A_834 = arith.addf %dot_general3A_829, %add3A_833 : vector<50x50xf32>
    %swap3A_835 = arith.constant 0 : index
    %swap3A_836 = arith.constant 0 : index
    %swap3A_837 = arith.constant 0 : index
    %swap3A_838 = vector.load %arg19[%swap3A_835, %swap3A_836, %swap3A_837] : memref<10x50x50xf32, #tpu.memory_space<vmem>>, vector<1x50x50xf32>
    %swap3A_839 = vector.shape_cast %swap3A_838 : vector<1x50x50xf32> to vector<50x50xf32>
    %swap3A_840 = vector.shape_cast %add3A_834 : vector<50x50xf32> to vector<1x50x50xf32>
    tpu.vector_store %arg19[%swap3A_835, %swap3A_836, %swap3A_837], %swap3A_840 {strides = array<i32>} : memref<10x50x50xf32, #tpu.memory_space<vmem>>, vector<1x50x50xf32>,
    %dot_general3A_841 = arith.constant dense<0.000000e+00> : vector<50x64xf32>
    %dot_general3A_842 = tpu.matmul %get3A_661, %add3A_656, %dot_general3A_841 {dimension_numbers = #tpu.dot_dimension_numbers<[1], [0], [0], [1], [0, 0, 1, 1], [], []>, transpose_lhs_hint = false} : vector<50x64xf32>, vector<64x64xf32>, vector<50x64xf32> -> vector<50x64xf32>
    %dot_general3A_843 = arith.constant dense<0.000000e+00> : vector<50x50xf32>
    %dot_general3A_844 = tpu.matmul %dot_general3A_842, %get3A_661, %dot_general3A_843 {dimension_numbers = #tpu.dot_dimension_numbers<[1], [1], [0], [0], [0, 0, 1, 0], [], []>, transpose_lhs_hint = false} : vector<50x64xf32>, vector<50x64xf32>, vector<50x50xf32> -> vector<50x50xf32>
    %get3A_845 = arith.constant 0 : index
    %get3A_846 = arith.constant 4 : index
    %get3A_847 = memref.load %arg7[%get3A_845, %get3A_846] : memref<1x5xf32, #tpu.memory_space<smem>>
    %add3A_848 = vector.broadcast %get3A_847 : f32 to vector<50x50xf32>
    %add3A_849 = arith.addf %dot_general3A_844, %add3A_848 : vector<50x50xf32>
    %swap3A_850 = arith.constant 0 : index
    %swap3A_851 = arith.constant 0 : index
    %swap3A_852 = arith.constant 0 : index
    %swap3A_853 = vector.load %arg20[%swap3A_850, %swap3A_851, %swap3A_852] : memref<10x50x50xf32, #tpu.memory_space<vmem>>, vector<1x50x50xf32>
    %swap3A_854 = vector.shape_cast %swap3A_853 : vector<1x50x50xf32> to vector<50x50xf32>
    %swap3A_855 = vector.shape_cast %add3A_849 : vector<50x50xf32> to vector<1x50x50xf32>
    tpu.vector_store %arg20[%swap3A_850, %swap3A_851, %swap3A_852], %swap3A_855 {strides = array<i32>} : memref<10x50x50xf32, #tpu.memory_space<vmem>>, vector<1x50x50xf32>,
    %get3A_856 = arith.constant 0 : index
    %get3A_857 = arith.constant 0 : index
    %get3A_858 = vector.load %arg8[%get3A_856, %get3A_857] : memref<64x92xf32, #tpu.memory_space<vmem>>, vector<64x92xf32>
    %dot_general3A_859 = arith.constant dense<0.000000e+00> : vector<50x92xf32>
    %dot_general3A_860 = tpu.matmul %get3A_661, %get3A_858, %dot_general3A_859 {dimension_numbers = #tpu.dot_dimension_numbers<[1], [0], [0], [1], [0, 0, 1, 1], [], []>, transpose_lhs_hint = false} : vector<50x64xf32>, vector<64x92xf32>, vector<50x92xf32> -> vector<50x92xf32>
    %get3A_861 = arith.constant 0 : index
    %get3A_862 = arith.constant 0 : index
    %get3A_863 = vector.load %arg9[%get3A_861, %get3A_862] : memref<1x92xf32, #tpu.memory_space<vmem>>, vector<1x92xf32>
    %add3A_864 = vector.broadcast %get3A_863 : vector<1x92xf32> to vector<50x92xf32>
    %add3A_865 = arith.addf %dot_general3A_860, %add3A_864 : vector<50x92xf32>
    %swap3A_866 = arith.constant 0 : index
    %swap3A_867 = arith.constant 0 : index
    %swap3A_868 = arith.constant 0 : index
    %swap3A_869 = vector.load %arg21[%swap3A_866, %swap3A_867, %swap3A_868] : memref<10x50x92xf32, #tpu.memory_space<vmem>>, vector<1x50x92xf32>
    %swap3A_870 = vector.shape_cast %swap3A_869 : vector<1x50x92xf32> to vector<50x92xf32>
    %swap3A_871 = vector.shape_cast %add3A_865 : vector<50x92xf32> to vector<1x50x92xf32>
    tpu.vector_store %arg21[%swap3A_866, %swap3A_867, %swap3A_868], %swap3A_871 {strides = array<i32>} : memref<10x50x92xf32, #tpu.memory_space<vmem>>, vector<1x50x92xf32>,
    %get3A_872 = arith.constant 1 : index
    %get3A_873 = arith.constant 0 : index
    %get3A_874 = arith.constant 0 : index
    %get3A_875 = vector.load %arg1[%get3A_872, %get3A_873, %get3A_874] : memref<10x50x64xf32, #tpu.memory_space<vmem>>, vector<1x50x64xf32>
    %get3A_876 = vector.shape_cast %get3A_875 : vector<1x50x64xf32> to vector<50x64xf32>
    %dot_general3A_877 = arith.constant dense<0.000000e+00> : vector<50x64xf32>
    %dot_general3A_878 = tpu.matmul %get3A_876, %add3A_61, %dot_general3A_877 {dimension_numbers = #tpu.dot_dimension_numbers<[1], [0], [0], [1], [0, 0, 1, 1], [], []>, transpose_lhs_hint = false} : vector<50x64xf32>, vector<64x64xf32>, vector<50x64xf32> -> vector<50x64xf32>
    %dot_general3A_879 = arith.constant dense<0.000000e+00> : vector<50x50xf32>
    %dot_general3A_880 = tpu.matmul %dot_general3A_878, %get3A_876, %dot_general3A_879 {dimension_numbers = #tpu.dot_dimension_numbers<[1], [1], [0], [0], [0, 0, 1, 0], [], []>, transpose_lhs_hint = false} : vector<50x64xf32>, vector<50x64xf32>, vector<50x50xf32> -> vector<50x50xf32>
    %get3A_881 = arith.constant 0 : index
    %get3A_882 = arith.constant 0 : index
    %get3A_883 = memref.load %arg4[%get3A_881, %get3A_882] : memref<1x6xf32, #tpu.memory_space<smem>>
    %add3A_884 = vector.broadcast %get3A_883 : f32 to vector<50x50xf32>
    %add3A_885 = arith.addf %dot_general3A_880, %add3A_884 : vector<50x50xf32>
    %dot_general3A_886 = arith.constant dense<0.000000e+00> : vector<50x64xf32>
    %dot_general3A_887 = tpu.matmul %get3A_876, %add3A_126, %dot_general3A_886 {dimension_numbers = #tpu.dot_dimension_numbers<[1], [0], [0], [1], [0, 0, 1, 1], [], []>, transpose_lhs_hint = false} : vector<50x64xf32>, vector<64x64xf32>, vector<50x64xf32> -> vector<50x64xf32>
    %dot_general3A_888 = arith.constant dense<0.000000e+00> : vector<50x50xf32>
    %dot_general3A_889 = tpu.matmul %dot_general3A_887, %get3A_876, %dot_general3A_888 {dimension_numbers = #tpu.dot_dimension_numbers<[1], [1], [0], [0], [0, 0, 1, 0], [], []>, transpose_lhs_hint = false} : vector<50x64xf32>, vector<50x64xf32>, vector<50x50xf32> -> vector<50x50xf32>
    %get3A_890 = arith.constant 0 : index
    %get3A_891 = arith.constant 1 : index
    %get3A_892 = memref.load %arg4[%get3A_890, %get3A_891] : memref<1x6xf32, #tpu.memory_space<smem>>
    %add3A_893 = vector.broadcast %get3A_892 : f32 to vector<50x50xf32>
    %add3A_894 = arith.addf %dot_general3A_889, %add3A_893 : vector<50x50xf32>
    %dot_general3A_895 = arith.constant dense<0.000000e+00> : vector<50x64xf32>
    %dot_general3A_896 = tpu.matmul %get3A_876, %add3A_191, %dot_general3A_895 {dimension_numbers = #tpu.dot_dimension_numbers<[1], [0], [0], [1], [0, 0, 1, 1], [], []>, transpose_lhs_hint = false} : vector<50x64xf32>, vector<64x64xf32>, vector<50x64xf32> -> vector<50x64xf32>
    %dot_general3A_897 = arith.constant dense<0.000000e+00> : vector<50x50xf32>
    %dot_general3A_898 = tpu.matmul %dot_general3A_896, %get3A_876, %dot_general3A_897 {dimension_numbers = #tpu.dot_dimension_numbers<[1], [1], [0], [0], [0, 0, 1, 0], [], []>, transpose_lhs_hint = false} : vector<50x64xf32>, vector<50x64xf32>, vector<50x50xf32> -> vector<50x50xf32>
    %get3A_899 = arith.constant 0 : index
    %get3A_900 = arith.constant 2 : index
    %get3A_901 = memref.load %arg4[%get3A_899, %get3A_900] : memref<1x6xf32, #tpu.memory_space<smem>>
    %add3A_902 = vector.broadcast %get3A_901 : f32 to vector<50x50xf32>
    %add3A_903 = arith.addf %dot_general3A_898, %add3A_902 : vector<50x50xf32>
    %dot_general3A_904 = arith.constant dense<0.000000e+00> : vector<50x64xf32>
    %dot_general3A_905 = tpu.matmul %get3A_876, %add3A_256, %dot_general3A_904 {dimension_numbers = #tpu.dot_dimension_numbers<[1], [0], [0], [1], [0, 0, 1, 1], [], []>, transpose_lhs_hint = false} : vector<50x64xf32>, vector<64x64xf32>, vector<50x64xf32> -> vector<50x64xf32>
    %dot_general3A_906 = arith.constant dense<0.000000e+00> : vector<50x50xf32>
    %dot_general3A_907 = tpu.matmul %dot_general3A_905, %get3A_876, %dot_general3A_906 {dimension_numbers = #tpu.dot_dimension_numbers<[1], [1], [0], [0], [0, 0, 1, 0], [], []>, transpose_lhs_hint = false} : vector<50x64xf32>, vector<50x64xf32>, vector<50x50xf32> -> vector<50x50xf32>
    %get3A_908 = arith.constant 0 : index
    %get3A_909 = arith.constant 3 : index
    %get3A_910 = memref.load %arg4[%get3A_908, %get3A_909] : memref<1x6xf32, #tpu.memory_space<smem>>
    %add3A_911 = vector.broadcast %get3A_910 : f32 to vector<50x50xf32>
    %add3A_912 = arith.addf %dot_general3A_907, %add3A_911 : vector<50x50xf32>
    %dot_general3A_913 = arith.constant dense<0.000000e+00> : vector<50x64xf32>
    %dot_general3A_914 = tpu.matmul %get3A_876, %add3A_321, %dot_general3A_913 {dimension_numbers = #tpu.dot_dimension_numbers<[1], [0], [0], [1], [0, 0, 1, 1], [], []>, transpose_lhs_hint = false} : vector<50x64xf32>, vector<64x64xf32>, vector<50x64xf32> -> vector<50x64xf32>
    %dot_general3A_915 = arith.constant dense<0.000000e+00> : vector<50x50xf32>
    %dot_general3A_916 = tpu.matmul %dot_general3A_914, %get3A_876, %dot_general3A_915 {dimension_numbers = #tpu.dot_dimension_numbers<[1], [1], [0], [0], [0, 0, 1, 0], [], []>, transpose_lhs_hint = false} : vector<50x64xf32>, vector<50x64xf32>, vector<50x50xf32> -> vector<50x50xf32>
    %get3A_917 = arith.constant 0 : index
    %get3A_918 = arith.constant 4 : index
    %get3A_919 = memref.load %arg4[%get3A_917, %get3A_918] : memref<1x6xf32, #tpu.memory_space<smem>>
    %add3A_920 = vector.broadcast %get3A_919 : f32 to vector<50x50xf32>
    %add3A_921 = arith.addf %dot_general3A_916, %add3A_920 : vector<50x50xf32>
    %dot_general3A_922 = arith.constant dense<0.000000e+00> : vector<50x64xf32>
    %dot_general3A_923 = tpu.matmul %get3A_876, %add3A_386, %dot_general3A_922 {dimension_numbers = #tpu.dot_dimension_numbers<[1], [0], [0], [1], [0, 0, 1, 1], [], []>, transpose_lhs_hint = false} : vector<50x64xf32>, vector<64x64xf32>, vector<50x64xf32> -> vector<50x64xf32>
    %dot_general3A_924 = arith.constant dense<0.000000e+00> : vector<50x50xf32>
    %dot_general3A_925 = tpu.matmul %dot_general3A_923, %get3A_876, %dot_general3A_924 {dimension_numbers = #tpu.dot_dimension_numbers<[1], [1], [0], [0], [0, 0, 1, 0], [], []>, transpose_lhs_hint = false} : vector<50x64xf32>, vector<50x64xf32>, vector<50x50xf32> -> vector<50x50xf32>
    %get3A_926 = arith.constant 0 : index
    %get3A_927 = arith.constant 5 : index
    %get3A_928 = memref.load %arg4[%get3A_926, %get3A_927] : memref<1x6xf32, #tpu.memory_space<smem>>
    %add3A_929 = vector.broadcast %get3A_928 : f32 to vector<50x50xf32>
    %add3A_930 = arith.addf %dot_general3A_925, %add3A_929 : vector<50x50xf32>
    %max3A_931 = arith.maximumf %add3A_885, %add3A_894 : vector<50x50xf32>
    %max3A_932 = arith.maximumf %max3A_931, %add3A_903 : vector<50x50xf32>
    %max3A_933 = arith.maximumf %max3A_932, %add3A_912 : vector<50x50xf32>
    %max3A_934 = arith.maximumf %max3A_933, %add3A_921 : vector<50x50xf32>
    %max3A_935 = arith.maximumf %max3A_934, %add3A_930 : vector<50x50xf32>
    %sub3A_936 = arith.subf %add3A_885, %max3A_935 : vector<50x50xf32>
    %exp3A_937 = math.exp %sub3A_936 : vector<50x50xf32>
    %sub3A_938 = arith.subf %add3A_894, %max3A_935 : vector<50x50xf32>
    %exp3A_939 = math.exp %sub3A_938 : vector<50x50xf32>
    %add3A_940 = arith.addf %exp3A_937, %exp3A_939 : vector<50x50xf32>
    %sub3A_941 = arith.subf %add3A_903, %max3A_935 : vector<50x50xf32>
    %exp3A_942 = math.exp %sub3A_941 : vector<50x50xf32>
    %add3A_943 = arith.addf %add3A_940, %exp3A_942 : vector<50x50xf32>
    %sub3A_944 = arith.subf %add3A_912, %max3A_935 : vector<50x50xf32>
    %exp3A_945 = math.exp %sub3A_944 : vector<50x50xf32>
    %add3A_946 = arith.addf %add3A_943, %exp3A_945 : vector<50x50xf32>
    %sub3A_947 = arith.subf %add3A_921, %max3A_935 : vector<50x50xf32>
    %exp3A_948 = math.exp %sub3A_947 : vector<50x50xf32>
    %add3A_949 = arith.addf %add3A_946, %exp3A_948 : vector<50x50xf32>
    %sub3A_950 = arith.subf %add3A_930, %max3A_935 : vector<50x50xf32>
    %exp3A_951 = math.exp %sub3A_950 : vector<50x50xf32>
    %add3A_952 = arith.addf %add3A_949, %exp3A_951 : vector<50x50xf32>
    %log3A_953 = math.log %add3A_952 : vector<50x50xf32>
    %sub3A_954 = arith.subf %add3A_885, %max3A_935 : vector<50x50xf32>
    %sub3A_955 = arith.subf %sub3A_954, %log3A_953 : vector<50x50xf32>
    %swap3A_956 = arith.constant 1 : index
    %swap3A_957 = arith.constant 0 : index
    %swap3A_958 = arith.constant 0 : index
    %swap3A_959 = vector.load %arg10[%swap3A_956, %swap3A_957, %swap3A_958] : memref<10x50x50xf32, #tpu.memory_space<vmem>>, vector<1x50x50xf32>
    %swap3A_960 = vector.shape_cast %swap3A_959 : vector<1x50x50xf32> to vector<50x50xf32>
    %swap3A_961 = vector.shape_cast %sub3A_955 : vector<50x50xf32> to vector<1x50x50xf32>
    tpu.vector_store %arg10[%swap3A_956, %swap3A_957, %swap3A_958], %swap3A_961 {strides = array<i32>} : memref<10x50x50xf32, #tpu.memory_space<vmem>>, vector<1x50x50xf32>,
    %sub3A_962 = arith.subf %add3A_894, %max3A_935 : vector<50x50xf32>
    %sub3A_963 = arith.subf %sub3A_962, %log3A_953 : vector<50x50xf32>
    %swap3A_964 = arith.constant 1 : index
    %swap3A_965 = arith.constant 0 : index
    %swap3A_966 = arith.constant 0 : index
    %swap3A_967 = vector.load %arg11[%swap3A_964, %swap3A_965, %swap3A_966] : memref<10x50x50xf32, #tpu.memory_space<vmem>>, vector<1x50x50xf32>
    %swap3A_968 = vector.shape_cast %swap3A_967 : vector<1x50x50xf32> to vector<50x50xf32>
    %swap3A_969 = vector.shape_cast %sub3A_963 : vector<50x50xf32> to vector<1x50x50xf32>
    tpu.vector_store %arg11[%swap3A_964, %swap3A_965, %swap3A_966], %swap3A_969 {strides = array<i32>} : memref<10x50x50xf32, #tpu.memory_space<vmem>>, vector<1x50x50xf32>,
    %sub3A_970 = arith.subf %add3A_903, %max3A_935 : vector<50x50xf32>
    %sub3A_971 = arith.subf %sub3A_970, %log3A_953 : vector<50x50xf32>
    %swap3A_972 = arith.constant 1 : index
    %swap3A_973 = arith.constant 0 : index
    %swap3A_974 = arith.constant 0 : index
    %swap3A_975 = vector.load %arg12[%swap3A_972, %swap3A_973, %swap3A_974] : memref<10x50x50xf32, #tpu.memory_space<vmem>>, vector<1x50x50xf32>
    %swap3A_976 = vector.shape_cast %swap3A_975 : vector<1x50x50xf32> to vector<50x50xf32>
    %swap3A_977 = vector.shape_cast %sub3A_971 : vector<50x50xf32> to vector<1x50x50xf32>
    tpu.vector_store %arg12[%swap3A_972, %swap3A_973, %swap3A_974], %swap3A_977 {strides = array<i32>} : memref<10x50x50xf32, #tpu.memory_space<vmem>>, vector<1x50x50xf32>,
    %sub3A_978 = arith.subf %add3A_912, %max3A_935 : vector<50x50xf32>
    %sub3A_979 = arith.subf %sub3A_978, %log3A_953 : vector<50x50xf32>
    %swap3A_980 = arith.constant 1 : index
    %swap3A_981 = arith.constant 0 : index
    %swap3A_982 = arith.constant 0 : index
    %swap3A_983 = vector.load %arg13[%swap3A_980, %swap3A_981, %swap3A_982] : memref<10x50x50xf32, #tpu.memory_space<vmem>>, vector<1x50x50xf32>
    %swap3A_984 = vector.shape_cast %swap3A_983 : vector<1x50x50xf32> to vector<50x50xf32>
    %swap3A_985 = vector.shape_cast %sub3A_979 : vector<50x50xf32> to vector<1x50x50xf32>
    tpu.vector_store %arg13[%swap3A_980, %swap3A_981, %swap3A_982], %swap3A_985 {strides = array<i32>} : memref<10x50x50xf32, #tpu.memory_space<vmem>>, vector<1x50x50xf32>,
    %sub3A_986 = arith.subf %add3A_921, %max3A_935 : vector<50x50xf32>
    %sub3A_987 = arith.subf %sub3A_986, %log3A_953 : vector<50x50xf32>
    %swap3A_988 = arith.constant 1 : index
    %swap3A_989 = arith.constant 0 : index
    %swap3A_990 = arith.constant 0 : index
    %swap3A_991 = vector.load %arg14[%swap3A_988, %swap3A_989, %swap3A_990] : memref<10x50x50xf32, #tpu.memory_space<vmem>>, vector<1x50x50xf32>
    %swap3A_992 = vector.shape_cast %swap3A_991 : vector<1x50x50xf32> to vector<50x50xf32>
    %swap3A_993 = vector.shape_cast %sub3A_987 : vector<50x50xf32> to vector<1x50x50xf32>
    tpu.vector_store %arg14[%swap3A_988, %swap3A_989, %swap3A_990], %swap3A_993 {strides = array<i32>} : memref<10x50x50xf32, #tpu.memory_space<vmem>>, vector<1x50x50xf32>,
    %sub3A_994 = arith.subf %add3A_930, %max3A_935 : vector<50x50xf32>
    %sub3A_995 = arith.subf %sub3A_994, %log3A_953 : vector<50x50xf32>
    %swap3A_996 = arith.constant 1 : index
    %swap3A_997 = arith.constant 0 : index
    %swap3A_998 = arith.constant 0 : index
    %swap3A_999 = vector.load %arg15[%swap3A_996, %swap3A_997, %swap3A_998] : memref<10x50x50xf32, #tpu.memory_space<vmem>>, vector<1x50x50xf32>
    %swap3A_1000 = vector.shape_cast %swap3A_999 : vector<1x50x50xf32> to vector<50x50xf32>
    %swap3A_1001 = vector.shape_cast %sub3A_995 : vector<50x50xf32> to vector<1x50x50xf32>
    tpu.vector_store %arg15[%swap3A_996, %swap3A_997, %swap3A_998], %swap3A_1001 {strides = array<i32>} : memref<10x50x50xf32, #tpu.memory_space<vmem>>, vector<1x50x50xf32>,
    %dot_general3A_1002 = arith.constant dense<0.000000e+00> : vector<50x64xf32>
    %dot_general3A_1003 = tpu.matmul %get3A_876, %add3A_440, %dot_general3A_1002 {dimension_numbers = #tpu.dot_dimension_numbers<[1], [0], [0], [1], [0, 0, 1, 1], [], []>, transpose_lhs_hint = false} : vector<50x64xf32>, vector<64x64xf32>, vector<50x64xf32> -> vector<50x64xf32>
    %dot_general3A_1004 = arith.constant dense<0.000000e+00> : vector<50x50xf32>
    %dot_general3A_1005 = tpu.matmul %dot_general3A_1003, %get3A_876, %dot_general3A_1004 {dimension_numbers = #tpu.dot_dimension_numbers<[1], [1], [0], [0], [0, 0, 1, 0], [], []>, transpose_lhs_hint = false} : vector<50x64xf32>, vector<50x64xf32>, vector<50x50xf32> -> vector<50x50xf32>
    %get3A_1006 = arith.constant 0 : index
    %get3A_1007 = arith.constant 0 : index
    %get3A_1008 = memref.load %arg7[%get3A_1006, %get3A_1007] : memref<1x5xf32, #tpu.memory_space<smem>>
    %add3A_1009 = vector.broadcast %get3A_1008 : f32 to vector<50x50xf32>
    %add3A_1010 = arith.addf %dot_general3A_1005, %add3A_1009 : vector<50x50xf32>
    %swap3A_1011 = arith.constant 1 : index
    %swap3A_1012 = arith.constant 0 : index
    %swap3A_1013 = arith.constant 0 : index
    %swap3A_1014 = vector.load %arg16[%swap3A_1011, %swap3A_1012, %swap3A_1013] : memref<10x50x50xf32, #tpu.memory_space<vmem>>, vector<1x50x50xf32>
    %swap3A_1015 = vector.shape_cast %swap3A_1014 : vector<1x50x50xf32> to vector<50x50xf32>
    %swap3A_1016 = vector.shape_cast %add3A_1010 : vector<50x50xf32> to vector<1x50x50xf32>
    tpu.vector_store %arg16[%swap3A_1011, %swap3A_1012, %swap3A_1013], %swap3A_1016 {strides = array<i32>} : memref<10x50x50xf32, #tpu.memory_space<vmem>>, vector<1x50x50xf32>,
    %dot_general3A_1017 = arith.constant dense<0.000000e+00> : vector<50x64xf32>
    %dot_general3A_1018 = tpu.matmul %get3A_876, %add3A_494, %dot_general3A_1017 {dimension_numbers = #tpu.dot_dimension_numbers<[1], [0], [0], [1], [0, 0, 1, 1], [], []>, transpose_lhs_hint = false} : vector<50x64xf32>, vector<64x64xf32>, vector<50x64xf32> -> vector<50x64xf32>
    %dot_general3A_1019 = arith.constant dense<0.000000e+00> : vector<50x50xf32>
    %dot_general3A_1020 = tpu.matmul %dot_general3A_1018, %get3A_876, %dot_general3A_1019 {dimension_numbers = #tpu.dot_dimension_numbers<[1], [1], [0], [0], [0, 0, 1, 0], [], []>, transpose_lhs_hint = false} : vector<50x64xf32>, vector<50x64xf32>, vector<50x50xf32> -> vector<50x50xf32>
    %get3A_1021 = arith.constant 0 : index
    %get3A_1022 = arith.constant 1 : index
    %get3A_1023 = memref.load %arg7[%get3A_1021, %get3A_1022] : memref<1x5xf32, #tpu.memory_space<smem>>
    %add3A_1024 = vector.broadcast %get3A_1023 : f32 to vector<50x50xf32>
    %add3A_1025 = arith.addf %dot_general3A_1020, %add3A_1024 : vector<50x50xf32>
    %swap3A_1026 = arith.constant 1 : index
    %swap3A_1027 = arith.constant 0 : index
    %swap3A_1028 = arith.constant 0 : index
    %swap3A_1029 = vector.load %arg17[%swap3A_1026, %swap3A_1027, %swap3A_1028] : memref<10x50x50xf32, #tpu.memory_space<vmem>>, vector<1x50x50xf32>
    %swap3A_1030 = vector.shape_cast %swap3A_1029 : vector<1x50x50xf32> to vector<50x50xf32>
    %swap3A_1031 = vector.shape_cast %add3A_1025 : vector<50x50xf32> to vector<1x50x50xf32>
    tpu.vector_store %arg17[%swap3A_1026, %swap3A_1027, %swap3A_1028], %swap3A_1031 {strides = array<i32>} : memref<10x50x50xf32, #tpu.memory_space<vmem>>, vector<1x50x50xf32>,
    %dot_general3A_1032 = arith.constant dense<0.000000e+00> : vector<50x64xf32>
    %dot_general3A_1033 = tpu.matmul %get3A_876, %add3A_548, %dot_general3A_1032 {dimension_numbers = #tpu.dot_dimension_numbers<[1], [0], [0], [1], [0, 0, 1, 1], [], []>, transpose_lhs_hint = false} : vector<50x64xf32>, vector<64x64xf32>, vector<50x64xf32> -> vector<50x64xf32>
    %dot_general3A_1034 = arith.constant dense<0.000000e+00> : vector<50x50xf32>
    %dot_general3A_1035 = tpu.matmul %dot_general3A_1033, %get3A_876, %dot_general3A_1034 {dimension_numbers = #tpu.dot_dimension_numbers<[1], [1], [0], [0], [0, 0, 1, 0], [], []>, transpose_lhs_hint = false} : vector<50x64xf32>, vector<50x64xf32>, vector<50x50xf32> -> vector<50x50xf32>
    %get3A_1036 = arith.constant 0 : index
    %get3A_1037 = arith.constant 2 : index
    %get3A_1038 = memref.load %arg7[%get3A_1036, %get3A_1037] : memref<1x5xf32, #tpu.memory_space<smem>>
    %add3A_1039 = vector.broadcast %get3A_1038 : f32 to vector<50x50xf32>
    %add3A_1040 = arith.addf %dot_general3A_1035, %add3A_1039 : vector<50x50xf32>
    %swap3A_1041 = arith.constant 1 : index
    %swap3A_1042 = arith.constant 0 : index
    %swap3A_1043 = arith.constant 0 : index
    %swap3A_1044 = vector.load %arg18[%swap3A_1041, %swap3A_1042, %swap3A_1043] : memref<10x50x50xf32, #tpu.memory_space<vmem>>, vector<1x50x50xf32>
    %swap3A_1045 = vector.shape_cast %swap3A_1044 : vector<1x50x50xf32> to vector<50x50xf32>
    %swap3A_1046 = vector.shape_cast %add3A_1040 : vector<50x50xf32> to vector<1x50x50xf32>
    tpu.vector_store %arg18[%swap3A_1041, %swap3A_1042, %swap3A_1043], %swap3A_1046 {strides = array<i32>} : memref<10x50x50xf32, #tpu.memory_space<vmem>>, vector<1x50x50xf32>,
    %dot_general3A_1047 = arith.constant dense<0.000000e+00> : vector<50x64xf32>
    %dot_general3A_1048 = tpu.matmul %get3A_876, %add3A_602, %dot_general3A_1047 {dimension_numbers = #tpu.dot_dimension_numbers<[1], [0], [0], [1], [0, 0, 1, 1], [], []>, transpose_lhs_hint = false} : vector<50x64xf32>, vector<64x64xf32>, vector<50x64xf32> -> vector<50x64xf32>
    %dot_general3A_1049 = arith.constant dense<0.000000e+00> : vector<50x50xf32>
    %dot_general3A_1050 = tpu.matmul %dot_general3A_1048, %get3A_876, %dot_general3A_1049 {dimension_numbers = #tpu.dot_dimension_numbers<[1], [1], [0], [0], [0, 0, 1, 0], [], []>, transpose_lhs_hint = false} : vector<50x64xf32>, vector<50x64xf32>, vector<50x50xf32> -> vector<50x50xf32>
    %get3A_1051 = arith.constant 0 : index
    %get3A_1052 = arith.constant 3 : index
    %get3A_1053 = memref.load %arg7[%get3A_1051, %get3A_1052] : memref<1x5xf32, #tpu.memory_space<smem>>
    %add3A_1054 = vector.broadcast %get3A_1053 : f32 to vector<50x50xf32>
    %add3A_1055 = arith.addf %dot_general3A_1050, %add3A_1054 : vector<50x50xf32>
    %swap3A_1056 = arith.constant 1 : index
    %swap3A_1057 = arith.constant 0 : index
    %swap3A_1058 = arith.constant 0 : index
    %swap3A_1059 = vector.load %arg19[%swap3A_1056, %swap3A_1057, %swap3A_1058] : memref<10x50x50xf32, #tpu.memory_space<vmem>>, vector<1x50x50xf32>
    %swap3A_1060 = vector.shape_cast %swap3A_1059 : vector<1x50x50xf32> to vector<50x50xf32>
    %swap3A_1061 = vector.shape_cast %add3A_1055 : vector<50x50xf32> to vector<1x50x50xf32>
    tpu.vector_store %arg19[%swap3A_1056, %swap3A_1057, %swap3A_1058], %swap3A_1061 {strides = array<i32>} : memref<10x50x50xf32, #tpu.memory_space<vmem>>, vector<1x50x50xf32>,
    %dot_general3A_1062 = arith.constant dense<0.000000e+00> : vector<50x64xf32>
    %dot_general3A_1063 = tpu.matmul %get3A_876, %add3A_656, %dot_general3A_1062 {dimension_numbers = #tpu.dot_dimension_numbers<[1], [0], [0], [1], [0, 0, 1, 1], [], []>, transpose_lhs_hint = false} : vector<50x64xf32>, vector<64x64xf32>, vector<50x64xf32> -> vector<50x64xf32>
    %dot_general3A_1064 = arith.constant dense<0.000000e+00> : vector<50x50xf32>
    %dot_general3A_1065 = tpu.matmul %dot_general3A_1063, %get3A_876, %dot_general3A_1064 {dimension_numbers = #tpu.dot_dimension_numbers<[1], [1], [0], [0], [0, 0, 1, 0], [], []>, transpose_lhs_hint = false} : vector<50x64xf32>, vector<50x64xf32>, vector<50x50xf32> -> vector<50x50xf32>
    %get3A_1066 = arith.constant 0 : index
    %get3A_1067 = arith.constant 4 : index
    %get3A_1068 = memref.load %arg7[%get3A_1066, %get3A_1067] : memref<1x5xf32, #tpu.memory_space<smem>>
    %add3A_1069 = vector.broadcast %get3A_1068 : f32 to vector<50x50xf32>
    %add3A_1070 = arith.addf %dot_general3A_1065, %add3A_1069 : vector<50x50xf32>
    %swap3A_1071 = arith.constant 1 : index
    %swap3A_1072 = arith.constant 0 : index
    %swap3A_1073 = arith.constant 0 : index
    %swap3A_1074 = vector.load %arg20[%swap3A_1071, %swap3A_1072, %swap3A_1073] : memref<10x50x50xf32, #tpu.memory_space<vmem>>, vector<1x50x50xf32>
    %swap3A_1075 = vector.shape_cast %swap3A_1074 : vector<1x50x50xf32> to vector<50x50xf32>
    %swap3A_1076 = vector.shape_cast %add3A_1070 : vector<50x50xf32> to vector<1x50x50xf32>
    tpu.vector_store %arg20[%swap3A_1071, %swap3A_1072, %swap3A_1073], %swap3A_1076 {strides = array<i32>} : memref<10x50x50xf32, #tpu.memory_space<vmem>>, vector<1x50x50xf32>,
    %get3A_1077 = arith.constant 0 : index
    %get3A_1078 = arith.constant 0 : index
    %get3A_1079 = vector.load %arg8[%get3A_1077, %get3A_1078] : memref<64x92xf32, #tpu.memory_space<vmem>>, vector<64x92xf32>
    %dot_general3A_1080 = arith.constant dense<0.000000e+00> : vector<50x92xf32>
    %dot_general3A_1081 = tpu.matmul %get3A_876, %get3A_1079, %dot_general3A_1080 {dimension_numbers = #tpu.dot_dimension_numbers<[1], [0], [0], [1], [0, 0, 1, 1], [], []>, transpose_lhs_hint = false} : vector<50x64xf32>, vector<64x92xf32>, vector<50x92xf32> -> vector<50x92xf32>
    %get3A_1082 = arith.constant 0 : index
    %get3A_1083 = arith.constant 0 : index
    %get3A_1084 = vector.load %arg9[%get3A_1082, %get3A_1083] : memref<1x92xf32, #tpu.memory_space<vmem>>, vector<1x92xf32>
    %add3A_1085 = vector.broadcast %get3A_1084 : vector<1x92xf32> to vector<50x92xf32>
    %add3A_1086 = arith.addf %dot_general3A_1081, %add3A_1085 : vector<50x92xf32>
    %swap3A_1087 = arith.constant 1 : index
    %swap3A_1088 = arith.constant 0 : index
    %swap3A_1089 = arith.constant 0 : index
    %swap3A_1090 = vector.load %arg21[%swap3A_1087, %swap3A_1088, %swap3A_1089] : memref<10x50x92xf32, #tpu.memory_space<vmem>>, vector<1x50x92xf32>
    %swap3A_1091 = vector.shape_cast %swap3A_1090 : vector<1x50x92xf32> to vector<50x92xf32>
    %swap3A_1092 = vector.shape_cast %add3A_1086 : vector<50x92xf32> to vector<1x50x92xf32>
    tpu.vector_store %arg21[%swap3A_1087, %swap3A_1088, %swap3A_1089], %swap3A_1092 {strides = array<i32>} : memref<10x50x92xf32, #tpu.memory_space<vmem>>, vector<1x50x92xf32>,
    %get3A_1093 = arith.constant 2 : index
    %get3A_1094 = arith.constant 0 : index
    %get3A_1095 = arith.constant 0 : index
    %get3A_1096 = vector.load %arg1[%get3A_1093, %get3A_1094, %get3A_1095] : memref<10x50x64xf32, #tpu.memory_space<vmem>>, vector<1x50x64xf32>
    %get3A_1097 = vector.shape_cast %get3A_1096 : vector<1x50x64xf32> to vector<50x64xf32>
    %dot_general3A_1098 = arith.constant dense<0.000000e+00> : vector<50x64xf32>
    %dot_general3A_1099 = tpu.matmul %get3A_1097, %add3A_61, %dot_general3A_1098 {dimension_numbers = #tpu.dot_dimension_numbers<[1], [0], [0], [1], [0, 0, 1, 1], [], []>, transpose_lhs_hint = false} : vector<50x64xf32>, vector<64x64xf32>, vector<50x64xf32> -> vector<50x64xf32>
    %dot_general3A_1100 = arith.constant dense<0.000000e+00> : vector<50x50xf32>
    %dot_general3A_1101 = tpu.matmul %dot_general3A_1099, %get3A_1097, %dot_general3A_1100 {dimension_numbers = #tpu.dot_dimension_numbers<[1], [1], [0], [0], [0, 0, 1, 0], [], []>, transpose_lhs_hint = false} : vector<50x64xf32>, vector<50x64xf32>, vector<50x50xf32> -> vector<50x50xf32>
    %get3A_1102 = arith.constant 0 : index
    %get3A_1103 = arith.constant 0 : index
    %get3A_1104 = memref.load %arg4[%get3A_1102, %get3A_1103] : memref<1x6xf32, #tpu.memory_space<smem>>
    %add3A_1105 = vector.broadcast %get3A_1104 : f32 to vector<50x50xf32>
    %add3A_1106 = arith.addf %dot_general3A_1101, %add3A_1105 : vector<50x50xf32>
    %dot_general3A_1107 = arith.constant dense<0.000000e+00> : vector<50x64xf32>
    %dot_general3A_1108 = tpu.matmul %get3A_1097, %add3A_126, %dot_general3A_1107 {dimension_numbers = #tpu.dot_dimension_numbers<[1], [0], [0], [1], [0, 0, 1, 1], [], []>, transpose_lhs_hint = false} : vector<50x64xf32>, vector<64x64xf32>, vector<50x64xf32> -> vector<50x64xf32>
    %dot_general3A_1109 = arith.constant dense<0.000000e+00> : vector<50x50xf32>
    %dot_general3A_1110 = tpu.matmul %dot_general3A_1108, %get3A_1097, %dot_general3A_1109 {dimension_numbers = #tpu.dot_dimension_numbers<[1], [1], [0], [0], [0, 0, 1, 0], [], []>, transpose_lhs_hint = false} : vector<50x64xf32>, vector<50x64xf32>, vector<50x50xf32> -> vector<50x50xf32>
    %get3A_1111 = arith.constant 0 : index
    %get3A_1112 = arith.constant 1 : index
    %get3A_1113 = memref.load %arg4[%get3A_1111, %get3A_1112] : memref<1x6xf32, #tpu.memory_space<smem>>
    %add3A_1114 = vector.broadcast %get3A_1113 : f32 to vector<50x50xf32>
    %add3A_1115 = arith.addf %dot_general3A_1110, %add3A_1114 : vector<50x50xf32>
    %dot_general3A_1116 = arith.constant dense<0.000000e+00> : vector<50x64xf32>
    %dot_general3A_1117 = tpu.matmul %get3A_1097, %add3A_191, %dot_general3A_1116 {dimension_numbers = #tpu.dot_dimension_numbers<[1], [0], [0], [1], [0, 0, 1, 1], [], []>, transpose_lhs_hint = false} : vector<50x64xf32>, vector<64x64xf32>, vector<50x64xf32> -> vector<50x64xf32>
    %dot_general3A_1118 = arith.constant dense<0.000000e+00> : vector<50x50xf32>
    %dot_general3A_1119 = tpu.matmul %dot_general3A_1117, %get3A_1097, %dot_general3A_1118 {dimension_numbers = #tpu.dot_dimension_numbers<[1], [1], [0], [0], [0, 0, 1, 0], [], []>, transpose_lhs_hint = false} : vector<50x64xf32>, vector<50x64xf32>, vector<50x50xf32> -> vector<50x50xf32>
    %get3A_1120 = arith.constant 0 : index
    %get3A_1121 = arith.constant 2 : index
    %get3A_1122 = memref.load %arg4[%get3A_1120, %get3A_1121] : memref<1x6xf32, #tpu.memory_space<smem>>
    %add3A_1123 = vector.broadcast %get3A_1122 : f32 to vector<50x50xf32>
    %add3A_1124 = arith.addf %dot_general3A_1119, %add3A_1123 : vector<50x50xf32>
    %dot_general3A_1125 = arith.constant dense<0.000000e+00> : vector<50x64xf32>
    %dot_general3A_1126 = tpu.matmul %get3A_1097, %add3A_256, %dot_general3A_1125 {dimension_numbers = #tpu.dot_dimension_numbers<[1], [0], [0], [1], [0, 0, 1, 1], [], []>, transpose_lhs_hint = false} : vector<50x64xf32>, vector<64x64xf32>, vector<50x64xf32> -> vector<50x64xf32>
    %dot_general3A_1127 = arith.constant dense<0.000000e+00> : vector<50x50xf32>
    %dot_general3A_1128 = tpu.matmul %dot_general3A_1126, %get3A_1097, %dot_general3A_1127 {dimension_numbers = #tpu.dot_dimension_numbers<[1], [1], [0], [0], [0, 0, 1, 0], [], []>, transpose_lhs_hint = false} : vector<50x64xf32>, vector<50x64xf32>, vector<50x50xf32> -> vector<50x50xf32>
    %get3A_1129 = arith.constant 0 : index
    %get3A_1130 = arith.constant 3 : index
    %get3A_1131 = memref.load %arg4[%get3A_1129, %get3A_1130] : memref<1x6xf32, #tpu.memory_space<smem>>
    %add3A_1132 = vector.broadcast %get3A_1131 : f32 to vector<50x50xf32>
    %add3A_1133 = arith.addf %dot_general3A_1128, %add3A_1132 : vector<50x50xf32>
    %dot_general3A_1134 = arith.constant dense<0.000000e+00> : vector<50x64xf32>
    %dot_general3A_1135 = tpu.matmul %get3A_1097, %add3A_321, %dot_general3A_1134 {dimension_numbers = #tpu.dot_dimension_numbers<[1], [0], [0], [1], [0, 0, 1, 1], [], []>, transpose_lhs_hint = false} : vector<50x64xf32>, vector<64x64xf32>, vector<50x64xf32> -> vector<50x64xf32>
    %dot_general3A_1136 = arith.constant dense<0.000000e+00> : vector<50x50xf32>
    %dot_general3A_1137 = tpu.matmul %dot_general3A_1135, %get3A_1097, %dot_general3A_1136 {dimension_numbers = #tpu.dot_dimension_numbers<[1], [1], [0], [0], [0, 0, 1, 0], [], []>, transpose_lhs_hint = false} : vector<50x64xf32>, vector<50x64xf32>, vector<50x50xf32> -> vector<50x50xf32>
    %get3A_1138 = arith.constant 0 : index
    %get3A_1139 = arith.constant 4 : index
    %get3A_1140 = memref.load %arg4[%get3A_1138, %get3A_1139] : memref<1x6xf32, #tpu.memory_space<smem>>
    %add3A_1141 = vector.broadcast %get3A_1140 : f32 to vector<50x50xf32>
    %add3A_1142 = arith.addf %dot_general3A_1137, %add3A_1141 : vector<50x50xf32>
    %dot_general3A_1143 = arith.constant dense<0.000000e+00> : vector<50x64xf32>
    %dot_general3A_1144 = tpu.matmul %get3A_1097, %add3A_386, %dot_general3A_1143 {dimension_numbers = #tpu.dot_dimension_numbers<[1], [0], [0], [1], [0, 0, 1, 1], [], []>, transpose_lhs_hint = false} : vector<50x64xf32>, vector<64x64xf32>, vector<50x64xf32> -> vector<50x64xf32>
    %dot_general3A_1145 = arith.constant dense<0.000000e+00> : vector<50x50xf32>
    %dot_general3A_1146 = tpu.matmul %dot_general3A_1144, %get3A_1097, %dot_general3A_1145 {dimension_numbers = #tpu.dot_dimension_numbers<[1], [1], [0], [0], [0, 0, 1, 0], [], []>, transpose_lhs_hint = false} : vector<50x64xf32>, vector<50x64xf32>, vector<50x50xf32> -> vector<50x50xf32>
    %get3A_1147 = arith.constant 0 : index
    %get3A_1148 = arith.constant 5 : index
    %get3A_1149 = memref.load %arg4[%get3A_1147, %get3A_1148] : memref<1x6xf32, #tpu.memory_space<smem>>
    %add3A_1150 = vector.broadcast %get3A_1149 : f32 to vector<50x50xf32>
    %add3A_1151 = arith.addf %dot_general3A_1146, %add3A_1150 : vector<50x50xf32>
    %max3A_1152 = arith.maximumf %add3A_1106, %add3A_1115 : vector<50x50xf32>
    %max3A_1153 = arith.maximumf %max3A_1152, %add3A_1124 : vector<50x50xf32>
    %max3A_1154 = arith.maximumf %max3A_1153, %add3A_1133 : vector<50x50xf32>
    %max3A_1155 = arith.maximumf %max3A_1154, %add3A_1142 : vector<50x50xf32>
    %max3A_1156 = arith.maximumf %max3A_1155, %add3A_1151 : vector<50x50xf32>
    %sub3A_1157 = arith.subf %add3A_1106, %max3A_1156 : vector<50x50xf32>
    %exp3A_1158 = math.exp %sub3A_1157 : vector<50x50xf32>
    %sub3A_1159 = arith.subf %add3A_1115, %max3A_1156 : vector<50x50xf32>
    %exp3A_1160 = math.exp %sub3A_1159 : vector<50x50xf32>
    %add3A_1161 = arith.addf %exp3A_1158, %exp3A_1160 : vector<50x50xf32>
    %sub3A_1162 = arith.subf %add3A_1124, %max3A_1156 : vector<50x50xf32>
    %exp3A_1163 = math.exp %sub3A_1162 : vector<50x50xf32>
    %add3A_1164 = arith.addf %add3A_1161, %exp3A_1163 : vector<50x50xf32>
    %sub3A_1165 = arith.subf %add3A_1133, %max3A_1156 : vector<50x50xf32>
    %exp3A_1166 = math.exp %sub3A_1165 : vector<50x50xf32>
    %add3A_1167 = arith.addf %add3A_1164, %exp3A_1166 : vector<50x50xf32>
    %sub3A_1168 = arith.subf %add3A_1142, %max3A_1156 : vector<50x50xf32>
    %exp3A_1169 = math.exp %sub3A_1168 : vector<50x50xf32>
    %add3A_1170 = arith.addf %add3A_1167, %exp3A_1169 : vector<50x50xf32>
    %sub3A_1171 = arith.subf %add3A_1151, %max3A_1156 : vector<50x50xf32>
    %exp3A_1172 = math.exp %sub3A_1171 : vector<50x50xf32>
    %add3A_1173 = arith.addf %add3A_1170, %exp3A_1172 : vector<50x50xf32>
    %log3A_1174 = math.log %add3A_1173 : vector<50x50xf32>
    %sub3A_1175 = arith.subf %add3A_1106, %max3A_1156 : vector<50x50xf32>
    %sub3A_1176 = arith.subf %sub3A_1175, %log3A_1174 : vector<50x50xf32>
    %swap3A_1177 = arith.constant 2 : index
    %swap3A_1178 = arith.constant 0 : index
    %swap3A_1179 = arith.constant 0 : index
    %swap3A_1180 = vector.load %arg10[%swap3A_1177, %swap3A_1178, %swap3A_1179] : memref<10x50x50xf32, #tpu.memory_space<vmem>>, vector<1x50x50xf32>
    %swap3A_1181 = vector.shape_cast %swap3A_1180 : vector<1x50x50xf32> to vector<50x50xf32>
    %swap3A_1182 = vector.shape_cast %sub3A_1176 : vector<50x50xf32> to vector<1x50x50xf32>
    tpu.vector_store %arg10[%swap3A_1177, %swap3A_1178, %swap3A_1179], %swap3A_1182 {strides = array<i32>} : memref<10x50x50xf32, #tpu.memory_space<vmem>>, vector<1x50x50xf32>,
    %sub3A_1183 = arith.subf %add3A_1115, %max3A_1156 : vector<50x50xf32>
    %sub3A_1184 = arith.subf %sub3A_1183, %log3A_1174 : vector<50x50xf32>
    %swap3A_1185 = arith.constant 2 : index
    %swap3A_1186 = arith.constant 0 : index
    %swap3A_1187 = arith.constant 0 : index
    %swap3A_1188 = vector.load %arg11[%swap3A_1185, %swap3A_1186, %swap3A_1187] : memref<10x50x50xf32, #tpu.memory_space<vmem>>, vector<1x50x50xf32>
    %swap3A_1189 = vector.shape_cast %swap3A_1188 : vector<1x50x50xf32> to vector<50x50xf32>
    %swap3A_1190 = vector.shape_cast %sub3A_1184 : vector<50x50xf32> to vector<1x50x50xf32>
    tpu.vector_store %arg11[%swap3A_1185, %swap3A_1186, %swap3A_1187], %swap3A_1190 {strides = array<i32>} : memref<10x50x50xf32, #tpu.memory_space<vmem>>, vector<1x50x50xf32>,
    %sub3A_1191 = arith.subf %add3A_1124, %max3A_1156 : vector<50x50xf32>
    %sub3A_1192 = arith.subf %sub3A_1191, %log3A_1174 : vector<50x50xf32>
    %swap3A_1193 = arith.constant 2 : index
    %swap3A_1194 = arith.constant 0 : index
    %swap3A_1195 = arith.constant 0 : index
    %swap3A_1196 = vector.load %arg12[%swap3A_1193, %swap3A_1194, %swap3A_1195] : memref<10x50x50xf32, #tpu.memory_space<vmem>>, vector<1x50x50xf32>
    %swap3A_1197 = vector.shape_cast %swap3A_1196 : vector<1x50x50xf32> to vector<50x50xf32>
    %swap3A_1198 = vector.shape_cast %sub3A_1192 : vector<50x50xf32> to vector<1x50x50xf32>
    tpu.vector_store %arg12[%swap3A_1193, %swap3A_1194, %swap3A_1195], %swap3A_1198 {strides = array<i32>} : memref<10x50x50xf32, #tpu.memory_space<vmem>>, vector<1x50x50xf32>,
    %sub3A_1199 = arith.subf %add3A_1133, %max3A_1156 : vector<50x50xf32>
    %sub3A_1200 = arith.subf %sub3A_1199, %log3A_1174 : vector<50x50xf32>
    %swap3A_1201 = arith.constant 2 : index
    %swap3A_1202 = arith.constant 0 : index
    %swap3A_1203 = arith.constant 0 : index
    %swap3A_1204 = vector.load %arg13[%swap3A_1201, %swap3A_1202, %swap3A_1203] : memref<10x50x50xf32, #tpu.memory_space<vmem>>, vector<1x50x50xf32>
    %swap3A_1205 = vector.shape_cast %swap3A_1204 : vector<1x50x50xf32> to vector<50x50xf32>
    %swap3A_1206 = vector.shape_cast %sub3A_1200 : vector<50x50xf32> to vector<1x50x50xf32>
    tpu.vector_store %arg13[%swap3A_1201, %swap3A_1202, %swap3A_1203], %swap3A_1206 {strides = array<i32>} : memref<10x50x50xf32, #tpu.memory_space<vmem>>, vector<1x50x50xf32>,
    %sub3A_1207 = arith.subf %add3A_1142, %max3A_1156 : vector<50x50xf32>
    %sub3A_1208 = arith.subf %sub3A_1207, %log3A_1174 : vector<50x50xf32>
    %swap3A_1209 = arith.constant 2 : index
    %swap3A_1210 = arith.constant 0 : index
    %swap3A_1211 = arith.constant 0 : index
    %swap3A_1212 = vector.load %arg14[%swap3A_1209, %swap3A_1210, %swap3A_1211] : memref<10x50x50xf32, #tpu.memory_space<vmem>>, vector<1x50x50xf32>
    %swap3A_1213 = vector.shape_cast %swap3A_1212 : vector<1x50x50xf32> to vector<50x50xf32>
    %swap3A_1214 = vector.shape_cast %sub3A_1208 : vector<50x50xf32> to vector<1x50x50xf32>
    tpu.vector_store %arg14[%swap3A_1209, %swap3A_1210, %swap3A_1211], %swap3A_1214 {strides = array<i32>} : memref<10x50x50xf32, #tpu.memory_space<vmem>>, vector<1x50x50xf32>,
    %sub3A_1215 = arith.subf %add3A_1151, %max3A_1156 : vector<50x50xf32>
    %sub3A_1216 = arith.subf %sub3A_1215, %log3A_1174 : vector<50x50xf32>
    %swap3A_1217 = arith.constant 2 : index
    %swap3A_1218 = arith.constant 0 : index
    %swap3A_1219 = arith.constant 0 : index
    %swap3A_1220 = vector.load %arg15[%swap3A_1217, %swap3A_1218, %swap3A_1219] : memref<10x50x50xf32, #tpu.memory_space<vmem>>, vector<1x50x50xf32>
    %swap3A_1221 = vector.shape_cast %swap3A_1220 : vector<1x50x50xf32> to vector<50x50xf32>
    %swap3A_1222 = vector.shape_cast %sub3A_1216 : vector<50x50xf32> to vector<1x50x50xf32>
    tpu.vector_store %arg15[%swap3A_1217, %swap3A_1218, %swap3A_1219], %swap3A_1222 {strides = array<i32>} : memref<10x50x50xf32, #tpu.memory_space<vmem>>, vector<1x50x50xf32>,
    %dot_general3A_1223 = arith.constant dense<0.000000e+00> : vector<50x64xf32>
    %dot_general3A_1224 = tpu.matmul %get3A_1097, %add3A_440, %dot_general3A_1223 {dimension_numbers = #tpu.dot_dimension_numbers<[1], [0], [0], [1], [0, 0, 1, 1], [], []>, transpose_lhs_hint = false} : vector<50x64xf32>, vector<64x64xf32>, vector<50x64xf32> -> vector<50x64xf32>
    %dot_general3A_1225 = arith.constant dense<0.000000e+00> : vector<50x50xf32>
    %dot_general3A_1226 = tpu.matmul %dot_general3A_1224, %get3A_1097, %dot_general3A_1225 {dimension_numbers = #tpu.dot_dimension_numbers<[1], [1], [0], [0], [0, 0, 1, 0], [], []>, transpose_lhs_hint = false} : vector<50x64xf32>, vector<50x64xf32>, vector<50x50xf32> -> vector<50x50xf32>
    %get3A_1227 = arith.constant 0 : index
    %get3A_1228 = arith.constant 0 : index
    %get3A_1229 = memref.load %arg7[%get3A_1227, %get3A_1228] : memref<1x5xf32, #tpu.memory_space<smem>>
    %add3A_1230 = vector.broadcast %get3A_1229 : f32 to vector<50x50xf32>
    %add3A_1231 = arith.addf %dot_general3A_1226, %add3A_1230 : vector<50x50xf32>
    %swap3A_1232 = arith.constant 2 : index
    %swap3A_1233 = arith.constant 0 : index
    %swap3A_1234 = arith.constant 0 : index
    %swap3A_1235 = vector.load %arg16[%swap3A_1232, %swap3A_1233, %swap3A_1234] : memref<10x50x50xf32, #tpu.memory_space<vmem>>, vector<1x50x50xf32>
    %swap3A_1236 = vector.shape_cast %swap3A_1235 : vector<1x50x50xf32> to vector<50x50xf32>
    %swap3A_1237 = vector.shape_cast %add3A_1231 : vector<50x50xf32> to vector<1x50x50xf32>
    tpu.vector_store %arg16[%swap3A_1232, %swap3A_1233, %swap3A_1234], %swap3A_1237 {strides = array<i32>} : memref<10x50x50xf32, #tpu.memory_space<vmem>>, vector<1x50x50xf32>,
    %dot_general3A_1238 = arith.constant dense<0.000000e+00> : vector<50x64xf32>
    %dot_general3A_1239 = tpu.matmul %get3A_1097, %add3A_494, %dot_general3A_1238 {dimension_numbers = #tpu.dot_dimension_numbers<[1], [0], [0], [1], [0, 0, 1, 1], [], []>, transpose_lhs_hint = false} : vector<50x64xf32>, vector<64x64xf32>, vector<50x64xf32> -> vector<50x64xf32>
    %dot_general3A_1240 = arith.constant dense<0.000000e+00> : vector<50x50xf32>
    %dot_general3A_1241 = tpu.matmul %dot_general3A_1239, %get3A_1097, %dot_general3A_1240 {dimension_numbers = #tpu.dot_dimension_numbers<[1], [1], [0], [0], [0, 0, 1, 0], [], []>, transpose_lhs_hint = false} : vector<50x64xf32>, vector<50x64xf32>, vector<50x50xf32> -> vector<50x50xf32>
    %get3A_1242 = arith.constant 0 : index
    %get3A_1243 = arith.constant 1 : index
    %get3A_1244 = memref.load %arg7[%get3A_1242, %get3A_1243] : memref<1x5xf32, #tpu.memory_space<smem>>
    %add3A_1245 = vector.broadcast %get3A_1244 : f32 to vector<50x50xf32>
    %add3A_1246 = arith.addf %dot_general3A_1241, %add3A_1245 : vector<50x50xf32>
    %swap3A_1247 = arith.constant 2 : index
    %swap3A_1248 = arith.constant 0 : index
    %swap3A_1249 = arith.constant 0 : index
    %swap3A_1250 = vector.load %arg17[%swap3A_1247, %swap3A_1248, %swap3A_1249] : memref<10x50x50xf32, #tpu.memory_space<vmem>>, vector<1x50x50xf32>
    %swap3A_1251 = vector.shape_cast %swap3A_1250 : vector<1x50x50xf32> to vector<50x50xf32>
    %swap3A_1252 = vector.shape_cast %add3A_1246 : vector<50x50xf32> to vector<1x50x50xf32>
    tpu.vector_store %arg17[%swap3A_1247, %swap3A_1248, %swap3A_1249], %swap3A_1252 {strides = array<i32>} : memref<10x50x50xf32, #tpu.memory_space<vmem>>, vector<1x50x50xf32>,
    %dot_general3A_1253 = arith.constant dense<0.000000e+00> : vector<50x64xf32>
    %dot_general3A_1254 = tpu.matmul %get3A_1097, %add3A_548, %dot_general3A_1253 {dimension_numbers = #tpu.dot_dimension_numbers<[1], [0], [0], [1], [0, 0, 1, 1], [], []>, transpose_lhs_hint = false} : vector<50x64xf32>, vector<64x64xf32>, vector<50x64xf32> -> vector<50x64xf32>
    %dot_general3A_1255 = arith.constant dense<0.000000e+00> : vector<50x50xf32>
    %dot_general3A_1256 = tpu.matmul %dot_general3A_1254, %get3A_1097, %dot_general3A_1255 {dimension_numbers = #tpu.dot_dimension_numbers<[1], [1], [0], [0], [0, 0, 1, 0], [], []>, transpose_lhs_hint = false} : vector<50x64xf32>, vector<50x64xf32>, vector<50x50xf32> -> vector<50x50xf32>
    %get3A_1257 = arith.constant 0 : index
    %get3A_1258 = arith.constant 2 : index
    %get3A_1259 = memref.load %arg7[%get3A_1257, %get3A_1258] : memref<1x5xf32, #tpu.memory_space<smem>>
    %add3A_1260 = vector.broadcast %get3A_1259 : f32 to vector<50x50xf32>
    %add3A_1261 = arith.addf %dot_general3A_1256, %add3A_1260 : vector<50x50xf32>
    %swap3A_1262 = arith.constant 2 : index
    %swap3A_1263 = arith.constant 0 : index
    %swap3A_1264 = arith.constant 0 : index
    %swap3A_1265 = vector.load %arg18[%swap3A_1262, %swap3A_1263, %swap3A_1264] : memref<10x50x50xf32, #tpu.memory_space<vmem>>, vector<1x50x50xf32>
    %swap3A_1266 = vector.shape_cast %swap3A_1265 : vector<1x50x50xf32> to vector<50x50xf32>
    %swap3A_1267 = vector.shape_cast %add3A_1261 : vector<50x50xf32> to vector<1x50x50xf32>
    tpu.vector_store %arg18[%swap3A_1262, %swap3A_1263, %swap3A_1264], %swap3A_1267 {strides = array<i32>} : memref<10x50x50xf32, #tpu.memory_space<vmem>>, vector<1x50x50xf32>,
    %dot_general3A_1268 = arith.constant dense<0.000000e+00> : vector<50x64xf32>
    %dot_general3A_1269 = tpu.matmul %get3A_1097, %add3A_602, %dot_general3A_1268 {dimension_numbers = #tpu.dot_dimension_numbers<[1], [0], [0], [1], [0, 0, 1, 1], [], []>, transpose_lhs_hint = false} : vector<50x64xf32>, vector<64x64xf32>, vector<50x64xf32> -> vector<50x64xf32>
    %dot_general3A_1270 = arith.constant dense<0.000000e+00> : vector<50x50xf32>
    %dot_general3A_1271 = tpu.matmul %dot_general3A_1269, %get3A_1097, %dot_general3A_1270 {dimension_numbers = #tpu.dot_dimension_numbers<[1], [1], [0], [0], [0, 0, 1, 0], [], []>, transpose_lhs_hint = false} : vector<50x64xf32>, vector<50x64xf32>, vector<50x50xf32> -> vector<50x50xf32>
    %get3A_1272 = arith.constant 0 : index
    %get3A_1273 = arith.constant 3 : index
    %get3A_1274 = memref.load %arg7[%get3A_1272, %get3A_1273] : memref<1x5xf32, #tpu.memory_space<smem>>
    %add3A_1275 = vector.broadcast %get3A_1274 : f32 to vector<50x50xf32>
    %add3A_1276 = arith.addf %dot_general3A_1271, %add3A_1275 : vector<50x50xf32>
    %swap3A_1277 = arith.constant 2 : index
    %swap3A_1278 = arith.constant 0 : index
    %swap3A_1279 = arith.constant 0 : index
    %swap3A_1280 = vector.load %arg19[%swap3A_1277, %swap3A_1278, %swap3A_1279] : memref<10x50x50xf32, #tpu.memory_space<vmem>>, vector<1x50x50xf32>
    %swap3A_1281 = vector.shape_cast %swap3A_1280 : vector<1x50x50xf32> to vector<50x50xf32>
    %swap3A_1282 = vector.shape_cast %add3A_1276 : vector<50x50xf32> to vector<1x50x50xf32>
    tpu.vector_store %arg19[%swap3A_1277, %swap3A_1278, %swap3A_1279], %swap3A_1282 {strides = array<i32>} : memref<10x50x50xf32, #tpu.memory_space<vmem>>, vector<1x50x50xf32>,
    %dot_general3A_1283 = arith.constant dense<0.000000e+00> : vector<50x64xf32>
    %dot_general3A_1284 = tpu.matmul %get3A_1097, %add3A_656, %dot_general3A_1283 {dimension_numbers = #tpu.dot_dimension_numbers<[1], [0], [0], [1], [0, 0, 1, 1], [], []>, transpose_lhs_hint = false} : vector<50x64xf32>, vector<64x64xf32>, vector<50x64xf32> -> vector<50x64xf32>
    %dot_general3A_1285 = arith.constant dense<0.000000e+00> : vector<50x50xf32>
    %dot_general3A_1286 = tpu.matmul %dot_general3A_1284, %get3A_1097, %dot_general3A_1285 {dimension_numbers = #tpu.dot_dimension_numbers<[1], [1], [0], [0], [0, 0, 1, 0], [], []>, transpose_lhs_hint = false} : vector<50x64xf32>, vector<50x64xf32>, vector<50x50xf32> -> vector<50x50xf32>
    %get3A_1287 = arith.constant 0 : index
    %get3A_1288 = arith.constant 4 : index
    %get3A_1289 = memref.load %arg7[%get3A_1287, %get3A_1288] : memref<1x5xf32, #tpu.memory_space<smem>>
    %add3A_1290 = vector.broadcast %get3A_1289 : f32 to vector<50x50xf32>
    %add3A_1291 = arith.addf %dot_general3A_1286, %add3A_1290 : vector<50x50xf32>
    %swap3A_1292 = arith.constant 2 : index
    %swap3A_1293 = arith.constant 0 : index
    %swap3A_1294 = arith.constant 0 : index
    %swap3A_1295 = vector.load %arg20[%swap3A_1292, %swap3A_1293, %swap3A_1294] : memref<10x50x50xf32, #tpu.memory_space<vmem>>, vector<1x50x50xf32>
    %swap3A_1296 = vector.shape_cast %swap3A_1295 : vector<1x50x50xf32> to vector<50x50xf32>
    %swap3A_1297 = vector.shape_cast %add3A_1291 : vector<50x50xf32> to vector<1x50x50xf32>
    tpu.vector_store %arg20[%swap3A_1292, %swap3A_1293, %swap3A_1294], %swap3A_1297 {strides = array<i32>} : memref<10x50x50xf32, #tpu.memory_space<vmem>>, vector<1x50x50xf32>,
    %get3A_1298 = arith.constant 0 : index
    %get3A_1299 = arith.constant 0 : index
    %get3A_1300 = vector.load %arg8[%get3A_1298, %get3A_1299] : memref<64x92xf32, #tpu.memory_space<vmem>>, vector<64x92xf32>
    %dot_general3A_1301 = arith.constant dense<0.000000e+00> : vector<50x92xf32>
    %dot_general3A_1302 = tpu.matmul %get3A_1097, %get3A_1300, %dot_general3A_1301 {dimension_numbers = #tpu.dot_dimension_numbers<[1], [0], [0], [1], [0, 0, 1, 1], [], []>, transpose_lhs_hint = false} : vector<50x64xf32>, vector<64x92xf32>, vector<50x92xf32> -> vector<50x92xf32>
    %get3A_1303 = arith.constant 0 : index
    %get3A_1304 = arith.constant 0 : index
    %get3A_1305 = vector.load %arg9[%get3A_1303, %get3A_1304] : memref<1x92xf32, #tpu.memory_space<vmem>>, vector<1x92xf32>
    %add3A_1306 = vector.broadcast %get3A_1305 : vector<1x92xf32> to vector<50x92xf32>
    %add3A_1307 = arith.addf %dot_general3A_1302, %add3A_1306 : vector<50x92xf32>
    %swap3A_1308 = arith.constant 2 : index
    %swap3A_1309 = arith.constant 0 : index
    %swap3A_1310 = arith.constant 0 : index
    %swap3A_1311 = vector.load %arg21[%swap3A_1308, %swap3A_1309, %swap3A_1310] : memref<10x50x92xf32, #tpu.memory_space<vmem>>, vector<1x50x92xf32>
    %swap3A_1312 = vector.shape_cast %swap3A_1311 : vector<1x50x92xf32> to vector<50x92xf32>
    %swap3A_1313 = vector.shape_cast %add3A_1307 : vector<50x92xf32> to vector<1x50x92xf32>
    tpu.vector_store %arg21[%swap3A_1308, %swap3A_1309, %swap3A_1310], %swap3A_1313 {strides = array<i32>} : memref<10x50x92xf32, #tpu.memory_space<vmem>>, vector<1x50x92xf32>,
    %get3A_1314 = arith.constant 3 : index
    %get3A_1315 = arith.constant 0 : index
    %get3A_1316 = arith.constant 0 : index
    %get3A_1317 = vector.load %arg1[%get3A_1314, %get3A_1315, %get3A_1316] : memref<10x50x64xf32, #tpu.memory_space<vmem>>, vector<1x50x64xf32>
    %get3A_1318 = vector.shape_cast %get3A_1317 : vector<1x50x64xf32> to vector<50x64xf32>
    %dot_general3A_1319 = arith.constant dense<0.000000e+00> : vector<50x64xf32>
    %dot_general3A_1320 = tpu.matmul %get3A_1318, %add3A_61, %dot_general3A_1319 {dimension_numbers = #tpu.dot_dimension_numbers<[1], [0], [0], [1], [0, 0, 1, 1], [], []>, transpose_lhs_hint = false} : vector<50x64xf32>, vector<64x64xf32>, vector<50x64xf32> -> vector<50x64xf32>
    %dot_general3A_1321 = arith.constant dense<0.000000e+00> : vector<50x50xf32>
    %dot_general3A_1322 = tpu.matmul %dot_general3A_1320, %get3A_1318, %dot_general3A_1321 {dimension_numbers = #tpu.dot_dimension_numbers<[1], [1], [0], [0], [0, 0, 1, 0], [], []>, transpose_lhs_hint = false} : vector<50x64xf32>, vector<50x64xf32>, vector<50x50xf32> -> vector<50x50xf32>
    %get3A_1323 = arith.constant 0 : index
    %get3A_1324 = arith.constant 0 : index
    %get3A_1325 = memref.load %arg4[%get3A_1323, %get3A_1324] : memref<1x6xf32, #tpu.memory_space<smem>>
    %add3A_1326 = vector.broadcast %get3A_1325 : f32 to vector<50x50xf32>
    %add3A_1327 = arith.addf %dot_general3A_1322, %add3A_1326 : vector<50x50xf32>
    %dot_general3A_1328 = arith.constant dense<0.000000e+00> : vector<50x64xf32>
    %dot_general3A_1329 = tpu.matmul %get3A_1318, %add3A_126, %dot_general3A_1328 {dimension_numbers = #tpu.dot_dimension_numbers<[1], [0], [0], [1], [0, 0, 1, 1], [], []>, transpose_lhs_hint = false} : vector<50x64xf32>, vector<64x64xf32>, vector<50x64xf32> -> vector<50x64xf32>
    %dot_general3A_1330 = arith.constant dense<0.000000e+00> : vector<50x50xf32>
    %dot_general3A_1331 = tpu.matmul %dot_general3A_1329, %get3A_1318, %dot_general3A_1330 {dimension_numbers = #tpu.dot_dimension_numbers<[1], [1], [0], [0], [0, 0, 1, 0], [], []>, transpose_lhs_hint = false} : vector<50x64xf32>, vector<50x64xf32>, vector<50x50xf32> -> vector<50x50xf32>
    %get3A_1332 = arith.constant 0 : index
    %get3A_1333 = arith.constant 1 : index
    %get3A_1334 = memref.load %arg4[%get3A_1332, %get3A_1333] : memref<1x6xf32, #tpu.memory_space<smem>>
    %add3A_1335 = vector.broadcast %get3A_1334 : f32 to vector<50x50xf32>
    %add3A_1336 = arith.addf %dot_general3A_1331, %add3A_1335 : vector<50x50xf32>
    %dot_general3A_1337 = arith.constant dense<0.000000e+00> : vector<50x64xf32>
    %dot_general3A_1338 = tpu.matmul %get3A_1318, %add3A_191, %dot_general3A_1337 {dimension_numbers = #tpu.dot_dimension_numbers<[1], [0], [0], [1], [0, 0, 1, 1], [], []>, transpose_lhs_hint = false} : vector<50x64xf32>, vector<64x64xf32>, vector<50x64xf32> -> vector<50x64xf32>
    %dot_general3A_1339 = arith.constant dense<0.000000e+00> : vector<50x50xf32>
    %dot_general3A_1340 = tpu.matmul %dot_general3A_1338, %get3A_1318, %dot_general3A_1339 {dimension_numbers = #tpu.dot_dimension_numbers<[1], [1], [0], [0], [0, 0, 1, 0], [], []>, transpose_lhs_hint = false} : vector<50x64xf32>, vector<50x64xf32>, vector<50x50xf32> -> vector<50x50xf32>
    %get3A_1341 = arith.constant 0 : index
    %get3A_1342 = arith.constant 2 : index
    %get3A_1343 = memref.load %arg4[%get3A_1341, %get3A_1342] : memref<1x6xf32, #tpu.memory_space<smem>>
    %add3A_1344 = vector.broadcast %get3A_1343 : f32 to vector<50x50xf32>
    %add3A_1345 = arith.addf %dot_general3A_1340, %add3A_1344 : vector<50x50xf32>
    %dot_general3A_1346 = arith.constant dense<0.000000e+00> : vector<50x64xf32>
    %dot_general3A_1347 = tpu.matmul %get3A_1318, %add3A_256, %dot_general3A_1346 {dimension_numbers = #tpu.dot_dimension_numbers<[1], [0], [0], [1], [0, 0, 1, 1], [], []>, transpose_lhs_hint = false} : vector<50x64xf32>, vector<64x64xf32>, vector<50x64xf32> -> vector<50x64xf32>
    %dot_general3A_1348 = arith.constant dense<0.000000e+00> : vector<50x50xf32>
    %dot_general3A_1349 = tpu.matmul %dot_general3A_1347, %get3A_1318, %dot_general3A_1348 {dimension_numbers = #tpu.dot_dimension_numbers<[1], [1], [0], [0], [0, 0, 1, 0], [], []>, transpose_lhs_hint = false} : vector<50x64xf32>, vector<50x64xf32>, vector<50x50xf32> -> vector<50x50xf32>
    %get3A_1350 = arith.constant 0 : index
    %get3A_1351 = arith.constant 3 : index
    %get3A_1352 = memref.load %arg4[%get3A_1350, %get3A_1351] : memref<1x6xf32, #tpu.memory_space<smem>>
    %add3A_1353 = vector.broadcast %get3A_1352 : f32 to vector<50x50xf32>
    %add3A_1354 = arith.addf %dot_general3A_1349, %add3A_1353 : vector<50x50xf32>
    %dot_general3A_1355 = arith.constant dense<0.000000e+00> : vector<50x64xf32>
    %dot_general3A_1356 = tpu.matmul %get3A_1318, %add3A_321, %dot_general3A_1355 {dimension_numbers = #tpu.dot_dimension_numbers<[1], [0], [0], [1], [0, 0, 1, 1], [], []>, transpose_lhs_hint = false} : vector<50x64xf32>, vector<64x64xf32>, vector<50x64xf32> -> vector<50x64xf32>
    %dot_general3A_1357 = arith.constant dense<0.000000e+00> : vector<50x50xf32>
    %dot_general3A_1358 = tpu.matmul %dot_general3A_1356, %get3A_1318, %dot_general3A_1357 {dimension_numbers = #tpu.dot_dimension_numbers<[1], [1], [0], [0], [0, 0, 1, 0], [], []>, transpose_lhs_hint = false} : vector<50x64xf32>, vector<50x64xf32>, vector<50x50xf32> -> vector<50x50xf32>
    %get3A_1359 = arith.constant 0 : index
    %get3A_1360 = arith.constant 4 : index
    %get3A_1361 = memref.load %arg4[%get3A_1359, %get3A_1360] : memref<1x6xf32, #tpu.memory_space<smem>>
    %add3A_1362 = vector.broadcast %get3A_1361 : f32 to vector<50x50xf32>
    %add3A_1363 = arith.addf %dot_general3A_1358, %add3A_1362 : vector<50x50xf32>
    %dot_general3A_1364 = arith.constant dense<0.000000e+00> : vector<50x64xf32>
    %dot_general3A_1365 = tpu.matmul %get3A_1318, %add3A_386, %dot_general3A_1364 {dimension_numbers = #tpu.dot_dimension_numbers<[1], [0], [0], [1], [0, 0, 1, 1], [], []>, transpose_lhs_hint = false} : vector<50x64xf32>, vector<64x64xf32>, vector<50x64xf32> -> vector<50x64xf32>
    %dot_general3A_1366 = arith.constant dense<0.000000e+00> : vector<50x50xf32>
    %dot_general3A_1367 = tpu.matmul %dot_general3A_1365, %get3A_1318, %dot_general3A_1366 {dimension_numbers = #tpu.dot_dimension_numbers<[1], [1], [0], [0], [0, 0, 1, 0], [], []>, transpose_lhs_hint = false} : vector<50x64xf32>, vector<50x64xf32>, vector<50x50xf32> -> vector<50x50xf32>
    %get3A_1368 = arith.constant 0 : index
    %get3A_1369 = arith.constant 5 : index
    %get3A_1370 = memref.load %arg4[%get3A_1368, %get3A_1369] : memref<1x6xf32, #tpu.memory_space<smem>>
    %add3A_1371 = vector.broadcast %get3A_1370 : f32 to vector<50x50xf32>
    %add3A_1372 = arith.addf %dot_general3A_1367, %add3A_1371 : vector<50x50xf32>
    %max3A_1373 = arith.maximumf %add3A_1327, %add3A_1336 : vector<50x50xf32>
    %max3A_1374 = arith.maximumf %max3A_1373, %add3A_1345 : vector<50x50xf32>
    %max3A_1375 = arith.maximumf %max3A_1374, %add3A_1354 : vector<50x50xf32>
    %max3A_1376 = arith.maximumf %max3A_1375, %add3A_1363 : vector<50x50xf32>
    %max3A_1377 = arith.maximumf %max3A_1376, %add3A_1372 : vector<50x50xf32>
    %sub3A_1378 = arith.subf %add3A_1327, %max3A_1377 : vector<50x50xf32>
    %exp3A_1379 = math.exp %sub3A_1378 : vector<50x50xf32>
    %sub3A_1380 = arith.subf %add3A_1336, %max3A_1377 : vector<50x50xf32>
    %exp3A_1381 = math.exp %sub3A_1380 : vector<50x50xf32>
    %add3A_1382 = arith.addf %exp3A_1379, %exp3A_1381 : vector<50x50xf32>
    %sub3A_1383 = arith.subf %add3A_1345, %max3A_1377 : vector<50x50xf32>
    %exp3A_1384 = math.exp %sub3A_1383 : vector<50x50xf32>
    %add3A_1385 = arith.addf %add3A_1382, %exp3A_1384 : vector<50x50xf32>
    %sub3A_1386 = arith.subf %add3A_1354, %max3A_1377 : vector<50x50xf32>
    %exp3A_1387 = math.exp %sub3A_1386 : vector<50x50xf32>
    %add3A_1388 = arith.addf %add3A_1385, %exp3A_1387 : vector<50x50xf32>
    %sub3A_1389 = arith.subf %add3A_1363, %max3A_1377 : vector<50x50xf32>
    %exp3A_1390 = math.exp %sub3A_1389 : vector<50x50xf32>
    %add3A_1391 = arith.addf %add3A_1388, %exp3A_1390 : vector<50x50xf32>
    %sub3A_1392 = arith.subf %add3A_1372, %max3A_1377 : vector<50x50xf32>
    %exp3A_1393 = math.exp %sub3A_1392 : vector<50x50xf32>
    %add3A_1394 = arith.addf %add3A_1391, %exp3A_1393 : vector<50x50xf32>
    %log3A_1395 = math.log %add3A_1394 : vector<50x50xf32>
    %sub3A_1396 = arith.subf %add3A_1327, %max3A_1377 : vector<50x50xf32>
    %sub3A_1397 = arith.subf %sub3A_1396, %log3A_1395 : vector<50x50xf32>
    %swap3A_1398 = arith.constant 3 : index
    %swap3A_1399 = arith.constant 0 : index
    %swap3A_1400 = arith.constant 0 : index
    %swap3A_1401 = vector.load %arg10[%swap3A_1398, %swap3A_1399, %swap3A_1400] : memref<10x50x50xf32, #tpu.memory_space<vmem>>, vector<1x50x50xf32>
    %swap3A_1402 = vector.shape_cast %swap3A_1401 : vector<1x50x50xf32> to vector<50x50xf32>
    %swap3A_1403 = vector.shape_cast %sub3A_1397 : vector<50x50xf32> to vector<1x50x50xf32>
    tpu.vector_store %arg10[%swap3A_1398, %swap3A_1399, %swap3A_1400], %swap3A_1403 {strides = array<i32>} : memref<10x50x50xf32, #tpu.memory_space<vmem>>, vector<1x50x50xf32>,
    %sub3A_1404 = arith.subf %add3A_1336, %max3A_1377 : vector<50x50xf32>
    %sub3A_1405 = arith.subf %sub3A_1404, %log3A_1395 : vector<50x50xf32>
    %swap3A_1406 = arith.constant 3 : index
    %swap3A_1407 = arith.constant 0 : index
    %swap3A_1408 = arith.constant 0 : index
    %swap3A_1409 = vector.load %arg11[%swap3A_1406, %swap3A_1407, %swap3A_1408] : memref<10x50x50xf32, #tpu.memory_space<vmem>>, vector<1x50x50xf32>
    %swap3A_1410 = vector.shape_cast %swap3A_1409 : vector<1x50x50xf32> to vector<50x50xf32>
    %swap3A_1411 = vector.shape_cast %sub3A_1405 : vector<50x50xf32> to vector<1x50x50xf32>
    tpu.vector_store %arg11[%swap3A_1406, %swap3A_1407, %swap3A_1408], %swap3A_1411 {strides = array<i32>} : memref<10x50x50xf32, #tpu.memory_space<vmem>>, vector<1x50x50xf32>,
    %sub3A_1412 = arith.subf %add3A_1345, %max3A_1377 : vector<50x50xf32>
    %sub3A_1413 = arith.subf %sub3A_1412, %log3A_1395 : vector<50x50xf32>
    %swap3A_1414 = arith.constant 3 : index
    %swap3A_1415 = arith.constant 0 : index
    %swap3A_1416 = arith.constant 0 : index
    %swap3A_1417 = vector.load %arg12[%swap3A_1414, %swap3A_1415, %swap3A_1416] : memref<10x50x50xf32, #tpu.memory_space<vmem>>, vector<1x50x50xf32>
    %swap3A_1418 = vector.shape_cast %swap3A_1417 : vector<1x50x50xf32> to vector<50x50xf32>
    %swap3A_1419 = vector.shape_cast %sub3A_1413 : vector<50x50xf32> to vector<1x50x50xf32>
    tpu.vector_store %arg12[%swap3A_1414, %swap3A_1415, %swap3A_1416], %swap3A_1419 {strides = array<i32>} : memref<10x50x50xf32, #tpu.memory_space<vmem>>, vector<1x50x50xf32>,
    %sub3A_1420 = arith.subf %add3A_1354, %max3A_1377 : vector<50x50xf32>
    %sub3A_1421 = arith.subf %sub3A_1420, %log3A_1395 : vector<50x50xf32>
    %swap3A_1422 = arith.constant 3 : index
    %swap3A_1423 = arith.constant 0 : index
    %swap3A_1424 = arith.constant 0 : index
    %swap3A_1425 = vector.load %arg13[%swap3A_1422, %swap3A_1423, %swap3A_1424] : memref<10x50x50xf32, #tpu.memory_space<vmem>>, vector<1x50x50xf32>
    %swap3A_1426 = vector.shape_cast %swap3A_1425 : vector<1x50x50xf32> to vector<50x50xf32>
    %swap3A_1427 = vector.shape_cast %sub3A_1421 : vector<50x50xf32> to vector<1x50x50xf32>
    tpu.vector_store %arg13[%swap3A_1422, %swap3A_1423, %swap3A_1424], %swap3A_1427 {strides = array<i32>} : memref<10x50x50xf32, #tpu.memory_space<vmem>>, vector<1x50x50xf32>,
    %sub3A_1428 = arith.subf %add3A_1363, %max3A_1377 : vector<50x50xf32>
    %sub3A_1429 = arith.subf %sub3A_1428, %log3A_1395 : vector<50x50xf32>
    %swap3A_1430 = arith.constant 3 : index
    %swap3A_1431 = arith.constant 0 : index
    %swap3A_1432 = arith.constant 0 : index
    %swap3A_1433 = vector.load %arg14[%swap3A_1430, %swap3A_1431, %swap3A_1432] : memref<10x50x50xf32, #tpu.memory_space<vmem>>, vector<1x50x50xf32>
    %swap3A_1434 = vector.shape_cast %swap3A_1433 : vector<1x50x50xf32> to vector<50x50xf32>
    %swap3A_1435 = vector.shape_cast %sub3A_1429 : vector<50x50xf32> to vector<1x50x50xf32>
    tpu.vector_store %arg14[%swap3A_1430, %swap3A_1431, %swap3A_1432], %swap3A_1435 {strides = array<i32>} : memref<10x50x50xf32, #tpu.memory_space<vmem>>, vector<1x50x50xf32>,
    %sub3A_1436 = arith.subf %add3A_1372, %max3A_1377 : vector<50x50xf32>
    %sub3A_1437 = arith.subf %sub3A_1436, %log3A_1395 : vector<50x50xf32>
    %swap3A_1438 = arith.constant 3 : index
    %swap3A_1439 = arith.constant 0 : index
    %swap3A_1440 = arith.constant 0 : index
    %swap3A_1441 = vector.load %arg15[%swap3A_1438, %swap3A_1439, %swap3A_1440] : memref<10x50x50xf32, #tpu.memory_space<vmem>>, vector<1x50x50xf32>
    %swap3A_1442 = vector.shape_cast %swap3A_1441 : vector<1x50x50xf32> to vector<50x50xf32>
    %swap3A_1443 = vector.shape_cast %sub3A_1437 : vector<50x50xf32> to vector<1x50x50xf32>
    tpu.vector_store %arg15[%swap3A_1438, %swap3A_1439, %swap3A_1440], %swap3A_1443 {strides = array<i32>} : memref<10x50x50xf32, #tpu.memory_space<vmem>>, vector<1x50x50xf32>,
    %dot_general3A_1444 = arith.constant dense<0.000000e+00> : vector<50x64xf32>
    %dot_general3A_1445 = tpu.matmul %get3A_1318, %add3A_440, %dot_general3A_1444 {dimension_numbers = #tpu.dot_dimension_numbers<[1], [0], [0], [1], [0, 0, 1, 1], [], []>, transpose_lhs_hint = false} : vector<50x64xf32>, vector<64x64xf32>, vector<50x64xf32> -> vector<50x64xf32>
    %dot_general3A_1446 = arith.constant dense<0.000000e+00> : vector<50x50xf32>
    %dot_general3A_1447 = tpu.matmul %dot_general3A_1445, %get3A_1318, %dot_general3A_1446 {dimension_numbers = #tpu.dot_dimension_numbers<[1], [1], [0], [0], [0, 0, 1, 0], [], []>, transpose_lhs_hint = false} : vector<50x64xf32>, vector<50x64xf32>, vector<50x50xf32> -> vector<50x50xf32>
    %get3A_1448 = arith.constant 0 : index
    %get3A_1449 = arith.constant 0 : index
    %get3A_1450 = memref.load %arg7[%get3A_1448, %get3A_1449] : memref<1x5xf32, #tpu.memory_space<smem>>
    %add3A_1451 = vector.broadcast %get3A_1450 : f32 to vector<50x50xf32>
    %add3A_1452 = arith.addf %dot_general3A_1447, %add3A_1451 : vector<50x50xf32>
    %swap3A_1453 = arith.constant 3 : index
    %swap3A_1454 = arith.constant 0 : index
    %swap3A_1455 = arith.constant 0 : index
    %swap3A_1456 = vector.load %arg16[%swap3A_1453, %swap3A_1454, %swap3A_1455] : memref<10x50x50xf32, #tpu.memory_space<vmem>>, vector<1x50x50xf32>
    %swap3A_1457 = vector.shape_cast %swap3A_1456 : vector<1x50x50xf32> to vector<50x50xf32>
    %swap3A_1458 = vector.shape_cast %add3A_1452 : vector<50x50xf32> to vector<1x50x50xf32>
    tpu.vector_store %arg16[%swap3A_1453, %swap3A_1454, %swap3A_1455], %swap3A_1458 {strides = array<i32>} : memref<10x50x50xf32, #tpu.memory_space<vmem>>, vector<1x50x50xf32>,
    %dot_general3A_1459 = arith.constant dense<0.000000e+00> : vector<50x64xf32>
    %dot_general3A_1460 = tpu.matmul %get3A_1318, %add3A_494, %dot_general3A_1459 {dimension_numbers = #tpu.dot_dimension_numbers<[1], [0], [0], [1], [0, 0, 1, 1], [], []>, transpose_lhs_hint = false} : vector<50x64xf32>, vector<64x64xf32>, vector<50x64xf32> -> vector<50x64xf32>
    %dot_general3A_1461 = arith.constant dense<0.000000e+00> : vector<50x50xf32>
    %dot_general3A_1462 = tpu.matmul %dot_general3A_1460, %get3A_1318, %dot_general3A_1461 {dimension_numbers = #tpu.dot_dimension_numbers<[1], [1], [0], [0], [0, 0, 1, 0], [], []>, transpose_lhs_hint = false} : vector<50x64xf32>, vector<50x64xf32>, vector<50x50xf32> -> vector<50x50xf32>
    %get3A_1463 = arith.constant 0 : index
    %get3A_1464 = arith.constant 1 : index
    %get3A_1465 = memref.load %arg7[%get3A_1463, %get3A_1464] : memref<1x5xf32, #tpu.memory_space<smem>>
    %add3A_1466 = vector.broadcast %get3A_1465 : f32 to vector<50x50xf32>
    %add3A_1467 = arith.addf %dot_general3A_1462, %add3A_1466 : vector<50x50xf32>
    %swap3A_1468 = arith.constant 3 : index
    %swap3A_1469 = arith.constant 0 : index
    %swap3A_1470 = arith.constant 0 : index
    %swap3A_1471 = vector.load %arg17[%swap3A_1468, %swap3A_1469, %swap3A_1470] : memref<10x50x50xf32, #tpu.memory_space<vmem>>, vector<1x50x50xf32>
    %swap3A_1472 = vector.shape_cast %swap3A_1471 : vector<1x50x50xf32> to vector<50x50xf32>
    %swap3A_1473 = vector.shape_cast %add3A_1467 : vector<50x50xf32> to vector<1x50x50xf32>
    tpu.vector_store %arg17[%swap3A_1468, %swap3A_1469, %swap3A_1470], %swap3A_1473 {strides = array<i32>} : memref<10x50x50xf32, #tpu.memory_space<vmem>>, vector<1x50x50xf32>,
    %dot_general3A_1474 = arith.constant dense<0.000000e+00> : vector<50x64xf32>
    %dot_general3A_1475 = tpu.matmul %get3A_1318, %add3A_548, %dot_general3A_1474 {dimension_numbers = #tpu.dot_dimension_numbers<[1], [0], [0], [1], [0, 0, 1, 1], [], []>, transpose_lhs_hint = false} : vector<50x64xf32>, vector<64x64xf32>, vector<50x64xf32> -> vector<50x64xf32>
    %dot_general3A_1476 = arith.constant dense<0.000000e+00> : vector<50x50xf32>
    %dot_general3A_1477 = tpu.matmul %dot_general3A_1475, %get3A_1318, %dot_general3A_1476 {dimension_numbers = #tpu.dot_dimension_numbers<[1], [1], [0], [0], [0, 0, 1, 0], [], []>, transpose_lhs_hint = false} : vector<50x64xf32>, vector<50x64xf32>, vector<50x50xf32> -> vector<50x50xf32>
    %get3A_1478 = arith.constant 0 : index
    %get3A_1479 = arith.constant 2 : index
    %get3A_1480 = memref.load %arg7[%get3A_1478, %get3A_1479] : memref<1x5xf32, #tpu.memory_space<smem>>
    %add3A_1481 = vector.broadcast %get3A_1480 : f32 to vector<50x50xf32>
    %add3A_1482 = arith.addf %dot_general3A_1477, %add3A_1481 : vector<50x50xf32>
    %swap3A_1483 = arith.constant 3 : index
    %swap3A_1484 = arith.constant 0 : index
    %swap3A_1485 = arith.constant 0 : index
    %swap3A_1486 = vector.load %arg18[%swap3A_1483, %swap3A_1484, %swap3A_1485] : memref<10x50x50xf32, #tpu.memory_space<vmem>>, vector<1x50x50xf32>
    %swap3A_1487 = vector.shape_cast %swap3A_1486 : vector<1x50x50xf32> to vector<50x50xf32>
    %swap3A_1488 = vector.shape_cast %add3A_1482 : vector<50x50xf32> to vector<1x50x50xf32>
    tpu.vector_store %arg18[%swap3A_1483, %swap3A_1484, %swap3A_1485], %swap3A_1488 {strides = array<i32>} : memref<10x50x50xf32, #tpu.memory_space<vmem>>, vector<1x50x50xf32>,
    %dot_general3A_1489 = arith.constant dense<0.000000e+00> : vector<50x64xf32>
    %dot_general3A_1490 = tpu.matmul %get3A_1318, %add3A_602, %dot_general3A_1489 {dimension_numbers = #tpu.dot_dimension_numbers<[1], [0], [0], [1], [0, 0, 1, 1], [], []>, transpose_lhs_hint = false} : vector<50x64xf32>, vector<64x64xf32>, vector<50x64xf32> -> vector<50x64xf32>
    %dot_general3A_1491 = arith.constant dense<0.000000e+00> : vector<50x50xf32>
    %dot_general3A_1492 = tpu.matmul %dot_general3A_1490, %get3A_1318, %dot_general3A_1491 {dimension_numbers = #tpu.dot_dimension_numbers<[1], [1], [0], [0], [0, 0, 1, 0], [], []>, transpose_lhs_hint = false} : vector<50x64xf32>, vector<50x64xf32>, vector<50x50xf32> -> vector<50x50xf32>
    %get3A_1493 = arith.constant 0 : index
    %get3A_1494 = arith.constant 3 : index
    %get3A_1495 = memref.load %arg7[%get3A_1493, %get3A_1494] : memref<1x5xf32, #tpu.memory_space<smem>>
    %add3A_1496 = vector.broadcast %get3A_1495 : f32 to vector<50x50xf32>
    %add3A_1497 = arith.addf %dot_general3A_1492, %add3A_1496 : vector<50x50xf32>
    %swap3A_1498 = arith.constant 3 : index
    %swap3A_1499 = arith.constant 0 : index
    %swap3A_1500 = arith.constant 0 : index
    %swap3A_1501 = vector.load %arg19[%swap3A_1498, %swap3A_1499, %swap3A_1500] : memref<10x50x50xf32, #tpu.memory_space<vmem>>, vector<1x50x50xf32>
    %swap3A_1502 = vector.shape_cast %swap3A_1501 : vector<1x50x50xf32> to vector<50x50xf32>
    %swap3A_1503 = vector.shape_cast %add3A_1497 : vector<50x50xf32> to vector<1x50x50xf32>
    tpu.vector_store %arg19[%swap3A_1498, %swap3A_1499, %swap3A_1500], %swap3A_1503 {strides = array<i32>} : memref<10x50x50xf32, #tpu.memory_space<vmem>>, vector<1x50x50xf32>,
    %dot_general3A_1504 = arith.constant dense<0.000000e+00> : vector<50x64xf32>
    %dot_general3A_1505 = tpu.matmul %get3A_1318, %add3A_656, %dot_general3A_1504 {dimension_numbers = #tpu.dot_dimension_numbers<[1], [0], [0], [1], [0, 0, 1, 1], [], []>, transpose_lhs_hint = false} : vector<50x64xf32>, vector<64x64xf32>, vector<50x64xf32> -> vector<50x64xf32>
    %dot_general3A_1506 = arith.constant dense<0.000000e+00> : vector<50x50xf32>
    %dot_general3A_1507 = tpu.matmul %dot_general3A_1505, %get3A_1318, %dot_general3A_1506 {dimension_numbers = #tpu.dot_dimension_numbers<[1], [1], [0], [0], [0, 0, 1, 0], [], []>, transpose_lhs_hint = false} : vector<50x64xf32>, vector<50x64xf32>, vector<50x50xf32> -> vector<50x50xf32>
    %get3A_1508 = arith.constant 0 : index
    %get3A_1509 = arith.constant 4 : index
    %get3A_1510 = memref.load %arg7[%get3A_1508, %get3A_1509] : memref<1x5xf32, #tpu.memory_space<smem>>
    %add3A_1511 = vector.broadcast %get3A_1510 : f32 to vector<50x50xf32>
    %add3A_1512 = arith.addf %dot_general3A_1507, %add3A_1511 : vector<50x50xf32>
    %swap3A_1513 = arith.constant 3 : index
    %swap3A_1514 = arith.constant 0 : index
    %swap3A_1515 = arith.constant 0 : index
    %swap3A_1516 = vector.load %arg20[%swap3A_1513, %swap3A_1514, %swap3A_1515] : memref<10x50x50xf32, #tpu.memory_space<vmem>>, vector<1x50x50xf32>
    %swap3A_1517 = vector.shape_cast %swap3A_1516 : vector<1x50x50xf32> to vector<50x50xf32>
    %swap3A_1518 = vector.shape_cast %add3A_1512 : vector<50x50xf32> to vector<1x50x50xf32>
    tpu.vector_store %arg20[%swap3A_1513, %swap3A_1514, %swap3A_1515], %swap3A_1518 {strides = array<i32>} : memref<10x50x50xf32, #tpu.memory_space<vmem>>, vector<1x50x50xf32>,
    %get3A_1519 = arith.constant 0 : index
    %get3A_1520 = arith.constant 0 : index
    %get3A_1521 = vector.load %arg8[%get3A_1519, %get3A_1520] : memref<64x92xf32, #tpu.memory_space<vmem>>, vector<64x92xf32>
    %dot_general3A_1522 = arith.constant dense<0.000000e+00> : vector<50x92xf32>
    %dot_general3A_1523 = tpu.matmul %get3A_1318, %get3A_1521, %dot_general3A_1522 {dimension_numbers = #tpu.dot_dimension_numbers<[1], [0], [0], [1], [0, 0, 1, 1], [], []>, transpose_lhs_hint = false} : vector<50x64xf32>, vector<64x92xf32>, vector<50x92xf32> -> vector<50x92xf32>
    %get3A_1524 = arith.constant 0 : index
    %get3A_1525 = arith.constant 0 : index
    %get3A_1526 = vector.load %arg9[%get3A_1524, %get3A_1525] : memref<1x92xf32, #tpu.memory_space<vmem>>, vector<1x92xf32>
    %add3A_1527 = vector.broadcast %get3A_1526 : vector<1x92xf32> to vector<50x92xf32>
    %add3A_1528 = arith.addf %dot_general3A_1523, %add3A_1527 : vector<50x92xf32>
    %swap3A_1529 = arith.constant 3 : index
    %swap3A_1530 = arith.constant 0 : index
    %swap3A_1531 = arith.constant 0 : index
    %swap3A_1532 = vector.load %arg21[%swap3A_1529, %swap3A_1530, %swap3A_1531] : memref<10x50x92xf32, #tpu.memory_space<vmem>>, vector<1x50x92xf32>
    %swap3A_1533 = vector.shape_cast %swap3A_1532 : vector<1x50x92xf32> to vector<50x92xf32>
    %swap3A_1534 = vector.shape_cast %add3A_1528 : vector<50x92xf32> to vector<1x50x92xf32>
    tpu.vector_store %arg21[%swap3A_1529, %swap3A_1530, %swap3A_1531], %swap3A_1534 {strides = array<i32>} : memref<10x50x92xf32, #tpu.memory_space<vmem>>, vector<1x50x92xf32>,
    %get3A_1535 = arith.constant 4 : index
    %get3A_1536 = arith.constant 0 : index
    %get3A_1537 = arith.constant 0 : index
    %get3A_1538 = vector.load %arg1[%get3A_1535, %get3A_1536, %get3A_1537] : memref<10x50x64xf32, #tpu.memory_space<vmem>>, vector<1x50x64xf32>
    %get3A_1539 = vector.shape_cast %get3A_1538 : vector<1x50x64xf32> to vector<50x64xf32>
    %dot_general3A_1540 = arith.constant dense<0.000000e+00> : vector<50x64xf32>
    %dot_general3A_1541 = tpu.matmul %get3A_1539, %add3A_61, %dot_general3A_1540 {dimension_numbers = #tpu.dot_dimension_numbers<[1], [0], [0], [1], [0, 0, 1, 1], [], []>, transpose_lhs_hint = false} : vector<50x64xf32>, vector<64x64xf32>, vector<50x64xf32> -> vector<50x64xf32>
    %dot_general3A_1542 = arith.constant dense<0.000000e+00> : vector<50x50xf32>
    %dot_general3A_1543 = tpu.matmul %dot_general3A_1541, %get3A_1539, %dot_general3A_1542 {dimension_numbers = #tpu.dot_dimension_numbers<[1], [1], [0], [0], [0, 0, 1, 0], [], []>, transpose_lhs_hint = false} : vector<50x64xf32>, vector<50x64xf32>, vector<50x50xf32> -> vector<50x50xf32>
    %get3A_1544 = arith.constant 0 : index
    %get3A_1545 = arith.constant 0 : index
    %get3A_1546 = memref.load %arg4[%get3A_1544, %get3A_1545] : memref<1x6xf32, #tpu.memory_space<smem>>
    %add3A_1547 = vector.broadcast %get3A_1546 : f32 to vector<50x50xf32>
    %add3A_1548 = arith.addf %dot_general3A_1543, %add3A_1547 : vector<50x50xf32>
    %dot_general3A_1549 = arith.constant dense<0.000000e+00> : vector<50x64xf32>
    %dot_general3A_1550 = tpu.matmul %get3A_1539, %add3A_126, %dot_general3A_1549 {dimension_numbers = #tpu.dot_dimension_numbers<[1], [0], [0], [1], [0, 0, 1, 1], [], []>, transpose_lhs_hint = false} : vector<50x64xf32>, vector<64x64xf32>, vector<50x64xf32> -> vector<50x64xf32>
    %dot_general3A_1551 = arith.constant dense<0.000000e+00> : vector<50x50xf32>
    %dot_general3A_1552 = tpu.matmul %dot_general3A_1550, %get3A_1539, %dot_general3A_1551 {dimension_numbers = #tpu.dot_dimension_numbers<[1], [1], [0], [0], [0, 0, 1, 0], [], []>, transpose_lhs_hint = false} : vector<50x64xf32>, vector<50x64xf32>, vector<50x50xf32> -> vector<50x50xf32>
    %get3A_1553 = arith.constant 0 : index
    %get3A_1554 = arith.constant 1 : index
    %get3A_1555 = memref.load %arg4[%get3A_1553, %get3A_1554] : memref<1x6xf32, #tpu.memory_space<smem>>
    %add3A_1556 = vector.broadcast %get3A_1555 : f32 to vector<50x50xf32>
    %add3A_1557 = arith.addf %dot_general3A_1552, %add3A_1556 : vector<50x50xf32>
    %dot_general3A_1558 = arith.constant dense<0.000000e+00> : vector<50x64xf32>
    %dot_general3A_1559 = tpu.matmul %get3A_1539, %add3A_191, %dot_general3A_1558 {dimension_numbers = #tpu.dot_dimension_numbers<[1], [0], [0], [1], [0, 0, 1, 1], [], []>, transpose_lhs_hint = false} : vector<50x64xf32>, vector<64x64xf32>, vector<50x64xf32> -> vector<50x64xf32>
    %dot_general3A_1560 = arith.constant dense<0.000000e+00> : vector<50x50xf32>
    %dot_general3A_1561 = tpu.matmul %dot_general3A_1559, %get3A_1539, %dot_general3A_1560 {dimension_numbers = #tpu.dot_dimension_numbers<[1], [1], [0], [0], [0, 0, 1, 0], [], []>, transpose_lhs_hint = false} : vector<50x64xf32>, vector<50x64xf32>, vector<50x50xf32> -> vector<50x50xf32>
    %get3A_1562 = arith.constant 0 : index
    %get3A_1563 = arith.constant 2 : index
    %get3A_1564 = memref.load %arg4[%get3A_1562, %get3A_1563] : memref<1x6xf32, #tpu.memory_space<smem>>
    %add3A_1565 = vector.broadcast %get3A_1564 : f32 to vector<50x50xf32>
    %add3A_1566 = arith.addf %dot_general3A_1561, %add3A_1565 : vector<50x50xf32>
    %dot_general3A_1567 = arith.constant dense<0.000000e+00> : vector<50x64xf32>
    %dot_general3A_1568 = tpu.matmul %get3A_1539, %add3A_256, %dot_general3A_1567 {dimension_numbers = #tpu.dot_dimension_numbers<[1], [0], [0], [1], [0, 0, 1, 1], [], []>, transpose_lhs_hint = false} : vector<50x64xf32>, vector<64x64xf32>, vector<50x64xf32> -> vector<50x64xf32>
    %dot_general3A_1569 = arith.constant dense<0.000000e+00> : vector<50x50xf32>
    %dot_general3A_1570 = tpu.matmul %dot_general3A_1568, %get3A_1539, %dot_general3A_1569 {dimension_numbers = #tpu.dot_dimension_numbers<[1], [1], [0], [0], [0, 0, 1, 0], [], []>, transpose_lhs_hint = false} : vector<50x64xf32>, vector<50x64xf32>, vector<50x50xf32> -> vector<50x50xf32>
    %get3A_1571 = arith.constant 0 : index
    %get3A_1572 = arith.constant 3 : index
    %get3A_1573 = memref.load %arg4[%get3A_1571, %get3A_1572] : memref<1x6xf32, #tpu.memory_space<smem>>
    %add3A_1574 = vector.broadcast %get3A_1573 : f32 to vector<50x50xf32>
    %add3A_1575 = arith.addf %dot_general3A_1570, %add3A_1574 : vector<50x50xf32>
    %dot_general3A_1576 = arith.constant dense<0.000000e+00> : vector<50x64xf32>
    %dot_general3A_1577 = tpu.matmul %get3A_1539, %add3A_321, %dot_general3A_1576 {dimension_numbers = #tpu.dot_dimension_numbers<[1], [0], [0], [1], [0, 0, 1, 1], [], []>, transpose_lhs_hint = false} : vector<50x64xf32>, vector<64x64xf32>, vector<50x64xf32> -> vector<50x64xf32>
    %dot_general3A_1578 = arith.constant dense<0.000000e+00> : vector<50x50xf32>
    %dot_general3A_1579 = tpu.matmul %dot_general3A_1577, %get3A_1539, %dot_general3A_1578 {dimension_numbers = #tpu.dot_dimension_numbers<[1], [1], [0], [0], [0, 0, 1, 0], [], []>, transpose_lhs_hint = false} : vector<50x64xf32>, vector<50x64xf32>, vector<50x50xf32> -> vector<50x50xf32>
    %get3A_1580 = arith.constant 0 : index
    %get3A_1581 = arith.constant 4 : index
    %get3A_1582 = memref.load %arg4[%get3A_1580, %get3A_1581] : memref<1x6xf32, #tpu.memory_space<smem>>
    %add3A_1583 = vector.broadcast %get3A_1582 : f32 to vector<50x50xf32>
    %add3A_1584 = arith.addf %dot_general3A_1579, %add3A_1583 : vector<50x50xf32>
    %dot_general3A_1585 = arith.constant dense<0.000000e+00> : vector<50x64xf32>
    %dot_general3A_1586 = tpu.matmul %get3A_1539, %add3A_386, %dot_general3A_1585 {dimension_numbers = #tpu.dot_dimension_numbers<[1], [0], [0], [1], [0, 0, 1, 1], [], []>, transpose_lhs_hint = false} : vector<50x64xf32>, vector<64x64xf32>, vector<50x64xf32> -> vector<50x64xf32>
    %dot_general3A_1587 = arith.constant dense<0.000000e+00> : vector<50x50xf32>
    %dot_general3A_1588 = tpu.matmul %dot_general3A_1586, %get3A_1539, %dot_general3A_1587 {dimension_numbers = #tpu.dot_dimension_numbers<[1], [1], [0], [0], [0, 0, 1, 0], [], []>, transpose_lhs_hint = false} : vector<50x64xf32>, vector<50x64xf32>, vector<50x50xf32> -> vector<50x50xf32>
    %get3A_1589 = arith.constant 0 : index
    %get3A_1590 = arith.constant 5 : index
    %get3A_1591 = memref.load %arg4[%get3A_1589, %get3A_1590] : memref<1x6xf32, #tpu.memory_space<smem>>
    %add3A_1592 = vector.broadcast %get3A_1591 : f32 to vector<50x50xf32>
    %add3A_1593 = arith.addf %dot_general3A_1588, %add3A_1592 : vector<50x50xf32>
    %max3A_1594 = arith.maximumf %add3A_1548, %add3A_1557 : vector<50x50xf32>
    %max3A_1595 = arith.maximumf %max3A_1594, %add3A_1566 : vector<50x50xf32>
    %max3A_1596 = arith.maximumf %max3A_1595, %add3A_1575 : vector<50x50xf32>
    %max3A_1597 = arith.maximumf %max3A_1596, %add3A_1584 : vector<50x50xf32>
    %max3A_1598 = arith.maximumf %max3A_1597, %add3A_1593 : vector<50x50xf32>
    %sub3A_1599 = arith.subf %add3A_1548, %max3A_1598 : vector<50x50xf32>
    %exp3A_1600 = math.exp %sub3A_1599 : vector<50x50xf32>
    %sub3A_1601 = arith.subf %add3A_1557, %max3A_1598 : vector<50x50xf32>
    %exp3A_1602 = math.exp %sub3A_1601 : vector<50x50xf32>
    %add3A_1603 = arith.addf %exp3A_1600, %exp3A_1602 : vector<50x50xf32>
    %sub3A_1604 = arith.subf %add3A_1566, %max3A_1598 : vector<50x50xf32>
    %exp3A_1605 = math.exp %sub3A_1604 : vector<50x50xf32>
    %add3A_1606 = arith.addf %add3A_1603, %exp3A_1605 : vector<50x50xf32>
    %sub3A_1607 = arith.subf %add3A_1575, %max3A_1598 : vector<50x50xf32>
    %exp3A_1608 = math.exp %sub3A_1607 : vector<50x50xf32>
    %add3A_1609 = arith.addf %add3A_1606, %exp3A_1608 : vector<50x50xf32>
    %sub3A_1610 = arith.subf %add3A_1584, %max3A_1598 : vector<50x50xf32>
    %exp3A_1611 = math.exp %sub3A_1610 : vector<50x50xf32>
    %add3A_1612 = arith.addf %add3A_1609, %exp3A_1611 : vector<50x50xf32>
    %sub3A_1613 = arith.subf %add3A_1593, %max3A_1598 : vector<50x50xf32>
    %exp3A_1614 = math.exp %sub3A_1613 : vector<50x50xf32>
    %add3A_1615 = arith.addf %add3A_1612, %exp3A_1614 : vector<50x50xf32>
    %log3A_1616 = math.log %add3A_1615 : vector<50x50xf32>
    %sub3A_1617 = arith.subf %add3A_1548, %max3A_1598 : vector<50x50xf32>
    %sub3A_1618 = arith.subf %sub3A_1617, %log3A_1616 : vector<50x50xf32>
    %swap3A_1619 = arith.constant 4 : index
    %swap3A_1620 = arith.constant 0 : index
    %swap3A_1621 = arith.constant 0 : index
    %swap3A_1622 = vector.load %arg10[%swap3A_1619, %swap3A_1620, %swap3A_1621] : memref<10x50x50xf32, #tpu.memory_space<vmem>>, vector<1x50x50xf32>
    %swap3A_1623 = vector.shape_cast %swap3A_1622 : vector<1x50x50xf32> to vector<50x50xf32>
    %swap3A_1624 = vector.shape_cast %sub3A_1618 : vector<50x50xf32> to vector<1x50x50xf32>
    tpu.vector_store %arg10[%swap3A_1619, %swap3A_1620, %swap3A_1621], %swap3A_1624 {strides = array<i32>} : memref<10x50x50xf32, #tpu.memory_space<vmem>>, vector<1x50x50xf32>,
    %sub3A_1625 = arith.subf %add3A_1557, %max3A_1598 : vector<50x50xf32>
    %sub3A_1626 = arith.subf %sub3A_1625, %log3A_1616 : vector<50x50xf32>
    %swap3A_1627 = arith.constant 4 : index
    %swap3A_1628 = arith.constant 0 : index
    %swap3A_1629 = arith.constant 0 : index
    %swap3A_1630 = vector.load %arg11[%swap3A_1627, %swap3A_1628, %swap3A_1629] : memref<10x50x50xf32, #tpu.memory_space<vmem>>, vector<1x50x50xf32>
    %swap3A_1631 = vector.shape_cast %swap3A_1630 : vector<1x50x50xf32> to vector<50x50xf32>
    %swap3A_1632 = vector.shape_cast %sub3A_1626 : vector<50x50xf32> to vector<1x50x50xf32>
    tpu.vector_store %arg11[%swap3A_1627, %swap3A_1628, %swap3A_1629], %swap3A_1632 {strides = array<i32>} : memref<10x50x50xf32, #tpu.memory_space<vmem>>, vector<1x50x50xf32>,
    %sub3A_1633 = arith.subf %add3A_1566, %max3A_1598 : vector<50x50xf32>
    %sub3A_1634 = arith.subf %sub3A_1633, %log3A_1616 : vector<50x50xf32>
    %swap3A_1635 = arith.constant 4 : index
    %swap3A_1636 = arith.constant 0 : index
    %swap3A_1637 = arith.constant 0 : index
    %swap3A_1638 = vector.load %arg12[%swap3A_1635, %swap3A_1636, %swap3A_1637] : memref<10x50x50xf32, #tpu.memory_space<vmem>>, vector<1x50x50xf32>
    %swap3A_1639 = vector.shape_cast %swap3A_1638 : vector<1x50x50xf32> to vector<50x50xf32>
    %swap3A_1640 = vector.shape_cast %sub3A_1634 : vector<50x50xf32> to vector<1x50x50xf32>
    tpu.vector_store %arg12[%swap3A_1635, %swap3A_1636, %swap3A_1637], %swap3A_1640 {strides = array<i32>} : memref<10x50x50xf32, #tpu.memory_space<vmem>>, vector<1x50x50xf32>,
    %sub3A_1641 = arith.subf %add3A_1575, %max3A_1598 : vector<50x50xf32>
    %sub3A_1642 = arith.subf %sub3A_1641, %log3A_1616 : vector<50x50xf32>
    %swap3A_1643 = arith.constant 4 : index
    %swap3A_1644 = arith.constant 0 : index
    %swap3A_1645 = arith.constant 0 : index
    %swap3A_1646 = vector.load %arg13[%swap3A_1643, %swap3A_1644, %swap3A_1645] : memref<10x50x50xf32, #tpu.memory_space<vmem>>, vector<1x50x50xf32>
    %swap3A_1647 = vector.shape_cast %swap3A_1646 : vector<1x50x50xf32> to vector<50x50xf32>
    %swap3A_1648 = vector.shape_cast %sub3A_1642 : vector<50x50xf32> to vector<1x50x50xf32>
    tpu.vector_store %arg13[%swap3A_1643, %swap3A_1644, %swap3A_1645], %swap3A_1648 {strides = array<i32>} : memref<10x50x50xf32, #tpu.memory_space<vmem>>, vector<1x50x50xf32>,
    %sub3A_1649 = arith.subf %add3A_1584, %max3A_1598 : vector<50x50xf32>
    %sub3A_1650 = arith.subf %sub3A_1649, %log3A_1616 : vector<50x50xf32>
    %swap3A_1651 = arith.constant 4 : index
    %swap3A_1652 = arith.constant 0 : index
    %swap3A_1653 = arith.constant 0 : index
    %swap3A_1654 = vector.load %arg14[%swap3A_1651, %swap3A_1652, %swap3A_1653] : memref<10x50x50xf32, #tpu.memory_space<vmem>>, vector<1x50x50xf32>
    %swap3A_1655 = vector.shape_cast %swap3A_1654 : vector<1x50x50xf32> to vector<50x50xf32>
    %swap3A_1656 = vector.shape_cast %sub3A_1650 : vector<50x50xf32> to vector<1x50x50xf32>
    tpu.vector_store %arg14[%swap3A_1651, %swap3A_1652, %swap3A_1653], %swap3A_1656 {strides = array<i32>} : memref<10x50x50xf32, #tpu.memory_space<vmem>>, vector<1x50x50xf32>,
    %sub3A_1657 = arith.subf %add3A_1593, %max3A_1598 : vector<50x50xf32>
    %sub3A_1658 = arith.subf %sub3A_1657, %log3A_1616 : vector<50x50xf32>
    %swap3A_1659 = arith.constant 4 : index
    %swap3A_1660 = arith.constant 0 : index
    %swap3A_1661 = arith.constant 0 : index
    %swap3A_1662 = vector.load %arg15[%swap3A_1659, %swap3A_1660, %swap3A_1661] : memref<10x50x50xf32, #tpu.memory_space<vmem>>, vector<1x50x50xf32>
    %swap3A_1663 = vector.shape_cast %swap3A_1662 : vector<1x50x50xf32> to vector<50x50xf32>
    %swap3A_1664 = vector.shape_cast %sub3A_1658 : vector<50x50xf32> to vector<1x50x50xf32>
    tpu.vector_store %arg15[%swap3A_1659, %swap3A_1660, %swap3A_1661], %swap3A_1664 {strides = array<i32>} : memref<10x50x50xf32, #tpu.memory_space<vmem>>, vector<1x50x50xf32>,
    %dot_general3A_1665 = arith.constant dense<0.000000e+00> : vector<50x64xf32>
    %dot_general3A_1666 = tpu.matmul %get3A_1539, %add3A_440, %dot_general3A_1665 {dimension_numbers = #tpu.dot_dimension_numbers<[1], [0], [0], [1], [0, 0, 1, 1], [], []>, transpose_lhs_hint = false} : vector<50x64xf32>, vector<64x64xf32>, vector<50x64xf32> -> vector<50x64xf32>
    %dot_general3A_1667 = arith.constant dense<0.000000e+00> : vector<50x50xf32>
    %dot_general3A_1668 = tpu.matmul %dot_general3A_1666, %get3A_1539, %dot_general3A_1667 {dimension_numbers = #tpu.dot_dimension_numbers<[1], [1], [0], [0], [0, 0, 1, 0], [], []>, transpose_lhs_hint = false} : vector<50x64xf32>, vector<50x64xf32>, vector<50x50xf32> -> vector<50x50xf32>
    %get3A_1669 = arith.constant 0 : index
    %get3A_1670 = arith.constant 0 : index
    %get3A_1671 = memref.load %arg7[%get3A_1669, %get3A_1670] : memref<1x5xf32, #tpu.memory_space<smem>>
    %add3A_1672 = vector.broadcast %get3A_1671 : f32 to vector<50x50xf32>
    %add3A_1673 = arith.addf %dot_general3A_1668, %add3A_1672 : vector<50x50xf32>
    %swap3A_1674 = arith.constant 4 : index
    %swap3A_1675 = arith.constant 0 : index
    %swap3A_1676 = arith.constant 0 : index
    %swap3A_1677 = vector.load %arg16[%swap3A_1674, %swap3A_1675, %swap3A_1676] : memref<10x50x50xf32, #tpu.memory_space<vmem>>, vector<1x50x50xf32>
    %swap3A_1678 = vector.shape_cast %swap3A_1677 : vector<1x50x50xf32> to vector<50x50xf32>
    %swap3A_1679 = vector.shape_cast %add3A_1673 : vector<50x50xf32> to vector<1x50x50xf32>
    tpu.vector_store %arg16[%swap3A_1674, %swap3A_1675, %swap3A_1676], %swap3A_1679 {strides = array<i32>} : memref<10x50x50xf32, #tpu.memory_space<vmem>>, vector<1x50x50xf32>,
    %dot_general3A_1680 = arith.constant dense<0.000000e+00> : vector<50x64xf32>
    %dot_general3A_1681 = tpu.matmul %get3A_1539, %add3A_494, %dot_general3A_1680 {dimension_numbers = #tpu.dot_dimension_numbers<[1], [0], [0], [1], [0, 0, 1, 1], [], []>, transpose_lhs_hint = false} : vector<50x64xf32>, vector<64x64xf32>, vector<50x64xf32> -> vector<50x64xf32>
    %dot_general3A_1682 = arith.constant dense<0.000000e+00> : vector<50x50xf32>
    %dot_general3A_1683 = tpu.matmul %dot_general3A_1681, %get3A_1539, %dot_general3A_1682 {dimension_numbers = #tpu.dot_dimension_numbers<[1], [1], [0], [0], [0, 0, 1, 0], [], []>, transpose_lhs_hint = false} : vector<50x64xf32>, vector<50x64xf32>, vector<50x50xf32> -> vector<50x50xf32>
    %get3A_1684 = arith.constant 0 : index
    %get3A_1685 = arith.constant 1 : index
    %get3A_1686 = memref.load %arg7[%get3A_1684, %get3A_1685] : memref<1x5xf32, #tpu.memory_space<smem>>
    %add3A_1687 = vector.broadcast %get3A_1686 : f32 to vector<50x50xf32>
    %add3A_1688 = arith.addf %dot_general3A_1683, %add3A_1687 : vector<50x50xf32>
    %swap3A_1689 = arith.constant 4 : index
    %swap3A_1690 = arith.constant 0 : index
    %swap3A_1691 = arith.constant 0 : index
    %swap3A_1692 = vector.load %arg17[%swap3A_1689, %swap3A_1690, %swap3A_1691] : memref<10x50x50xf32, #tpu.memory_space<vmem>>, vector<1x50x50xf32>
    %swap3A_1693 = vector.shape_cast %swap3A_1692 : vector<1x50x50xf32> to vector<50x50xf32>
    %swap3A_1694 = vector.shape_cast %add3A_1688 : vector<50x50xf32> to vector<1x50x50xf32>
    tpu.vector_store %arg17[%swap3A_1689, %swap3A_1690, %swap3A_1691], %swap3A_1694 {strides = array<i32>} : memref<10x50x50xf32, #tpu.memory_space<vmem>>, vector<1x50x50xf32>,
    %dot_general3A_1695 = arith.constant dense<0.000000e+00> : vector<50x64xf32>
    %dot_general3A_1696 = tpu.matmul %get3A_1539, %add3A_548, %dot_general3A_1695 {dimension_numbers = #tpu.dot_dimension_numbers<[1], [0], [0], [1], [0, 0, 1, 1], [], []>, transpose_lhs_hint = false} : vector<50x64xf32>, vector<64x64xf32>, vector<50x64xf32> -> vector<50x64xf32>
    %dot_general3A_1697 = arith.constant dense<0.000000e+00> : vector<50x50xf32>
    %dot_general3A_1698 = tpu.matmul %dot_general3A_1696, %get3A_1539, %dot_general3A_1697 {dimension_numbers = #tpu.dot_dimension_numbers<[1], [1], [0], [0], [0, 0, 1, 0], [], []>, transpose_lhs_hint = false} : vector<50x64xf32>, vector<50x64xf32>, vector<50x50xf32> -> vector<50x50xf32>
    %get3A_1699 = arith.constant 0 : index
    %get3A_1700 = arith.constant 2 : index
    %get3A_1701 = memref.load %arg7[%get3A_1699, %get3A_1700] : memref<1x5xf32, #tpu.memory_space<smem>>
    %add3A_1702 = vector.broadcast %get3A_1701 : f32 to vector<50x50xf32>
    %add3A_1703 = arith.addf %dot_general3A_1698, %add3A_1702 : vector<50x50xf32>
    %swap3A_1704 = arith.constant 4 : index
    %swap3A_1705 = arith.constant 0 : index
    %swap3A_1706 = arith.constant 0 : index
    %swap3A_1707 = vector.load %arg18[%swap3A_1704, %swap3A_1705, %swap3A_1706] : memref<10x50x50xf32, #tpu.memory_space<vmem>>, vector<1x50x50xf32>
    %swap3A_1708 = vector.shape_cast %swap3A_1707 : vector<1x50x50xf32> to vector<50x50xf32>
    %swap3A_1709 = vector.shape_cast %add3A_1703 : vector<50x50xf32> to vector<1x50x50xf32>
    tpu.vector_store %arg18[%swap3A_1704, %swap3A_1705, %swap3A_1706], %swap3A_1709 {strides = array<i32>} : memref<10x50x50xf32, #tpu.memory_space<vmem>>, vector<1x50x50xf32>,
    %dot_general3A_1710 = arith.constant dense<0.000000e+00> : vector<50x64xf32>
    %dot_general3A_1711 = tpu.matmul %get3A_1539, %add3A_602, %dot_general3A_1710 {dimension_numbers = #tpu.dot_dimension_numbers<[1], [0], [0], [1], [0, 0, 1, 1], [], []>, transpose_lhs_hint = false} : vector<50x64xf32>, vector<64x64xf32>, vector<50x64xf32> -> vector<50x64xf32>
    %dot_general3A_1712 = arith.constant dense<0.000000e+00> : vector<50x50xf32>
    %dot_general3A_1713 = tpu.matmul %dot_general3A_1711, %get3A_1539, %dot_general3A_1712 {dimension_numbers = #tpu.dot_dimension_numbers<[1], [1], [0], [0], [0, 0, 1, 0], [], []>, transpose_lhs_hint = false} : vector<50x64xf32>, vector<50x64xf32>, vector<50x50xf32> -> vector<50x50xf32>
    %get3A_1714 = arith.constant 0 : index
    %get3A_1715 = arith.constant 3 : index
    %get3A_1716 = memref.load %arg7[%get3A_1714, %get3A_1715] : memref<1x5xf32, #tpu.memory_space<smem>>
    %add3A_1717 = vector.broadcast %get3A_1716 : f32 to vector<50x50xf32>
    %add3A_1718 = arith.addf %dot_general3A_1713, %add3A_1717 : vector<50x50xf32>
    %swap3A_1719 = arith.constant 4 : index
    %swap3A_1720 = arith.constant 0 : index
    %swap3A_1721 = arith.constant 0 : index
    %swap3A_1722 = vector.load %arg19[%swap3A_1719, %swap3A_1720, %swap3A_1721] : memref<10x50x50xf32, #tpu.memory_space<vmem>>, vector<1x50x50xf32>
    %swap3A_1723 = vector.shape_cast %swap3A_1722 : vector<1x50x50xf32> to vector<50x50xf32>
    %swap3A_1724 = vector.shape_cast %add3A_1718 : vector<50x50xf32> to vector<1x50x50xf32>
    tpu.vector_store %arg19[%swap3A_1719, %swap3A_1720, %swap3A_1721], %swap3A_1724 {strides = array<i32>} : memref<10x50x50xf32, #tpu.memory_space<vmem>>, vector<1x50x50xf32>,
    %dot_general3A_1725 = arith.constant dense<0.000000e+00> : vector<50x64xf32>
    %dot_general3A_1726 = tpu.matmul %get3A_1539, %add3A_656, %dot_general3A_1725 {dimension_numbers = #tpu.dot_dimension_numbers<[1], [0], [0], [1], [0, 0, 1, 1], [], []>, transpose_lhs_hint = false} : vector<50x64xf32>, vector<64x64xf32>, vector<50x64xf32> -> vector<50x64xf32>
    %dot_general3A_1727 = arith.constant dense<0.000000e+00> : vector<50x50xf32>
    %dot_general3A_1728 = tpu.matmul %dot_general3A_1726, %get3A_1539, %dot_general3A_1727 {dimension_numbers = #tpu.dot_dimension_numbers<[1], [1], [0], [0], [0, 0, 1, 0], [], []>, transpose_lhs_hint = false} : vector<50x64xf32>, vector<50x64xf32>, vector<50x50xf32> -> vector<50x50xf32>
    %get3A_1729 = arith.constant 0 : index
    %get3A_1730 = arith.constant 4 : index
    %get3A_1731 = memref.load %arg7[%get3A_1729, %get3A_1730] : memref<1x5xf32, #tpu.memory_space<smem>>
    %add3A_1732 = vector.broadcast %get3A_1731 : f32 to vector<50x50xf32>
    %add3A_1733 = arith.addf %dot_general3A_1728, %add3A_1732 : vector<50x50xf32>
    %swap3A_1734 = arith.constant 4 : index
    %swap3A_1735 = arith.constant 0 : index
    %swap3A_1736 = arith.constant 0 : index
    %swap3A_1737 = vector.load %arg20[%swap3A_1734, %swap3A_1735, %swap3A_1736] : memref<10x50x50xf32, #tpu.memory_space<vmem>>, vector<1x50x50xf32>
    %swap3A_1738 = vector.shape_cast %swap3A_1737 : vector<1x50x50xf32> to vector<50x50xf32>
    %swap3A_1739 = vector.shape_cast %add3A_1733 : vector<50x50xf32> to vector<1x50x50xf32>
    tpu.vector_store %arg20[%swap3A_1734, %swap3A_1735, %swap3A_1736], %swap3A_1739 {strides = array<i32>} : memref<10x50x50xf32, #tpu.memory_space<vmem>>, vector<1x50x50xf32>,
    %get3A_1740 = arith.constant 0 : index
    %get3A_1741 = arith.constant 0 : index
    %get3A_1742 = vector.load %arg8[%get3A_1740, %get3A_1741] : memref<64x92xf32, #tpu.memory_space<vmem>>, vector<64x92xf32>
    %dot_general3A_1743 = arith.constant dense<0.000000e+00> : vector<50x92xf32>
    %dot_general3A_1744 = tpu.matmul %get3A_1539, %get3A_1742, %dot_general3A_1743 {dimension_numbers = #tpu.dot_dimension_numbers<[1], [0], [0], [1], [0, 0, 1, 1], [], []>, transpose_lhs_hint = false} : vector<50x64xf32>, vector<64x92xf32>, vector<50x92xf32> -> vector<50x92xf32>
    %get3A_1745 = arith.constant 0 : index
    %get3A_1746 = arith.constant 0 : index
    %get3A_1747 = vector.load %arg9[%get3A_1745, %get3A_1746] : memref<1x92xf32, #tpu.memory_space<vmem>>, vector<1x92xf32>
    %add3A_1748 = vector.broadcast %get3A_1747 : vector<1x92xf32> to vector<50x92xf32>
    %add3A_1749 = arith.addf %dot_general3A_1744, %add3A_1748 : vector<50x92xf32>
    %swap3A_1750 = arith.constant 4 : index
    %swap3A_1751 = arith.constant 0 : index
    %swap3A_1752 = arith.constant 0 : index
    %swap3A_1753 = vector.load %arg21[%swap3A_1750, %swap3A_1751, %swap3A_1752] : memref<10x50x92xf32, #tpu.memory_space<vmem>>, vector<1x50x92xf32>
    %swap3A_1754 = vector.shape_cast %swap3A_1753 : vector<1x50x92xf32> to vector<50x92xf32>
    %swap3A_1755 = vector.shape_cast %add3A_1749 : vector<50x92xf32> to vector<1x50x92xf32>
    tpu.vector_store %arg21[%swap3A_1750, %swap3A_1751, %swap3A_1752], %swap3A_1755 {strides = array<i32>} : memref<10x50x92xf32, #tpu.memory_space<vmem>>, vector<1x50x92xf32>,
    %get3A_1756 = arith.constant 5 : index
    %get3A_1757 = arith.constant 0 : index
    %get3A_1758 = arith.constant 0 : index
    %get3A_1759 = vector.load %arg1[%get3A_1756, %get3A_1757, %get3A_1758] : memref<10x50x64xf32, #tpu.memory_space<vmem>>, vector<1x50x64xf32>
    %get3A_1760 = vector.shape_cast %get3A_1759 : vector<1x50x64xf32> to vector<50x64xf32>
    %dot_general3A_1761 = arith.constant dense<0.000000e+00> : vector<50x64xf32>
    %dot_general3A_1762 = tpu.matmul %get3A_1760, %add3A_61, %dot_general3A_1761 {dimension_numbers = #tpu.dot_dimension_numbers<[1], [0], [0], [1], [0, 0, 1, 1], [], []>, transpose_lhs_hint = false} : vector<50x64xf32>, vector<64x64xf32>, vector<50x64xf32> -> vector<50x64xf32>
    %dot_general3A_1763 = arith.constant dense<0.000000e+00> : vector<50x50xf32>
    %dot_general3A_1764 = tpu.matmul %dot_general3A_1762, %get3A_1760, %dot_general3A_1763 {dimension_numbers = #tpu.dot_dimension_numbers<[1], [1], [0], [0], [0, 0, 1, 0], [], []>, transpose_lhs_hint = false} : vector<50x64xf32>, vector<50x64xf32>, vector<50x50xf32> -> vector<50x50xf32>
    %get3A_1765 = arith.constant 0 : index
    %get3A_1766 = arith.constant 0 : index
    %get3A_1767 = memref.load %arg4[%get3A_1765, %get3A_1766] : memref<1x6xf32, #tpu.memory_space<smem>>
    %add3A_1768 = vector.broadcast %get3A_1767 : f32 to vector<50x50xf32>
    %add3A_1769 = arith.addf %dot_general3A_1764, %add3A_1768 : vector<50x50xf32>
    %dot_general3A_1770 = arith.constant dense<0.000000e+00> : vector<50x64xf32>
    %dot_general3A_1771 = tpu.matmul %get3A_1760, %add3A_126, %dot_general3A_1770 {dimension_numbers = #tpu.dot_dimension_numbers<[1], [0], [0], [1], [0, 0, 1, 1], [], []>, transpose_lhs_hint = false} : vector<50x64xf32>, vector<64x64xf32>, vector<50x64xf32> -> vector<50x64xf32>
    %dot_general3A_1772 = arith.constant dense<0.000000e+00> : vector<50x50xf32>
    %dot_general3A_1773 = tpu.matmul %dot_general3A_1771, %get3A_1760, %dot_general3A_1772 {dimension_numbers = #tpu.dot_dimension_numbers<[1], [1], [0], [0], [0, 0, 1, 0], [], []>, transpose_lhs_hint = false} : vector<50x64xf32>, vector<50x64xf32>, vector<50x50xf32> -> vector<50x50xf32>
    %get3A_1774 = arith.constant 0 : index
    %get3A_1775 = arith.constant 1 : index
    %get3A_1776 = memref.load %arg4[%get3A_1774, %get3A_1775] : memref<1x6xf32, #tpu.memory_space<smem>>
    %add3A_1777 = vector.broadcast %get3A_1776 : f32 to vector<50x50xf32>
    %add3A_1778 = arith.addf %dot_general3A_1773, %add3A_1777 : vector<50x50xf32>
    %dot_general3A_1779 = arith.constant dense<0.000000e+00> : vector<50x64xf32>
    %dot_general3A_1780 = tpu.matmul %get3A_1760, %add3A_191, %dot_general3A_1779 {dimension_numbers = #tpu.dot_dimension_numbers<[1], [0], [0], [1], [0, 0, 1, 1], [], []>, transpose_lhs_hint = false} : vector<50x64xf32>, vector<64x64xf32>, vector<50x64xf32> -> vector<50x64xf32>
    %dot_general3A_1781 = arith.constant dense<0.000000e+00> : vector<50x50xf32>
    %dot_general3A_1782 = tpu.matmul %dot_general3A_1780, %get3A_1760, %dot_general3A_1781 {dimension_numbers = #tpu.dot_dimension_numbers<[1], [1], [0], [0], [0, 0, 1, 0], [], []>, transpose_lhs_hint = false} : vector<50x64xf32>, vector<50x64xf32>, vector<50x50xf32> -> vector<50x50xf32>
    %get3A_1783 = arith.constant 0 : index
    %get3A_1784 = arith.constant 2 : index
    %get3A_1785 = memref.load %arg4[%get3A_1783, %get3A_1784] : memref<1x6xf32, #tpu.memory_space<smem>>
    %add3A_1786 = vector.broadcast %get3A_1785 : f32 to vector<50x50xf32>
    %add3A_1787 = arith.addf %dot_general3A_1782, %add3A_1786 : vector<50x50xf32>
    %dot_general3A_1788 = arith.constant dense<0.000000e+00> : vector<50x64xf32>
    %dot_general3A_1789 = tpu.matmul %get3A_1760, %add3A_256, %dot_general3A_1788 {dimension_numbers = #tpu.dot_dimension_numbers<[1], [0], [0], [1], [0, 0, 1, 1], [], []>, transpose_lhs_hint = false} : vector<50x64xf32>, vector<64x64xf32>, vector<50x64xf32> -> vector<50x64xf32>
    %dot_general3A_1790 = arith.constant dense<0.000000e+00> : vector<50x50xf32>
    %dot_general3A_1791 = tpu.matmul %dot_general3A_1789, %get3A_1760, %dot_general3A_1790 {dimension_numbers = #tpu.dot_dimension_numbers<[1], [1], [0], [0], [0, 0, 1, 0], [], []>, transpose_lhs_hint = false} : vector<50x64xf32>, vector<50x64xf32>, vector<50x50xf32> -> vector<50x50xf32>
    %get3A_1792 = arith.constant 0 : index
    %get3A_1793 = arith.constant 3 : index
    %get3A_1794 = memref.load %arg4[%get3A_1792, %get3A_1793] : memref<1x6xf32, #tpu.memory_space<smem>>
    %add3A_1795 = vector.broadcast %get3A_1794 : f32 to vector<50x50xf32>
    %add3A_1796 = arith.addf %dot_general3A_1791, %add3A_1795 : vector<50x50xf32>
    %dot_general3A_1797 = arith.constant dense<0.000000e+00> : vector<50x64xf32>
    %dot_general3A_1798 = tpu.matmul %get3A_1760, %add3A_321, %dot_general3A_1797 {dimension_numbers = #tpu.dot_dimension_numbers<[1], [0], [0], [1], [0, 0, 1, 1], [], []>, transpose_lhs_hint = false} : vector<50x64xf32>, vector<64x64xf32>, vector<50x64xf32> -> vector<50x64xf32>
    %dot_general3A_1799 = arith.constant dense<0.000000e+00> : vector<50x50xf32>
    %dot_general3A_1800 = tpu.matmul %dot_general3A_1798, %get3A_1760, %dot_general3A_1799 {dimension_numbers = #tpu.dot_dimension_numbers<[1], [1], [0], [0], [0, 0, 1, 0], [], []>, transpose_lhs_hint = false} : vector<50x64xf32>, vector<50x64xf32>, vector<50x50xf32> -> vector<50x50xf32>
    %get3A_1801 = arith.constant 0 : index
    %get3A_1802 = arith.constant 4 : index
    %get3A_1803 = memref.load %arg4[%get3A_1801, %get3A_1802] : memref<1x6xf32, #tpu.memory_space<smem>>
    %add3A_1804 = vector.broadcast %get3A_1803 : f32 to vector<50x50xf32>
    %add3A_1805 = arith.addf %dot_general3A_1800, %add3A_1804 : vector<50x50xf32>
    %dot_general3A_1806 = arith.constant dense<0.000000e+00> : vector<50x64xf32>
    %dot_general3A_1807 = tpu.matmul %get3A_1760, %add3A_386, %dot_general3A_1806 {dimension_numbers = #tpu.dot_dimension_numbers<[1], [0], [0], [1], [0, 0, 1, 1], [], []>, transpose_lhs_hint = false} : vector<50x64xf32>, vector<64x64xf32>, vector<50x64xf32> -> vector<50x64xf32>
    %dot_general3A_1808 = arith.constant dense<0.000000e+00> : vector<50x50xf32>
    %dot_general3A_1809 = tpu.matmul %dot_general3A_1807, %get3A_1760, %dot_general3A_1808 {dimension_numbers = #tpu.dot_dimension_numbers<[1], [1], [0], [0], [0, 0, 1, 0], [], []>, transpose_lhs_hint = false} : vector<50x64xf32>, vector<50x64xf32>, vector<50x50xf32> -> vector<50x50xf32>
    %get3A_1810 = arith.constant 0 : index
    %get3A_1811 = arith.constant 5 : index
    %get3A_1812 = memref.load %arg4[%get3A_1810, %get3A_1811] : memref<1x6xf32, #tpu.memory_space<smem>>
    %add3A_1813 = vector.broadcast %get3A_1812 : f32 to vector<50x50xf32>
    %add3A_1814 = arith.addf %dot_general3A_1809, %add3A_1813 : vector<50x50xf32>
    %max3A_1815 = arith.maximumf %add3A_1769, %add3A_1778 : vector<50x50xf32>
    %max3A_1816 = arith.maximumf %max3A_1815, %add3A_1787 : vector<50x50xf32>
    %max3A_1817 = arith.maximumf %max3A_1816, %add3A_1796 : vector<50x50xf32>
    %max3A_1818 = arith.maximumf %max3A_1817, %add3A_1805 : vector<50x50xf32>
    %max3A_1819 = arith.maximumf %max3A_1818, %add3A_1814 : vector<50x50xf32>
    %sub3A_1820 = arith.subf %add3A_1769, %max3A_1819 : vector<50x50xf32>
    %exp3A_1821 = math.exp %sub3A_1820 : vector<50x50xf32>
    %sub3A_1822 = arith.subf %add3A_1778, %max3A_1819 : vector<50x50xf32>
    %exp3A_1823 = math.exp %sub3A_1822 : vector<50x50xf32>
    %add3A_1824 = arith.addf %exp3A_1821, %exp3A_1823 : vector<50x50xf32>
    %sub3A_1825 = arith.subf %add3A_1787, %max3A_1819 : vector<50x50xf32>
    %exp3A_1826 = math.exp %sub3A_1825 : vector<50x50xf32>
    %add3A_1827 = arith.addf %add3A_1824, %exp3A_1826 : vector<50x50xf32>
    %sub3A_1828 = arith.subf %add3A_1796, %max3A_1819 : vector<50x50xf32>
    %exp3A_1829 = math.exp %sub3A_1828 : vector<50x50xf32>
    %add3A_1830 = arith.addf %add3A_1827, %exp3A_1829 : vector<50x50xf32>
    %sub3A_1831 = arith.subf %add3A_1805, %max3A_1819 : vector<50x50xf32>
    %exp3A_1832 = math.exp %sub3A_1831 : vector<50x50xf32>
    %add3A_1833 = arith.addf %add3A_1830, %exp3A_1832 : vector<50x50xf32>
    %sub3A_1834 = arith.subf %add3A_1814, %max3A_1819 : vector<50x50xf32>
    %exp3A_1835 = math.exp %sub3A_1834 : vector<50x50xf32>
    %add3A_1836 = arith.addf %add3A_1833, %exp3A_1835 : vector<50x50xf32>
    %log3A_1837 = math.log %add3A_1836 : vector<50x50xf32>
    %sub3A_1838 = arith.subf %add3A_1769, %max3A_1819 : vector<50x50xf32>
    %sub3A_1839 = arith.subf %sub3A_1838, %log3A_1837 : vector<50x50xf32>
    %swap3A_1840 = arith.constant 5 : index
    %swap3A_1841 = arith.constant 0 : index
    %swap3A_1842 = arith.constant 0 : index
    %swap3A_1843 = vector.load %arg10[%swap3A_1840, %swap3A_1841, %swap3A_1842] : memref<10x50x50xf32, #tpu.memory_space<vmem>>, vector<1x50x50xf32>
    %swap3A_1844 = vector.shape_cast %swap3A_1843 : vector<1x50x50xf32> to vector<50x50xf32>
    %swap3A_1845 = vector.shape_cast %sub3A_1839 : vector<50x50xf32> to vector<1x50x50xf32>
    tpu.vector_store %arg10[%swap3A_1840, %swap3A_1841, %swap3A_1842], %swap3A_1845 {strides = array<i32>} : memref<10x50x50xf32, #tpu.memory_space<vmem>>, vector<1x50x50xf32>,
    %sub3A_1846 = arith.subf %add3A_1778, %max3A_1819 : vector<50x50xf32>
    %sub3A_1847 = arith.subf %sub3A_1846, %log3A_1837 : vector<50x50xf32>
    %swap3A_1848 = arith.constant 5 : index
    %swap3A_1849 = arith.constant 0 : index
    %swap3A_1850 = arith.constant 0 : index
    %swap3A_1851 = vector.load %arg11[%swap3A_1848, %swap3A_1849, %swap3A_1850] : memref<10x50x50xf32, #tpu.memory_space<vmem>>, vector<1x50x50xf32>
    %swap3A_1852 = vector.shape_cast %swap3A_1851 : vector<1x50x50xf32> to vector<50x50xf32>
    %swap3A_1853 = vector.shape_cast %sub3A_1847 : vector<50x50xf32> to vector<1x50x50xf32>
    tpu.vector_store %arg11[%swap3A_1848, %swap3A_1849, %swap3A_1850], %swap3A_1853 {strides = array<i32>} : memref<10x50x50xf32, #tpu.memory_space<vmem>>, vector<1x50x50xf32>,
    %sub3A_1854 = arith.subf %add3A_1787, %max3A_1819 : vector<50x50xf32>
    %sub3A_1855 = arith.subf %sub3A_1854, %log3A_1837 : vector<50x50xf32>
    %swap3A_1856 = arith.constant 5 : index
    %swap3A_1857 = arith.constant 0 : index
    %swap3A_1858 = arith.constant 0 : index
    %swap3A_1859 = vector.load %arg12[%swap3A_1856, %swap3A_1857, %swap3A_1858] : memref<10x50x50xf32, #tpu.memory_space<vmem>>, vector<1x50x50xf32>
    %swap3A_1860 = vector.shape_cast %swap3A_1859 : vector<1x50x50xf32> to vector<50x50xf32>
    %swap3A_1861 = vector.shape_cast %sub3A_1855 : vector<50x50xf32> to vector<1x50x50xf32>
    tpu.vector_store %arg12[%swap3A_1856, %swap3A_1857, %swap3A_1858], %swap3A_1861 {strides = array<i32>} : memref<10x50x50xf32, #tpu.memory_space<vmem>>, vector<1x50x50xf32>,
    %sub3A_1862 = arith.subf %add3A_1796, %max3A_1819 : vector<50x50xf32>
    %sub3A_1863 = arith.subf %sub3A_1862, %log3A_1837 : vector<50x50xf32>
    %swap3A_1864 = arith.constant 5 : index
    %swap3A_1865 = arith.constant 0 : index
    %swap3A_1866 = arith.constant 0 : index
    %swap3A_1867 = vector.load %arg13[%swap3A_1864, %swap3A_1865, %swap3A_1866] : memref<10x50x50xf32, #tpu.memory_space<vmem>>, vector<1x50x50xf32>
    %swap3A_1868 = vector.shape_cast %swap3A_1867 : vector<1x50x50xf32> to vector<50x50xf32>
    %swap3A_1869 = vector.shape_cast %sub3A_1863 : vector<50x50xf32> to vector<1x50x50xf32>
    tpu.vector_store %arg13[%swap3A_1864, %swap3A_1865, %swap3A_1866], %swap3A_1869 {strides = array<i32>} : memref<10x50x50xf32, #tpu.memory_space<vmem>>, vector<1x50x50xf32>,
    %sub3A_1870 = arith.subf %add3A_1805, %max3A_1819 : vector<50x50xf32>
    %sub3A_1871 = arith.subf %sub3A_1870, %log3A_1837 : vector<50x50xf32>
    %swap3A_1872 = arith.constant 5 : index
    %swap3A_1873 = arith.constant 0 : index
    %swap3A_1874 = arith.constant 0 : index
    %swap3A_1875 = vector.load %arg14[%swap3A_1872, %swap3A_1873, %swap3A_1874] : memref<10x50x50xf32, #tpu.memory_space<vmem>>, vector<1x50x50xf32>
    %swap3A_1876 = vector.shape_cast %swap3A_1875 : vector<1x50x50xf32> to vector<50x50xf32>
    %swap3A_1877 = vector.shape_cast %sub3A_1871 : vector<50x50xf32> to vector<1x50x50xf32>
    tpu.vector_store %arg14[%swap3A_1872, %swap3A_1873, %swap3A_1874], %swap3A_1877 {strides = array<i32>} : memref<10x50x50xf32, #tpu.memory_space<vmem>>, vector<1x50x50xf32>,
    %sub3A_1878 = arith.subf %add3A_1814, %max3A_1819 : vector<50x50xf32>
    %sub3A_1879 = arith.subf %sub3A_1878, %log3A_1837 : vector<50x50xf32>
    %swap3A_1880 = arith.constant 5 : index
    %swap3A_1881 = arith.constant 0 : index
    %swap3A_1882 = arith.constant 0 : index
    %swap3A_1883 = vector.load %arg15[%swap3A_1880, %swap3A_1881, %swap3A_1882] : memref<10x50x50xf32, #tpu.memory_space<vmem>>, vector<1x50x50xf32>
    %swap3A_1884 = vector.shape_cast %swap3A_1883 : vector<1x50x50xf32> to vector<50x50xf32>
    %swap3A_1885 = vector.shape_cast %sub3A_1879 : vector<50x50xf32> to vector<1x50x50xf32>
    tpu.vector_store %arg15[%swap3A_1880, %swap3A_1881, %swap3A_1882], %swap3A_1885 {strides = array<i32>} : memref<10x50x50xf32, #tpu.memory_space<vmem>>, vector<1x50x50xf32>,
    %dot_general3A_1886 = arith.constant dense<0.000000e+00> : vector<50x64xf32>
    %dot_general3A_1887 = tpu.matmul %get3A_1760, %add3A_440, %dot_general3A_1886 {dimension_numbers = #tpu.dot_dimension_numbers<[1], [0], [0], [1], [0, 0, 1, 1], [], []>, transpose_lhs_hint = false} : vector<50x64xf32>, vector<64x64xf32>, vector<50x64xf32> -> vector<50x64xf32>
    %dot_general3A_1888 = arith.constant dense<0.000000e+00> : vector<50x50xf32>
    %dot_general3A_1889 = tpu.matmul %dot_general3A_1887, %get3A_1760, %dot_general3A_1888 {dimension_numbers = #tpu.dot_dimension_numbers<[1], [1], [0], [0], [0, 0, 1, 0], [], []>, transpose_lhs_hint = false} : vector<50x64xf32>, vector<50x64xf32>, vector<50x50xf32> -> vector<50x50xf32>
    %get3A_1890 = arith.constant 0 : index
    %get3A_1891 = arith.constant 0 : index
    %get3A_1892 = memref.load %arg7[%get3A_1890, %get3A_1891] : memref<1x5xf32, #tpu.memory_space<smem>>
    %add3A_1893 = vector.broadcast %get3A_1892 : f32 to vector<50x50xf32>
    %add3A_1894 = arith.addf %dot_general3A_1889, %add3A_1893 : vector<50x50xf32>
    %swap3A_1895 = arith.constant 5 : index
    %swap3A_1896 = arith.constant 0 : index
    %swap3A_1897 = arith.constant 0 : index
    %swap3A_1898 = vector.load %arg16[%swap3A_1895, %swap3A_1896, %swap3A_1897] : memref<10x50x50xf32, #tpu.memory_space<vmem>>, vector<1x50x50xf32>
    %swap3A_1899 = vector.shape_cast %swap3A_1898 : vector<1x50x50xf32> to vector<50x50xf32>
    %swap3A_1900 = vector.shape_cast %add3A_1894 : vector<50x50xf32> to vector<1x50x50xf32>
    tpu.vector_store %arg16[%swap3A_1895, %swap3A_1896, %swap3A_1897], %swap3A_1900 {strides = array<i32>} : memref<10x50x50xf32, #tpu.memory_space<vmem>>, vector<1x50x50xf32>,
    %dot_general3A_1901 = arith.constant dense<0.000000e+00> : vector<50x64xf32>
    %dot_general3A_1902 = tpu.matmul %get3A_1760, %add3A_494, %dot_general3A_1901 {dimension_numbers = #tpu.dot_dimension_numbers<[1], [0], [0], [1], [0, 0, 1, 1], [], []>, transpose_lhs_hint = false} : vector<50x64xf32>, vector<64x64xf32>, vector<50x64xf32> -> vector<50x64xf32>
    %dot_general3A_1903 = arith.constant dense<0.000000e+00> : vector<50x50xf32>
    %dot_general3A_1904 = tpu.matmul %dot_general3A_1902, %get3A_1760, %dot_general3A_1903 {dimension_numbers = #tpu.dot_dimension_numbers<[1], [1], [0], [0], [0, 0, 1, 0], [], []>, transpose_lhs_hint = false} : vector<50x64xf32>, vector<50x64xf32>, vector<50x50xf32> -> vector<50x50xf32>
    %get3A_1905 = arith.constant 0 : index
    %get3A_1906 = arith.constant 1 : index
    %get3A_1907 = memref.load %arg7[%get3A_1905, %get3A_1906] : memref<1x5xf32, #tpu.memory_space<smem>>
    %add3A_1908 = vector.broadcast %get3A_1907 : f32 to vector<50x50xf32>
    %add3A_1909 = arith.addf %dot_general3A_1904, %add3A_1908 : vector<50x50xf32>
    %swap3A_1910 = arith.constant 5 : index
    %swap3A_1911 = arith.constant 0 : index
    %swap3A_1912 = arith.constant 0 : index
    %swap3A_1913 = vector.load %arg17[%swap3A_1910, %swap3A_1911, %swap3A_1912] : memref<10x50x50xf32, #tpu.memory_space<vmem>>, vector<1x50x50xf32>
    %swap3A_1914 = vector.shape_cast %swap3A_1913 : vector<1x50x50xf32> to vector<50x50xf32>
    %swap3A_1915 = vector.shape_cast %add3A_1909 : vector<50x50xf32> to vector<1x50x50xf32>
    tpu.vector_store %arg17[%swap3A_1910, %swap3A_1911, %swap3A_1912], %swap3A_1915 {strides = array<i32>} : memref<10x50x50xf32, #tpu.memory_space<vmem>>, vector<1x50x50xf32>,
    %dot_general3A_1916 = arith.constant dense<0.000000e+00> : vector<50x64xf32>
    %dot_general3A_1917 = tpu.matmul %get3A_1760, %add3A_548, %dot_general3A_1916 {dimension_numbers = #tpu.dot_dimension_numbers<[1], [0], [0], [1], [0, 0, 1, 1], [], []>, transpose_lhs_hint = false} : vector<50x64xf32>, vector<64x64xf32>, vector<50x64xf32> -> vector<50x64xf32>
    %dot_general3A_1918 = arith.constant dense<0.000000e+00> : vector<50x50xf32>
    %dot_general3A_1919 = tpu.matmul %dot_general3A_1917, %get3A_1760, %dot_general3A_1918 {dimension_numbers = #tpu.dot_dimension_numbers<[1], [1], [0], [0], [0, 0, 1, 0], [], []>, transpose_lhs_hint = false} : vector<50x64xf32>, vector<50x64xf32>, vector<50x50xf32> -> vector<50x50xf32>
    %get3A_1920 = arith.constant 0 : index
    %get3A_1921 = arith.constant 2 : index
    %get3A_1922 = memref.load %arg7[%get3A_1920, %get3A_1921] : memref<1x5xf32, #tpu.memory_space<smem>>
    %add3A_1923 = vector.broadcast %get3A_1922 : f32 to vector<50x50xf32>
    %add3A_1924 = arith.addf %dot_general3A_1919, %add3A_1923 : vector<50x50xf32>
    %swap3A_1925 = arith.constant 5 : index
    %swap3A_1926 = arith.constant 0 : index
    %swap3A_1927 = arith.constant 0 : index
    %swap3A_1928 = vector.load %arg18[%swap3A_1925, %swap3A_1926, %swap3A_1927] : memref<10x50x50xf32, #tpu.memory_space<vmem>>, vector<1x50x50xf32>
    %swap3A_1929 = vector.shape_cast %swap3A_1928 : vector<1x50x50xf32> to vector<50x50xf32>
    %swap3A_1930 = vector.shape_cast %add3A_1924 : vector<50x50xf32> to vector<1x50x50xf32>
    tpu.vector_store %arg18[%swap3A_1925, %swap3A_1926, %swap3A_1927], %swap3A_1930 {strides = array<i32>} : memref<10x50x50xf32, #tpu.memory_space<vmem>>, vector<1x50x50xf32>,
    %dot_general3A_1931 = arith.constant dense<0.000000e+00> : vector<50x64xf32>
    %dot_general3A_1932 = tpu.matmul %get3A_1760, %add3A_602, %dot_general3A_1931 {dimension_numbers = #tpu.dot_dimension_numbers<[1], [0], [0], [1], [0, 0, 1, 1], [], []>, transpose_lhs_hint = false} : vector<50x64xf32>, vector<64x64xf32>, vector<50x64xf32> -> vector<50x64xf32>
    %dot_general3A_1933 = arith.constant dense<0.000000e+00> : vector<50x50xf32>
    %dot_general3A_1934 = tpu.matmul %dot_general3A_1932, %get3A_1760, %dot_general3A_1933 {dimension_numbers = #tpu.dot_dimension_numbers<[1], [1], [0], [0], [0, 0, 1, 0], [], []>, transpose_lhs_hint = false} : vector<50x64xf32>, vector<50x64xf32>, vector<50x50xf32> -> vector<50x50xf32>
    %get3A_1935 = arith.constant 0 : index
    %get3A_1936 = arith.constant 3 : index
    %get3A_1937 = memref.load %arg7[%get3A_1935, %get3A_1936] : memref<1x5xf32, #tpu.memory_space<smem>>
    %add3A_1938 = vector.broadcast %get3A_1937 : f32 to vector<50x50xf32>
    %add3A_1939 = arith.addf %dot_general3A_1934, %add3A_1938 : vector<50x50xf32>
    %swap3A_1940 = arith.constant 5 : index
    %swap3A_1941 = arith.constant 0 : index
    %swap3A_1942 = arith.constant 0 : index
    %swap3A_1943 = vector.load %arg19[%swap3A_1940, %swap3A_1941, %swap3A_1942] : memref<10x50x50xf32, #tpu.memory_space<vmem>>, vector<1x50x50xf32>
    %swap3A_1944 = vector.shape_cast %swap3A_1943 : vector<1x50x50xf32> to vector<50x50xf32>
    %swap3A_1945 = vector.shape_cast %add3A_1939 : vector<50x50xf32> to vector<1x50x50xf32>
    tpu.vector_store %arg19[%swap3A_1940, %swap3A_1941, %swap3A_1942], %swap3A_1945 {strides = array<i32>} : memref<10x50x50xf32, #tpu.memory_space<vmem>>, vector<1x50x50xf32>,
    %dot_general3A_1946 = arith.constant dense<0.000000e+00> : vector<50x64xf32>
    %dot_general3A_1947 = tpu.matmul %get3A_1760, %add3A_656, %dot_general3A_1946 {dimension_numbers = #tpu.dot_dimension_numbers<[1], [0], [0], [1], [0, 0, 1, 1], [], []>, transpose_lhs_hint = false} : vector<50x64xf32>, vector<64x64xf32>, vector<50x64xf32> -> vector<50x64xf32>
    %dot_general3A_1948 = arith.constant dense<0.000000e+00> : vector<50x50xf32>
    %dot_general3A_1949 = tpu.matmul %dot_general3A_1947, %get3A_1760, %dot_general3A_1948 {dimension_numbers = #tpu.dot_dimension_numbers<[1], [1], [0], [0], [0, 0, 1, 0], [], []>, transpose_lhs_hint = false} : vector<50x64xf32>, vector<50x64xf32>, vector<50x50xf32> -> vector<50x50xf32>
    %get3A_1950 = arith.constant 0 : index
    %get3A_1951 = arith.constant 4 : index
    %get3A_1952 = memref.load %arg7[%get3A_1950, %get3A_1951] : memref<1x5xf32, #tpu.memory_space<smem>>
    %add3A_1953 = vector.broadcast %get3A_1952 : f32 to vector<50x50xf32>
    %add3A_1954 = arith.addf %dot_general3A_1949, %add3A_1953 : vector<50x50xf32>
    %swap3A_1955 = arith.constant 5 : index
    %swap3A_1956 = arith.constant 0 : index
    %swap3A_1957 = arith.constant 0 : index
    %swap3A_1958 = vector.load %arg20[%swap3A_1955, %swap3A_1956, %swap3A_1957] : memref<10x50x50xf32, #tpu.memory_space<vmem>>, vector<1x50x50xf32>
    %swap3A_1959 = vector.shape_cast %swap3A_1958 : vector<1x50x50xf32> to vector<50x50xf32>
    %swap3A_1960 = vector.shape_cast %add3A_1954 : vector<50x50xf32> to vector<1x50x50xf32>
    tpu.vector_store %arg20[%swap3A_1955, %swap3A_1956, %swap3A_1957], %swap3A_1960 {strides = array<i32>} : memref<10x50x50xf32, #tpu.memory_space<vmem>>, vector<1x50x50xf32>,
    %get3A_1961 = arith.constant 0 : index
    %get3A_1962 = arith.constant 0 : index
    %get3A_1963 = vector.load %arg8[%get3A_1961, %get3A_1962] : memref<64x92xf32, #tpu.memory_space<vmem>>, vector<64x92xf32>
    %dot_general3A_1964 = arith.constant dense<0.000000e+00> : vector<50x92xf32>
    %dot_general3A_1965 = tpu.matmul %get3A_1760, %get3A_1963, %dot_general3A_1964 {dimension_numbers = #tpu.dot_dimension_numbers<[1], [0], [0], [1], [0, 0, 1, 1], [], []>, transpose_lhs_hint = false} : vector<50x64xf32>, vector<64x92xf32>, vector<50x92xf32> -> vector<50x92xf32>
    %get3A_1966 = arith.constant 0 : index
    %get3A_1967 = arith.constant 0 : index
    %get3A_1968 = vector.load %arg9[%get3A_1966, %get3A_1967] : memref<1x92xf32, #tpu.memory_space<vmem>>, vector<1x92xf32>
    %add3A_1969 = vector.broadcast %get3A_1968 : vector<1x92xf32> to vector<50x92xf32>
    %add3A_1970 = arith.addf %dot_general3A_1965, %add3A_1969 : vector<50x92xf32>
    %swap3A_1971 = arith.constant 5 : index
    %swap3A_1972 = arith.constant 0 : index
    %swap3A_1973 = arith.constant 0 : index
    %swap3A_1974 = vector.load %arg21[%swap3A_1971, %swap3A_1972, %swap3A_1973] : memref<10x50x92xf32, #tpu.memory_space<vmem>>, vector<1x50x92xf32>
    %swap3A_1975 = vector.shape_cast %swap3A_1974 : vector<1x50x92xf32> to vector<50x92xf32>
    %swap3A_1976 = vector.shape_cast %add3A_1970 : vector<50x92xf32> to vector<1x50x92xf32>
    tpu.vector_store %arg21[%swap3A_1971, %swap3A_1972, %swap3A_1973], %swap3A_1976 {strides = array<i32>} : memref<10x50x92xf32, #tpu.memory_space<vmem>>, vector<1x50x92xf32>,
    %get3A_1977 = arith.constant 6 : index
    %get3A_1978 = arith.constant 0 : index
    %get3A_1979 = arith.constant 0 : index
    %get3A_1980 = vector.load %arg1[%get3A_1977, %get3A_1978, %get3A_1979] : memref<10x50x64xf32, #tpu.memory_space<vmem>>, vector<1x50x64xf32>
    %get3A_1981 = vector.shape_cast %get3A_1980 : vector<1x50x64xf32> to vector<50x64xf32>
    %dot_general3A_1982 = arith.constant dense<0.000000e+00> : vector<50x64xf32>
    %dot_general3A_1983 = tpu.matmul %get3A_1981, %add3A_61, %dot_general3A_1982 {dimension_numbers = #tpu.dot_dimension_numbers<[1], [0], [0], [1], [0, 0, 1, 1], [], []>, transpose_lhs_hint = false} : vector<50x64xf32>, vector<64x64xf32>, vector<50x64xf32> -> vector<50x64xf32>
    %dot_general3A_1984 = arith.constant dense<0.000000e+00> : vector<50x50xf32>
    %dot_general3A_1985 = tpu.matmul %dot_general3A_1983, %get3A_1981, %dot_general3A_1984 {dimension_numbers = #tpu.dot_dimension_numbers<[1], [1], [0], [0], [0, 0, 1, 0], [], []>, transpose_lhs_hint = false} : vector<50x64xf32>, vector<50x64xf32>, vector<50x50xf32> -> vector<50x50xf32>
    %get3A_1986 = arith.constant 0 : index
    %get3A_1987 = arith.constant 0 : index
    %get3A_1988 = memref.load %arg4[%get3A_1986, %get3A_1987] : memref<1x6xf32, #tpu.memory_space<smem>>
    %add3A_1989 = vector.broadcast %get3A_1988 : f32 to vector<50x50xf32>
    %add3A_1990 = arith.addf %dot_general3A_1985, %add3A_1989 : vector<50x50xf32>
    %dot_general3A_1991 = arith.constant dense<0.000000e+00> : vector<50x64xf32>
    %dot_general3A_1992 = tpu.matmul %get3A_1981, %add3A_126, %dot_general3A_1991 {dimension_numbers = #tpu.dot_dimension_numbers<[1], [0], [0], [1], [0, 0, 1, 1], [], []>, transpose_lhs_hint = false} : vector<50x64xf32>, vector<64x64xf32>, vector<50x64xf32> -> vector<50x64xf32>
    %dot_general3A_1993 = arith.constant dense<0.000000e+00> : vector<50x50xf32>
    %dot_general3A_1994 = tpu.matmul %dot_general3A_1992, %get3A_1981, %dot_general3A_1993 {dimension_numbers = #tpu.dot_dimension_numbers<[1], [1], [0], [0], [0, 0, 1, 0], [], []>, transpose_lhs_hint = false} : vector<50x64xf32>, vector<50x64xf32>, vector<50x50xf32> -> vector<50x50xf32>
    %get3A_1995 = arith.constant 0 : index
    %get3A_1996 = arith.constant 1 : index
    %get3A_1997 = memref.load %arg4[%get3A_1995, %get3A_1996] : memref<1x6xf32, #tpu.memory_space<smem>>
    %add3A_1998 = vector.broadcast %get3A_1997 : f32 to vector<50x50xf32>
    %add3A_1999 = arith.addf %dot_general3A_1994, %add3A_1998 : vector<50x50xf32>
    %dot_general3A_2000 = arith.constant dense<0.000000e+00> : vector<50x64xf32>
    %dot_general3A_2001 = tpu.matmul %get3A_1981, %add3A_191, %dot_general3A_2000 {dimension_numbers = #tpu.dot_dimension_numbers<[1], [0], [0], [1], [0, 0, 1, 1], [], []>, transpose_lhs_hint = false} : vector<50x64xf32>, vector<64x64xf32>, vector<50x64xf32> -> vector<50x64xf32>
    %dot_general3A_2002 = arith.constant dense<0.000000e+00> : vector<50x50xf32>
    %dot_general3A_2003 = tpu.matmul %dot_general3A_2001, %get3A_1981, %dot_general3A_2002 {dimension_numbers = #tpu.dot_dimension_numbers<[1], [1], [0], [0], [0, 0, 1, 0], [], []>, transpose_lhs_hint = false} : vector<50x64xf32>, vector<50x64xf32>, vector<50x50xf32> -> vector<50x50xf32>
    %get3A_2004 = arith.constant 0 : index
    %get3A_2005 = arith.constant 2 : index
    %get3A_2006 = memref.load %arg4[%get3A_2004, %get3A_2005] : memref<1x6xf32, #tpu.memory_space<smem>>
    %add3A_2007 = vector.broadcast %get3A_2006 : f32 to vector<50x50xf32>
    %add3A_2008 = arith.addf %dot_general3A_2003, %add3A_2007 : vector<50x50xf32>
    %dot_general3A_2009 = arith.constant dense<0.000000e+00> : vector<50x64xf32>
    %dot_general3A_2010 = tpu.matmul %get3A_1981, %add3A_256, %dot_general3A_2009 {dimension_numbers = #tpu.dot_dimension_numbers<[1], [0], [0], [1], [0, 0, 1, 1], [], []>, transpose_lhs_hint = false} : vector<50x64xf32>, vector<64x64xf32>, vector<50x64xf32> -> vector<50x64xf32>
    %dot_general3A_2011 = arith.constant dense<0.000000e+00> : vector<50x50xf32>
    %dot_general3A_2012 = tpu.matmul %dot_general3A_2010, %get3A_1981, %dot_general3A_2011 {dimension_numbers = #tpu.dot_dimension_numbers<[1], [1], [0], [0], [0, 0, 1, 0], [], []>, transpose_lhs_hint = false} : vector<50x64xf32>, vector<50x64xf32>, vector<50x50xf32> -> vector<50x50xf32>
    %get3A_2013 = arith.constant 0 : index
    %get3A_2014 = arith.constant 3 : index
    %get3A_2015 = memref.load %arg4[%get3A_2013, %get3A_2014] : memref<1x6xf32, #tpu.memory_space<smem>>
    %add3A_2016 = vector.broadcast %get3A_2015 : f32 to vector<50x50xf32>
    %add3A_2017 = arith.addf %dot_general3A_2012, %add3A_2016 : vector<50x50xf32>
    %dot_general3A_2018 = arith.constant dense<0.000000e+00> : vector<50x64xf32>
    %dot_general3A_2019 = tpu.matmul %get3A_1981, %add3A_321, %dot_general3A_2018 {dimension_numbers = #tpu.dot_dimension_numbers<[1], [0], [0], [1], [0, 0, 1, 1], [], []>, transpose_lhs_hint = false} : vector<50x64xf32>, vector<64x64xf32>, vector<50x64xf32> -> vector<50x64xf32>
    %dot_general3A_2020 = arith.constant dense<0.000000e+00> : vector<50x50xf32>
    %dot_general3A_2021 = tpu.matmul %dot_general3A_2019, %get3A_1981, %dot_general3A_2020 {dimension_numbers = #tpu.dot_dimension_numbers<[1], [1], [0], [0], [0, 0, 1, 0], [], []>, transpose_lhs_hint = false} : vector<50x64xf32>, vector<50x64xf32>, vector<50x50xf32> -> vector<50x50xf32>
    %get3A_2022 = arith.constant 0 : index
    %get3A_2023 = arith.constant 4 : index
    %get3A_2024 = memref.load %arg4[%get3A_2022, %get3A_2023] : memref<1x6xf32, #tpu.memory_space<smem>>
    %add3A_2025 = vector.broadcast %get3A_2024 : f32 to vector<50x50xf32>
    %add3A_2026 = arith.addf %dot_general3A_2021, %add3A_2025 : vector<50x50xf32>
    %dot_general3A_2027 = arith.constant dense<0.000000e+00> : vector<50x64xf32>
    %dot_general3A_2028 = tpu.matmul %get3A_1981, %add3A_386, %dot_general3A_2027 {dimension_numbers = #tpu.dot_dimension_numbers<[1], [0], [0], [1], [0, 0, 1, 1], [], []>, transpose_lhs_hint = false} : vector<50x64xf32>, vector<64x64xf32>, vector<50x64xf32> -> vector<50x64xf32>
    %dot_general3A_2029 = arith.constant dense<0.000000e+00> : vector<50x50xf32>
    %dot_general3A_2030 = tpu.matmul %dot_general3A_2028, %get3A_1981, %dot_general3A_2029 {dimension_numbers = #tpu.dot_dimension_numbers<[1], [1], [0], [0], [0, 0, 1, 0], [], []>, transpose_lhs_hint = false} : vector<50x64xf32>, vector<50x64xf32>, vector<50x50xf32> -> vector<50x50xf32>
    %get3A_2031 = arith.constant 0 : index
    %get3A_2032 = arith.constant 5 : index
    %get3A_2033 = memref.load %arg4[%get3A_2031, %get3A_2032] : memref<1x6xf32, #tpu.memory_space<smem>>
    %add3A_2034 = vector.broadcast %get3A_2033 : f32 to vector<50x50xf32>
    %add3A_2035 = arith.addf %dot_general3A_2030, %add3A_2034 : vector<50x50xf32>
    %max3A_2036 = arith.maximumf %add3A_1990, %add3A_1999 : vector<50x50xf32>
    %max3A_2037 = arith.maximumf %max3A_2036, %add3A_2008 : vector<50x50xf32>
    %max3A_2038 = arith.maximumf %max3A_2037, %add3A_2017 : vector<50x50xf32>
    %max3A_2039 = arith.maximumf %max3A_2038, %add3A_2026 : vector<50x50xf32>
    %max3A_2040 = arith.maximumf %max3A_2039, %add3A_2035 : vector<50x50xf32>
    %sub3A_2041 = arith.subf %add3A_1990, %max3A_2040 : vector<50x50xf32>
    %exp3A_2042 = math.exp %sub3A_2041 : vector<50x50xf32>
    %sub3A_2043 = arith.subf %add3A_1999, %max3A_2040 : vector<50x50xf32>
    %exp3A_2044 = math.exp %sub3A_2043 : vector<50x50xf32>
    %add3A_2045 = arith.addf %exp3A_2042, %exp3A_2044 : vector<50x50xf32>
    %sub3A_2046 = arith.subf %add3A_2008, %max3A_2040 : vector<50x50xf32>
    %exp3A_2047 = math.exp %sub3A_2046 : vector<50x50xf32>
    %add3A_2048 = arith.addf %add3A_2045, %exp3A_2047 : vector<50x50xf32>
    %sub3A_2049 = arith.subf %add3A_2017, %max3A_2040 : vector<50x50xf32>
    %exp3A_2050 = math.exp %sub3A_2049 : vector<50x50xf32>
    %add3A_2051 = arith.addf %add3A_2048, %exp3A_2050 : vector<50x50xf32>
    %sub3A_2052 = arith.subf %add3A_2026, %max3A_2040 : vector<50x50xf32>
    %exp3A_2053 = math.exp %sub3A_2052 : vector<50x50xf32>
    %add3A_2054 = arith.addf %add3A_2051, %exp3A_2053 : vector<50x50xf32>
    %sub3A_2055 = arith.subf %add3A_2035, %max3A_2040 : vector<50x50xf32>
    %exp3A_2056 = math.exp %sub3A_2055 : vector<50x50xf32>
    %add3A_2057 = arith.addf %add3A_2054, %exp3A_2056 : vector<50x50xf32>
    %log3A_2058 = math.log %add3A_2057 : vector<50x50xf32>
    %sub3A_2059 = arith.subf %add3A_1990, %max3A_2040 : vector<50x50xf32>
    %sub3A_2060 = arith.subf %sub3A_2059, %log3A_2058 : vector<50x50xf32>
    %swap3A_2061 = arith.constant 6 : index
    %swap3A_2062 = arith.constant 0 : index
    %swap3A_2063 = arith.constant 0 : index
    %swap3A_2064 = vector.load %arg10[%swap3A_2061, %swap3A_2062, %swap3A_2063] : memref<10x50x50xf32, #tpu.memory_space<vmem>>, vector<1x50x50xf32>
    %swap3A_2065 = vector.shape_cast %swap3A_2064 : vector<1x50x50xf32> to vector<50x50xf32>
    %swap3A_2066 = vector.shape_cast %sub3A_2060 : vector<50x50xf32> to vector<1x50x50xf32>
    tpu.vector_store %arg10[%swap3A_2061, %swap3A_2062, %swap3A_2063], %swap3A_2066 {strides = array<i32>} : memref<10x50x50xf32, #tpu.memory_space<vmem>>, vector<1x50x50xf32>,
    %sub3A_2067 = arith.subf %add3A_1999, %max3A_2040 : vector<50x50xf32>
    %sub3A_2068 = arith.subf %sub3A_2067, %log3A_2058 : vector<50x50xf32>
    %swap3A_2069 = arith.constant 6 : index
    %swap3A_2070 = arith.constant 0 : index
    %swap3A_2071 = arith.constant 0 : index
    %swap3A_2072 = vector.load %arg11[%swap3A_2069, %swap3A_2070, %swap3A_2071] : memref<10x50x50xf32, #tpu.memory_space<vmem>>, vector<1x50x50xf32>
    %swap3A_2073 = vector.shape_cast %swap3A_2072 : vector<1x50x50xf32> to vector<50x50xf32>
    %swap3A_2074 = vector.shape_cast %sub3A_2068 : vector<50x50xf32> to vector<1x50x50xf32>
    tpu.vector_store %arg11[%swap3A_2069, %swap3A_2070, %swap3A_2071], %swap3A_2074 {strides = array<i32>} : memref<10x50x50xf32, #tpu.memory_space<vmem>>, vector<1x50x50xf32>,
    %sub3A_2075 = arith.subf %add3A_2008, %max3A_2040 : vector<50x50xf32>
    %sub3A_2076 = arith.subf %sub3A_2075, %log3A_2058 : vector<50x50xf32>
    %swap3A_2077 = arith.constant 6 : index
    %swap3A_2078 = arith.constant 0 : index
    %swap3A_2079 = arith.constant 0 : index
    %swap3A_2080 = vector.load %arg12[%swap3A_2077, %swap3A_2078, %swap3A_2079] : memref<10x50x50xf32, #tpu.memory_space<vmem>>, vector<1x50x50xf32>
    %swap3A_2081 = vector.shape_cast %swap3A_2080 : vector<1x50x50xf32> to vector<50x50xf32>
    %swap3A_2082 = vector.shape_cast %sub3A_2076 : vector<50x50xf32> to vector<1x50x50xf32>
    tpu.vector_store %arg12[%swap3A_2077, %swap3A_2078, %swap3A_2079], %swap3A_2082 {strides = array<i32>} : memref<10x50x50xf32, #tpu.memory_space<vmem>>, vector<1x50x50xf32>,
    %sub3A_2083 = arith.subf %add3A_2017, %max3A_2040 : vector<50x50xf32>
    %sub3A_2084 = arith.subf %sub3A_2083, %log3A_2058 : vector<50x50xf32>
    %swap3A_2085 = arith.constant 6 : index
    %swap3A_2086 = arith.constant 0 : index
    %swap3A_2087 = arith.constant 0 : index
    %swap3A_2088 = vector.load %arg13[%swap3A_2085, %swap3A_2086, %swap3A_2087] : memref<10x50x50xf32, #tpu.memory_space<vmem>>, vector<1x50x50xf32>
    %swap3A_2089 = vector.shape_cast %swap3A_2088 : vector<1x50x50xf32> to vector<50x50xf32>
    %swap3A_2090 = vector.shape_cast %sub3A_2084 : vector<50x50xf32> to vector<1x50x50xf32>
    tpu.vector_store %arg13[%swap3A_2085, %swap3A_2086, %swap3A_2087], %swap3A_2090 {strides = array<i32>} : memref<10x50x50xf32, #tpu.memory_space<vmem>>, vector<1x50x50xf32>,
    %sub3A_2091 = arith.subf %add3A_2026, %max3A_2040 : vector<50x50xf32>
    %sub3A_2092 = arith.subf %sub3A_2091, %log3A_2058 : vector<50x50xf32>
    %swap3A_2093 = arith.constant 6 : index
    %swap3A_2094 = arith.constant 0 : index
    %swap3A_2095 = arith.constant 0 : index
    %swap3A_2096 = vector.load %arg14[%swap3A_2093, %swap3A_2094, %swap3A_2095] : memref<10x50x50xf32, #tpu.memory_space<vmem>>, vector<1x50x50xf32>
    %swap3A_2097 = vector.shape_cast %swap3A_2096 : vector<1x50x50xf32> to vector<50x50xf32>
    %swap3A_2098 = vector.shape_cast %sub3A_2092 : vector<50x50xf32> to vector<1x50x50xf32>
    tpu.vector_store %arg14[%swap3A_2093, %swap3A_2094, %swap3A_2095], %swap3A_2098 {strides = array<i32>} : memref<10x50x50xf32, #tpu.memory_space<vmem>>, vector<1x50x50xf32>,
    %sub3A_2099 = arith.subf %add3A_2035, %max3A_2040 : vector<50x50xf32>
    %sub3A_2100 = arith.subf %sub3A_2099, %log3A_2058 : vector<50x50xf32>
    %swap3A_2101 = arith.constant 6 : index
    %swap3A_2102 = arith.constant 0 : index
    %swap3A_2103 = arith.constant 0 : index
    %swap3A_2104 = vector.load %arg15[%swap3A_2101, %swap3A_2102, %swap3A_2103] : memref<10x50x50xf32, #tpu.memory_space<vmem>>, vector<1x50x50xf32>
    %swap3A_2105 = vector.shape_cast %swap3A_2104 : vector<1x50x50xf32> to vector<50x50xf32>
    %swap3A_2106 = vector.shape_cast %sub3A_2100 : vector<50x50xf32> to vector<1x50x50xf32>
    tpu.vector_store %arg15[%swap3A_2101, %swap3A_2102, %swap3A_2103], %swap3A_2106 {strides = array<i32>} : memref<10x50x50xf32, #tpu.memory_space<vmem>>, vector<1x50x50xf32>,
    %dot_general3A_2107 = arith.constant dense<0.000000e+00> : vector<50x64xf32>
    %dot_general3A_2108 = tpu.matmul %get3A_1981, %add3A_440, %dot_general3A_2107 {dimension_numbers = #tpu.dot_dimension_numbers<[1], [0], [0], [1], [0, 0, 1, 1], [], []>, transpose_lhs_hint = false} : vector<50x64xf32>, vector<64x64xf32>, vector<50x64xf32> -> vector<50x64xf32>
    %dot_general3A_2109 = arith.constant dense<0.000000e+00> : vector<50x50xf32>
    %dot_general3A_2110 = tpu.matmul %dot_general3A_2108, %get3A_1981, %dot_general3A_2109 {dimension_numbers = #tpu.dot_dimension_numbers<[1], [1], [0], [0], [0, 0, 1, 0], [], []>, transpose_lhs_hint = false} : vector<50x64xf32>, vector<50x64xf32>, vector<50x50xf32> -> vector<50x50xf32>
    %get3A_2111 = arith.constant 0 : index
    %get3A_2112 = arith.constant 0 : index
    %get3A_2113 = memref.load %arg7[%get3A_2111, %get3A_2112] : memref<1x5xf32, #tpu.memory_space<smem>>
    %add3A_2114 = vector.broadcast %get3A_2113 : f32 to vector<50x50xf32>
    %add3A_2115 = arith.addf %dot_general3A_2110, %add3A_2114 : vector<50x50xf32>
    %swap3A_2116 = arith.constant 6 : index
    %swap3A_2117 = arith.constant 0 : index
    %swap3A_2118 = arith.constant 0 : index
    %swap3A_2119 = vector.load %arg16[%swap3A_2116, %swap3A_2117, %swap3A_2118] : memref<10x50x50xf32, #tpu.memory_space<vmem>>, vector<1x50x50xf32>
    %swap3A_2120 = vector.shape_cast %swap3A_2119 : vector<1x50x50xf32> to vector<50x50xf32>
    %swap3A_2121 = vector.shape_cast %add3A_2115 : vector<50x50xf32> to vector<1x50x50xf32>
    tpu.vector_store %arg16[%swap3A_2116, %swap3A_2117, %swap3A_2118], %swap3A_2121 {strides = array<i32>} : memref<10x50x50xf32, #tpu.memory_space<vmem>>, vector<1x50x50xf32>,
    %dot_general3A_2122 = arith.constant dense<0.000000e+00> : vector<50x64xf32>
    %dot_general3A_2123 = tpu.matmul %get3A_1981, %add3A_494, %dot_general3A_2122 {dimension_numbers = #tpu.dot_dimension_numbers<[1], [0], [0], [1], [0, 0, 1, 1], [], []>, transpose_lhs_hint = false} : vector<50x64xf32>, vector<64x64xf32>, vector<50x64xf32> -> vector<50x64xf32>
    %dot_general3A_2124 = arith.constant dense<0.000000e+00> : vector<50x50xf32>
    %dot_general3A_2125 = tpu.matmul %dot_general3A_2123, %get3A_1981, %dot_general3A_2124 {dimension_numbers = #tpu.dot_dimension_numbers<[1], [1], [0], [0], [0, 0, 1, 0], [], []>, transpose_lhs_hint = false} : vector<50x64xf32>, vector<50x64xf32>, vector<50x50xf32> -> vector<50x50xf32>
    %get3A_2126 = arith.constant 0 : index
    %get3A_2127 = arith.constant 1 : index
    %get3A_2128 = memref.load %arg7[%get3A_2126, %get3A_2127] : memref<1x5xf32, #tpu.memory_space<smem>>
    %add3A_2129 = vector.broadcast %get3A_2128 : f32 to vector<50x50xf32>
    %add3A_2130 = arith.addf %dot_general3A_2125, %add3A_2129 : vector<50x50xf32>
    %swap3A_2131 = arith.constant 6 : index
    %swap3A_2132 = arith.constant 0 : index
    %swap3A_2133 = arith.constant 0 : index
    %swap3A_2134 = vector.load %arg17[%swap3A_2131, %swap3A_2132, %swap3A_2133] : memref<10x50x50xf32, #tpu.memory_space<vmem>>, vector<1x50x50xf32>
    %swap3A_2135 = vector.shape_cast %swap3A_2134 : vector<1x50x50xf32> to vector<50x50xf32>
    %swap3A_2136 = vector.shape_cast %add3A_2130 : vector<50x50xf32> to vector<1x50x50xf32>
    tpu.vector_store %arg17[%swap3A_2131, %swap3A_2132, %swap3A_2133], %swap3A_2136 {strides = array<i32>} : memref<10x50x50xf32, #tpu.memory_space<vmem>>, vector<1x50x50xf32>,
    %dot_general3A_2137 = arith.constant dense<0.000000e+00> : vector<50x64xf32>
    %dot_general3A_2138 = tpu.matmul %get3A_1981, %add3A_548, %dot_general3A_2137 {dimension_numbers = #tpu.dot_dimension_numbers<[1], [0], [0], [1], [0, 0, 1, 1], [], []>, transpose_lhs_hint = false} : vector<50x64xf32>, vector<64x64xf32>, vector<50x64xf32> -> vector<50x64xf32>
    %dot_general3A_2139 = arith.constant dense<0.000000e+00> : vector<50x50xf32>
    %dot_general3A_2140 = tpu.matmul %dot_general3A_2138, %get3A_1981, %dot_general3A_2139 {dimension_numbers = #tpu.dot_dimension_numbers<[1], [1], [0], [0], [0, 0, 1, 0], [], []>, transpose_lhs_hint = false} : vector<50x64xf32>, vector<50x64xf32>, vector<50x50xf32> -> vector<50x50xf32>
    %get3A_2141 = arith.constant 0 : index
    %get3A_2142 = arith.constant 2 : index
    %get3A_2143 = memref.load %arg7[%get3A_2141, %get3A_2142] : memref<1x5xf32, #tpu.memory_space<smem>>
    %add3A_2144 = vector.broadcast %get3A_2143 : f32 to vector<50x50xf32>
    %add3A_2145 = arith.addf %dot_general3A_2140, %add3A_2144 : vector<50x50xf32>
    %swap3A_2146 = arith.constant 6 : index
    %swap3A_2147 = arith.constant 0 : index
    %swap3A_2148 = arith.constant 0 : index
    %swap3A_2149 = vector.load %arg18[%swap3A_2146, %swap3A_2147, %swap3A_2148] : memref<10x50x50xf32, #tpu.memory_space<vmem>>, vector<1x50x50xf32>
    %swap3A_2150 = vector.shape_cast %swap3A_2149 : vector<1x50x50xf32> to vector<50x50xf32>
    %swap3A_2151 = vector.shape_cast %add3A_2145 : vector<50x50xf32> to vector<1x50x50xf32>
    tpu.vector_store %arg18[%swap3A_2146, %swap3A_2147, %swap3A_2148], %swap3A_2151 {strides = array<i32>} : memref<10x50x50xf32, #tpu.memory_space<vmem>>, vector<1x50x50xf32>,
    %dot_general3A_2152 = arith.constant dense<0.000000e+00> : vector<50x64xf32>
    %dot_general3A_2153 = tpu.matmul %get3A_1981, %add3A_602, %dot_general3A_2152 {dimension_numbers = #tpu.dot_dimension_numbers<[1], [0], [0], [1], [0, 0, 1, 1], [], []>, transpose_lhs_hint = false} : vector<50x64xf32>, vector<64x64xf32>, vector<50x64xf32> -> vector<50x64xf32>
    %dot_general3A_2154 = arith.constant dense<0.000000e+00> : vector<50x50xf32>
    %dot_general3A_2155 = tpu.matmul %dot_general3A_2153, %get3A_1981, %dot_general3A_2154 {dimension_numbers = #tpu.dot_dimension_numbers<[1], [1], [0], [0], [0, 0, 1, 0], [], []>, transpose_lhs_hint = false} : vector<50x64xf32>, vector<50x64xf32>, vector<50x50xf32> -> vector<50x50xf32>
    %get3A_2156 = arith.constant 0 : index
    %get3A_2157 = arith.constant 3 : index
    %get3A_2158 = memref.load %arg7[%get3A_2156, %get3A_2157] : memref<1x5xf32, #tpu.memory_space<smem>>
    %add3A_2159 = vector.broadcast %get3A_2158 : f32 to vector<50x50xf32>
    %add3A_2160 = arith.addf %dot_general3A_2155, %add3A_2159 : vector<50x50xf32>
    %swap3A_2161 = arith.constant 6 : index
    %swap3A_2162 = arith.constant 0 : index
    %swap3A_2163 = arith.constant 0 : index
    %swap3A_2164 = vector.load %arg19[%swap3A_2161, %swap3A_2162, %swap3A_2163] : memref<10x50x50xf32, #tpu.memory_space<vmem>>, vector<1x50x50xf32>
    %swap3A_2165 = vector.shape_cast %swap3A_2164 : vector<1x50x50xf32> to vector<50x50xf32>
    %swap3A_2166 = vector.shape_cast %add3A_2160 : vector<50x50xf32> to vector<1x50x50xf32>
    tpu.vector_store %arg19[%swap3A_2161, %swap3A_2162, %swap3A_2163], %swap3A_2166 {strides = array<i32>} : memref<10x50x50xf32, #tpu.memory_space<vmem>>, vector<1x50x50xf32>,
    %dot_general3A_2167 = arith.constant dense<0.000000e+00> : vector<50x64xf32>
    %dot_general3A_2168 = tpu.matmul %get3A_1981, %add3A_656, %dot_general3A_2167 {dimension_numbers = #tpu.dot_dimension_numbers<[1], [0], [0], [1], [0, 0, 1, 1], [], []>, transpose_lhs_hint = false} : vector<50x64xf32>, vector<64x64xf32>, vector<50x64xf32> -> vector<50x64xf32>
    %dot_general3A_2169 = arith.constant dense<0.000000e+00> : vector<50x50xf32>
    %dot_general3A_2170 = tpu.matmul %dot_general3A_2168, %get3A_1981, %dot_general3A_2169 {dimension_numbers = #tpu.dot_dimension_numbers<[1], [1], [0], [0], [0, 0, 1, 0], [], []>, transpose_lhs_hint = false} : vector<50x64xf32>, vector<50x64xf32>, vector<50x50xf32> -> vector<50x50xf32>
    %get3A_2171 = arith.constant 0 : index
    %get3A_2172 = arith.constant 4 : index
    %get3A_2173 = memref.load %arg7[%get3A_2171, %get3A_2172] : memref<1x5xf32, #tpu.memory_space<smem>>
    %add3A_2174 = vector.broadcast %get3A_2173 : f32 to vector<50x50xf32>
    %add3A_2175 = arith.addf %dot_general3A_2170, %add3A_2174 : vector<50x50xf32>
    %swap3A_2176 = arith.constant 6 : index
    %swap3A_2177 = arith.constant 0 : index
    %swap3A_2178 = arith.constant 0 : index
    %swap3A_2179 = vector.load %arg20[%swap3A_2176, %swap3A_2177, %swap3A_2178] : memref<10x50x50xf32, #tpu.memory_space<vmem>>, vector<1x50x50xf32>
    %swap3A_2180 = vector.shape_cast %swap3A_2179 : vector<1x50x50xf32> to vector<50x50xf32>
    %swap3A_2181 = vector.shape_cast %add3A_2175 : vector<50x50xf32> to vector<1x50x50xf32>
    tpu.vector_store %arg20[%swap3A_2176, %swap3A_2177, %swap3A_2178], %swap3A_2181 {strides = array<i32>} : memref<10x50x50xf32, #tpu.memory_space<vmem>>, vector<1x50x50xf32>,
    %get3A_2182 = arith.constant 0 : index
    %get3A_2183 = arith.constant 0 : index
    %get3A_2184 = vector.load %arg8[%get3A_2182, %get3A_2183] : memref<64x92xf32, #tpu.memory_space<vmem>>, vector<64x92xf32>
    %dot_general3A_2185 = arith.constant dense<0.000000e+00> : vector<50x92xf32>
    %dot_general3A_2186 = tpu.matmul %get3A_1981, %get3A_2184, %dot_general3A_2185 {dimension_numbers = #tpu.dot_dimension_numbers<[1], [0], [0], [1], [0, 0, 1, 1], [], []>, transpose_lhs_hint = false} : vector<50x64xf32>, vector<64x92xf32>, vector<50x92xf32> -> vector<50x92xf32>
    %get3A_2187 = arith.constant 0 : index
    %get3A_2188 = arith.constant 0 : index
    %get3A_2189 = vector.load %arg9[%get3A_2187, %get3A_2188] : memref<1x92xf32, #tpu.memory_space<vmem>>, vector<1x92xf32>
    %add3A_2190 = vector.broadcast %get3A_2189 : vector<1x92xf32> to vector<50x92xf32>
    %add3A_2191 = arith.addf %dot_general3A_2186, %add3A_2190 : vector<50x92xf32>
    %swap3A_2192 = arith.constant 6 : index
    %swap3A_2193 = arith.constant 0 : index
    %swap3A_2194 = arith.constant 0 : index
    %swap3A_2195 = vector.load %arg21[%swap3A_2192, %swap3A_2193, %swap3A_2194] : memref<10x50x92xf32, #tpu.memory_space<vmem>>, vector<1x50x92xf32>
    %swap3A_2196 = vector.shape_cast %swap3A_2195 : vector<1x50x92xf32> to vector<50x92xf32>
    %swap3A_2197 = vector.shape_cast %add3A_2191 : vector<50x92xf32> to vector<1x50x92xf32>
    tpu.vector_store %arg21[%swap3A_2192, %swap3A_2193, %swap3A_2194], %swap3A_2197 {strides = array<i32>} : memref<10x50x92xf32, #tpu.memory_space<vmem>>, vector<1x50x92xf32>,
    %get3A_2198 = arith.constant 7 : index
    %get3A_2199 = arith.constant 0 : index
    %get3A_2200 = arith.constant 0 : index
    %get3A_2201 = vector.load %arg1[%get3A_2198, %get3A_2199, %get3A_2200] : memref<10x50x64xf32, #tpu.memory_space<vmem>>, vector<1x50x64xf32>
    %get3A_2202 = vector.shape_cast %get3A_2201 : vector<1x50x64xf32> to vector<50x64xf32>
    %dot_general3A_2203 = arith.constant dense<0.000000e+00> : vector<50x64xf32>
    %dot_general3A_2204 = tpu.matmul %get3A_2202, %add3A_61, %dot_general3A_2203 {dimension_numbers = #tpu.dot_dimension_numbers<[1], [0], [0], [1], [0, 0, 1, 1], [], []>, transpose_lhs_hint = false} : vector<50x64xf32>, vector<64x64xf32>, vector<50x64xf32> -> vector<50x64xf32>
    %dot_general3A_2205 = arith.constant dense<0.000000e+00> : vector<50x50xf32>
    %dot_general3A_2206 = tpu.matmul %dot_general3A_2204, %get3A_2202, %dot_general3A_2205 {dimension_numbers = #tpu.dot_dimension_numbers<[1], [1], [0], [0], [0, 0, 1, 0], [], []>, transpose_lhs_hint = false} : vector<50x64xf32>, vector<50x64xf32>, vector<50x50xf32> -> vector<50x50xf32>
    %get3A_2207 = arith.constant 0 : index
    %get3A_2208 = arith.constant 0 : index
    %get3A_2209 = memref.load %arg4[%get3A_2207, %get3A_2208] : memref<1x6xf32, #tpu.memory_space<smem>>
    %add3A_2210 = vector.broadcast %get3A_2209 : f32 to vector<50x50xf32>
    %add3A_2211 = arith.addf %dot_general3A_2206, %add3A_2210 : vector<50x50xf32>
    %dot_general3A_2212 = arith.constant dense<0.000000e+00> : vector<50x64xf32>
    %dot_general3A_2213 = tpu.matmul %get3A_2202, %add3A_126, %dot_general3A_2212 {dimension_numbers = #tpu.dot_dimension_numbers<[1], [0], [0], [1], [0, 0, 1, 1], [], []>, transpose_lhs_hint = false} : vector<50x64xf32>, vector<64x64xf32>, vector<50x64xf32> -> vector<50x64xf32>
    %dot_general3A_2214 = arith.constant dense<0.000000e+00> : vector<50x50xf32>
    %dot_general3A_2215 = tpu.matmul %dot_general3A_2213, %get3A_2202, %dot_general3A_2214 {dimension_numbers = #tpu.dot_dimension_numbers<[1], [1], [0], [0], [0, 0, 1, 0], [], []>, transpose_lhs_hint = false} : vector<50x64xf32>, vector<50x64xf32>, vector<50x50xf32> -> vector<50x50xf32>
    %get3A_2216 = arith.constant 0 : index
    %get3A_2217 = arith.constant 1 : index
    %get3A_2218 = memref.load %arg4[%get3A_2216, %get3A_2217] : memref<1x6xf32, #tpu.memory_space<smem>>
    %add3A_2219 = vector.broadcast %get3A_2218 : f32 to vector<50x50xf32>
    %add3A_2220 = arith.addf %dot_general3A_2215, %add3A_2219 : vector<50x50xf32>
    %dot_general3A_2221 = arith.constant dense<0.000000e+00> : vector<50x64xf32>
    %dot_general3A_2222 = tpu.matmul %get3A_2202, %add3A_191, %dot_general3A_2221 {dimension_numbers = #tpu.dot_dimension_numbers<[1], [0], [0], [1], [0, 0, 1, 1], [], []>, transpose_lhs_hint = false} : vector<50x64xf32>, vector<64x64xf32>, vector<50x64xf32> -> vector<50x64xf32>
    %dot_general3A_2223 = arith.constant dense<0.000000e+00> : vector<50x50xf32>
    %dot_general3A_2224 = tpu.matmul %dot_general3A_2222, %get3A_2202, %dot_general3A_2223 {dimension_numbers = #tpu.dot_dimension_numbers<[1], [1], [0], [0], [0, 0, 1, 0], [], []>, transpose_lhs_hint = false} : vector<50x64xf32>, vector<50x64xf32>, vector<50x50xf32> -> vector<50x50xf32>
    %get3A_2225 = arith.constant 0 : index
    %get3A_2226 = arith.constant 2 : index
    %get3A_2227 = memref.load %arg4[%get3A_2225, %get3A_2226] : memref<1x6xf32, #tpu.memory_space<smem>>
    %add3A_2228 = vector.broadcast %get3A_2227 : f32 to vector<50x50xf32>
    %add3A_2229 = arith.addf %dot_general3A_2224, %add3A_2228 : vector<50x50xf32>
    %dot_general3A_2230 = arith.constant dense<0.000000e+00> : vector<50x64xf32>
    %dot_general3A_2231 = tpu.matmul %get3A_2202, %add3A_256, %dot_general3A_2230 {dimension_numbers = #tpu.dot_dimension_numbers<[1], [0], [0], [1], [0, 0, 1, 1], [], []>, transpose_lhs_hint = false} : vector<50x64xf32>, vector<64x64xf32>, vector<50x64xf32> -> vector<50x64xf32>
    %dot_general3A_2232 = arith.constant dense<0.000000e+00> : vector<50x50xf32>
    %dot_general3A_2233 = tpu.matmul %dot_general3A_2231, %get3A_2202, %dot_general3A_2232 {dimension_numbers = #tpu.dot_dimension_numbers<[1], [1], [0], [0], [0, 0, 1, 0], [], []>, transpose_lhs_hint = false} : vector<50x64xf32>, vector<50x64xf32>, vector<50x50xf32> -> vector<50x50xf32>
    %get3A_2234 = arith.constant 0 : index
    %get3A_2235 = arith.constant 3 : index
    %get3A_2236 = memref.load %arg4[%get3A_2234, %get3A_2235] : memref<1x6xf32, #tpu.memory_space<smem>>
    %add3A_2237 = vector.broadcast %get3A_2236 : f32 to vector<50x50xf32>
    %add3A_2238 = arith.addf %dot_general3A_2233, %add3A_2237 : vector<50x50xf32>
    %dot_general3A_2239 = arith.constant dense<0.000000e+00> : vector<50x64xf32>
    %dot_general3A_2240 = tpu.matmul %get3A_2202, %add3A_321, %dot_general3A_2239 {dimension_numbers = #tpu.dot_dimension_numbers<[1], [0], [0], [1], [0, 0, 1, 1], [], []>, transpose_lhs_hint = false} : vector<50x64xf32>, vector<64x64xf32>, vector<50x64xf32> -> vector<50x64xf32>
    %dot_general3A_2241 = arith.constant dense<0.000000e+00> : vector<50x50xf32>
    %dot_general3A_2242 = tpu.matmul %dot_general3A_2240, %get3A_2202, %dot_general3A_2241 {dimension_numbers = #tpu.dot_dimension_numbers<[1], [1], [0], [0], [0, 0, 1, 0], [], []>, transpose_lhs_hint = false} : vector<50x64xf32>, vector<50x64xf32>, vector<50x50xf32> -> vector<50x50xf32>
    %get3A_2243 = arith.constant 0 : index
    %get3A_2244 = arith.constant 4 : index
    %get3A_2245 = memref.load %arg4[%get3A_2243, %get3A_2244] : memref<1x6xf32, #tpu.memory_space<smem>>
    %add3A_2246 = vector.broadcast %get3A_2245 : f32 to vector<50x50xf32>
    %add3A_2247 = arith.addf %dot_general3A_2242, %add3A_2246 : vector<50x50xf32>
    %dot_general3A_2248 = arith.constant dense<0.000000e+00> : vector<50x64xf32>
    %dot_general3A_2249 = tpu.matmul %get3A_2202, %add3A_386, %dot_general3A_2248 {dimension_numbers = #tpu.dot_dimension_numbers<[1], [0], [0], [1], [0, 0, 1, 1], [], []>, transpose_lhs_hint = false} : vector<50x64xf32>, vector<64x64xf32>, vector<50x64xf32> -> vector<50x64xf32>
    %dot_general3A_2250 = arith.constant dense<0.000000e+00> : vector<50x50xf32>
    %dot_general3A_2251 = tpu.matmul %dot_general3A_2249, %get3A_2202, %dot_general3A_2250 {dimension_numbers = #tpu.dot_dimension_numbers<[1], [1], [0], [0], [0, 0, 1, 0], [], []>, transpose_lhs_hint = false} : vector<50x64xf32>, vector<50x64xf32>, vector<50x50xf32> -> vector<50x50xf32>
    %get3A_2252 = arith.constant 0 : index
    %get3A_2253 = arith.constant 5 : index
    %get3A_2254 = memref.load %arg4[%get3A_2252, %get3A_2253] : memref<1x6xf32, #tpu.memory_space<smem>>
    %add3A_2255 = vector.broadcast %get3A_2254 : f32 to vector<50x50xf32>
    %add3A_2256 = arith.addf %dot_general3A_2251, %add3A_2255 : vector<50x50xf32>
    %max3A_2257 = arith.maximumf %add3A_2211, %add3A_2220 : vector<50x50xf32>
    %max3A_2258 = arith.maximumf %max3A_2257, %add3A_2229 : vector<50x50xf32>
    %max3A_2259 = arith.maximumf %max3A_2258, %add3A_2238 : vector<50x50xf32>
    %max3A_2260 = arith.maximumf %max3A_2259, %add3A_2247 : vector<50x50xf32>
    %max3A_2261 = arith.maximumf %max3A_2260, %add3A_2256 : vector<50x50xf32>
    %sub3A_2262 = arith.subf %add3A_2211, %max3A_2261 : vector<50x50xf32>
    %exp3A_2263 = math.exp %sub3A_2262 : vector<50x50xf32>
    %sub3A_2264 = arith.subf %add3A_2220, %max3A_2261 : vector<50x50xf32>
    %exp3A_2265 = math.exp %sub3A_2264 : vector<50x50xf32>
    %add3A_2266 = arith.addf %exp3A_2263, %exp3A_2265 : vector<50x50xf32>
    %sub3A_2267 = arith.subf %add3A_2229, %max3A_2261 : vector<50x50xf32>
    %exp3A_2268 = math.exp %sub3A_2267 : vector<50x50xf32>
    %add3A_2269 = arith.addf %add3A_2266, %exp3A_2268 : vector<50x50xf32>
    %sub3A_2270 = arith.subf %add3A_2238, %max3A_2261 : vector<50x50xf32>
    %exp3A_2271 = math.exp %sub3A_2270 : vector<50x50xf32>
    %add3A_2272 = arith.addf %add3A_2269, %exp3A_2271 : vector<50x50xf32>
    %sub3A_2273 = arith.subf %add3A_2247, %max3A_2261 : vector<50x50xf32>
    %exp3A_2274 = math.exp %sub3A_2273 : vector<50x50xf32>
    %add3A_2275 = arith.addf %add3A_2272, %exp3A_2274 : vector<50x50xf32>
    %sub3A_2276 = arith.subf %add3A_2256, %max3A_2261 : vector<50x50xf32>
    %exp3A_2277 = math.exp %sub3A_2276 : vector<50x50xf32>
    %add3A_2278 = arith.addf %add3A_2275, %exp3A_2277 : vector<50x50xf32>
    %log3A_2279 = math.log %add3A_2278 : vector<50x50xf32>
    %sub3A_2280 = arith.subf %add3A_2211, %max3A_2261 : vector<50x50xf32>
    %sub3A_2281 = arith.subf %sub3A_2280, %log3A_2279 : vector<50x50xf32>
    %swap3A_2282 = arith.constant 7 : index
    %swap3A_2283 = arith.constant 0 : index
    %swap3A_2284 = arith.constant 0 : index
    %swap3A_2285 = vector.load %arg10[%swap3A_2282, %swap3A_2283, %swap3A_2284] : memref<10x50x50xf32, #tpu.memory_space<vmem>>, vector<1x50x50xf32>
    %swap3A_2286 = vector.shape_cast %swap3A_2285 : vector<1x50x50xf32> to vector<50x50xf32>
    %swap3A_2287 = vector.shape_cast %sub3A_2281 : vector<50x50xf32> to vector<1x50x50xf32>
    tpu.vector_store %arg10[%swap3A_2282, %swap3A_2283, %swap3A_2284], %swap3A_2287 {strides = array<i32>} : memref<10x50x50xf32, #tpu.memory_space<vmem>>, vector<1x50x50xf32>,
    %sub3A_2288 = arith.subf %add3A_2220, %max3A_2261 : vector<50x50xf32>
    %sub3A_2289 = arith.subf %sub3A_2288, %log3A_2279 : vector<50x50xf32>
    %swap3A_2290 = arith.constant 7 : index
    %swap3A_2291 = arith.constant 0 : index
    %swap3A_2292 = arith.constant 0 : index
    %swap3A_2293 = vector.load %arg11[%swap3A_2290, %swap3A_2291, %swap3A_2292] : memref<10x50x50xf32, #tpu.memory_space<vmem>>, vector<1x50x50xf32>
    %swap3A_2294 = vector.shape_cast %swap3A_2293 : vector<1x50x50xf32> to vector<50x50xf32>
    %swap3A_2295 = vector.shape_cast %sub3A_2289 : vector<50x50xf32> to vector<1x50x50xf32>
    tpu.vector_store %arg11[%swap3A_2290, %swap3A_2291, %swap3A_2292], %swap3A_2295 {strides = array<i32>} : memref<10x50x50xf32, #tpu.memory_space<vmem>>, vector<1x50x50xf32>,
    %sub3A_2296 = arith.subf %add3A_2229, %max3A_2261 : vector<50x50xf32>
    %sub3A_2297 = arith.subf %sub3A_2296, %log3A_2279 : vector<50x50xf32>
    %swap3A_2298 = arith.constant 7 : index
    %swap3A_2299 = arith.constant 0 : index
    %swap3A_2300 = arith.constant 0 : index
    %swap3A_2301 = vector.load %arg12[%swap3A_2298, %swap3A_2299, %swap3A_2300] : memref<10x50x50xf32, #tpu.memory_space<vmem>>, vector<1x50x50xf32>
    %swap3A_2302 = vector.shape_cast %swap3A_2301 : vector<1x50x50xf32> to vector<50x50xf32>
    %swap3A_2303 = vector.shape_cast %sub3A_2297 : vector<50x50xf32> to vector<1x50x50xf32>
    tpu.vector_store %arg12[%swap3A_2298, %swap3A_2299, %swap3A_2300], %swap3A_2303 {strides = array<i32>} : memref<10x50x50xf32, #tpu.memory_space<vmem>>, vector<1x50x50xf32>,
    %sub3A_2304 = arith.subf %add3A_2238, %max3A_2261 : vector<50x50xf32>
    %sub3A_2305 = arith.subf %sub3A_2304, %log3A_2279 : vector<50x50xf32>
    %swap3A_2306 = arith.constant 7 : index
    %swap3A_2307 = arith.constant 0 : index
    %swap3A_2308 = arith.constant 0 : index
    %swap3A_2309 = vector.load %arg13[%swap3A_2306, %swap3A_2307, %swap3A_2308] : memref<10x50x50xf32, #tpu.memory_space<vmem>>, vector<1x50x50xf32>
    %swap3A_2310 = vector.shape_cast %swap3A_2309 : vector<1x50x50xf32> to vector<50x50xf32>
    %swap3A_2311 = vector.shape_cast %sub3A_2305 : vector<50x50xf32> to vector<1x50x50xf32>
    tpu.vector_store %arg13[%swap3A_2306, %swap3A_2307, %swap3A_2308], %swap3A_2311 {strides = array<i32>} : memref<10x50x50xf32, #tpu.memory_space<vmem>>, vector<1x50x50xf32>,
    %sub3A_2312 = arith.subf %add3A_2247, %max3A_2261 : vector<50x50xf32>
    %sub3A_2313 = arith.subf %sub3A_2312, %log3A_2279 : vector<50x50xf32>
    %swap3A_2314 = arith.constant 7 : index
    %swap3A_2315 = arith.constant 0 : index
    %swap3A_2316 = arith.constant 0 : index
    %swap3A_2317 = vector.load %arg14[%swap3A_2314, %swap3A_2315, %swap3A_2316] : memref<10x50x50xf32, #tpu.memory_space<vmem>>, vector<1x50x50xf32>
    %swap3A_2318 = vector.shape_cast %swap3A_2317 : vector<1x50x50xf32> to vector<50x50xf32>
    %swap3A_2319 = vector.shape_cast %sub3A_2313 : vector<50x50xf32> to vector<1x50x50xf32>
    tpu.vector_store %arg14[%swap3A_2314, %swap3A_2315, %swap3A_2316], %swap3A_2319 {strides = array<i32>} : memref<10x50x50xf32, #tpu.memory_space<vmem>>, vector<1x50x50xf32>,
    %sub3A_2320 = arith.subf %add3A_2256, %max3A_2261 : vector<50x50xf32>
    %sub3A_2321 = arith.subf %sub3A_2320, %log3A_2279 : vector<50x50xf32>
    %swap3A_2322 = arith.constant 7 : index
    %swap3A_2323 = arith.constant 0 : index
    %swap3A_2324 = arith.constant 0 : index
    %swap3A_2325 = vector.load %arg15[%swap3A_2322, %swap3A_2323, %swap3A_2324] : memref<10x50x50xf32, #tpu.memory_space<vmem>>, vector<1x50x50xf32>
    %swap3A_2326 = vector.shape_cast %swap3A_2325 : vector<1x50x50xf32> to vector<50x50xf32>
    %swap3A_2327 = vector.shape_cast %sub3A_2321 : vector<50x50xf32> to vector<1x50x50xf32>
    tpu.vector_store %arg15[%swap3A_2322, %swap3A_2323, %swap3A_2324], %swap3A_2327 {strides = array<i32>} : memref<10x50x50xf32, #tpu.memory_space<vmem>>, vector<1x50x50xf32>,
    %dot_general3A_2328 = arith.constant dense<0.000000e+00> : vector<50x64xf32>
    %dot_general3A_2329 = tpu.matmul %get3A_2202, %add3A_440, %dot_general3A_2328 {dimension_numbers = #tpu.dot_dimension_numbers<[1], [0], [0], [1], [0, 0, 1, 1], [], []>, transpose_lhs_hint = false} : vector<50x64xf32>, vector<64x64xf32>, vector<50x64xf32> -> vector<50x64xf32>
    %dot_general3A_2330 = arith.constant dense<0.000000e+00> : vector<50x50xf32>
    %dot_general3A_2331 = tpu.matmul %dot_general3A_2329, %get3A_2202, %dot_general3A_2330 {dimension_numbers = #tpu.dot_dimension_numbers<[1], [1], [0], [0], [0, 0, 1, 0], [], []>, transpose_lhs_hint = false} : vector<50x64xf32>, vector<50x64xf32>, vector<50x50xf32> -> vector<50x50xf32>
    %get3A_2332 = arith.constant 0 : index
    %get3A_2333 = arith.constant 0 : index
    %get3A_2334 = memref.load %arg7[%get3A_2332, %get3A_2333] : memref<1x5xf32, #tpu.memory_space<smem>>
    %add3A_2335 = vector.broadcast %get3A_2334 : f32 to vector<50x50xf32>
    %add3A_2336 = arith.addf %dot_general3A_2331, %add3A_2335 : vector<50x50xf32>
    %swap3A_2337 = arith.constant 7 : index
    %swap3A_2338 = arith.constant 0 : index
    %swap3A_2339 = arith.constant 0 : index
    %swap3A_2340 = vector.load %arg16[%swap3A_2337, %swap3A_2338, %swap3A_2339] : memref<10x50x50xf32, #tpu.memory_space<vmem>>, vector<1x50x50xf32>
    %swap3A_2341 = vector.shape_cast %swap3A_2340 : vector<1x50x50xf32> to vector<50x50xf32>
    %swap3A_2342 = vector.shape_cast %add3A_2336 : vector<50x50xf32> to vector<1x50x50xf32>
    tpu.vector_store %arg16[%swap3A_2337, %swap3A_2338, %swap3A_2339], %swap3A_2342 {strides = array<i32>} : memref<10x50x50xf32, #tpu.memory_space<vmem>>, vector<1x50x50xf32>,
    %dot_general3A_2343 = arith.constant dense<0.000000e+00> : vector<50x64xf32>
    %dot_general3A_2344 = tpu.matmul %get3A_2202, %add3A_494, %dot_general3A_2343 {dimension_numbers = #tpu.dot_dimension_numbers<[1], [0], [0], [1], [0, 0, 1, 1], [], []>, transpose_lhs_hint = false} : vector<50x64xf32>, vector<64x64xf32>, vector<50x64xf32> -> vector<50x64xf32>
    %dot_general3A_2345 = arith.constant dense<0.000000e+00> : vector<50x50xf32>
    %dot_general3A_2346 = tpu.matmul %dot_general3A_2344, %get3A_2202, %dot_general3A_2345 {dimension_numbers = #tpu.dot_dimension_numbers<[1], [1], [0], [0], [0, 0, 1, 0], [], []>, transpose_lhs_hint = false} : vector<50x64xf32>, vector<50x64xf32>, vector<50x50xf32> -> vector<50x50xf32>
    %get3A_2347 = arith.constant 0 : index
    %get3A_2348 = arith.constant 1 : index
    %get3A_2349 = memref.load %arg7[%get3A_2347, %get3A_2348] : memref<1x5xf32, #tpu.memory_space<smem>>
    %add3A_2350 = vector.broadcast %get3A_2349 : f32 to vector<50x50xf32>
    %add3A_2351 = arith.addf %dot_general3A_2346, %add3A_2350 : vector<50x50xf32>
    %swap3A_2352 = arith.constant 7 : index
    %swap3A_2353 = arith.constant 0 : index
    %swap3A_2354 = arith.constant 0 : index
    %swap3A_2355 = vector.load %arg17[%swap3A_2352, %swap3A_2353, %swap3A_2354] : memref<10x50x50xf32, #tpu.memory_space<vmem>>, vector<1x50x50xf32>
    %swap3A_2356 = vector.shape_cast %swap3A_2355 : vector<1x50x50xf32> to vector<50x50xf32>
    %swap3A_2357 = vector.shape_cast %add3A_2351 : vector<50x50xf32> to vector<1x50x50xf32>
    tpu.vector_store %arg17[%swap3A_2352, %swap3A_2353, %swap3A_2354], %swap3A_2357 {strides = array<i32>} : memref<10x50x50xf32, #tpu.memory_space<vmem>>, vector<1x50x50xf32>,
    %dot_general3A_2358 = arith.constant dense<0.000000e+00> : vector<50x64xf32>
    %dot_general3A_2359 = tpu.matmul %get3A_2202, %add3A_548, %dot_general3A_2358 {dimension_numbers = #tpu.dot_dimension_numbers<[1], [0], [0], [1], [0, 0, 1, 1], [], []>, transpose_lhs_hint = false} : vector<50x64xf32>, vector<64x64xf32>, vector<50x64xf32> -> vector<50x64xf32>
    %dot_general3A_2360 = arith.constant dense<0.000000e+00> : vector<50x50xf32>
    %dot_general3A_2361 = tpu.matmul %dot_general3A_2359, %get3A_2202, %dot_general3A_2360 {dimension_numbers = #tpu.dot_dimension_numbers<[1], [1], [0], [0], [0, 0, 1, 0], [], []>, transpose_lhs_hint = false} : vector<50x64xf32>, vector<50x64xf32>, vector<50x50xf32> -> vector<50x50xf32>
    %get3A_2362 = arith.constant 0 : index
    %get3A_2363 = arith.constant 2 : index
    %get3A_2364 = memref.load %arg7[%get3A_2362, %get3A_2363] : memref<1x5xf32, #tpu.memory_space<smem>>
    %add3A_2365 = vector.broadcast %get3A_2364 : f32 to vector<50x50xf32>
    %add3A_2366 = arith.addf %dot_general3A_2361, %add3A_2365 : vector<50x50xf32>
    %swap3A_2367 = arith.constant 7 : index
    %swap3A_2368 = arith.constant 0 : index
    %swap3A_2369 = arith.constant 0 : index
    %swap3A_2370 = vector.load %arg18[%swap3A_2367, %swap3A_2368, %swap3A_2369] : memref<10x50x50xf32, #tpu.memory_space<vmem>>, vector<1x50x50xf32>
    %swap3A_2371 = vector.shape_cast %swap3A_2370 : vector<1x50x50xf32> to vector<50x50xf32>
    %swap3A_2372 = vector.shape_cast %add3A_2366 : vector<50x50xf32> to vector<1x50x50xf32>
    tpu.vector_store %arg18[%swap3A_2367, %swap3A_2368, %swap3A_2369], %swap3A_2372 {strides = array<i32>} : memref<10x50x50xf32, #tpu.memory_space<vmem>>, vector<1x50x50xf32>,
    %dot_general3A_2373 = arith.constant dense<0.000000e+00> : vector<50x64xf32>
    %dot_general3A_2374 = tpu.matmul %get3A_2202, %add3A_602, %dot_general3A_2373 {dimension_numbers = #tpu.dot_dimension_numbers<[1], [0], [0], [1], [0, 0, 1, 1], [], []>, transpose_lhs_hint = false} : vector<50x64xf32>, vector<64x64xf32>, vector<50x64xf32> -> vector<50x64xf32>
    %dot_general3A_2375 = arith.constant dense<0.000000e+00> : vector<50x50xf32>
    %dot_general3A_2376 = tpu.matmul %dot_general3A_2374, %get3A_2202, %dot_general3A_2375 {dimension_numbers = #tpu.dot_dimension_numbers<[1], [1], [0], [0], [0, 0, 1, 0], [], []>, transpose_lhs_hint = false} : vector<50x64xf32>, vector<50x64xf32>, vector<50x50xf32> -> vector<50x50xf32>
    %get3A_2377 = arith.constant 0 : index
    %get3A_2378 = arith.constant 3 : index
    %get3A_2379 = memref.load %arg7[%get3A_2377, %get3A_2378] : memref<1x5xf32, #tpu.memory_space<smem>>
    %add3A_2380 = vector.broadcast %get3A_2379 : f32 to vector<50x50xf32>
    %add3A_2381 = arith.addf %dot_general3A_2376, %add3A_2380 : vector<50x50xf32>
    %swap3A_2382 = arith.constant 7 : index
    %swap3A_2383 = arith.constant 0 : index
    %swap3A_2384 = arith.constant 0 : index
    %swap3A_2385 = vector.load %arg19[%swap3A_2382, %swap3A_2383, %swap3A_2384] : memref<10x50x50xf32, #tpu.memory_space<vmem>>, vector<1x50x50xf32>
    %swap3A_2386 = vector.shape_cast %swap3A_2385 : vector<1x50x50xf32> to vector<50x50xf32>
    %swap3A_2387 = vector.shape_cast %add3A_2381 : vector<50x50xf32> to vector<1x50x50xf32>
    tpu.vector_store %arg19[%swap3A_2382, %swap3A_2383, %swap3A_2384], %swap3A_2387 {strides = array<i32>} : memref<10x50x50xf32, #tpu.memory_space<vmem>>, vector<1x50x50xf32>,
    %dot_general3A_2388 = arith.constant dense<0.000000e+00> : vector<50x64xf32>
    %dot_general3A_2389 = tpu.matmul %get3A_2202, %add3A_656, %dot_general3A_2388 {dimension_numbers = #tpu.dot_dimension_numbers<[1], [0], [0], [1], [0, 0, 1, 1], [], []>, transpose_lhs_hint = false} : vector<50x64xf32>, vector<64x64xf32>, vector<50x64xf32> -> vector<50x64xf32>
    %dot_general3A_2390 = arith.constant dense<0.000000e+00> : vector<50x50xf32>
    %dot_general3A_2391 = tpu.matmul %dot_general3A_2389, %get3A_2202, %dot_general3A_2390 {dimension_numbers = #tpu.dot_dimension_numbers<[1], [1], [0], [0], [0, 0, 1, 0], [], []>, transpose_lhs_hint = false} : vector<50x64xf32>, vector<50x64xf32>, vector<50x50xf32> -> vector<50x50xf32>
    %get3A_2392 = arith.constant 0 : index
    %get3A_2393 = arith.constant 4 : index
    %get3A_2394 = memref.load %arg7[%get3A_2392, %get3A_2393] : memref<1x5xf32, #tpu.memory_space<smem>>
    %add3A_2395 = vector.broadcast %get3A_2394 : f32 to vector<50x50xf32>
    %add3A_2396 = arith.addf %dot_general3A_2391, %add3A_2395 : vector<50x50xf32>
    %swap3A_2397 = arith.constant 7 : index
    %swap3A_2398 = arith.constant 0 : index
    %swap3A_2399 = arith.constant 0 : index
    %swap3A_2400 = vector.load %arg20[%swap3A_2397, %swap3A_2398, %swap3A_2399] : memref<10x50x50xf32, #tpu.memory_space<vmem>>, vector<1x50x50xf32>
    %swap3A_2401 = vector.shape_cast %swap3A_2400 : vector<1x50x50xf32> to vector<50x50xf32>
    %swap3A_2402 = vector.shape_cast %add3A_2396 : vector<50x50xf32> to vector<1x50x50xf32>
    tpu.vector_store %arg20[%swap3A_2397, %swap3A_2398, %swap3A_2399], %swap3A_2402 {strides = array<i32>} : memref<10x50x50xf32, #tpu.memory_space<vmem>>, vector<1x50x50xf32>,
    %get3A_2403 = arith.constant 0 : index
    %get3A_2404 = arith.constant 0 : index
    %get3A_2405 = vector.load %arg8[%get3A_2403, %get3A_2404] : memref<64x92xf32, #tpu.memory_space<vmem>>, vector<64x92xf32>
    %dot_general3A_2406 = arith.constant dense<0.000000e+00> : vector<50x92xf32>
    %dot_general3A_2407 = tpu.matmul %get3A_2202, %get3A_2405, %dot_general3A_2406 {dimension_numbers = #tpu.dot_dimension_numbers<[1], [0], [0], [1], [0, 0, 1, 1], [], []>, transpose_lhs_hint = false} : vector<50x64xf32>, vector<64x92xf32>, vector<50x92xf32> -> vector<50x92xf32>
    %get3A_2408 = arith.constant 0 : index
    %get3A_2409 = arith.constant 0 : index
    %get3A_2410 = vector.load %arg9[%get3A_2408, %get3A_2409] : memref<1x92xf32, #tpu.memory_space<vmem>>, vector<1x92xf32>
    %add3A_2411 = vector.broadcast %get3A_2410 : vector<1x92xf32> to vector<50x92xf32>
    %add3A_2412 = arith.addf %dot_general3A_2407, %add3A_2411 : vector<50x92xf32>
    %swap3A_2413 = arith.constant 7 : index
    %swap3A_2414 = arith.constant 0 : index
    %swap3A_2415 = arith.constant 0 : index
    %swap3A_2416 = vector.load %arg21[%swap3A_2413, %swap3A_2414, %swap3A_2415] : memref<10x50x92xf32, #tpu.memory_space<vmem>>, vector<1x50x92xf32>
    %swap3A_2417 = vector.shape_cast %swap3A_2416 : vector<1x50x92xf32> to vector<50x92xf32>
    %swap3A_2418 = vector.shape_cast %add3A_2412 : vector<50x92xf32> to vector<1x50x92xf32>
    tpu.vector_store %arg21[%swap3A_2413, %swap3A_2414, %swap3A_2415], %swap3A_2418 {strides = array<i32>} : memref<10x50x92xf32, #tpu.memory_space<vmem>>, vector<1x50x92xf32>,
    %get3A_2419 = arith.constant 8 : index
    %get3A_2420 = arith.constant 0 : index
    %get3A_2421 = arith.constant 0 : index
    %get3A_2422 = vector.load %arg1[%get3A_2419, %get3A_2420, %get3A_2421] : memref<10x50x64xf32, #tpu.memory_space<vmem>>, vector<1x50x64xf32>
    %get3A_2423 = vector.shape_cast %get3A_2422 : vector<1x50x64xf32> to vector<50x64xf32>
    %dot_general3A_2424 = arith.constant dense<0.000000e+00> : vector<50x64xf32>
    %dot_general3A_2425 = tpu.matmul %get3A_2423, %add3A_61, %dot_general3A_2424 {dimension_numbers = #tpu.dot_dimension_numbers<[1], [0], [0], [1], [0, 0, 1, 1], [], []>, transpose_lhs_hint = false} : vector<50x64xf32>, vector<64x64xf32>, vector<50x64xf32> -> vector<50x64xf32>
    %dot_general3A_2426 = arith.constant dense<0.000000e+00> : vector<50x50xf32>
    %dot_general3A_2427 = tpu.matmul %dot_general3A_2425, %get3A_2423, %dot_general3A_2426 {dimension_numbers = #tpu.dot_dimension_numbers<[1], [1], [0], [0], [0, 0, 1, 0], [], []>, transpose_lhs_hint = false} : vector<50x64xf32>, vector<50x64xf32>, vector<50x50xf32> -> vector<50x50xf32>
    %get3A_2428 = arith.constant 0 : index
    %get3A_2429 = arith.constant 0 : index
    %get3A_2430 = memref.load %arg4[%get3A_2428, %get3A_2429] : memref<1x6xf32, #tpu.memory_space<smem>>
    %add3A_2431 = vector.broadcast %get3A_2430 : f32 to vector<50x50xf32>
    %add3A_2432 = arith.addf %dot_general3A_2427, %add3A_2431 : vector<50x50xf32>
    %dot_general3A_2433 = arith.constant dense<0.000000e+00> : vector<50x64xf32>
    %dot_general3A_2434 = tpu.matmul %get3A_2423, %add3A_126, %dot_general3A_2433 {dimension_numbers = #tpu.dot_dimension_numbers<[1], [0], [0], [1], [0, 0, 1, 1], [], []>, transpose_lhs_hint = false} : vector<50x64xf32>, vector<64x64xf32>, vector<50x64xf32> -> vector<50x64xf32>
    %dot_general3A_2435 = arith.constant dense<0.000000e+00> : vector<50x50xf32>
    %dot_general3A_2436 = tpu.matmul %dot_general3A_2434, %get3A_2423, %dot_general3A_2435 {dimension_numbers = #tpu.dot_dimension_numbers<[1], [1], [0], [0], [0, 0, 1, 0], [], []>, transpose_lhs_hint = false} : vector<50x64xf32>, vector<50x64xf32>, vector<50x50xf32> -> vector<50x50xf32>
    %get3A_2437 = arith.constant 0 : index
    %get3A_2438 = arith.constant 1 : index
    %get3A_2439 = memref.load %arg4[%get3A_2437, %get3A_2438] : memref<1x6xf32, #tpu.memory_space<smem>>
    %add3A_2440 = vector.broadcast %get3A_2439 : f32 to vector<50x50xf32>
    %add3A_2441 = arith.addf %dot_general3A_2436, %add3A_2440 : vector<50x50xf32>
    %dot_general3A_2442 = arith.constant dense<0.000000e+00> : vector<50x64xf32>
    %dot_general3A_2443 = tpu.matmul %get3A_2423, %add3A_191, %dot_general3A_2442 {dimension_numbers = #tpu.dot_dimension_numbers<[1], [0], [0], [1], [0, 0, 1, 1], [], []>, transpose_lhs_hint = false} : vector<50x64xf32>, vector<64x64xf32>, vector<50x64xf32> -> vector<50x64xf32>
    %dot_general3A_2444 = arith.constant dense<0.000000e+00> : vector<50x50xf32>
    %dot_general3A_2445 = tpu.matmul %dot_general3A_2443, %get3A_2423, %dot_general3A_2444 {dimension_numbers = #tpu.dot_dimension_numbers<[1], [1], [0], [0], [0, 0, 1, 0], [], []>, transpose_lhs_hint = false} : vector<50x64xf32>, vector<50x64xf32>, vector<50x50xf32> -> vector<50x50xf32>
    %get3A_2446 = arith.constant 0 : index
    %get3A_2447 = arith.constant 2 : index
    %get3A_2448 = memref.load %arg4[%get3A_2446, %get3A_2447] : memref<1x6xf32, #tpu.memory_space<smem>>
    %add3A_2449 = vector.broadcast %get3A_2448 : f32 to vector<50x50xf32>
    %add3A_2450 = arith.addf %dot_general3A_2445, %add3A_2449 : vector<50x50xf32>
    %dot_general3A_2451 = arith.constant dense<0.000000e+00> : vector<50x64xf32>
    %dot_general3A_2452 = tpu.matmul %get3A_2423, %add3A_256, %dot_general3A_2451 {dimension_numbers = #tpu.dot_dimension_numbers<[1], [0], [0], [1], [0, 0, 1, 1], [], []>, transpose_lhs_hint = false} : vector<50x64xf32>, vector<64x64xf32>, vector<50x64xf32> -> vector<50x64xf32>
    %dot_general3A_2453 = arith.constant dense<0.000000e+00> : vector<50x50xf32>
    %dot_general3A_2454 = tpu.matmul %dot_general3A_2452, %get3A_2423, %dot_general3A_2453 {dimension_numbers = #tpu.dot_dimension_numbers<[1], [1], [0], [0], [0, 0, 1, 0], [], []>, transpose_lhs_hint = false} : vector<50x64xf32>, vector<50x64xf32>, vector<50x50xf32> -> vector<50x50xf32>
    %get3A_2455 = arith.constant 0 : index
    %get3A_2456 = arith.constant 3 : index
    %get3A_2457 = memref.load %arg4[%get3A_2455, %get3A_2456] : memref<1x6xf32, #tpu.memory_space<smem>>
    %add3A_2458 = vector.broadcast %get3A_2457 : f32 to vector<50x50xf32>
    %add3A_2459 = arith.addf %dot_general3A_2454, %add3A_2458 : vector<50x50xf32>
    %dot_general3A_2460 = arith.constant dense<0.000000e+00> : vector<50x64xf32>
    %dot_general3A_2461 = tpu.matmul %get3A_2423, %add3A_321, %dot_general3A_2460 {dimension_numbers = #tpu.dot_dimension_numbers<[1], [0], [0], [1], [0, 0, 1, 1], [], []>, transpose_lhs_hint = false} : vector<50x64xf32>, vector<64x64xf32>, vector<50x64xf32> -> vector<50x64xf32>
    %dot_general3A_2462 = arith.constant dense<0.000000e+00> : vector<50x50xf32>
    %dot_general3A_2463 = tpu.matmul %dot_general3A_2461, %get3A_2423, %dot_general3A_2462 {dimension_numbers = #tpu.dot_dimension_numbers<[1], [1], [0], [0], [0, 0, 1, 0], [], []>, transpose_lhs_hint = false} : vector<50x64xf32>, vector<50x64xf32>, vector<50x50xf32> -> vector<50x50xf32>
    %get3A_2464 = arith.constant 0 : index
    %get3A_2465 = arith.constant 4 : index
    %get3A_2466 = memref.load %arg4[%get3A_2464, %get3A_2465] : memref<1x6xf32, #tpu.memory_space<smem>>
    %add3A_2467 = vector.broadcast %get3A_2466 : f32 to vector<50x50xf32>
    %add3A_2468 = arith.addf %dot_general3A_2463, %add3A_2467 : vector<50x50xf32>
    %dot_general3A_2469 = arith.constant dense<0.000000e+00> : vector<50x64xf32>
    %dot_general3A_2470 = tpu.matmul %get3A_2423, %add3A_386, %dot_general3A_2469 {dimension_numbers = #tpu.dot_dimension_numbers<[1], [0], [0], [1], [0, 0, 1, 1], [], []>, transpose_lhs_hint = false} : vector<50x64xf32>, vector<64x64xf32>, vector<50x64xf32> -> vector<50x64xf32>
    %dot_general3A_2471 = arith.constant dense<0.000000e+00> : vector<50x50xf32>
    %dot_general3A_2472 = tpu.matmul %dot_general3A_2470, %get3A_2423, %dot_general3A_2471 {dimension_numbers = #tpu.dot_dimension_numbers<[1], [1], [0], [0], [0, 0, 1, 0], [], []>, transpose_lhs_hint = false} : vector<50x64xf32>, vector<50x64xf32>, vector<50x50xf32> -> vector<50x50xf32>
    %get3A_2473 = arith.constant 0 : index
    %get3A_2474 = arith.constant 5 : index
    %get3A_2475 = memref.load %arg4[%get3A_2473, %get3A_2474] : memref<1x6xf32, #tpu.memory_space<smem>>
    %add3A_2476 = vector.broadcast %get3A_2475 : f32 to vector<50x50xf32>
    %add3A_2477 = arith.addf %dot_general3A_2472, %add3A_2476 : vector<50x50xf32>
    %max3A_2478 = arith.maximumf %add3A_2432, %add3A_2441 : vector<50x50xf32>
    %max3A_2479 = arith.maximumf %max3A_2478, %add3A_2450 : vector<50x50xf32>
    %max3A_2480 = arith.maximumf %max3A_2479, %add3A_2459 : vector<50x50xf32>
    %max3A_2481 = arith.maximumf %max3A_2480, %add3A_2468 : vector<50x50xf32>
    %max3A_2482 = arith.maximumf %max3A_2481, %add3A_2477 : vector<50x50xf32>
    %sub3A_2483 = arith.subf %add3A_2432, %max3A_2482 : vector<50x50xf32>
    %exp3A_2484 = math.exp %sub3A_2483 : vector<50x50xf32>
    %sub3A_2485 = arith.subf %add3A_2441, %max3A_2482 : vector<50x50xf32>
    %exp3A_2486 = math.exp %sub3A_2485 : vector<50x50xf32>
    %add3A_2487 = arith.addf %exp3A_2484, %exp3A_2486 : vector<50x50xf32>
    %sub3A_2488 = arith.subf %add3A_2450, %max3A_2482 : vector<50x50xf32>
    %exp3A_2489 = math.exp %sub3A_2488 : vector<50x50xf32>
    %add3A_2490 = arith.addf %add3A_2487, %exp3A_2489 : vector<50x50xf32>
    %sub3A_2491 = arith.subf %add3A_2459, %max3A_2482 : vector<50x50xf32>
    %exp3A_2492 = math.exp %sub3A_2491 : vector<50x50xf32>
    %add3A_2493 = arith.addf %add3A_2490, %exp3A_2492 : vector<50x50xf32>
    %sub3A_2494 = arith.subf %add3A_2468, %max3A_2482 : vector<50x50xf32>
    %exp3A_2495 = math.exp %sub3A_2494 : vector<50x50xf32>
    %add3A_2496 = arith.addf %add3A_2493, %exp3A_2495 : vector<50x50xf32>
    %sub3A_2497 = arith.subf %add3A_2477, %max3A_2482 : vector<50x50xf32>
    %exp3A_2498 = math.exp %sub3A_2497 : vector<50x50xf32>
    %add3A_2499 = arith.addf %add3A_2496, %exp3A_2498 : vector<50x50xf32>
    %log3A_2500 = math.log %add3A_2499 : vector<50x50xf32>
    %sub3A_2501 = arith.subf %add3A_2432, %max3A_2482 : vector<50x50xf32>
    %sub3A_2502 = arith.subf %sub3A_2501, %log3A_2500 : vector<50x50xf32>
    %swap3A_2503 = arith.constant 8 : index
    %swap3A_2504 = arith.constant 0 : index
    %swap3A_2505 = arith.constant 0 : index
    %swap3A_2506 = vector.load %arg10[%swap3A_2503, %swap3A_2504, %swap3A_2505] : memref<10x50x50xf32, #tpu.memory_space<vmem>>, vector<1x50x50xf32>
    %swap3A_2507 = vector.shape_cast %swap3A_2506 : vector<1x50x50xf32> to vector<50x50xf32>
    %swap3A_2508 = vector.shape_cast %sub3A_2502 : vector<50x50xf32> to vector<1x50x50xf32>
    tpu.vector_store %arg10[%swap3A_2503, %swap3A_2504, %swap3A_2505], %swap3A_2508 {strides = array<i32>} : memref<10x50x50xf32, #tpu.memory_space<vmem>>, vector<1x50x50xf32>,
    %sub3A_2509 = arith.subf %add3A_2441, %max3A_2482 : vector<50x50xf32>
    %sub3A_2510 = arith.subf %sub3A_2509, %log3A_2500 : vector<50x50xf32>
    %swap3A_2511 = arith.constant 8 : index
    %swap3A_2512 = arith.constant 0 : index
    %swap3A_2513 = arith.constant 0 : index
    %swap3A_2514 = vector.load %arg11[%swap3A_2511, %swap3A_2512, %swap3A_2513] : memref<10x50x50xf32, #tpu.memory_space<vmem>>, vector<1x50x50xf32>
    %swap3A_2515 = vector.shape_cast %swap3A_2514 : vector<1x50x50xf32> to vector<50x50xf32>
    %swap3A_2516 = vector.shape_cast %sub3A_2510 : vector<50x50xf32> to vector<1x50x50xf32>
    tpu.vector_store %arg11[%swap3A_2511, %swap3A_2512, %swap3A_2513], %swap3A_2516 {strides = array<i32>} : memref<10x50x50xf32, #tpu.memory_space<vmem>>, vector<1x50x50xf32>,
    %sub3A_2517 = arith.subf %add3A_2450, %max3A_2482 : vector<50x50xf32>
    %sub3A_2518 = arith.subf %sub3A_2517, %log3A_2500 : vector<50x50xf32>
    %swap3A_2519 = arith.constant 8 : index
    %swap3A_2520 = arith.constant 0 : index
    %swap3A_2521 = arith.constant 0 : index
    %swap3A_2522 = vector.load %arg12[%swap3A_2519, %swap3A_2520, %swap3A_2521] : memref<10x50x50xf32, #tpu.memory_space<vmem>>, vector<1x50x50xf32>
    %swap3A_2523 = vector.shape_cast %swap3A_2522 : vector<1x50x50xf32> to vector<50x50xf32>
    %swap3A_2524 = vector.shape_cast %sub3A_2518 : vector<50x50xf32> to vector<1x50x50xf32>
    tpu.vector_store %arg12[%swap3A_2519, %swap3A_2520, %swap3A_2521], %swap3A_2524 {strides = array<i32>} : memref<10x50x50xf32, #tpu.memory_space<vmem>>, vector<1x50x50xf32>,
    %sub3A_2525 = arith.subf %add3A_2459, %max3A_2482 : vector<50x50xf32>
    %sub3A_2526 = arith.subf %sub3A_2525, %log3A_2500 : vector<50x50xf32>
    %swap3A_2527 = arith.constant 8 : index
    %swap3A_2528 = arith.constant 0 : index
    %swap3A_2529 = arith.constant 0 : index
    %swap3A_2530 = vector.load %arg13[%swap3A_2527, %swap3A_2528, %swap3A_2529] : memref<10x50x50xf32, #tpu.memory_space<vmem>>, vector<1x50x50xf32>
    %swap3A_2531 = vector.shape_cast %swap3A_2530 : vector<1x50x50xf32> to vector<50x50xf32>
    %swap3A_2532 = vector.shape_cast %sub3A_2526 : vector<50x50xf32> to vector<1x50x50xf32>
    tpu.vector_store %arg13[%swap3A_2527, %swap3A_2528, %swap3A_2529], %swap3A_2532 {strides = array<i32>} : memref<10x50x50xf32, #tpu.memory_space<vmem>>, vector<1x50x50xf32>,
    %sub3A_2533 = arith.subf %add3A_2468, %max3A_2482 : vector<50x50xf32>
    %sub3A_2534 = arith.subf %sub3A_2533, %log3A_2500 : vector<50x50xf32>
    %swap3A_2535 = arith.constant 8 : index
    %swap3A_2536 = arith.constant 0 : index
    %swap3A_2537 = arith.constant 0 : index
    %swap3A_2538 = vector.load %arg14[%swap3A_2535, %swap3A_2536, %swap3A_2537] : memref<10x50x50xf32, #tpu.memory_space<vmem>>, vector<1x50x50xf32>
    %swap3A_2539 = vector.shape_cast %swap3A_2538 : vector<1x50x50xf32> to vector<50x50xf32>
    %swap3A_2540 = vector.shape_cast %sub3A_2534 : vector<50x50xf32> to vector<1x50x50xf32>
    tpu.vector_store %arg14[%swap3A_2535, %swap3A_2536, %swap3A_2537], %swap3A_2540 {strides = array<i32>} : memref<10x50x50xf32, #tpu.memory_space<vmem>>, vector<1x50x50xf32>,
    %sub3A_2541 = arith.subf %add3A_2477, %max3A_2482 : vector<50x50xf32>
    %sub3A_2542 = arith.subf %sub3A_2541, %log3A_2500 : vector<50x50xf32>
    %swap3A_2543 = arith.constant 8 : index
    %swap3A_2544 = arith.constant 0 : index
    %swap3A_2545 = arith.constant 0 : index
    %swap3A_2546 = vector.load %arg15[%swap3A_2543, %swap3A_2544, %swap3A_2545] : memref<10x50x50xf32, #tpu.memory_space<vmem>>, vector<1x50x50xf32>
    %swap3A_2547 = vector.shape_cast %swap3A_2546 : vector<1x50x50xf32> to vector<50x50xf32>
    %swap3A_2548 = vector.shape_cast %sub3A_2542 : vector<50x50xf32> to vector<1x50x50xf32>
    tpu.vector_store %arg15[%swap3A_2543, %swap3A_2544, %swap3A_2545], %swap3A_2548 {strides = array<i32>} : memref<10x50x50xf32, #tpu.memory_space<vmem>>, vector<1x50x50xf32>,
    %dot_general3A_2549 = arith.constant dense<0.000000e+00> : vector<50x64xf32>
    %dot_general3A_2550 = tpu.matmul %get3A_2423, %add3A_440, %dot_general3A_2549 {dimension_numbers = #tpu.dot_dimension_numbers<[1], [0], [0], [1], [0, 0, 1, 1], [], []>, transpose_lhs_hint = false} : vector<50x64xf32>, vector<64x64xf32>, vector<50x64xf32> -> vector<50x64xf32>
    %dot_general3A_2551 = arith.constant dense<0.000000e+00> : vector<50x50xf32>
    %dot_general3A_2552 = tpu.matmul %dot_general3A_2550, %get3A_2423, %dot_general3A_2551 {dimension_numbers = #tpu.dot_dimension_numbers<[1], [1], [0], [0], [0, 0, 1, 0], [], []>, transpose_lhs_hint = false} : vector<50x64xf32>, vector<50x64xf32>, vector<50x50xf32> -> vector<50x50xf32>
    %get3A_2553 = arith.constant 0 : index
    %get3A_2554 = arith.constant 0 : index
    %get3A_2555 = memref.load %arg7[%get3A_2553, %get3A_2554] : memref<1x5xf32, #tpu.memory_space<smem>>
    %add3A_2556 = vector.broadcast %get3A_2555 : f32 to vector<50x50xf32>
    %add3A_2557 = arith.addf %dot_general3A_2552, %add3A_2556 : vector<50x50xf32>
    %swap3A_2558 = arith.constant 8 : index
    %swap3A_2559 = arith.constant 0 : index
    %swap3A_2560 = arith.constant 0 : index
    %swap3A_2561 = vector.load %arg16[%swap3A_2558, %swap3A_2559, %swap3A_2560] : memref<10x50x50xf32, #tpu.memory_space<vmem>>, vector<1x50x50xf32>
    %swap3A_2562 = vector.shape_cast %swap3A_2561 : vector<1x50x50xf32> to vector<50x50xf32>
    %swap3A_2563 = vector.shape_cast %add3A_2557 : vector<50x50xf32> to vector<1x50x50xf32>
    tpu.vector_store %arg16[%swap3A_2558, %swap3A_2559, %swap3A_2560], %swap3A_2563 {strides = array<i32>} : memref<10x50x50xf32, #tpu.memory_space<vmem>>, vector<1x50x50xf32>,
    %dot_general3A_2564 = arith.constant dense<0.000000e+00> : vector<50x64xf32>
    %dot_general3A_2565 = tpu.matmul %get3A_2423, %add3A_494, %dot_general3A_2564 {dimension_numbers = #tpu.dot_dimension_numbers<[1], [0], [0], [1], [0, 0, 1, 1], [], []>, transpose_lhs_hint = false} : vector<50x64xf32>, vector<64x64xf32>, vector<50x64xf32> -> vector<50x64xf32>
    %dot_general3A_2566 = arith.constant dense<0.000000e+00> : vector<50x50xf32>
    %dot_general3A_2567 = tpu.matmul %dot_general3A_2565, %get3A_2423, %dot_general3A_2566 {dimension_numbers = #tpu.dot_dimension_numbers<[1], [1], [0], [0], [0, 0, 1, 0], [], []>, transpose_lhs_hint = false} : vector<50x64xf32>, vector<50x64xf32>, vector<50x50xf32> -> vector<50x50xf32>
    %get3A_2568 = arith.constant 0 : index
    %get3A_2569 = arith.constant 1 : index
    %get3A_2570 = memref.load %arg7[%get3A_2568, %get3A_2569] : memref<1x5xf32, #tpu.memory_space<smem>>
    %add3A_2571 = vector.broadcast %get3A_2570 : f32 to vector<50x50xf32>
    %add3A_2572 = arith.addf %dot_general3A_2567, %add3A_2571 : vector<50x50xf32>
    %swap3A_2573 = arith.constant 8 : index
    %swap3A_2574 = arith.constant 0 : index
    %swap3A_2575 = arith.constant 0 : index
    %swap3A_2576 = vector.load %arg17[%swap3A_2573, %swap3A_2574, %swap3A_2575] : memref<10x50x50xf32, #tpu.memory_space<vmem>>, vector<1x50x50xf32>
    %swap3A_2577 = vector.shape_cast %swap3A_2576 : vector<1x50x50xf32> to vector<50x50xf32>
    %swap3A_2578 = vector.shape_cast %add3A_2572 : vector<50x50xf32> to vector<1x50x50xf32>
    tpu.vector_store %arg17[%swap3A_2573, %swap3A_2574, %swap3A_2575], %swap3A_2578 {strides = array<i32>} : memref<10x50x50xf32, #tpu.memory_space<vmem>>, vector<1x50x50xf32>,
    %dot_general3A_2579 = arith.constant dense<0.000000e+00> : vector<50x64xf32>
    %dot_general3A_2580 = tpu.matmul %get3A_2423, %add3A_548, %dot_general3A_2579 {dimension_numbers = #tpu.dot_dimension_numbers<[1], [0], [0], [1], [0, 0, 1, 1], [], []>, transpose_lhs_hint = false} : vector<50x64xf32>, vector<64x64xf32>, vector<50x64xf32> -> vector<50x64xf32>
    %dot_general3A_2581 = arith.constant dense<0.000000e+00> : vector<50x50xf32>
    %dot_general3A_2582 = tpu.matmul %dot_general3A_2580, %get3A_2423, %dot_general3A_2581 {dimension_numbers = #tpu.dot_dimension_numbers<[1], [1], [0], [0], [0, 0, 1, 0], [], []>, transpose_lhs_hint = false} : vector<50x64xf32>, vector<50x64xf32>, vector<50x50xf32> -> vector<50x50xf32>
    %get3A_2583 = arith.constant 0 : index
    %get3A_2584 = arith.constant 2 : index
    %get3A_2585 = memref.load %arg7[%get3A_2583, %get3A_2584] : memref<1x5xf32, #tpu.memory_space<smem>>
    %add3A_2586 = vector.broadcast %get3A_2585 : f32 to vector<50x50xf32>
    %add3A_2587 = arith.addf %dot_general3A_2582, %add3A_2586 : vector<50x50xf32>
    %swap3A_2588 = arith.constant 8 : index
    %swap3A_2589 = arith.constant 0 : index
    %swap3A_2590 = arith.constant 0 : index
    %swap3A_2591 = vector.load %arg18[%swap3A_2588, %swap3A_2589, %swap3A_2590] : memref<10x50x50xf32, #tpu.memory_space<vmem>>, vector<1x50x50xf32>
    %swap3A_2592 = vector.shape_cast %swap3A_2591 : vector<1x50x50xf32> to vector<50x50xf32>
    %swap3A_2593 = vector.shape_cast %add3A_2587 : vector<50x50xf32> to vector<1x50x50xf32>
    tpu.vector_store %arg18[%swap3A_2588, %swap3A_2589, %swap3A_2590], %swap3A_2593 {strides = array<i32>} : memref<10x50x50xf32, #tpu.memory_space<vmem>>, vector<1x50x50xf32>,
    %dot_general3A_2594 = arith.constant dense<0.000000e+00> : vector<50x64xf32>
    %dot_general3A_2595 = tpu.matmul %get3A_2423, %add3A_602, %dot_general3A_2594 {dimension_numbers = #tpu.dot_dimension_numbers<[1], [0], [0], [1], [0, 0, 1, 1], [], []>, transpose_lhs_hint = false} : vector<50x64xf32>, vector<64x64xf32>, vector<50x64xf32> -> vector<50x64xf32>
    %dot_general3A_2596 = arith.constant dense<0.000000e+00> : vector<50x50xf32>
    %dot_general3A_2597 = tpu.matmul %dot_general3A_2595, %get3A_2423, %dot_general3A_2596 {dimension_numbers = #tpu.dot_dimension_numbers<[1], [1], [0], [0], [0, 0, 1, 0], [], []>, transpose_lhs_hint = false} : vector<50x64xf32>, vector<50x64xf32>, vector<50x50xf32> -> vector<50x50xf32>
    %get3A_2598 = arith.constant 0 : index
    %get3A_2599 = arith.constant 3 : index
    %get3A_2600 = memref.load %arg7[%get3A_2598, %get3A_2599] : memref<1x5xf32, #tpu.memory_space<smem>>
    %add3A_2601 = vector.broadcast %get3A_2600 : f32 to vector<50x50xf32>
    %add3A_2602 = arith.addf %dot_general3A_2597, %add3A_2601 : vector<50x50xf32>
    %swap3A_2603 = arith.constant 8 : index
    %swap3A_2604 = arith.constant 0 : index
    %swap3A_2605 = arith.constant 0 : index
    %swap3A_2606 = vector.load %arg19[%swap3A_2603, %swap3A_2604, %swap3A_2605] : memref<10x50x50xf32, #tpu.memory_space<vmem>>, vector<1x50x50xf32>
    %swap3A_2607 = vector.shape_cast %swap3A_2606 : vector<1x50x50xf32> to vector<50x50xf32>
    %swap3A_2608 = vector.shape_cast %add3A_2602 : vector<50x50xf32> to vector<1x50x50xf32>
    tpu.vector_store %arg19[%swap3A_2603, %swap3A_2604, %swap3A_2605], %swap3A_2608 {strides = array<i32>} : memref<10x50x50xf32, #tpu.memory_space<vmem>>, vector<1x50x50xf32>,
    %dot_general3A_2609 = arith.constant dense<0.000000e+00> : vector<50x64xf32>
    %dot_general3A_2610 = tpu.matmul %get3A_2423, %add3A_656, %dot_general3A_2609 {dimension_numbers = #tpu.dot_dimension_numbers<[1], [0], [0], [1], [0, 0, 1, 1], [], []>, transpose_lhs_hint = false} : vector<50x64xf32>, vector<64x64xf32>, vector<50x64xf32> -> vector<50x64xf32>
    %dot_general3A_2611 = arith.constant dense<0.000000e+00> : vector<50x50xf32>
    %dot_general3A_2612 = tpu.matmul %dot_general3A_2610, %get3A_2423, %dot_general3A_2611 {dimension_numbers = #tpu.dot_dimension_numbers<[1], [1], [0], [0], [0, 0, 1, 0], [], []>, transpose_lhs_hint = false} : vector<50x64xf32>, vector<50x64xf32>, vector<50x50xf32> -> vector<50x50xf32>
    %get3A_2613 = arith.constant 0 : index
    %get3A_2614 = arith.constant 4 : index
    %get3A_2615 = memref.load %arg7[%get3A_2613, %get3A_2614] : memref<1x5xf32, #tpu.memory_space<smem>>
    %add3A_2616 = vector.broadcast %get3A_2615 : f32 to vector<50x50xf32>
    %add3A_2617 = arith.addf %dot_general3A_2612, %add3A_2616 : vector<50x50xf32>
    %swap3A_2618 = arith.constant 8 : index
    %swap3A_2619 = arith.constant 0 : index
    %swap3A_2620 = arith.constant 0 : index
    %swap3A_2621 = vector.load %arg20[%swap3A_2618, %swap3A_2619, %swap3A_2620] : memref<10x50x50xf32, #tpu.memory_space<vmem>>, vector<1x50x50xf32>
    %swap3A_2622 = vector.shape_cast %swap3A_2621 : vector<1x50x50xf32> to vector<50x50xf32>
    %swap3A_2623 = vector.shape_cast %add3A_2617 : vector<50x50xf32> to vector<1x50x50xf32>
    tpu.vector_store %arg20[%swap3A_2618, %swap3A_2619, %swap3A_2620], %swap3A_2623 {strides = array<i32>} : memref<10x50x50xf32, #tpu.memory_space<vmem>>, vector<1x50x50xf32>,
    %get3A_2624 = arith.constant 0 : index
    %get3A_2625 = arith.constant 0 : index
    %get3A_2626 = vector.load %arg8[%get3A_2624, %get3A_2625] : memref<64x92xf32, #tpu.memory_space<vmem>>, vector<64x92xf32>
    %dot_general3A_2627 = arith.constant dense<0.000000e+00> : vector<50x92xf32>
    %dot_general3A_2628 = tpu.matmul %get3A_2423, %get3A_2626, %dot_general3A_2627 {dimension_numbers = #tpu.dot_dimension_numbers<[1], [0], [0], [1], [0, 0, 1, 1], [], []>, transpose_lhs_hint = false} : vector<50x64xf32>, vector<64x92xf32>, vector<50x92xf32> -> vector<50x92xf32>
    %get3A_2629 = arith.constant 0 : index
    %get3A_2630 = arith.constant 0 : index
    %get3A_2631 = vector.load %arg9[%get3A_2629, %get3A_2630] : memref<1x92xf32, #tpu.memory_space<vmem>>, vector<1x92xf32>
    %add3A_2632 = vector.broadcast %get3A_2631 : vector<1x92xf32> to vector<50x92xf32>
    %add3A_2633 = arith.addf %dot_general3A_2628, %add3A_2632 : vector<50x92xf32>
    %swap3A_2634 = arith.constant 8 : index
    %swap3A_2635 = arith.constant 0 : index
    %swap3A_2636 = arith.constant 0 : index
    %swap3A_2637 = vector.load %arg21[%swap3A_2634, %swap3A_2635, %swap3A_2636] : memref<10x50x92xf32, #tpu.memory_space<vmem>>, vector<1x50x92xf32>
    %swap3A_2638 = vector.shape_cast %swap3A_2637 : vector<1x50x92xf32> to vector<50x92xf32>
    %swap3A_2639 = vector.shape_cast %add3A_2633 : vector<50x92xf32> to vector<1x50x92xf32>
    tpu.vector_store %arg21[%swap3A_2634, %swap3A_2635, %swap3A_2636], %swap3A_2639 {strides = array<i32>} : memref<10x50x92xf32, #tpu.memory_space<vmem>>, vector<1x50x92xf32>,
    %get3A_2640 = arith.constant 9 : index
    %get3A_2641 = arith.constant 0 : index
    %get3A_2642 = arith.constant 0 : index
    %get3A_2643 = vector.load %arg1[%get3A_2640, %get3A_2641, %get3A_2642] : memref<10x50x64xf32, #tpu.memory_space<vmem>>, vector<1x50x64xf32>
    %get3A_2644 = vector.shape_cast %get3A_2643 : vector<1x50x64xf32> to vector<50x64xf32>
    %dot_general3A_2645 = arith.constant dense<0.000000e+00> : vector<50x64xf32>
    %dot_general3A_2646 = tpu.matmul %get3A_2644, %add3A_61, %dot_general3A_2645 {dimension_numbers = #tpu.dot_dimension_numbers<[1], [0], [0], [1], [0, 0, 1, 1], [], []>, transpose_lhs_hint = false} : vector<50x64xf32>, vector<64x64xf32>, vector<50x64xf32> -> vector<50x64xf32>
    %dot_general3A_2647 = arith.constant dense<0.000000e+00> : vector<50x50xf32>
    %dot_general3A_2648 = tpu.matmul %dot_general3A_2646, %get3A_2644, %dot_general3A_2647 {dimension_numbers = #tpu.dot_dimension_numbers<[1], [1], [0], [0], [0, 0, 1, 0], [], []>, transpose_lhs_hint = false} : vector<50x64xf32>, vector<50x64xf32>, vector<50x50xf32> -> vector<50x50xf32>
    %get3A_2649 = arith.constant 0 : index
    %get3A_2650 = arith.constant 0 : index
    %get3A_2651 = memref.load %arg4[%get3A_2649, %get3A_2650] : memref<1x6xf32, #tpu.memory_space<smem>>
    %add3A_2652 = vector.broadcast %get3A_2651 : f32 to vector<50x50xf32>
    %add3A_2653 = arith.addf %dot_general3A_2648, %add3A_2652 : vector<50x50xf32>
    %dot_general3A_2654 = arith.constant dense<0.000000e+00> : vector<50x64xf32>
    %dot_general3A_2655 = tpu.matmul %get3A_2644, %add3A_126, %dot_general3A_2654 {dimension_numbers = #tpu.dot_dimension_numbers<[1], [0], [0], [1], [0, 0, 1, 1], [], []>, transpose_lhs_hint = false} : vector<50x64xf32>, vector<64x64xf32>, vector<50x64xf32> -> vector<50x64xf32>
    %dot_general3A_2656 = arith.constant dense<0.000000e+00> : vector<50x50xf32>
    %dot_general3A_2657 = tpu.matmul %dot_general3A_2655, %get3A_2644, %dot_general3A_2656 {dimension_numbers = #tpu.dot_dimension_numbers<[1], [1], [0], [0], [0, 0, 1, 0], [], []>, transpose_lhs_hint = false} : vector<50x64xf32>, vector<50x64xf32>, vector<50x50xf32> -> vector<50x50xf32>
    %get3A_2658 = arith.constant 0 : index
    %get3A_2659 = arith.constant 1 : index
    %get3A_2660 = memref.load %arg4[%get3A_2658, %get3A_2659] : memref<1x6xf32, #tpu.memory_space<smem>>
    %add3A_2661 = vector.broadcast %get3A_2660 : f32 to vector<50x50xf32>
    %add3A_2662 = arith.addf %dot_general3A_2657, %add3A_2661 : vector<50x50xf32>
    %dot_general3A_2663 = arith.constant dense<0.000000e+00> : vector<50x64xf32>
    %dot_general3A_2664 = tpu.matmul %get3A_2644, %add3A_191, %dot_general3A_2663 {dimension_numbers = #tpu.dot_dimension_numbers<[1], [0], [0], [1], [0, 0, 1, 1], [], []>, transpose_lhs_hint = false} : vector<50x64xf32>, vector<64x64xf32>, vector<50x64xf32> -> vector<50x64xf32>
    %dot_general3A_2665 = arith.constant dense<0.000000e+00> : vector<50x50xf32>
    %dot_general3A_2666 = tpu.matmul %dot_general3A_2664, %get3A_2644, %dot_general3A_2665 {dimension_numbers = #tpu.dot_dimension_numbers<[1], [1], [0], [0], [0, 0, 1, 0], [], []>, transpose_lhs_hint = false} : vector<50x64xf32>, vector<50x64xf32>, vector<50x50xf32> -> vector<50x50xf32>
    %get3A_2667 = arith.constant 0 : index
    %get3A_2668 = arith.constant 2 : index
    %get3A_2669 = memref.load %arg4[%get3A_2667, %get3A_2668] : memref<1x6xf32, #tpu.memory_space<smem>>
    %add3A_2670 = vector.broadcast %get3A_2669 : f32 to vector<50x50xf32>
    %add3A_2671 = arith.addf %dot_general3A_2666, %add3A_2670 : vector<50x50xf32>
    %dot_general3A_2672 = arith.constant dense<0.000000e+00> : vector<50x64xf32>
    %dot_general3A_2673 = tpu.matmul %get3A_2644, %add3A_256, %dot_general3A_2672 {dimension_numbers = #tpu.dot_dimension_numbers<[1], [0], [0], [1], [0, 0, 1, 1], [], []>, transpose_lhs_hint = false} : vector<50x64xf32>, vector<64x64xf32>, vector<50x64xf32> -> vector<50x64xf32>
    %dot_general3A_2674 = arith.constant dense<0.000000e+00> : vector<50x50xf32>
    %dot_general3A_2675 = tpu.matmul %dot_general3A_2673, %get3A_2644, %dot_general3A_2674 {dimension_numbers = #tpu.dot_dimension_numbers<[1], [1], [0], [0], [0, 0, 1, 0], [], []>, transpose_lhs_hint = false} : vector<50x64xf32>, vector<50x64xf32>, vector<50x50xf32> -> vector<50x50xf32>
    %get3A_2676 = arith.constant 0 : index
    %get3A_2677 = arith.constant 3 : index
    %get3A_2678 = memref.load %arg4[%get3A_2676, %get3A_2677] : memref<1x6xf32, #tpu.memory_space<smem>>
    %add3A_2679 = vector.broadcast %get3A_2678 : f32 to vector<50x50xf32>
    %add3A_2680 = arith.addf %dot_general3A_2675, %add3A_2679 : vector<50x50xf32>
    %dot_general3A_2681 = arith.constant dense<0.000000e+00> : vector<50x64xf32>
    %dot_general3A_2682 = tpu.matmul %get3A_2644, %add3A_321, %dot_general3A_2681 {dimension_numbers = #tpu.dot_dimension_numbers<[1], [0], [0], [1], [0, 0, 1, 1], [], []>, transpose_lhs_hint = false} : vector<50x64xf32>, vector<64x64xf32>, vector<50x64xf32> -> vector<50x64xf32>
    %dot_general3A_2683 = arith.constant dense<0.000000e+00> : vector<50x50xf32>
    %dot_general3A_2684 = tpu.matmul %dot_general3A_2682, %get3A_2644, %dot_general3A_2683 {dimension_numbers = #tpu.dot_dimension_numbers<[1], [1], [0], [0], [0, 0, 1, 0], [], []>, transpose_lhs_hint = false} : vector<50x64xf32>, vector<50x64xf32>, vector<50x50xf32> -> vector<50x50xf32>
    %get3A_2685 = arith.constant 0 : index
    %get3A_2686 = arith.constant 4 : index
    %get3A_2687 = memref.load %arg4[%get3A_2685, %get3A_2686] : memref<1x6xf32, #tpu.memory_space<smem>>
    %add3A_2688 = vector.broadcast %get3A_2687 : f32 to vector<50x50xf32>
    %add3A_2689 = arith.addf %dot_general3A_2684, %add3A_2688 : vector<50x50xf32>
    %dot_general3A_2690 = arith.constant dense<0.000000e+00> : vector<50x64xf32>
    %dot_general3A_2691 = tpu.matmul %get3A_2644, %add3A_386, %dot_general3A_2690 {dimension_numbers = #tpu.dot_dimension_numbers<[1], [0], [0], [1], [0, 0, 1, 1], [], []>, transpose_lhs_hint = false} : vector<50x64xf32>, vector<64x64xf32>, vector<50x64xf32> -> vector<50x64xf32>
    %dot_general3A_2692 = arith.constant dense<0.000000e+00> : vector<50x50xf32>
    %dot_general3A_2693 = tpu.matmul %dot_general3A_2691, %get3A_2644, %dot_general3A_2692 {dimension_numbers = #tpu.dot_dimension_numbers<[1], [1], [0], [0], [0, 0, 1, 0], [], []>, transpose_lhs_hint = false} : vector<50x64xf32>, vector<50x64xf32>, vector<50x50xf32> -> vector<50x50xf32>
    %get3A_2694 = arith.constant 0 : index
    %get3A_2695 = arith.constant 5 : index
    %get3A_2696 = memref.load %arg4[%get3A_2694, %get3A_2695] : memref<1x6xf32, #tpu.memory_space<smem>>
    %add3A_2697 = vector.broadcast %get3A_2696 : f32 to vector<50x50xf32>
    %add3A_2698 = arith.addf %dot_general3A_2693, %add3A_2697 : vector<50x50xf32>
    %max3A_2699 = arith.maximumf %add3A_2653, %add3A_2662 : vector<50x50xf32>
    %max3A_2700 = arith.maximumf %max3A_2699, %add3A_2671 : vector<50x50xf32>
    %max3A_2701 = arith.maximumf %max3A_2700, %add3A_2680 : vector<50x50xf32>
    %max3A_2702 = arith.maximumf %max3A_2701, %add3A_2689 : vector<50x50xf32>
    %max3A_2703 = arith.maximumf %max3A_2702, %add3A_2698 : vector<50x50xf32>
    %sub3A_2704 = arith.subf %add3A_2653, %max3A_2703 : vector<50x50xf32>
    %exp3A_2705 = math.exp %sub3A_2704 : vector<50x50xf32>
    %sub3A_2706 = arith.subf %add3A_2662, %max3A_2703 : vector<50x50xf32>
    %exp3A_2707 = math.exp %sub3A_2706 : vector<50x50xf32>
    %add3A_2708 = arith.addf %exp3A_2705, %exp3A_2707 : vector<50x50xf32>
    %sub3A_2709 = arith.subf %add3A_2671, %max3A_2703 : vector<50x50xf32>
    %exp3A_2710 = math.exp %sub3A_2709 : vector<50x50xf32>
    %add3A_2711 = arith.addf %add3A_2708, %exp3A_2710 : vector<50x50xf32>
    %sub3A_2712 = arith.subf %add3A_2680, %max3A_2703 : vector<50x50xf32>
    %exp3A_2713 = math.exp %sub3A_2712 : vector<50x50xf32>
    %add3A_2714 = arith.addf %add3A_2711, %exp3A_2713 : vector<50x50xf32>
    %sub3A_2715 = arith.subf %add3A_2689, %max3A_2703 : vector<50x50xf32>
    %exp3A_2716 = math.exp %sub3A_2715 : vector<50x50xf32>
    %add3A_2717 = arith.addf %add3A_2714, %exp3A_2716 : vector<50x50xf32>
    %sub3A_2718 = arith.subf %add3A_2698, %max3A_2703 : vector<50x50xf32>
    %exp3A_2719 = math.exp %sub3A_2718 : vector<50x50xf32>
    %add3A_2720 = arith.addf %add3A_2717, %exp3A_2719 : vector<50x50xf32>
    %log3A_2721 = math.log %add3A_2720 : vector<50x50xf32>
    %sub3A_2722 = arith.subf %add3A_2653, %max3A_2703 : vector<50x50xf32>
    %sub3A_2723 = arith.subf %sub3A_2722, %log3A_2721 : vector<50x50xf32>
    %swap3A_2724 = arith.constant 9 : index
    %swap3A_2725 = arith.constant 0 : index
    %swap3A_2726 = arith.constant 0 : index
    %swap3A_2727 = vector.load %arg10[%swap3A_2724, %swap3A_2725, %swap3A_2726] : memref<10x50x50xf32, #tpu.memory_space<vmem>>, vector<1x50x50xf32>
    %swap3A_2728 = vector.shape_cast %swap3A_2727 : vector<1x50x50xf32> to vector<50x50xf32>
    %swap3A_2729 = vector.shape_cast %sub3A_2723 : vector<50x50xf32> to vector<1x50x50xf32>
    tpu.vector_store %arg10[%swap3A_2724, %swap3A_2725, %swap3A_2726], %swap3A_2729 {strides = array<i32>} : memref<10x50x50xf32, #tpu.memory_space<vmem>>, vector<1x50x50xf32>,
    %sub3A_2730 = arith.subf %add3A_2662, %max3A_2703 : vector<50x50xf32>
    %sub3A_2731 = arith.subf %sub3A_2730, %log3A_2721 : vector<50x50xf32>
    %swap3A_2732 = arith.constant 9 : index
    %swap3A_2733 = arith.constant 0 : index
    %swap3A_2734 = arith.constant 0 : index
    %swap3A_2735 = vector.load %arg11[%swap3A_2732, %swap3A_2733, %swap3A_2734] : memref<10x50x50xf32, #tpu.memory_space<vmem>>, vector<1x50x50xf32>
    %swap3A_2736 = vector.shape_cast %swap3A_2735 : vector<1x50x50xf32> to vector<50x50xf32>
    %swap3A_2737 = vector.shape_cast %sub3A_2731 : vector<50x50xf32> to vector<1x50x50xf32>
    tpu.vector_store %arg11[%swap3A_2732, %swap3A_2733, %swap3A_2734], %swap3A_2737 {strides = array<i32>} : memref<10x50x50xf32, #tpu.memory_space<vmem>>, vector<1x50x50xf32>,
    %sub3A_2738 = arith.subf %add3A_2671, %max3A_2703 : vector<50x50xf32>
    %sub3A_2739 = arith.subf %sub3A_2738, %log3A_2721 : vector<50x50xf32>
    %swap3A_2740 = arith.constant 9 : index
    %swap3A_2741 = arith.constant 0 : index
    %swap3A_2742 = arith.constant 0 : index
    %swap3A_2743 = vector.load %arg12[%swap3A_2740, %swap3A_2741, %swap3A_2742] : memref<10x50x50xf32, #tpu.memory_space<vmem>>, vector<1x50x50xf32>
    %swap3A_2744 = vector.shape_cast %swap3A_2743 : vector<1x50x50xf32> to vector<50x50xf32>
    %swap3A_2745 = vector.shape_cast %sub3A_2739 : vector<50x50xf32> to vector<1x50x50xf32>
    tpu.vector_store %arg12[%swap3A_2740, %swap3A_2741, %swap3A_2742], %swap3A_2745 {strides = array<i32>} : memref<10x50x50xf32, #tpu.memory_space<vmem>>, vector<1x50x50xf32>,
    %sub3A_2746 = arith.subf %add3A_2680, %max3A_2703 : vector<50x50xf32>
    %sub3A_2747 = arith.subf %sub3A_2746, %log3A_2721 : vector<50x50xf32>
    %swap3A_2748 = arith.constant 9 : index
    %swap3A_2749 = arith.constant 0 : index
    %swap3A_2750 = arith.constant 0 : index
    %swap3A_2751 = vector.load %arg13[%swap3A_2748, %swap3A_2749, %swap3A_2750] : memref<10x50x50xf32, #tpu.memory_space<vmem>>, vector<1x50x50xf32>
    %swap3A_2752 = vector.shape_cast %swap3A_2751 : vector<1x50x50xf32> to vector<50x50xf32>
    %swap3A_2753 = vector.shape_cast %sub3A_2747 : vector<50x50xf32> to vector<1x50x50xf32>
    tpu.vector_store %arg13[%swap3A_2748, %swap3A_2749, %swap3A_2750], %swap3A_2753 {strides = array<i32>} : memref<10x50x50xf32, #tpu.memory_space<vmem>>, vector<1x50x50xf32>,
    %sub3A_2754 = arith.subf %add3A_2689, %max3A_2703 : vector<50x50xf32>
    %sub3A_2755 = arith.subf %sub3A_2754, %log3A_2721 : vector<50x50xf32>
    %swap3A_2756 = arith.constant 9 : index
    %swap3A_2757 = arith.constant 0 : index
    %swap3A_2758 = arith.constant 0 : index
    %swap3A_2759 = vector.load %arg14[%swap3A_2756, %swap3A_2757, %swap3A_2758] : memref<10x50x50xf32, #tpu.memory_space<vmem>>, vector<1x50x50xf32>
    %swap3A_2760 = vector.shape_cast %swap3A_2759 : vector<1x50x50xf32> to vector<50x50xf32>
    %swap3A_2761 = vector.shape_cast %sub3A_2755 : vector<50x50xf32> to vector<1x50x50xf32>
    tpu.vector_store %arg14[%swap3A_2756, %swap3A_2757, %swap3A_2758], %swap3A_2761 {strides = array<i32>} : memref<10x50x50xf32, #tpu.memory_space<vmem>>, vector<1x50x50xf32>,
    %sub3A_2762 = arith.subf %add3A_2698, %max3A_2703 : vector<50x50xf32>
    %sub3A_2763 = arith.subf %sub3A_2762, %log3A_2721 : vector<50x50xf32>
    %swap3A_2764 = arith.constant 9 : index
    %swap3A_2765 = arith.constant 0 : index
    %swap3A_2766 = arith.constant 0 : index
    %swap3A_2767 = vector.load %arg15[%swap3A_2764, %swap3A_2765, %swap3A_2766] : memref<10x50x50xf32, #tpu.memory_space<vmem>>, vector<1x50x50xf32>
    %swap3A_2768 = vector.shape_cast %swap3A_2767 : vector<1x50x50xf32> to vector<50x50xf32>
    %swap3A_2769 = vector.shape_cast %sub3A_2763 : vector<50x50xf32> to vector<1x50x50xf32>
    tpu.vector_store %arg15[%swap3A_2764, %swap3A_2765, %swap3A_2766], %swap3A_2769 {strides = array<i32>} : memref<10x50x50xf32, #tpu.memory_space<vmem>>, vector<1x50x50xf32>,
    %dot_general3A_2770 = arith.constant dense<0.000000e+00> : vector<50x64xf32>
    %dot_general3A_2771 = tpu.matmul %get3A_2644, %add3A_440, %dot_general3A_2770 {dimension_numbers = #tpu.dot_dimension_numbers<[1], [0], [0], [1], [0, 0, 1, 1], [], []>, transpose_lhs_hint = false} : vector<50x64xf32>, vector<64x64xf32>, vector<50x64xf32> -> vector<50x64xf32>
    %dot_general3A_2772 = arith.constant dense<0.000000e+00> : vector<50x50xf32>
    %dot_general3A_2773 = tpu.matmul %dot_general3A_2771, %get3A_2644, %dot_general3A_2772 {dimension_numbers = #tpu.dot_dimension_numbers<[1], [1], [0], [0], [0, 0, 1, 0], [], []>, transpose_lhs_hint = false} : vector<50x64xf32>, vector<50x64xf32>, vector<50x50xf32> -> vector<50x50xf32>
    %get3A_2774 = arith.constant 0 : index
    %get3A_2775 = arith.constant 0 : index
    %get3A_2776 = memref.load %arg7[%get3A_2774, %get3A_2775] : memref<1x5xf32, #tpu.memory_space<smem>>
    %add3A_2777 = vector.broadcast %get3A_2776 : f32 to vector<50x50xf32>
    %add3A_2778 = arith.addf %dot_general3A_2773, %add3A_2777 : vector<50x50xf32>
    %swap3A_2779 = arith.constant 9 : index
    %swap3A_2780 = arith.constant 0 : index
    %swap3A_2781 = arith.constant 0 : index
    %swap3A_2782 = vector.load %arg16[%swap3A_2779, %swap3A_2780, %swap3A_2781] : memref<10x50x50xf32, #tpu.memory_space<vmem>>, vector<1x50x50xf32>
    %swap3A_2783 = vector.shape_cast %swap3A_2782 : vector<1x50x50xf32> to vector<50x50xf32>
    %swap3A_2784 = vector.shape_cast %add3A_2778 : vector<50x50xf32> to vector<1x50x50xf32>
    tpu.vector_store %arg16[%swap3A_2779, %swap3A_2780, %swap3A_2781], %swap3A_2784 {strides = array<i32>} : memref<10x50x50xf32, #tpu.memory_space<vmem>>, vector<1x50x50xf32>,
    %dot_general3A_2785 = arith.constant dense<0.000000e+00> : vector<50x64xf32>
    %dot_general3A_2786 = tpu.matmul %get3A_2644, %add3A_494, %dot_general3A_2785 {dimension_numbers = #tpu.dot_dimension_numbers<[1], [0], [0], [1], [0, 0, 1, 1], [], []>, transpose_lhs_hint = false} : vector<50x64xf32>, vector<64x64xf32>, vector<50x64xf32> -> vector<50x64xf32>
    %dot_general3A_2787 = arith.constant dense<0.000000e+00> : vector<50x50xf32>
    %dot_general3A_2788 = tpu.matmul %dot_general3A_2786, %get3A_2644, %dot_general3A_2787 {dimension_numbers = #tpu.dot_dimension_numbers<[1], [1], [0], [0], [0, 0, 1, 0], [], []>, transpose_lhs_hint = false} : vector<50x64xf32>, vector<50x64xf32>, vector<50x50xf32> -> vector<50x50xf32>
    %get3A_2789 = arith.constant 0 : index
    %get3A_2790 = arith.constant 1 : index
    %get3A_2791 = memref.load %arg7[%get3A_2789, %get3A_2790] : memref<1x5xf32, #tpu.memory_space<smem>>
    %add3A_2792 = vector.broadcast %get3A_2791 : f32 to vector<50x50xf32>
    %add3A_2793 = arith.addf %dot_general3A_2788, %add3A_2792 : vector<50x50xf32>
    %swap3A_2794 = arith.constant 9 : index
    %swap3A_2795 = arith.constant 0 : index
    %swap3A_2796 = arith.constant 0 : index
    %swap3A_2797 = vector.load %arg17[%swap3A_2794, %swap3A_2795, %swap3A_2796] : memref<10x50x50xf32, #tpu.memory_space<vmem>>, vector<1x50x50xf32>
    %swap3A_2798 = vector.shape_cast %swap3A_2797 : vector<1x50x50xf32> to vector<50x50xf32>
    %swap3A_2799 = vector.shape_cast %add3A_2793 : vector<50x50xf32> to vector<1x50x50xf32>
    tpu.vector_store %arg17[%swap3A_2794, %swap3A_2795, %swap3A_2796], %swap3A_2799 {strides = array<i32>} : memref<10x50x50xf32, #tpu.memory_space<vmem>>, vector<1x50x50xf32>,
    %dot_general3A_2800 = arith.constant dense<0.000000e+00> : vector<50x64xf32>
    %dot_general3A_2801 = tpu.matmul %get3A_2644, %add3A_548, %dot_general3A_2800 {dimension_numbers = #tpu.dot_dimension_numbers<[1], [0], [0], [1], [0, 0, 1, 1], [], []>, transpose_lhs_hint = false} : vector<50x64xf32>, vector<64x64xf32>, vector<50x64xf32> -> vector<50x64xf32>
    %dot_general3A_2802 = arith.constant dense<0.000000e+00> : vector<50x50xf32>
    %dot_general3A_2803 = tpu.matmul %dot_general3A_2801, %get3A_2644, %dot_general3A_2802 {dimension_numbers = #tpu.dot_dimension_numbers<[1], [1], [0], [0], [0, 0, 1, 0], [], []>, transpose_lhs_hint = false} : vector<50x64xf32>, vector<50x64xf32>, vector<50x50xf32> -> vector<50x50xf32>
    %get3A_2804 = arith.constant 0 : index
    %get3A_2805 = arith.constant 2 : index
    %get3A_2806 = memref.load %arg7[%get3A_2804, %get3A_2805] : memref<1x5xf32, #tpu.memory_space<smem>>
    %add3A_2807 = vector.broadcast %get3A_2806 : f32 to vector<50x50xf32>
    %add3A_2808 = arith.addf %dot_general3A_2803, %add3A_2807 : vector<50x50xf32>
    %swap3A_2809 = arith.constant 9 : index
    %swap3A_2810 = arith.constant 0 : index
    %swap3A_2811 = arith.constant 0 : index
    %swap3A_2812 = vector.load %arg18[%swap3A_2809, %swap3A_2810, %swap3A_2811] : memref<10x50x50xf32, #tpu.memory_space<vmem>>, vector<1x50x50xf32>
    %swap3A_2813 = vector.shape_cast %swap3A_2812 : vector<1x50x50xf32> to vector<50x50xf32>
    %swap3A_2814 = vector.shape_cast %add3A_2808 : vector<50x50xf32> to vector<1x50x50xf32>
    tpu.vector_store %arg18[%swap3A_2809, %swap3A_2810, %swap3A_2811], %swap3A_2814 {strides = array<i32>} : memref<10x50x50xf32, #tpu.memory_space<vmem>>, vector<1x50x50xf32>,
    %dot_general3A_2815 = arith.constant dense<0.000000e+00> : vector<50x64xf32>
    %dot_general3A_2816 = tpu.matmul %get3A_2644, %add3A_602, %dot_general3A_2815 {dimension_numbers = #tpu.dot_dimension_numbers<[1], [0], [0], [1], [0, 0, 1, 1], [], []>, transpose_lhs_hint = false} : vector<50x64xf32>, vector<64x64xf32>, vector<50x64xf32> -> vector<50x64xf32>
    %dot_general3A_2817 = arith.constant dense<0.000000e+00> : vector<50x50xf32>
    %dot_general3A_2818 = tpu.matmul %dot_general3A_2816, %get3A_2644, %dot_general3A_2817 {dimension_numbers = #tpu.dot_dimension_numbers<[1], [1], [0], [0], [0, 0, 1, 0], [], []>, transpose_lhs_hint = false} : vector<50x64xf32>, vector<50x64xf32>, vector<50x50xf32> -> vector<50x50xf32>
    %get3A_2819 = arith.constant 0 : index
    %get3A_2820 = arith.constant 3 : index
    %get3A_2821 = memref.load %arg7[%get3A_2819, %get3A_2820] : memref<1x5xf32, #tpu.memory_space<smem>>
    %add3A_2822 = vector.broadcast %get3A_2821 : f32 to vector<50x50xf32>
    %add3A_2823 = arith.addf %dot_general3A_2818, %add3A_2822 : vector<50x50xf32>
    %swap3A_2824 = arith.constant 9 : index
    %swap3A_2825 = arith.constant 0 : index
    %swap3A_2826 = arith.constant 0 : index
    %swap3A_2827 = vector.load %arg19[%swap3A_2824, %swap3A_2825, %swap3A_2826] : memref<10x50x50xf32, #tpu.memory_space<vmem>>, vector<1x50x50xf32>
    %swap3A_2828 = vector.shape_cast %swap3A_2827 : vector<1x50x50xf32> to vector<50x50xf32>
    %swap3A_2829 = vector.shape_cast %add3A_2823 : vector<50x50xf32> to vector<1x50x50xf32>
    tpu.vector_store %arg19[%swap3A_2824, %swap3A_2825, %swap3A_2826], %swap3A_2829 {strides = array<i32>} : memref<10x50x50xf32, #tpu.memory_space<vmem>>, vector<1x50x50xf32>,
    %dot_general3A_2830 = arith.constant dense<0.000000e+00> : vector<50x64xf32>
    %dot_general3A_2831 = tpu.matmul %get3A_2644, %add3A_656, %dot_general3A_2830 {dimension_numbers = #tpu.dot_dimension_numbers<[1], [0], [0], [1], [0, 0, 1, 1], [], []>, transpose_lhs_hint = false} : vector<50x64xf32>, vector<64x64xf32>, vector<50x64xf32> -> vector<50x64xf32>
    %dot_general3A_2832 = arith.constant dense<0.000000e+00> : vector<50x50xf32>
    %dot_general3A_2833 = tpu.matmul %dot_general3A_2831, %get3A_2644, %dot_general3A_2832 {dimension_numbers = #tpu.dot_dimension_numbers<[1], [1], [0], [0], [0, 0, 1, 0], [], []>, transpose_lhs_hint = false} : vector<50x64xf32>, vector<50x64xf32>, vector<50x50xf32> -> vector<50x50xf32>
    %get3A_2834 = arith.constant 0 : index
    %get3A_2835 = arith.constant 4 : index
    %get3A_2836 = memref.load %arg7[%get3A_2834, %get3A_2835] : memref<1x5xf32, #tpu.memory_space<smem>>
    %add3A_2837 = vector.broadcast %get3A_2836 : f32 to vector<50x50xf32>
    %add3A_2838 = arith.addf %dot_general3A_2833, %add3A_2837 : vector<50x50xf32>
    %swap3A_2839 = arith.constant 9 : index
    %swap3A_2840 = arith.constant 0 : index
    %swap3A_2841 = arith.constant 0 : index
    %swap3A_2842 = vector.load %arg20[%swap3A_2839, %swap3A_2840, %swap3A_2841] : memref<10x50x50xf32, #tpu.memory_space<vmem>>, vector<1x50x50xf32>
    %swap3A_2843 = vector.shape_cast %swap3A_2842 : vector<1x50x50xf32> to vector<50x50xf32>
    %swap3A_2844 = vector.shape_cast %add3A_2838 : vector<50x50xf32> to vector<1x50x50xf32>
    tpu.vector_store %arg20[%swap3A_2839, %swap3A_2840, %swap3A_2841], %swap3A_2844 {strides = array<i32>} : memref<10x50x50xf32, #tpu.memory_space<vmem>>, vector<1x50x50xf32>,
    %get3A_2845 = arith.constant 0 : index
    %get3A_2846 = arith.constant 0 : index
    %get3A_2847 = vector.load %arg8[%get3A_2845, %get3A_2846] : memref<64x92xf32, #tpu.memory_space<vmem>>, vector<64x92xf32>
    %dot_general3A_2848 = arith.constant dense<0.000000e+00> : vector<50x92xf32>
    %dot_general3A_2849 = tpu.matmul %get3A_2644, %get3A_2847, %dot_general3A_2848 {dimension_numbers = #tpu.dot_dimension_numbers<[1], [0], [0], [1], [0, 0, 1, 1], [], []>, transpose_lhs_hint = false} : vector<50x64xf32>, vector<64x92xf32>, vector<50x92xf32> -> vector<50x92xf32>
    %get3A_2850 = arith.constant 0 : index
    %get3A_2851 = arith.constant 0 : index
    %get3A_2852 = vector.load %arg9[%get3A_2850, %get3A_2851] : memref<1x92xf32, #tpu.memory_space<vmem>>, vector<1x92xf32>
    %add3A_2853 = vector.broadcast %get3A_2852 : vector<1x92xf32> to vector<50x92xf32>
    %add3A_2854 = arith.addf %dot_general3A_2849, %add3A_2853 : vector<50x92xf32>
    %swap3A_2855 = arith.constant 9 : index
    %swap3A_2856 = arith.constant 0 : index
    %swap3A_2857 = arith.constant 0 : index
    %swap3A_2858 = vector.load %arg21[%swap3A_2855, %swap3A_2856, %swap3A_2857] : memref<10x50x92xf32, #tpu.memory_space<vmem>>, vector<1x50x92xf32>
    %swap3A_2859 = vector.shape_cast %swap3A_2858 : vector<1x50x92xf32> to vector<50x92xf32>
    %swap3A_2860 = vector.shape_cast %add3A_2854 : vector<50x92xf32> to vector<1x50x92xf32>
    tpu.vector_store %arg21[%swap3A_2855, %swap3A_2856, %swap3A_2857], %swap3A_2860 {strides = array<i32>} : memref<10x50x92xf32, #tpu.memory_space<vmem>>, vector<1x50x92xf32>,
    return
  }
  func.func @transform_0(%arg0: i32) -> (i32, i32, i32) {
    %c0_i32 = arith.constant 0 : i32
    %c0_i32_0 = arith.constant 0 : i32
    %c0_i32_1 = arith.constant 0 : i32
    return %arg0, %c0_i32, %c0_i32_0 : i32, i32, i32
  }
  func.func @transform_1(%arg0: i32) -> (i32, i32, i32) {
    %c0_i32 = arith.constant 0 : i32
    %c0_i32_0 = arith.constant 0 : i32
    %c0_i32_1 = arith.constant 0 : i32
    %c0_i32_2 = arith.constant 0 : i32
    return %c0_i32, %c0_i32_0, %c0_i32_1 : i32, i32, i32
  }
  func.func @transform_2(%arg0: i32) -> (i32, i32) {
    %c0_i32 = arith.constant 0 : i32
    %c0_i32_0 = arith.constant 0 : i32
    %c0_i32_1 = arith.constant 0 : i32
    return %c0_i32, %c0_i32_0 : i32, i32
  }
  func.func @transform_3(%arg0: i32) -> (i32, i32) {
    %c0_i32 = arith.constant 0 : i32
    %c0_i32_0 = arith.constant 0 : i32
    %c0_i32_1 = arith.constant 0 : i32
    return %c0_i32, %c0_i32_0 : i32, i32
  }
  func.func @transform_4(%arg0: i32) -> (i32, i32, i32) {
    %c0_i32 = arith.constant 0 : i32
    %c0_i32_0 = arith.constant 0 : i32
    %c0_i32_1 = arith.constant 0 : i32
    %c0_i32_2 = arith.constant 0 : i32
    return %c0_i32, %c0_i32_0, %c0_i32_1 : i32, i32, i32
  }
  func.func @transform_5(%arg0: i32) -> (i32, i32) {
    %c0_i32 = arith.constant 0 : i32
    %c0_i32_0 = arith.constant 0 : i32
    %c0_i32_1 = arith.constant 0 : i32
    return %c0_i32, %c0_i32_0 : i32, i32
  }
  func.func @transform_6(%arg0: i32) -> (i32, i32) {
    %c0_i32 = arith.constant 0 : i32
    %c0_i32_0 = arith.constant 0 : i32
    %c0_i32_1 = arith.constant 0 : i32
    return %c0_i32, %c0_i32_0 : i32, i32
  }
  func.func @transform_7(%arg0: i32) -> (i32, i32) {
    %c0_i32 = arith.constant 0 : i32
    %c0_i32_0 = arith.constant 0 : i32
    %c0_i32_1 = arith.constant 0 : i32
    return %c0_i32, %c0_i32_0 : i32, i32
  }
  func.func @transform_8(%arg0: i32) -> (i32, i32) {
    %c0_i32 = arith.constant 0 : i32
    %c0_i32_0 = arith.constant 0 : i32
    %c0_i32_1 = arith.constant 0 : i32
    return %c0_i32, %c0_i32_0 : i32, i32
  }
  func.func @transform_9(%arg0: i32) -> (i32, i32, i32) {
    %c0_i32 = arith.constant 0 : i32
    %c0_i32_0 = arith.constant 0 : i32
    %c0_i32_1 = arith.constant 0 : i32
    return %arg0, %c0_i32, %c0_i32_0 : i32, i32, i32
  }
  func.func @transform_10(%arg0: i32) -> (i32, i32, i32) {
    %c0_i32 = arith.constant 0 : i32
    %c0_i32_0 = arith.constant 0 : i32
    %c0_i32_1 = arith.constant 0 : i32
    return %arg0, %c0_i32, %c0_i32_0 : i32, i32, i32
  }
  func.func @transform_11(%arg0: i32) -> (i32, i32, i32) {
    %c0_i32 = arith.constant 0 : i32
    %c0_i32_0 = arith.constant 0 : i32
    %c0_i32_1 = arith.constant 0 : i32
    return %arg0, %c0_i32, %c0_i32_0 : i32, i32, i32
  }
  func.func @transform_12(%arg0: i32) -> (i32, i32, i32) {
    %c0_i32 = arith.constant 0 : i32
    %c0_i32_0 = arith.constant 0 : i32
    %c0_i32_1 = arith.constant 0 : i32
    return %arg0, %c0_i32, %c0_i32_0 : i32, i32, i32
  }
  func.func @transform_13(%arg0: i32) -> (i32, i32, i32) {
    %c0_i32 = arith.constant 0 : i32
    %c0_i32_0 = arith.constant 0 : i32
    %c0_i32_1 = arith.constant 0 : i32
    return %arg0, %c0_i32, %c0_i32_0 : i32, i32, i32
  }
  func.func @transform_14(%arg0: i32) -> (i32, i32, i32) {
    %c0_i32 = arith.constant 0 : i32
    %c0_i32_0 = arith.constant 0 : i32
    %c0_i32_1 = arith.constant 0 : i32
    return %arg0, %c0_i32, %c0_i32_0 : i32, i32, i32
  }
  func.func @transform_15(%arg0: i32) -> (i32, i32, i32) {
    %c0_i32 = arith.constant 0 : i32
    %c0_i32_0 = arith.constant 0 : i32
    %c0_i32_1 = arith.constant 0 : i32
    return %arg0, %c0_i32, %c0_i32_0 : i32, i32, i32
  }
  func.func @transform_16(%arg0: i32) -> (i32, i32, i32) {
    %c0_i32 = arith.constant 0 : i32
    %c0_i32_0 = arith.constant 0 : i32
    %c0_i32_1 = arith.constant 0 : i32
    return %arg0, %c0_i32, %c0_i32_0 : i32, i32, i32
  }
  func.func @transform_17(%arg0: i32) -> (i32, i32, i32) {
    %c0_i32 = arith.constant 0 : i32
    %c0_i32_0 = arith.constant 0 : i32
    %c0_i32_1 = arith.constant 0 : i32
    return %arg0, %c0_i32, %c0_i32_0 : i32, i32, i32
  }
  func.func @transform_18(%arg0: i32) -> (i32, i32, i32) {
    %c0_i32 = arith.constant 0 : i32
    %c0_i32_0 = arith.constant 0 : i32
    %c0_i32_1 = arith.constant 0 : i32
    return %arg0, %c0_i32, %c0_i32_0 : i32, i32, i32
  }
  func.func @transform_19(%arg0: i32) -> (i32, i32, i32) {
    %c0_i32 = arith.constant 0 : i32
    %c0_i32_0 = arith.constant 0 : i32
    %c0_i32_1 = arith.constant 0 : i32
    return %arg0, %c0_i32, %c0_i32_0 : i32, i32, i32
  }
  func.func @transform_20(%arg0: i32) -> (i32, i32, i32) {
    %c0_i32 = arith.constant 0 : i32
    %c0_i32_0 = arith.constant 0 : i32
    %c0_i32_1 = arith.constant 0 : i32
    return %arg0, %c0_i32, %c0_i32_0 : i32, i32, i32
  }
}

</mosaic_0001>

<sc_bundles>
// kernel: kernel.16.cloned.1.call-start
scs
__scs_entry_jumppad:
0x0: {  	(pc) =	sbr.rel $0x88, $3  }
0x1: {  	(tag) =	ssettag $0x0;
	lr =	simm.s32 $0x1  }
0x2: {  	[smem:$0x3F8D] =	sst lr;
	_ =	strace $0xD0000000  }
0x3: {  	_ = 	snop  }
0x4: {  	_ = 	snop  }
0x5: {  	_ = 	snop  }
0x6: {  	_ = 	snop  }
0x7: {  	_ = 	snop  }
__scs_overlays_trampoline_lowered:
0x8: {  	[smem:$0x3F9C] =	sst s0  }
0x9: {  	[smem:$0x3F9D] =	sst s1  }
0xa: {  	[smem:$0x3F9E] =	sst s2  }
0xb: {  	[smem:$0x3F9F] =	sst s3  }
0xc: {  	[smem:$0x3FA0] =	sst s4  }
0xd: {  	[smem:$0x3FA1] =	sst s5  }
0xe: {  	[smem:$0x3FA2] =	sst s6  }
0xf: {  	[smem:$0x3FA3] =	sst s7  }
0x10: {  	[smem:$0x3FA4] =	sst s8  }
0x11: {  	[smem:$0x3FA5] =	sst s9;
	s0 =	simm.s32 @!p0 $0x0  }
0x12: {  	s1 =	sld [smem:$0x3F8B];
	s0 =	simm.s32 @p0 $0x1  }
0x13: {  	[smem:$0x3FA6] =	sst s0;
	s0 =	simm.s32 @!p1 $0x0  }
0x14: {  	s2 =	sld [smem:$0x3F8A];
	s0 =	simm.s32 @p1 $0x1  }
0x15: {  	[smem:$0x3FA7] =	sst s0;
	s0 =	simm.s32 @!p2 $0x0  }
0x16: {  	s3 =	sld [smem:$0x3FDB];
	s0 =	simm.s32 @p2 $0x1  }
0x17: {  	s4 =	simm.s32 $0x1BF5;
	[smem:$0x3FA9] =	sst s0  }
0x18: {  	s0 =	sld [smem:$0x3F8C];
	_ =	swait.ge [sflag:s4], $0x0  }
0x19: {  	s7 =	sld [smem:$0x3F8D]  }
0x1a: {  	s8 =	sadd.s32 $0xFFFFE003, lr  }
0x1b: {  	s9 =	sadd.s32 $0xFFFFFEF7, lr;
	s5 =	simm.s32 $0xFFFFFFFF;
	p2 =	slt.u32 s8, $0xFFFFF086  }
0x1c: {  	p1 =	slt.u32 s9, $0xF7A;
	s5 =	simm.s32 @!p2 $0x0  }
0x1d: {  	s5 =	simm.s32 @p1 $0x1;
	p0 =	seq.s32 s7, s2  }
0x1e: {  	s7 =	smul.u32 @!p0 $0xF7A, s2;
	p2 =	seq.s32 @!p0 s5, $0x0  }
0x1f: {  	s9 =	smul.u32 $0xF7A, s1;
	s8 =	simm.s32 @!p0 $0x1BF5;
	p2 =	por !p2, p0  }
0x20: {  	[sflag:s8] =	ssyncset.s32 @!p0 $0xFFFFF086;
	s6 =	sadd.s32 @!p0 s3, s7;
	s7 =	simm.s32 @!p0 $0x108  }
0x21: {  	s3 =	sadd.s32 s3, s9;
	s6 =	sadd.s32 @!p0 $0x88, s6;
	s7 =	simm.s32 @p2 $0x1082  }
0x22: {  	[simem:s7], [sflag:s8] =	dma.local @!p0 [hbm:s6], $0xF7A  }
0x23: {  	s9 =	sor.u32 $0xD0000000, s2;
	s6 =	simm.s32 $0x108;
	_ =	swait.ge @!p0 [sflag:s8], $0x0  }
0x24: {  	s3 =	sadd.s32 $0x88, s3;
	s6 =	simm.s32 @!p1 $0x1082;
	[sflag:s4] =	ssyncset.s32 $0xFFFFF086  }
0x25: {  	[simem:s6], [sflag:s4] =	dma.local [hbm:s3], $0xF7A  }
0x26: {  	[smem:$0x3F8D] =	sst s1;
	(tag) =	ssettag s2;
	_ =	strace s9  }
0x27: {  	s1 =	sld [smem:$0x3F9D]  }
0x28: {  	s2 =	sld [smem:$0x3F9E]  }
0x29: {  	s4 =	sld [smem:$0x3FA0]  }
0x2a: {  	p0 =	seq.s32 s5, $0x0;
	s5 =	sld [smem:$0x3FA1]  }
0x2b: {  	s6 =	sld [smem:$0x3FA2]  }
0x2c: {  	s7 =	sld [smem:$0x3FA3]  }
0x2d: {  	s3 =	simm.s32 $0x108;
	s8 =	sld [smem:$0x3FA4]  }
0x2e: {  	s3 =	simm.s32 @!p0 $0x1082;
	s9 =	sld [smem:$0x3FA5]  }
0x2f: {  	lr =	sadd.s32 s0, s3;
	s0 =	sld [smem:$0x3F9C]  }
0x30: {  	s3 =	sld [smem:$0x3F9F]  }
0x31: {  	[smem:$0x3FA8] =	sst s10  }
0x32: {  	s10 =	sld [smem:$0x3FA6];
	_ =	sdelay $0x3  }
0x33: {  	p0 =	seq.s32 s10, $0x1;
	s10 =	sld [smem:$0x3FA8];
	_ =	sdelay $0x3  }
0x34: {  	[smem:$0x3FA8] =	sst s10  }
0x35: {  	s10 =	sld [smem:$0x3FA7];
	_ =	sdelay $0x3  }
0x36: {  	p1 =	seq.s32 s10, $0x1;
	s10 =	sld [smem:$0x3FA8];
	_ =	sdelay $0x3  }
0x37: {  	[smem:$0x3FA8] =	sst s10  }
0x38: {  	s10 =	sld [smem:$0x3FA9]  }
0x39: {  	_ = 	snop;
	(pc) =	sbr.ind lr, $3  }
0x3a: {  	_ = 	snop  }
0x3b: {  	_ = 	snop  }
0x3c: {  	p2 =	seq.s32 s10, $0x1;
	s10 =	sld [smem:$0x3FA8]  }
0x3d: {  	_ =	shalt  }
0x3e: {  	_ =	shalt  }
0x3f: {  	_ =	shalt  }
0x40: {  	_ =	shalt  }
0x41: {  	_ =	shalt  }
0x42: {  	_ =	shalt  }
0x43: {  	_ =	shalt  }
0x44: {  	_ =	shalt  }
0x45: {  	_ =	shalt  }
0x46: {  	_ =	shalt  }
0x47: {  	_ =	shalt  }
0x48: {  	_ =	shalt  }
0x49: {  	_ =	shalt  }
0x4a: {  	_ =	shalt  }
0x4b: {  	_ =	shalt  }
0x4c: {  	_ =	shalt  }
0x4d: {  	_ =	shalt  }
0x4e: {  	_ =	shalt  }
0x4f: {  	_ =	shalt  }
0x50: {  	_ =	shalt  }
0x51: {  	_ =	shalt  }
0x52: {  	_ =	shalt  }
0x53: {  	_ =	shalt  }
0x54: {  	_ =	shalt  }
0x55: {  	_ =	shalt  }
0x56: {  	_ =	shalt  }
0x57: {  	_ =	shalt  }
0x58: {  	_ =	shalt  }
0x59: {  	_ =	shalt  }
0x5a: {  	_ =	shalt  }
0x5b: {  	_ =	shalt  }
0x5c: {  	_ =	shalt  }
0x5d: {  	_ =	shalt  }
0x5e: {  	_ =	shalt  }
0x5f: {  	_ =	shalt  }
0x60: {  	_ =	shalt  }
0x61: {  	_ =	shalt  }
0x62: {  	_ =	shalt  }
0x63: {  	_ =	shalt  }
0x64: {  	_ =	shalt  }
0x65: {  	_ =	shalt  }
0x66: {  	_ =	shalt  }
0x67: {  	_ =	shalt  }
0x68: {  	_ =	shalt  }
0x69: {  	_ =	shalt  }
0x6a: {  	_ =	shalt  }
0x6b: {  	_ =	shalt  }
0x6c: {  	_ =	shalt  }
0x6d: {  	_ =	shalt  }
0x6e: {  	_ =	shalt  }
0x6f: {  	_ =	shalt  }
0x70: {  	_ =	shalt  }
0x71: {  	_ =	shalt  }
0x72: {  	_ =	shalt  }
0x73: {  	_ =	shalt  }
0x74: {  	_ =	shalt  }
0x75: {  	_ =	shalt  }
0x76: {  	_ =	shalt  }
0x77: {  	_ =	shalt  }
0x78: {  	_ =	shalt  }
0x79: {  	_ =	shalt  }
0x7a: {  	_ =	shalt  }
0x7b: {  	_ =	shalt  }
0x7c: {  	_ =	shalt  }
0x7d: {  	_ =	shalt  }
0x7e: {  	_ =	shalt  }
0x7f: {  	_ =	shalt  }
0x80: {  	_ =	shalt  }
0x81: {  	_ =	shalt  }
0x82: {  	_ =	shalt  }
0x83: {  	_ =	shalt  }
0x84: {  	_ =	shalt  }
0x85: {  	_ =	shalt  }
0x86: {  	_ =	shalt  }
0x87: {  	_ =	shalt  }
.Lfunc_end0:
.L_simem_size_0:
called_computation_lowered:
.L_overlay_start_0:
0x88: {  	s2 =	sld [smem:$0x3FD9]  }
0x89: {  	s3 =	sld [smem:$0x3FFE];
	_ =	sdelay $0x1  }
0x8a: {  	s1 =	srdreg.scid  }
0x8b: {  	s0 =	sand.u32 $0x1, s1  }
0x8c: {  	s14 =	sshll.u32 s0, $0xA;
	s2 =	sadd.s32 s3, s2  }
0x8d: {  	s2 =	sadd.s32 s2, s14  }
0x8e: {  	[smem:$0x3FB4] =	sst s2  }
0x8f: {  	_ = 	snop  }
0x90: {  	s2 =	sld [smem:$0x3FD0];
	_ =	sdelay $0x2  }
0x91: {  	s15 =	simm.s32 $0xA;
	s4 =	simm.s32 $0x10  }
0x92: {  	[smem:s4], [sflag:s15] =	dma.local [hbm:s2], $0x1  }
0x93: {  	_ =	swait.eq [sflag:s15], $0x1  }
0x94: {  	[sflag:s15] =	ssyncset.done $0x0  }
0x95: {  	s16 =	sld [smem:$0x10];
	[sflag:s15] =	ssyncadd.s32 $0xFFFFFFFF  }
0x96: {  	s17 =	sld [smem:$0x11];
	(tm) =	ssettm $0x1  }
0x97: {  	s18 =	sld [smem:$0x3FFB];
	_ =	sdelay $0x3  }
0x98: {  	_ =	strace s18  }
0x99: {  	s4 =	sld [smem:$0x3FFC];
	_ =	sdelay $0x3  }
0x9a: {  	_ =	strace s4  }
0x9b: {  	s4 =	sld [smem:$0x3FFD];
	_ =	sdelay $0x3  }
0x9c: {  	_ =	strace s4  }
0x9d: {  	_ =	strace $0x8FFFFFFF  }
0x9e: {  	s19 =	sld [smem:$0x3FDB];
	_ =	sdelay $0x1  }
0x9f: {  	s5 =	simm.s32 $_scs_section_size  }
0xa0: {  	s6 =	simm.s32 $_size__tile_overlayer_lowered;
	s7 =	simm.s32 $_tile_overlayer_lowered  }
0xa1: {  	s22 =	simm.s32 $0x1BFF;
	s21 =	sshll.u32 s7, $0x1;
	s4 =	sadd.s32 s5, s19  }
0xa2: {  	s8 =	simm.s32 $0x0;
	s20 =	sshll.u32 s6, $0x1;
	s6 =	sadd.s32 s21, s4  }
0xa3: {  	[timem:s8], [sflag:s22] =	dma.local [hbm:s6], s20  }
0xa4: {  	_ =	swait.ge [sflag:s22], s20  }
0xa5: {  	s5 =	ssub.s32 $0x0, s20;
	[sflag:s22] =	ssyncset.done $0x0  }
0xa6: {  	[sflag:s22] =	ssyncadd.s32 s5;
	_ =	sdelay $0x1  }
0xa7: {  	s23 =	simm.s32 $0x1B8B  }
0xa8: {  	_ =	swait.ge [sflag:s23], $0x1  }
0xa9: {  	[sflag:s23] =	ssyncset.done $0x0  }
0xaa: {  	s25 =	simm.s32 $0x1B8E;
	s24 =	sld [smem:$0x3FFE];
	[sflag:s23] =	ssyncadd.s32 $0xFFFFFFFF  }
0xab: {  	s26 =	simm.s32 $execute0_lowered;
	[smem:$0x3FD2] =	sst s25  }
0xac: {  	s6 =	sshll.u32 s26, $0x1;
	_ =	strace $0x80000046;
	[dreg:$0x1] =	wrdreg $0xFFFFFFFF  }
0xad: {  	s28 =	simm.s32 $_size_execute0_lowered;
	s4 =	sadd.s32 s4, s6;
	[dreg:$0x0] =	wrdreg $0x0  }
0xae: {  	s6 =	sshll.u32 s28, $0x1;
	[dreg:$0x2] =	wrdreg s4  }
0xaf: {  	[dreg:$0x3] =	wrdreg s6  }
0xb0: {  	[dreg:$0x4] =	wrdreg $0xC0  }
0xb1: {  	_ =	task [dreg:s8], $0x5FFFF  }
0xb2: {  	[dreg:$0x1] =	wrdreg $0xFFFFFFFF  }
0xb3: {  	[dreg:$0x0] =	wrdreg $0x60  }
0xb4: {  	[dreg:$0x2] =	wrdreg s16  }
0xb5: {  	[dreg:$0x3] =	wrdreg s17  }
0xb6: {  	[dreg:$0x4] =	wrdreg s24  }
0xb7: {  	[dreg:$0x5] =	wrdreg $0x81000  }
0xb8: {  	[dreg:$0x6] =	wrdreg $0x9  }
0xb9: {  	_ =	task.clear_ibuf [dreg:s8], $0x7FFFF;
	_ =	strace $0x90000046  }
0xba: {  	s29 =	simm.s32 $0x9;
	_ =	strace $0x80000048  }
0xbb: {  	_ =	swait.ge [sflag:s29], $0x1  }
0xbc: {  	[sflag:s29] =	ssyncadd.s32 $0xFFFFFFFF  }
0xbd: {  	_ =	strace $0x90000048  }
0xbe: {  	_ =	sfence  }
0xbf: {  	s30 =	sld [smem:$0x0];
	_ =	sdelay $0x2  }
0xc0: {  	s31 =	sshll.u32 s1, $0xD;
	s1 =	sshrl.u32 s1, $0x2  }
0xc1: {  	s3 =	sand.u32 $0x4000, s31;
	s1 =	sadd.s32 s1, s30  }
0xc2: {  	s0 =	sor.u32 s3, s0;
	s1 =	sshll.u32 s1, $0x11  }
0xc3: {  	s0 =	sor.u32 s1, s0  }
0xc4: {  	s0 =	sadd.s32 $0x8F2B, s0  }
0xc5: {  	[sflag:s0] =	ssyncadd.remote.s32 $0x1  }
0xc6: {  	_ =	sfence.sel $0xFFFF  }
0xc7: {  	[dreg:$0x0] =	wrdreg $0xFFFFFFFF;
	(pc) =	sbr.abs _section_cstart, $3  }
0xc8: {  	[dreg:$0x1] =	wrdreg $0xFFFFFFFF  }
0xc9: {  	_ =	task.clear_ibuf [dreg:s8], $0x2FFFF;
	_ =	strace $0x9FFFFFFF  }
0xca: {  	(tm) =	ssettm $0x7FFFFFFF  }
0xcb: {  	_ =	shalt  }
tec
execute0_lowered:
.L_overlay_start_1:
0x0: {  	(tag) =	ssettag $0x1  }
0x1: {  	s1 =	rddreg [dreg:$0x0]  }
0x2: {  	s6 =	rddreg [dreg:$0x1]  }
0x3: {  	s4 =	rddreg [dreg:$0x2]  }
0x4: {  	s2 =	rddreg [dreg:$0x3]  }
0x5: {  	s0 =	rddreg [dreg:$0x4];
	s5 =	srdreg.scid  }
0x6: {  	s3 =	simm.s32 $0x0;
	s7 =	stileid.u32;
	s11 =	simm.s32 $0x0  }
0x7: {  	s8 =	sand.u32 $0x1, s5;
	[smem:$0x7FF] =	sst s3;
	s28 =	sshll.u32 s7, $0x11  }
0x8: {  	s31 =	sshll.u32 s7, $0xA;
	p0 =	sne.s32 s7, $0x0;
	s9 =	ssub.s32 $0x2, s8  }
0x9: {  	s4 =	sadd.s32 s28, s4;
	s10 =	sshll.u32 s8, $0x10;
	_ =	strace $0x80000047  }
0xa: {  	s6 =	sadd.s32 s31, s6;
	s8 =	sshll.u32 s8, $0x9;
	s7 =	sshrl.u32 @!p0 s2, $0x3  }
0xb: {  	s29 =	sshrl.u32 s9, $0x1;
	s30 =	sadd.s32 s10, s4;
	s6 =	sadd.s32 s8, s6  }
0xc: {  	s8 =	simm.s32 $0x2;
	s10 =	simm.s32 $0x1;
	s5 =	ssub.s32 s9, s29  }
0xd: {  	s9 =	simm.s32 $0x100;
	s4 =	smax.u32 s5, $0x1;
	s5 =	sadd.s32 $0xBA00, s30  }
.LBB2_1:
0xe: {  	s12 =	simm.s32 @!p0 $0x1C02  }
0xf: {  	[spmem:s7], [sflag:s12] =	dma.local @!p0 [hbm:s1], $0x27100  }
0x10: {  	s12 =	simm.s32 @!p0 $0x2  }
0x11: {  	_ =	swait.ge @!p0 [sflag:s12], $0x27100  }
0x12: {  	[sflag:s12] =	ssyncset.done @!p0 $0x0  }
0x13: {  	[sflag:s12] =	ssyncadd.s32 @!p0 $0xFFFD8F00  }
0x14: {  	s31 =	sadd.s32 $0x0, s6;
	[bflag:$0x0] =	sbarrier.arrive $0xFFFF  }
0x15: {  	[tilespmem:s3], [sflag:$0x2] =	stream.linear.gather [hbm4b:s31+s3], $0x100, $0x38;
	[tilespmem:$0x1B980] =	vst v63  }
0x16: {  	_ =	swait.ge [sflag:s8], $0x100  }
0x17: {  	[sflag:s8] =	ssyncset.done $0x0  }
0x18: {  	[sflag:s8] =	ssyncadd.s32 $0xFFFFFF00  }
0x19: {  	[tilespmem:s9], [sflag:$0x1] =	stream.indirect.gather [spmem:s2], $0x80, s3, s9, $0xb8;
	[tilespmem:$0x1B980] =	vst v63  }
0x1a: {  	_ =	swait.ge [sflag:s10], $0x8000  }
0x1b: {  	[sflag:s10] =	ssyncset.done $0x0  }
0x1c: {  	[sflag:s10] =	ssyncadd.s32 $0xFFFF8000  }
0x1d: {  	[hbm4b:s5+s3] =	stream.linear.scatter [tilespmem:s9], [sflag:$0x2], $0x8000, $0x38;
	[tilespmem:$0x1B980] =	vst v63  }
0x1e: {  	s13 =	simm.s32 $0x20;
	_ =	swait.ge [sflag:s8], $0x8000  }
0x1f: {  	s14 =	simm.s32 $0x40;
	s12 =	sadd.s32 $0x1000, s5;
	[sflag:s8] =	ssyncset.done $0x0  }
.LBB2_2:
0x20: {  	s15 =	sadd.s32 s13, s6  }
0x21: {  	[sflag:s8] =	ssyncadd.s32 $0xFFFF8000;
	s13 =	smov.u32 s14;
	s16 =	sadd.s32 $0x20, s14  }
0x22: {  	[tilespmem:s3], [sflag:$0x2] =	stream.linear.gather [hbm4b:s15+s3], $0x100, $0x38;
	[tilespmem:$0x1B980] =	vst v63  }
0x23: {  	p1 =	sne.s32 s14, $0x1E0;
	_ =	swait.ge [sflag:s8], $0x100  }
0x24: {  	[sflag:s8] =	ssyncset.done $0x0  }
0x25: {  	[sflag:s8] =	ssyncadd.s32 $0xFFFFFF00  }
0x26: {  	[tilespmem:s9], [sflag:$0x1] =	stream.indirect.gather [spmem:s2], $0x80, s3, s9, $0xb8;
	[tilespmem:$0x1B980] =	vst v63  }
0x27: {  	_ =	swait.ge [sflag:s10], $0x8000  }
.Ltmp0:
0x28: {  	[sflag:s10] =	ssyncset.done $0x0;
	(pc) =	sbr.rel @p1 .LBB2_2-.Ltmp0, $4  }
0x29: {  	[sflag:s10] =	ssyncadd.s32 $0xFFFF8000  }
0x2a: {  	[hbm4b:s12+s3] =	stream.linear.scatter [tilespmem:s9], [sflag:$0x2], $0x8000, $0x38;
	[tilespmem:$0x1B980] =	vst v63  }
0x2b: {  	_ =	swait.ge [sflag:s8], $0x8000  }
0x2c: {  	s14 =	smov.u32 s16;
	s12 =	sadd.s32 $0x1000, s12;
	[sflag:s8] =	ssyncset.done $0x0  }
0x2d: {  	s13 =	sadd.s32 s13, s6;
	[sflag:s8] =	ssyncadd.s32 $0xFFFF8000  }
0x2e: {  	[tilespmem:s3], [sflag:$0x2] =	stream.linear.gather [hbm4b:s13+s3], $0x100, $0x38;
	[tilespmem:$0x1B980] =	vst v63  }
0x2f: {  	_ =	swait.ge [sflag:s8], $0x100  }
0x30: {  	[sflag:s8] =	ssyncset.done $0x0  }
0x31: {  	[sflag:s8] =	ssyncadd.s32 $0xFFFFFF00  }
0x32: {  	[tilespmem:s9], [sflag:$0x1] =	stream.indirect.gather [spmem:s2], $0x80, s3, s9, $0xb8;
	[tilespmem:$0x1B980] =	vst v63  }
0x33: {  	s11 =	sadd.s32 $0x1, s11;
	_ =	swait.ge [sflag:s10], $0x8000  }
0x34: {  	p1 =	sne.s32 s11, s4;
	[sflag:s10] =	ssyncset.done $0x0  }
.Ltmp1:
0x35: {  	[sflag:s10] =	ssyncadd.s32 $0xFFFF8000;
	(pc) =	sbr.rel @p1 .LBB2_1-.Ltmp1, $4  }
0x36: {  	[hbm4b:s12+s3] =	stream.linear.scatter [tilespmem:s9], [sflag:$0x2], $0x8000, $0x38;
	[tilespmem:$0x1B980] =	vst v63  }
0x37: {  	_ =	swait.ge [sflag:s8], $0x8000  }
0x38: {  	[sflag:s8] =	ssyncset.done $0x0  }
0x39: {  	[sflag:s8] =	ssyncadd.s32 $0xFFFF8000  }
0x3a: {  	_ =	sfence.sel $0x180000  }
0x3b: {  	[bflag:$0x0] =	sbarrier.arrive $0xFFFF  }
0x3c: {  	_ =	strace $0x90000047  }
0x3d: {  	s0 =	sadd.s32 @!p0 $0x100000, s0;
	[bflag:$0x2] =	sbarrier.arrive $0xFFFF  }
0x3e: {  	[sflag:s0] =	ssyncadd.tile.s32 @!p0 $0x1;
	_ =	shalt  }
.Lfunc_end2:
_tile_overlayer_lowered:
.L_overlay_start_2:
0x3f: {  	(tag) =	ssettag $0x2  }
0x40: {  	s0 =	rddreg [dreg:$0x0];
	s2 =	stileid.u32  }
0x41: {  	s1 =	rddreg [dreg:$0x1];
	p0 =	sne.s32 s2, $0x0  }
0x42: {  	s3 =	rddreg [dreg:$0x2];
	[bflag:$0x3] =	sbarrier.arrive $0xFFFF;
	s2 =	simm.s32 @!p0 $0x1C02  }
0x43: {  	[timem:s3], [sflag:s2] =	dma.local @!p0 [hbm:s0], s1  }
0x44: {  	s0 =	simm.s32 @!p0 $0x2  }
0x45: {  	_ =	swait.ge @!p0 [sflag:s0], s1  }
0x46: {  	s1 =	ssub.s32 @!p0 $0x0, s1;
	[sflag:s0] =	ssyncset.done @!p0 $0x0  }
0x47: {  	[sflag:s0] =	ssyncadd.s32 @!p0 s1  }
0x48: {  	[bflag:$0x3] =	sbarrier.arrive $0xFFFF  }
0x49: {  	_ =	shalt  }

// kernel: kernel.19.cloned.1.call-start
scs
__scs_entry_jumppad:
0x0: {  	(pc) =	sbr.rel $0x88, $3  }
0x1: {  	(tag) =	ssettag $0x0;
	lr =	simm.s32 $0x1  }
0x2: {  	[smem:$0x3F8D] =	sst lr;
	_ =	strace $0xD0000000  }
0x3: {  	_ = 	snop  }
0x4: {  	_ = 	snop  }
0x5: {  	_ = 	snop  }
0x6: {  	_ = 	snop  }
0x7: {  	_ = 	snop  }
__scs_overlays_trampoline_lowered:
0x8: {  	[smem:$0x3F9C] =	sst s0  }
0x9: {  	[smem:$0x3F9D] =	sst s1  }
0xa: {  	[smem:$0x3F9E] =	sst s2  }
0xb: {  	[smem:$0x3F9F] =	sst s3  }
0xc: {  	[smem:$0x3FA0] =	sst s4  }
0xd: {  	[smem:$0x3FA1] =	sst s5  }
0xe: {  	[smem:$0x3FA2] =	sst s6  }
0xf: {  	[smem:$0x3FA3] =	sst s7  }
0x10: {  	[smem:$0x3FA4] =	sst s8  }
0x11: {  	[smem:$0x3FA5] =	sst s9;
	s0 =	simm.s32 @!p0 $0x0  }
0x12: {  	s1 =	sld [smem:$0x3F8B];
	s0 =	simm.s32 @p0 $0x1  }
0x13: {  	[smem:$0x3FA6] =	sst s0;
	s0 =	simm.s32 @!p1 $0x0  }
0x14: {  	s2 =	sld [smem:$0x3F8A];
	s0 =	simm.s32 @p1 $0x1  }
0x15: {  	[smem:$0x3FA7] =	sst s0;
	s0 =	simm.s32 @!p2 $0x0  }
0x16: {  	s3 =	sld [smem:$0x3FDB];
	s0 =	simm.s32 @p2 $0x1  }
0x17: {  	s4 =	simm.s32 $0x1BF5;
	[smem:$0x3FA9] =	sst s0  }
0x18: {  	s0 =	sld [smem:$0x3F8C];
	_ =	swait.ge [sflag:s4], $0x0  }
0x19: {  	s7 =	sld [smem:$0x3F8D]  }
0x1a: {  	s8 =	sadd.s32 $0xFFFFE003, lr  }
0x1b: {  	s9 =	sadd.s32 $0xFFFFFEF7, lr;
	s5 =	simm.s32 $0xFFFFFFFF;
	p2 =	slt.u32 s8, $0xFFFFF086  }
0x1c: {  	p1 =	slt.u32 s9, $0xF7A;
	s5 =	simm.s32 @!p2 $0x0  }
0x1d: {  	s5 =	simm.s32 @p1 $0x1;
	p0 =	seq.s32 s7, s2  }
0x1e: {  	s7 =	smul.u32 @!p0 $0xF7A, s2;
	p2 =	seq.s32 @!p0 s5, $0x0  }
0x1f: {  	s9 =	smul.u32 $0xF7A, s1;
	s8 =	simm.s32 @!p0 $0x1BF5;
	p2 =	por !p2, p0  }
0x20: {  	[sflag:s8] =	ssyncset.s32 @!p0 $0xFFFFF086;
	s6 =	sadd.s32 @!p0 s3, s7;
	s7 =	simm.s32 @!p0 $0x108  }
0x21: {  	s3 =	sadd.s32 s3, s9;
	s6 =	sadd.s32 @!p0 $0x88, s6;
	s7 =	simm.s32 @p2 $0x1082  }
0x22: {  	[simem:s7], [sflag:s8] =	dma.local @!p0 [hbm:s6], $0xF7A  }
0x23: {  	s9 =	sor.u32 $0xD0000000, s2;
	s6 =	simm.s32 $0x108;
	_ =	swait.ge @!p0 [sflag:s8], $0x0  }
0x24: {  	s3 =	sadd.s32 $0x88, s3;
	s6 =	simm.s32 @!p1 $0x1082;
	[sflag:s4] =	ssyncset.s32 $0xFFFFF086  }
0x25: {  	[simem:s6], [sflag:s4] =	dma.local [hbm:s3], $0xF7A  }
0x26: {  	[smem:$0x3F8D] =	sst s1;
	(tag) =	ssettag s2;
	_ =	strace s9  }
0x27: {  	s1 =	sld [smem:$0x3F9D]  }
0x28: {  	s2 =	sld [smem:$0x3F9E]  }
0x29: {  	s4 =	sld [smem:$0x3FA0]  }
0x2a: {  	p0 =	seq.s32 s5, $0x0;
	s5 =	sld [smem:$0x3FA1]  }
0x2b: {  	s6 =	sld [smem:$0x3FA2]  }
0x2c: {  	s7 =	sld [smem:$0x3FA3]  }
0x2d: {  	s3 =	simm.s32 $0x108;
	s8 =	sld [smem:$0x3FA4]  }
0x2e: {  	s3 =	simm.s32 @!p0 $0x1082;
	s9 =	sld [smem:$0x3FA5]  }
0x2f: {  	lr =	sadd.s32 s0, s3;
	s0 =	sld [smem:$0x3F9C]  }
0x30: {  	s3 =	sld [smem:$0x3F9F]  }
0x31: {  	[smem:$0x3FA8] =	sst s10  }
0x32: {  	s10 =	sld [smem:$0x3FA6];
	_ =	sdelay $0x3  }
0x33: {  	p0 =	seq.s32 s10, $0x1;
	s10 =	sld [smem:$0x3FA8];
	_ =	sdelay $0x3  }
0x34: {  	[smem:$0x3FA8] =	sst s10  }
0x35: {  	s10 =	sld [smem:$0x3FA7];
	_ =	sdelay $0x3  }
0x36: {  	p1 =	seq.s32 s10, $0x1;
	s10 =	sld [smem:$0x3FA8];
	_ =	sdelay $0x3  }
0x37: {  	[smem:$0x3FA8] =	sst s10  }
0x38: {  	s10 =	sld [smem:$0x3FA9]  }
0x39: {  	_ = 	snop;
	(pc) =	sbr.ind lr, $3  }
0x3a: {  	_ = 	snop  }
0x3b: {  	_ = 	snop  }
0x3c: {  	p2 =	seq.s32 s10, $0x1;
	s10 =	sld [smem:$0x3FA8]  }
0x3d: {  	_ =	shalt  }
0x3e: {  	_ =	shalt  }
0x3f: {  	_ =	shalt  }
0x40: {  	_ =	shalt  }
0x41: {  	_ =	shalt  }
0x42: {  	_ =	shalt  }
0x43: {  	_ =	shalt  }
0x44: {  	_ =	shalt  }
0x45: {  	_ =	shalt  }
0x46: {  	_ =	shalt  }
0x47: {  	_ =	shalt  }
0x48: {  	_ =	shalt  }
0x49: {  	_ =	shalt  }
0x4a: {  	_ =	shalt  }
0x4b: {  	_ =	shalt  }
0x4c: {  	_ =	shalt  }
0x4d: {  	_ =	shalt  }
0x4e: {  	_ =	shalt  }
0x4f: {  	_ =	shalt  }
0x50: {  	_ =	shalt  }
0x51: {  	_ =	shalt  }
0x52: {  	_ =	shalt  }
0x53: {  	_ =	shalt  }
0x54: {  	_ =	shalt  }
0x55: {  	_ =	shalt  }
0x56: {  	_ =	shalt  }
0x57: {  	_ =	shalt  }
0x58: {  	_ =	shalt  }
0x59: {  	_ =	shalt  }
0x5a: {  	_ =	shalt  }
0x5b: {  	_ =	shalt  }
0x5c: {  	_ =	shalt  }
0x5d: {  	_ =	shalt  }
0x5e: {  	_ =	shalt  }
0x5f: {  	_ =	shalt  }
0x60: {  	_ =	shalt  }
0x61: {  	_ =	shalt  }
0x62: {  	_ =	shalt  }
0x63: {  	_ =	shalt  }
0x64: {  	_ =	shalt  }
0x65: {  	_ =	shalt  }
0x66: {  	_ =	shalt  }
0x67: {  	_ =	shalt  }
0x68: {  	_ =	shalt  }
0x69: {  	_ =	shalt  }
0x6a: {  	_ =	shalt  }
0x6b: {  	_ =	shalt  }
0x6c: {  	_ =	shalt  }
0x6d: {  	_ =	shalt  }
0x6e: {  	_ =	shalt  }
0x6f: {  	_ =	shalt  }
0x70: {  	_ =	shalt  }
0x71: {  	_ =	shalt  }
0x72: {  	_ =	shalt  }
0x73: {  	_ =	shalt  }
0x74: {  	_ =	shalt  }
0x75: {  	_ =	shalt  }
0x76: {  	_ =	shalt  }
0x77: {  	_ =	shalt  }
0x78: {  	_ =	shalt  }
0x79: {  	_ =	shalt  }
0x7a: {  	_ =	shalt  }
0x7b: {  	_ =	shalt  }
0x7c: {  	_ =	shalt  }
0x7d: {  	_ =	shalt  }
0x7e: {  	_ =	shalt  }
0x7f: {  	_ =	shalt  }
0x80: {  	_ =	shalt  }
0x81: {  	_ =	shalt  }
0x82: {  	_ =	shalt  }
0x83: {  	_ =	shalt  }
0x84: {  	_ =	shalt  }
0x85: {  	_ =	shalt  }
0x86: {  	_ =	shalt  }
0x87: {  	_ =	shalt  }
.Lfunc_end0:
.L_simem_size_0:
called_computation.1_lowered:
.L_overlay_start_0:
0x88: {  	s2 =	sld [smem:$0x3FD9]  }
0x89: {  	s3 =	sld [smem:$0x3FFE];
	_ =	sdelay $0x1  }
0x8a: {  	s1 =	srdreg.scid  }
0x8b: {  	s0 =	sand.u32 $0x1, s1  }
0x8c: {  	s14 =	sshll.u32 s0, $0xA;
	s2 =	sadd.s32 s3, s2  }
0x8d: {  	s2 =	sadd.s32 s2, s14  }
0x8e: {  	[smem:$0x3FB4] =	sst s2  }
0x8f: {  	_ = 	snop  }
0x90: {  	s2 =	sld [smem:$0x3FD0];
	_ =	sdelay $0x2  }
0x91: {  	s15 =	simm.s32 $0xA;
	s4 =	simm.s32 $0x10  }
0x92: {  	[smem:s4], [sflag:s15] =	dma.local [hbm:s2], $0x1  }
0x93: {  	_ =	swait.eq [sflag:s15], $0x1  }
0x94: {  	[sflag:s15] =	ssyncset.done $0x0  }
0x95: {  	s16 =	sld [smem:$0x10];
	[sflag:s15] =	ssyncadd.s32 $0xFFFFFFFF  }
0x96: {  	s17 =	sld [smem:$0x11];
	(tm) =	ssettm $0x1  }
0x97: {  	s18 =	sld [smem:$0x3FFB];
	_ =	sdelay $0x3  }
0x98: {  	_ =	strace s18  }
0x99: {  	s4 =	sld [smem:$0x3FFC];
	_ =	sdelay $0x3  }
0x9a: {  	_ =	strace s4  }
0x9b: {  	s4 =	sld [smem:$0x3FFD];
	_ =	sdelay $0x3  }
0x9c: {  	_ =	strace s4  }
0x9d: {  	_ =	strace $0x8FFFFFFF  }
0x9e: {  	s19 =	sld [smem:$0x3FDB];
	_ =	sdelay $0x1  }
0x9f: {  	s5 =	simm.s32 $_scs_section_size  }
0xa0: {  	s6 =	simm.s32 $_size__tile_overlayer_lowered;
	s7 =	simm.s32 $_tile_overlayer_lowered  }
0xa1: {  	s22 =	simm.s32 $0x1BFF;
	s21 =	sshll.u32 s7, $0x1;
	s4 =	sadd.s32 s5, s19  }
0xa2: {  	s8 =	simm.s32 $0x0;
	s20 =	sshll.u32 s6, $0x1;
	s6 =	sadd.s32 s21, s4  }
0xa3: {  	[timem:s8], [sflag:s22] =	dma.local [hbm:s6], s20  }
0xa4: {  	_ =	swait.ge [sflag:s22], s20  }
0xa5: {  	s5 =	ssub.s32 $0x0, s20;
	[sflag:s22] =	ssyncset.done $0x0  }
0xa6: {  	[sflag:s22] =	ssyncadd.s32 s5;
	_ =	sdelay $0x1  }
0xa7: {  	s23 =	simm.s32 $0x1B8B  }
0xa8: {  	_ =	swait.ge [sflag:s23], $0x1  }
0xa9: {  	[sflag:s23] =	ssyncset.done $0x0  }
0xaa: {  	s25 =	simm.s32 $0x1B8E;
	s24 =	sld [smem:$0x3FFE];
	[sflag:s23] =	ssyncadd.s32 $0xFFFFFFFF  }
0xab: {  	s26 =	simm.s32 $execute0_lowered;
	[smem:$0x3FD2] =	sst s25  }
0xac: {  	s6 =	sshll.u32 s26, $0x1;
	_ =	strace $0x80000049;
	[dreg:$0x1] =	wrdreg $0xFFFFFFFF  }
0xad: {  	s28 =	simm.s32 $_size_execute0_lowered;
	s4 =	sadd.s32 s4, s6;
	[dreg:$0x0] =	wrdreg $0x0  }
0xae: {  	s6 =	sshll.u32 s28, $0x1;
	[dreg:$0x2] =	wrdreg s4  }
0xaf: {  	[dreg:$0x3] =	wrdreg s6  }
0xb0: {  	[dreg:$0x4] =	wrdreg $0xC0  }
0xb1: {  	_ =	task [dreg:s8], $0x5FFFF  }
0xb2: {  	[dreg:$0x1] =	wrdreg $0xFFFFFFFF  }
0xb3: {  	[dreg:$0x0] =	wrdreg $0x60  }
0xb4: {  	[dreg:$0x2] =	wrdreg s16  }
0xb5: {  	[dreg:$0x3] =	wrdreg s17  }
0xb6: {  	[dreg:$0x4] =	wrdreg s24  }
0xb7: {  	[dreg:$0x5] =	wrdreg $0x81000  }
0xb8: {  	[dreg:$0x6] =	wrdreg $0x9  }
0xb9: {  	_ =	task.clear_ibuf [dreg:s8], $0x7FFFF;
	_ =	strace $0x90000049  }
0xba: {  	s29 =	simm.s32 $0x9;
	_ =	strace $0x8000004B  }
0xbb: {  	_ =	swait.ge [sflag:s29], $0x1  }
0xbc: {  	[sflag:s29] =	ssyncadd.s32 $0xFFFFFFFF  }
0xbd: {  	_ =	strace $0x9000004B  }
0xbe: {  	_ =	sfence  }
0xbf: {  	s30 =	sld [smem:$0x0];
	_ =	sdelay $0x2  }
0xc0: {  	s31 =	sshll.u32 s1, $0xD;
	s1 =	sshrl.u32 s1, $0x2  }
0xc1: {  	s3 =	sand.u32 $0x4000, s31;
	s1 =	sadd.s32 s1, s30  }
0xc2: {  	s0 =	sor.u32 s3, s0;
	s1 =	sshll.u32 s1, $0x11  }
0xc3: {  	s0 =	sor.u32 s1, s0  }
0xc4: {  	s0 =	sadd.s32 $0x8F2B, s0  }
0xc5: {  	[sflag:s0] =	ssyncadd.remote.s32 $0x1  }
0xc6: {  	_ =	sfence.sel $0xFFFF  }
0xc7: {  	[dreg:$0x0] =	wrdreg $0xFFFFFFFF;
	(pc) =	sbr.abs _section_cstart, $3  }
0xc8: {  	[dreg:$0x1] =	wrdreg $0xFFFFFFFF  }
0xc9: {  	_ =	task.clear_ibuf [dreg:s8], $0x2FFFF;
	_ =	strace $0x9FFFFFFF  }
0xca: {  	(tm) =	ssettm $0x7FFFFFFF  }
0xcb: {  	_ =	shalt  }
tec
execute0_lowered:
.L_overlay_start_1:
0x0: {  	(tag) =	ssettag $0x1  }
0x1: {  	s1 =	rddreg [dreg:$0x0]  }
0x2: {  	s6 =	rddreg [dreg:$0x1]  }
0x3: {  	s4 =	rddreg [dreg:$0x2]  }
0x4: {  	s2 =	rddreg [dreg:$0x3]  }
0x5: {  	s0 =	rddreg [dreg:$0x4];
	s5 =	srdreg.scid  }
0x6: {  	s3 =	simm.s32 $0x0;
	s7 =	stileid.u32;
	s11 =	simm.s32 $0x0  }
0x7: {  	s8 =	sand.u32 $0x1, s5;
	[smem:$0x7FF] =	sst s3;
	s28 =	sshll.u32 s7, $0x11  }
0x8: {  	s31 =	sshll.u32 s7, $0xA;
	p0 =	sne.s32 s7, $0x0;
	s9 =	ssub.s32 $0x2, s8  }
0x9: {  	s4 =	sadd.s32 s28, s4;
	s10 =	sshll.u32 s8, $0x10;
	_ =	strace $0x8000004A  }
0xa: {  	s6 =	sadd.s32 s31, s6;
	s8 =	sshll.u32 s8, $0x9;
	s7 =	sshrl.u32 @!p0 s2, $0x3  }
0xb: {  	s29 =	sshrl.u32 s9, $0x1;
	s30 =	sadd.s32 s10, s4;
	s6 =	sadd.s32 s8, s6  }
0xc: {  	s8 =	simm.s32 $0x2;
	s10 =	simm.s32 $0x1;
	s5 =	ssub.s32 s9, s29  }
0xd: {  	s9 =	simm.s32 $0x100;
	s4 =	smax.u32 s5, $0x1;
	s5 =	sadd.s32 $0xBA00, s30  }
.LBB2_1:
0xe: {  	s12 =	simm.s32 @!p0 $0x1C02  }
0xf: {  	[spmem:s7], [sflag:s12] =	dma.local @!p0 [hbm:s1], $0x27100  }
0x10: {  	s12 =	simm.s32 @!p0 $0x2  }
0x11: {  	_ =	swait.ge @!p0 [sflag:s12], $0x27100  }
0x12: {  	[sflag:s12] =	ssyncset.done @!p0 $0x0  }
0x13: {  	[sflag:s12] =	ssyncadd.s32 @!p0 $0xFFFD8F00  }
0x14: {  	s31 =	sadd.s32 $0x0, s6;
	[bflag:$0x0] =	sbarrier.arrive $0xFFFF  }
0x15: {  	[tilespmem:s3], [sflag:$0x2] =	stream.linear.gather [hbm4b:s31+s3], $0x100, $0x38;
	[tilespmem:$0x1B980] =	vst v63  }
0x16: {  	_ =	swait.ge [sflag:s8], $0x100  }
0x17: {  	[sflag:s8] =	ssyncset.done $0x0  }
0x18: {  	[sflag:s8] =	ssyncadd.s32 $0xFFFFFF00  }
0x19: {  	[tilespmem:s9], [sflag:$0x1] =	stream.indirect.gather [spmem:s2], $0x80, s3, s9, $0xb8;
	[tilespmem:$0x1B980] =	vst v63  }
0x1a: {  	_ =	swait.ge [sflag:s10], $0x8000  }
0x1b: {  	[sflag:s10] =	ssyncset.done $0x0  }
0x1c: {  	[sflag:s10] =	ssyncadd.s32 $0xFFFF8000  }
0x1d: {  	[hbm4b:s5+s3] =	stream.linear.scatter [tilespmem:s9], [sflag:$0x2], $0x8000, $0x38;
	[tilespmem:$0x1B980] =	vst v63  }
0x1e: {  	s13 =	simm.s32 $0x20;
	_ =	swait.ge [sflag:s8], $0x8000  }
0x1f: {  	s14 =	simm.s32 $0x40;
	s12 =	sadd.s32 $0x1000, s5;
	[sflag:s8] =	ssyncset.done $0x0  }
.LBB2_2:
0x20: {  	s15 =	sadd.s32 s13, s6  }
0x21: {  	[sflag:s8] =	ssyncadd.s32 $0xFFFF8000;
	s13 =	smov.u32 s14;
	s16 =	sadd.s32 $0x20, s14  }
0x22: {  	[tilespmem:s3], [sflag:$0x2] =	stream.linear.gather [hbm4b:s15+s3], $0x100, $0x38;
	[tilespmem:$0x1B980] =	vst v63  }
0x23: {  	p1 =	sne.s32 s14, $0x1E0;
	_ =	swait.ge [sflag:s8], $0x100  }
0x24: {  	[sflag:s8] =	ssyncset.done $0x0  }
0x25: {  	[sflag:s8] =	ssyncadd.s32 $0xFFFFFF00  }
0x26: {  	[tilespmem:s9], [sflag:$0x1] =	stream.indirect.gather [spmem:s2], $0x80, s3, s9, $0xb8;
	[tilespmem:$0x1B980] =	vst v63  }
0x27: {  	_ =	swait.ge [sflag:s10], $0x8000  }
.Ltmp0:
0x28: {  	[sflag:s10] =	ssyncset.done $0x0;
	(pc) =	sbr.rel @p1 .LBB2_2-.Ltmp0, $4  }
0x29: {  	[sflag:s10] =	ssyncadd.s32 $0xFFFF8000  }
0x2a: {  	[hbm4b:s12+s3] =	stream.linear.scatter [tilespmem:s9], [sflag:$0x2], $0x8000, $0x38;
	[tilespmem:$0x1B980] =	vst v63  }
0x2b: {  	_ =	swait.ge [sflag:s8], $0x8000  }
0x2c: {  	s14 =	smov.u32 s16;
	s12 =	sadd.s32 $0x1000, s12;
	[sflag:s8] =	ssyncset.done $0x0  }
0x2d: {  	s13 =	sadd.s32 s13, s6;
	[sflag:s8] =	ssyncadd.s32 $0xFFFF8000  }
0x2e: {  	[tilespmem:s3], [sflag:$0x2] =	stream.linear.gather [hbm4b:s13+s3], $0x100, $0x38;
	[tilespmem:$0x1B980] =	vst v63  }
0x2f: {  	_ =	swait.ge [sflag:s8], $0x100  }
0x30: {  	[sflag:s8] =	ssyncset.done $0x0  }
0x31: {  	[sflag:s8] =	ssyncadd.s32 $0xFFFFFF00  }
0x32: {  	[tilespmem:s9], [sflag:$0x1] =	stream.indirect.gather [spmem:s2], $0x80, s3, s9, $0xb8;
	[tilespmem:$0x1B980] =	vst v63  }
0x33: {  	s11 =	sadd.s32 $0x1, s11;
	_ =	swait.ge [sflag:s10], $0x8000  }
0x34: {  	p1 =	sne.s32 s11, s4;
	[sflag:s10] =	ssyncset.done $0x0  }
.Ltmp1:
0x35: {  	[sflag:s10] =	ssyncadd.s32 $0xFFFF8000;
	(pc) =	sbr.rel @p1 .LBB2_1-.Ltmp1, $4  }
0x36: {  	[hbm4b:s12+s3] =	stream.linear.scatter [tilespmem:s9], [sflag:$0x2], $0x8000, $0x38;
	[tilespmem:$0x1B980] =	vst v63  }
0x37: {  	_ =	swait.ge [sflag:s8], $0x8000  }
0x38: {  	[sflag:s8] =	ssyncset.done $0x0  }
0x39: {  	[sflag:s8] =	ssyncadd.s32 $0xFFFF8000  }
0x3a: {  	_ =	sfence.sel $0x180000  }
0x3b: {  	[bflag:$0x0] =	sbarrier.arrive $0xFFFF  }
0x3c: {  	_ =	strace $0x9000004A  }
0x3d: {  	s0 =	sadd.s32 @!p0 $0x100000, s0;
	[bflag:$0x2] =	sbarrier.arrive $0xFFFF  }
0x3e: {  	[sflag:s0] =	ssyncadd.tile.s32 @!p0 $0x1;
	_ =	shalt  }
.Lfunc_end2:
_tile_overlayer_lowered:
.L_overlay_start_2:
0x3f: {  	(tag) =	ssettag $0x2  }
0x40: {  	s0 =	rddreg [dreg:$0x0];
	s2 =	stileid.u32  }
0x41: {  	s1 =	rddreg [dreg:$0x1];
	p0 =	sne.s32 s2, $0x0  }
0x42: {  	s3 =	rddreg [dreg:$0x2];
	[bflag:$0x3] =	sbarrier.arrive $0xFFFF;
	s2 =	simm.s32 @!p0 $0x1C02  }
0x43: {  	[timem:s3], [sflag:s2] =	dma.local @!p0 [hbm:s0], s1  }
0x44: {  	s0 =	simm.s32 @!p0 $0x2  }
0x45: {  	_ =	swait.ge @!p0 [sflag:s0], s1  }
0x46: {  	s1 =	ssub.s32 @!p0 $0x0, s1;
	[sflag:s0] =	ssyncset.done @!p0 $0x0  }
0x47: {  	[sflag:s0] =	ssyncadd.s32 @!p0 s1  }
0x48: {  	[bflag:$0x3] =	sbarrier.arrive $0xFFFF  }
0x49: {  	_ =	shalt  }

// kernel: kernel.22.cloned.1.call-start
scs
__scs_entry_jumppad:
0x0: {  	(pc) =	sbr.rel $0x88, $3  }
0x1: {  	(tag) =	ssettag $0x0;
	lr =	simm.s32 $0x1  }
0x2: {  	[smem:$0x3F8D] =	sst lr;
	_ =	strace $0xD0000000  }
0x3: {  	_ = 	snop  }
0x4: {  	_ = 	snop  }
0x5: {  	_ = 	snop  }
0x6: {  	_ = 	snop  }
0x7: {  	_ = 	snop  }
__scs_overlays_trampoline_lowered:
0x8: {  	[smem:$0x3F9C] =	sst s0  }
0x9: {  	[smem:$0x3F9D] =	sst s1  }
0xa: {  	[smem:$0x3F9E] =	sst s2  }
0xb: {  	[smem:$0x3F9F] =	sst s3  }
0xc: {  	[smem:$0x3FA0] =	sst s4  }
0xd: {  	[smem:$0x3FA1] =	sst s5  }
0xe: {  	[smem:$0x3FA2] =	sst s6  }
0xf: {  	[smem:$0x3FA3] =	sst s7  }
0x10: {  	[smem:$0x3FA4] =	sst s8  }
0x11: {  	[smem:$0x3FA5] =	sst s9;
	s0 =	simm.s32 @!p0 $0x0  }
0x12: {  	s1 =	sld [smem:$0x3F8B];
	s0 =	simm.s32 @p0 $0x1  }
0x13: {  	[smem:$0x3FA6] =	sst s0;
	s0 =	simm.s32 @!p1 $0x0  }
0x14: {  	s2 =	sld [smem:$0x3F8A];
	s0 =	simm.s32 @p1 $0x1  }
0x15: {  	[smem:$0x3FA7] =	sst s0;
	s0 =	simm.s32 @!p2 $0x0  }
0x16: {  	s3 =	sld [smem:$0x3FDB];
	s0 =	simm.s32 @p2 $0x1  }
0x17: {  	s4 =	simm.s32 $0x1BF5;
	[smem:$0x3FA9] =	sst s0  }
0x18: {  	s0 =	sld [smem:$0x3F8C];
	_ =	swait.ge [sflag:s4], $0x0  }
0x19: {  	s7 =	sld [smem:$0x3F8D]  }
0x1a: {  	s8 =	sadd.s32 $0xFFFFE003, lr  }
0x1b: {  	s9 =	sadd.s32 $0xFFFFFEF7, lr;
	s5 =	simm.s32 $0xFFFFFFFF;
	p2 =	slt.u32 s8, $0xFFFFF086  }
0x1c: {  	p1 =	slt.u32 s9, $0xF7A;
	s5 =	simm.s32 @!p2 $0x0  }
0x1d: {  	s5 =	simm.s32 @p1 $0x1;
	p0 =	seq.s32 s7, s2  }
0x1e: {  	s7 =	smul.u32 @!p0 $0xF7A, s2;
	p2 =	seq.s32 @!p0 s5, $0x0  }
0x1f: {  	s9 =	smul.u32 $0xF7A, s1;
	s8 =	simm.s32 @!p0 $0x1BF5;
	p2 =	por !p2, p0  }
0x20: {  	[sflag:s8] =	ssyncset.s32 @!p0 $0xFFFFF086;
	s6 =	sadd.s32 @!p0 s3, s7;
	s7 =	simm.s32 @!p0 $0x108  }
0x21: {  	s3 =	sadd.s32 s3, s9;
	s6 =	sadd.s32 @!p0 $0x88, s6;
	s7 =	simm.s32 @p2 $0x1082  }
0x22: {  	[simem:s7], [sflag:s8] =	dma.local @!p0 [hbm:s6], $0xF7A  }
0x23: {  	s9 =	sor.u32 $0xD0000000, s2;
	s6 =	simm.s32 $0x108;
	_ =	swait.ge @!p0 [sflag:s8], $0x0  }
0x24: {  	s3 =	sadd.s32 $0x88, s3;
	s6 =	simm.s32 @!p1 $0x1082;
	[sflag:s4] =	ssyncset.s32 $0xFFFFF086  }
0x25: {  	[simem:s6], [sflag:s4] =	dma.local [hbm:s3], $0xF7A  }
0x26: {  	[smem:$0x3F8D] =	sst s1;
	(tag) =	ssettag s2;
	_ =	strace s9  }
0x27: {  	s1 =	sld [smem:$0x3F9D]  }
0x28: {  	s2 =	sld [smem:$0x3F9E]  }
0x29: {  	s4 =	sld [smem:$0x3FA0]  }
0x2a: {  	p0 =	seq.s32 s5, $0x0;
	s5 =	sld [smem:$0x3FA1]  }
0x2b: {  	s6 =	sld [smem:$0x3FA2]  }
0x2c: {  	s7 =	sld [smem:$0x3FA3]  }
0x2d: {  	s3 =	simm.s32 $0x108;
	s8 =	sld [smem:$0x3FA4]  }
0x2e: {  	s3 =	simm.s32 @!p0 $0x1082;
	s9 =	sld [smem:$0x3FA5]  }
0x2f: {  	lr =	sadd.s32 s0, s3;
	s0 =	sld [smem:$0x3F9C]  }
0x30: {  	s3 =	sld [smem:$0x3F9F]  }
0x31: {  	[smem:$0x3FA8] =	sst s10  }
0x32: {  	s10 =	sld [smem:$0x3FA6];
	_ =	sdelay $0x3  }
0x33: {  	p0 =	seq.s32 s10, $0x1;
	s10 =	sld [smem:$0x3FA8];
	_ =	sdelay $0x3  }
0x34: {  	[smem:$0x3FA8] =	sst s10  }
0x35: {  	s10 =	sld [smem:$0x3FA7];
	_ =	sdelay $0x3  }
0x36: {  	p1 =	seq.s32 s10, $0x1;
	s10 =	sld [smem:$0x3FA8];
	_ =	sdelay $0x3  }
0x37: {  	[smem:$0x3FA8] =	sst s10  }
0x38: {  	s10 =	sld [smem:$0x3FA9]  }
0x39: {  	_ = 	snop;
	(pc) =	sbr.ind lr, $3  }
0x3a: {  	_ = 	snop  }
0x3b: {  	_ = 	snop  }
0x3c: {  	p2 =	seq.s32 s10, $0x1;
	s10 =	sld [smem:$0x3FA8]  }
0x3d: {  	_ =	shalt  }
0x3e: {  	_ =	shalt  }
0x3f: {  	_ =	shalt  }
0x40: {  	_ =	shalt  }
0x41: {  	_ =	shalt  }
0x42: {  	_ =	shalt  }
0x43: {  	_ =	shalt  }
0x44: {  	_ =	shalt  }
0x45: {  	_ =	shalt  }
0x46: {  	_ =	shalt  }
0x47: {  	_ =	shalt  }
0x48: {  	_ =	shalt  }
0x49: {  	_ =	shalt  }
0x4a: {  	_ =	shalt  }
0x4b: {  	_ =	shalt  }
0x4c: {  	_ =	shalt  }
0x4d: {  	_ =	shalt  }
0x4e: {  	_ =	shalt  }
0x4f: {  	_ =	shalt  }
0x50: {  	_ =	shalt  }
0x51: {  	_ =	shalt  }
0x52: {  	_ =	shalt  }
0x53: {  	_ =	shalt  }
0x54: {  	_ =	shalt  }
0x55: {  	_ =	shalt  }
0x56: {  	_ =	shalt  }
0x57: {  	_ =	shalt  }
0x58: {  	_ =	shalt  }
0x59: {  	_ =	shalt  }
0x5a: {  	_ =	shalt  }
0x5b: {  	_ =	shalt  }
0x5c: {  	_ =	shalt  }
0x5d: {  	_ =	shalt  }
0x5e: {  	_ =	shalt  }
0x5f: {  	_ =	shalt  }
0x60: {  	_ =	shalt  }
0x61: {  	_ =	shalt  }
0x62: {  	_ =	shalt  }
0x63: {  	_ =	shalt  }
0x64: {  	_ =	shalt  }
0x65: {  	_ =	shalt  }
0x66: {  	_ =	shalt  }
0x67: {  	_ =	shalt  }
0x68: {  	_ =	shalt  }
0x69: {  	_ =	shalt  }
0x6a: {  	_ =	shalt  }
0x6b: {  	_ =	shalt  }
0x6c: {  	_ =	shalt  }
0x6d: {  	_ =	shalt  }
0x6e: {  	_ =	shalt  }
0x6f: {  	_ =	shalt  }
0x70: {  	_ =	shalt  }
0x71: {  	_ =	shalt  }
0x72: {  	_ =	shalt  }
0x73: {  	_ =	shalt  }
0x74: {  	_ =	shalt  }
0x75: {  	_ =	shalt  }
0x76: {  	_ =	shalt  }
0x77: {  	_ =	shalt  }
0x78: {  	_ =	shalt  }
0x79: {  	_ =	shalt  }
0x7a: {  	_ =	shalt  }
0x7b: {  	_ =	shalt  }
0x7c: {  	_ =	shalt  }
0x7d: {  	_ =	shalt  }
0x7e: {  	_ =	shalt  }
0x7f: {  	_ =	shalt  }
0x80: {  	_ =	shalt  }
0x81: {  	_ =	shalt  }
0x82: {  	_ =	shalt  }
0x83: {  	_ =	shalt  }
0x84: {  	_ =	shalt  }
0x85: {  	_ =	shalt  }
0x86: {  	_ =	shalt  }
0x87: {  	_ =	shalt  }
.Lfunc_end0:
.L_simem_size_0:
called_computation.2_lowered:
.L_overlay_start_0:
0x88: {  	s2 =	sld [smem:$0x3FD9]  }
0x89: {  	s3 =	sld [smem:$0x3FFE];
	_ =	sdelay $0x1  }
0x8a: {  	s1 =	srdreg.scid  }
0x8b: {  	s0 =	sand.u32 $0x1, s1  }
0x8c: {  	s14 =	sshll.u32 s0, $0xA;
	s2 =	sadd.s32 s3, s2  }
0x8d: {  	s2 =	sadd.s32 s2, s14  }
0x8e: {  	[smem:$0x3FB4] =	sst s2  }
0x8f: {  	_ = 	snop  }
0x90: {  	s2 =	sld [smem:$0x3FD0];
	_ =	sdelay $0x2  }
0x91: {  	s15 =	simm.s32 $0xA;
	s4 =	simm.s32 $0x10  }
0x92: {  	[smem:s4], [sflag:s15] =	dma.local [hbm:s2], $0x1  }
0x93: {  	_ =	swait.eq [sflag:s15], $0x1  }
0x94: {  	[sflag:s15] =	ssyncset.done $0x0  }
0x95: {  	s16 =	sld [smem:$0x10];
	[sflag:s15] =	ssyncadd.s32 $0xFFFFFFFF  }
0x96: {  	s17 =	sld [smem:$0x11];
	(tm) =	ssettm $0x1  }
0x97: {  	s18 =	sld [smem:$0x3FFB];
	_ =	sdelay $0x3  }
0x98: {  	_ =	strace s18  }
0x99: {  	s4 =	sld [smem:$0x3FFC];
	_ =	sdelay $0x3  }
0x9a: {  	_ =	strace s4  }
0x9b: {  	s4 =	sld [smem:$0x3FFD];
	_ =	sdelay $0x3  }
0x9c: {  	_ =	strace s4  }
0x9d: {  	_ =	strace $0x8FFFFFFF  }
0x9e: {  	s19 =	sld [smem:$0x3FDB];
	_ =	sdelay $0x1  }
0x9f: {  	s5 =	simm.s32 $_scs_section_size  }
0xa0: {  	s6 =	simm.s32 $_size__tile_overlayer_lowered;
	s7 =	simm.s32 $_tile_overlayer_lowered  }
0xa1: {  	s22 =	simm.s32 $0x1BFF;
	s21 =	sshll.u32 s7, $0x1;
	s4 =	sadd.s32 s5, s19  }
0xa2: {  	s8 =	simm.s32 $0x0;
	s20 =	sshll.u32 s6, $0x1;
	s6 =	sadd.s32 s21, s4  }
0xa3: {  	[timem:s8], [sflag:s22] =	dma.local [hbm:s6], s20  }
0xa4: {  	_ =	swait.ge [sflag:s22], s20  }
0xa5: {  	s5 =	ssub.s32 $0x0, s20;
	[sflag:s22] =	ssyncset.done $0x0  }
0xa6: {  	[sflag:s22] =	ssyncadd.s32 s5;
	_ =	sdelay $0x1  }
0xa7: {  	s23 =	simm.s32 $0x1B8B  }
0xa8: {  	_ =	swait.ge [sflag:s23], $0x1  }
0xa9: {  	[sflag:s23] =	ssyncset.done $0x0  }
0xaa: {  	s25 =	simm.s32 $0x1B8E;
	s24 =	sld [smem:$0x3FFE];
	[sflag:s23] =	ssyncadd.s32 $0xFFFFFFFF  }
0xab: {  	s26 =	simm.s32 $execute0_lowered;
	[smem:$0x3FD2] =	sst s25  }
0xac: {  	s6 =	sshll.u32 s26, $0x1;
	_ =	strace $0x8000004C;
	[dreg:$0x1] =	wrdreg $0xFFFFFFFF  }
0xad: {  	s28 =	simm.s32 $_size_execute0_lowered;
	s4 =	sadd.s32 s4, s6;
	[dreg:$0x0] =	wrdreg $0x0  }
0xae: {  	s6 =	sshll.u32 s28, $0x1;
	[dreg:$0x2] =	wrdreg s4  }
0xaf: {  	[dreg:$0x3] =	wrdreg s6  }
0xb0: {  	[dreg:$0x4] =	wrdreg $0xC0  }
0xb1: {  	_ =	task [dreg:s8], $0x5FFFF  }
0xb2: {  	[dreg:$0x1] =	wrdreg $0xFFFFFFFF  }
0xb3: {  	[dreg:$0x0] =	wrdreg $0x60  }
0xb4: {  	[dreg:$0x2] =	wrdreg s16  }
0xb5: {  	[dreg:$0x3] =	wrdreg s17  }
0xb6: {  	[dreg:$0x4] =	wrdreg s24  }
0xb7: {  	[dreg:$0x5] =	wrdreg $0x81000  }
0xb8: {  	[dreg:$0x6] =	wrdreg $0x9  }
0xb9: {  	_ =	task.clear_ibuf [dreg:s8], $0x7FFFF;
	_ =	strace $0x9000004C  }
0xba: {  	s29 =	simm.s32 $0x9;
	_ =	strace $0x8000004E  }
0xbb: {  	_ =	swait.ge [sflag:s29], $0x1  }
0xbc: {  	[sflag:s29] =	ssyncadd.s32 $0xFFFFFFFF  }
0xbd: {  	_ =	strace $0x9000004E  }
0xbe: {  	_ =	sfence  }
0xbf: {  	s30 =	sld [smem:$0x0];
	_ =	sdelay $0x2  }
0xc0: {  	s31 =	sshll.u32 s1, $0xD;
	s1 =	sshrl.u32 s1, $0x2  }
0xc1: {  	s3 =	sand.u32 $0x4000, s31;
	s1 =	sadd.s32 s1, s30  }
0xc2: {  	s0 =	sor.u32 s3, s0;
	s1 =	sshll.u32 s1, $0x11  }
0xc3: {  	s0 =	sor.u32 s1, s0  }
0xc4: {  	s0 =	sadd.s32 $0x8F2B, s0  }
0xc5: {  	[sflag:s0] =	ssyncadd.remote.s32 $0x1  }
0xc6: {  	_ =	sfence.sel $0xFFFF  }
0xc7: {  	[dreg:$0x0] =	wrdreg $0xFFFFFFFF;
	(pc) =	sbr.abs _section_cstart, $3  }
0xc8: {  	[dreg:$0x1] =	wrdreg $0xFFFFFFFF  }
0xc9: {  	_ =	task.clear_ibuf [dreg:s8], $0x2FFFF;
	_ =	strace $0x9FFFFFFF  }
0xca: {  	(tm) =	ssettm $0x7FFFFFFF  }
0xcb: {  	_ =	shalt  }
tec
execute0_lowered:
.L_overlay_start_1:
0x0: {  	(tag) =	ssettag $0x1  }
0x1: {  	s1 =	rddreg [dreg:$0x0]  }
0x2: {  	s6 =	rddreg [dreg:$0x1]  }
0x3: {  	s4 =	rddreg [dreg:$0x2]  }
0x4: {  	s2 =	rddreg [dreg:$0x3]  }
0x5: {  	s0 =	rddreg [dreg:$0x4];
	s5 =	srdreg.scid  }
0x6: {  	s3 =	simm.s32 $0x0;
	s7 =	stileid.u32;
	s11 =	simm.s32 $0x0  }
0x7: {  	s8 =	sand.u32 $0x1, s5;
	[smem:$0x7FF] =	sst s3;
	s28 =	sshll.u32 s7, $0x11  }
0x8: {  	s31 =	sshll.u32 s7, $0xA;
	p0 =	sne.s32 s7, $0x0;
	s9 =	ssub.s32 $0x2, s8  }
0x9: {  	s4 =	sadd.s32 s28, s4;
	s10 =	sshll.u32 s8, $0x10;
	_ =	strace $0x8000004D  }
0xa: {  	s6 =	sadd.s32 s31, s6;
	s8 =	sshll.u32 s8, $0x9;
	s7 =	sshrl.u32 @!p0 s2, $0x3  }
0xb: {  	s29 =	sshrl.u32 s9, $0x1;
	s30 =	sadd.s32 s10, s4;
	s6 =	sadd.s32 s8, s6  }
0xc: {  	s8 =	simm.s32 $0x2;
	s10 =	simm.s32 $0x1;
	s5 =	ssub.s32 s9, s29  }
0xd: {  	s9 =	simm.s32 $0x100;
	s4 =	smax.u32 s5, $0x1;
	s5 =	sadd.s32 $0xAE00, s30  }
.LBB2_1:
0xe: {  	s12 =	simm.s32 @!p0 $0x1C02  }
0xf: {  	[spmem:s7], [sflag:s12] =	dma.local @!p0 [hbm:s1], $0x27100  }
0x10: {  	s12 =	simm.s32 @!p0 $0x2  }
0x11: {  	_ =	swait.ge @!p0 [sflag:s12], $0x27100  }
0x12: {  	[sflag:s12] =	ssyncset.done @!p0 $0x0  }
0x13: {  	[sflag:s12] =	ssyncadd.s32 @!p0 $0xFFFD8F00  }
0x14: {  	s31 =	sadd.s32 $0x0, s6;
	[bflag:$0x0] =	sbarrier.arrive $0xFFFF  }
0x15: {  	[tilespmem:s3], [sflag:$0x2] =	stream.linear.gather [hbm4b:s31+s3], $0x100, $0x38;
	[tilespmem:$0x1B980] =	vst v63  }
0x16: {  	_ =	swait.ge [sflag:s8], $0x100  }
0x17: {  	[sflag:s8] =	ssyncset.done $0x0  }
0x18: {  	[sflag:s8] =	ssyncadd.s32 $0xFFFFFF00  }
0x19: {  	[tilespmem:s9], [sflag:$0x1] =	stream.indirect.gather [spmem:s2], $0x80, s3, s9, $0xb8;
	[tilespmem:$0x1B980] =	vst v63  }
0x1a: {  	_ =	swait.ge [sflag:s10], $0x8000  }
0x1b: {  	[sflag:s10] =	ssyncset.done $0x0  }
0x1c: {  	[sflag:s10] =	ssyncadd.s32 $0xFFFF8000  }
0x1d: {  	[hbm4b:s5+s3] =	stream.linear.scatter [tilespmem:s9], [sflag:$0x2], $0x8000, $0x38;
	[tilespmem:$0x1B980] =	vst v63  }
0x1e: {  	s13 =	simm.s32 $0x20;
	_ =	swait.ge [sflag:s8], $0x8000  }
0x1f: {  	s14 =	simm.s32 $0x40;
	s12 =	sadd.s32 $0x1000, s5;
	[sflag:s8] =	ssyncset.done $0x0  }
.LBB2_2:
0x20: {  	s15 =	sadd.s32 s13, s6  }
0x21: {  	[sflag:s8] =	ssyncadd.s32 $0xFFFF8000;
	s13 =	smov.u32 s14;
	s16 =	sadd.s32 $0x20, s14  }
0x22: {  	[tilespmem:s3], [sflag:$0x2] =	stream.linear.gather [hbm4b:s15+s3], $0x100, $0x38;
	[tilespmem:$0x1B980] =	vst v63  }
0x23: {  	p1 =	sne.s32 s14, $0x1E0;
	_ =	swait.ge [sflag:s8], $0x100  }
0x24: {  	[sflag:s8] =	ssyncset.done $0x0  }
0x25: {  	[sflag:s8] =	ssyncadd.s32 $0xFFFFFF00  }
0x26: {  	[tilespmem:s9], [sflag:$0x1] =	stream.indirect.gather [spmem:s2], $0x80, s3, s9, $0xb8;
	[tilespmem:$0x1B980] =	vst v63  }
0x27: {  	_ =	swait.ge [sflag:s10], $0x8000  }
.Ltmp0:
0x28: {  	[sflag:s10] =	ssyncset.done $0x0;
	(pc) =	sbr.rel @p1 .LBB2_2-.Ltmp0, $4  }
0x29: {  	[sflag:s10] =	ssyncadd.s32 $0xFFFF8000  }
0x2a: {  	[hbm4b:s12+s3] =	stream.linear.scatter [tilespmem:s9], [sflag:$0x2], $0x8000, $0x38;
	[tilespmem:$0x1B980] =	vst v63  }
0x2b: {  	_ =	swait.ge [sflag:s8], $0x8000  }
0x2c: {  	s14 =	smov.u32 s16;
	s12 =	sadd.s32 $0x1000, s12;
	[sflag:s8] =	ssyncset.done $0x0  }
0x2d: {  	s13 =	sadd.s32 s13, s6;
	[sflag:s8] =	ssyncadd.s32 $0xFFFF8000  }
0x2e: {  	[tilespmem:s3], [sflag:$0x2] =	stream.linear.gather [hbm4b:s13+s3], $0x100, $0x38;
	[tilespmem:$0x1B980] =	vst v63  }
0x2f: {  	_ =	swait.ge [sflag:s8], $0x100  }
0x30: {  	[sflag:s8] =	ssyncset.done $0x0  }
0x31: {  	[sflag:s8] =	ssyncadd.s32 $0xFFFFFF00  }
0x32: {  	[tilespmem:s9], [sflag:$0x1] =	stream.indirect.gather [spmem:s2], $0x80, s3, s9, $0xb8;
	[tilespmem:$0x1B980] =	vst v63  }
0x33: {  	s11 =	sadd.s32 $0x1, s11;
	_ =	swait.ge [sflag:s10], $0x8000  }
0x34: {  	p1 =	sne.s32 s11, s4;
	[sflag:s10] =	ssyncset.done $0x0  }
.Ltmp1:
0x35: {  	[sflag:s10] =	ssyncadd.s32 $0xFFFF8000;
	(pc) =	sbr.rel @p1 .LBB2_1-.Ltmp1, $4  }
0x36: {  	[hbm4b:s12+s3] =	stream.linear.scatter [tilespmem:s9], [sflag:$0x2], $0x8000, $0x38;
	[tilespmem:$0x1B980] =	vst v63  }
0x37: {  	_ =	swait.ge [sflag:s8], $0x8000  }
0x38: {  	[sflag:s8] =	ssyncset.done $0x0  }
0x39: {  	[sflag:s8] =	ssyncadd.s32 $0xFFFF8000  }
0x3a: {  	_ =	sfence.sel $0x180000  }
0x3b: {  	[bflag:$0x0] =	sbarrier.arrive $0xFFFF  }
0x3c: {  	_ =	strace $0x9000004D  }
0x3d: {  	s0 =	sadd.s32 @!p0 $0x100000, s0;
	[bflag:$0x2] =	sbarrier.arrive $0xFFFF  }
0x3e: {  	[sflag:s0] =	ssyncadd.tile.s32 @!p0 $0x1;
	_ =	shalt  }
.Lfunc_end2:
_tile_overlayer_lowered:
.L_overlay_start_2:
0x3f: {  	(tag) =	ssettag $0x2  }
0x40: {  	s0 =	rddreg [dreg:$0x0];
	s2 =	stileid.u32  }
0x41: {  	s1 =	rddreg [dreg:$0x1];
	p0 =	sne.s32 s2, $0x0  }
0x42: {  	s3 =	rddreg [dreg:$0x2];
	[bflag:$0x3] =	sbarrier.arrive $0xFFFF;
	s2 =	simm.s32 @!p0 $0x1C02  }
0x43: {  	[timem:s3], [sflag:s2] =	dma.local @!p0 [hbm:s0], s1  }
0x44: {  	s0 =	simm.s32 @!p0 $0x2  }
0x45: {  	_ =	swait.ge @!p0 [sflag:s0], s1  }
0x46: {  	s1 =	ssub.s32 @!p0 $0x0, s1;
	[sflag:s0] =	ssyncset.done @!p0 $0x0  }
0x47: {  	[sflag:s0] =	ssyncadd.s32 @!p0 s1  }
0x48: {  	[bflag:$0x3] =	sbarrier.arrive $0xFFFF  }
0x49: {  	_ =	shalt  }

</sc_bundles>
